<compile_context>
chip_gen: v7x
topology: tpu7x:2x2x1
jax: 0.10.2.dev20260603
libtpu: 0.0.44.dev20260713+nightly
codegen_flags: <defaults>
</compile_context>

<pallas_src>
import functools

import jax
import jax.numpy as jnp
from jax import lax
from jax.experimental import pallas as pl
from jax.experimental.pallas import tpu as pltpu
from jax.experimental.pallas import tpu_sc as plsc

_RING = 2
_NT = 16
_NSC = 2
_EPS = 1e-5


def _make_sc_segsum(w, passes, gb, ept):
    mesh = plsc.VectorSubcoreMesh(core_axis_name="c", subcore_axis_name="s")
    rng = 10240 // (passes * _NSC)
    acc_rows = rng + 128
    sl = w // 128
    rpt_z = acc_rows // _NT
    rpt_w = rng // _NT

    @functools.partial(
        pl.kernel,
        out_type=jax.ShapeDtypeStruct((passes * _NSC * rng, sl, 128),
                                      jnp.float32),
        mesh=mesh,
        scratch_types=[
            pltpu.VMEM_SHARED((acc_rows, sl, 128), jnp.float32),
            pltpu.VMEM((ept,), jnp.int32),
            pltpu.VMEM((_RING, gb), jnp.int32),
            pltpu.VMEM((_RING, gb), jnp.int32),
            pltpu.VMEM((_RING, gb, sl, 128), jnp.float32),
            [pltpu.SemaphoreType.DMA] * _RING,
        ],
        compiler_params=pltpu.CompilerParams(needs_layout_passes=False),
    )
    def seg(table, packed, out, acc, pk_v, sg, sd, rows, sem_g):
        c = lax.axis_index("c")
        s = lax.axis_index("s")

        def gather_start(b):
            pltpu.async_copy(table.at[sg.at[b]], rows.at[b], sem_g[b])

        def gather_wait(b):
            pltpu.make_async_copy(table.at[sg.at[0]], rows.at[b], sem_g[b]).wait()

        def one_pass(p, carry0):
            base = (p * _NSC + c) * rng
            plsc.subcore_barrier()

            def zb(i, carry):
                for si in range(sl):
                    for j in range(8):
                        rows[0, i, si, pl.ds(j * 16, 16)] = jnp.zeros(
                            (16,), jnp.float32)
                return carry
            lax.fori_loop(0, gb, zb, 0)

            def zacc(k, carry):
                pltpu.sync_copy(
                    rows.at[0].at[pl.ds(0, min(gb, rpt_z))],
                    acc.at[pl.ds(s * rpt_z + k * min(gb, rpt_z), min(gb, rpt_z))])
                return carry
            lax.fori_loop(0, rpt_z // min(gb, rpt_z), zacc, 0)
            tail = rpt_z - (rpt_z // min(gb, rpt_z)) * min(gb, rpt_z)
            if tail:
                pltpu.sync_copy(
                    rows.at[0].at[pl.ds(0, tail)],
                    acc.at[pl.ds(s * rpt_z + rpt_z - tail, tail)])

            pltpu.sync_copy(packed.at[pl.ds(s * ept, ept)], pk_v)

            def filt(gg, m):
                pks, ks, cs = [], [], []
                for u in range(8):
                    pk = pk_v[pl.ds(gg * 128 + u * 16, 16)]
                    d = lax.bitwise_and(pk, 16383) - base
                    k = lax.shift_right_logical(
                        lax.bitwise_and(lax.bitwise_not(d), d - rng), 31)
                    pks.append(pk)
                    ks.append(k)
                    cs.append(plsc.cumsum(k))
                off = m
                for u in range(8):
                    pos = ((off + cs[u] - 1) * ks[u]
                           + (gg * 128 + u * 16 + 15) * (1 - ks[u]))
                    plsc.store_scatter(pk_v, [pos], pks[u])
                    off = off + cs[u][15]
                return off
            m = lax.fori_loop(0, ept // 128, filt, 0)
            ng = (m + gb - 1) // gb

            def prep(g, b):
                for j in range(gb // 16):
                    idx0 = g * gb + j * 16
                    pk = pk_v[pl.ds(idx0, 16)]
                    v = lax.shift_right_logical(
                        idx0 + lax.iota(jnp.int32, 16) - m, 31)
                    srcv = lax.shift_right_logical(pk, 14)
                    d = lax.bitwise_and(pk, 16383) - base
                    sg[b, pl.ds(j * 16, 16)] = srcv * v
                    sd[b, pl.ds(j * 16, 16)] = d * v + rng * (1 - v)

            plsc.subcore_barrier()

            @pl.when(0 < ng)
            def _():
                prep(0, 0)
                gather_start(0)

            def step(i, carry):
                for b in range(2):
                    g = i * 2 + b

                    @pl.when(g + 1 < ng)
                    def _():
                        prep(g + 1, 1 - b)
                        gather_start(1 - b)

                    @pl.when(g < ng)
                    def _():
                        gather_wait(b)
                        pltpu.sync_copy(rows.at[b], acc.at[sd.at[b]], add=True)
                return carry
            lax.fori_loop(0, (ng + 1) // 2, step, 0)
            plsc.subcore_barrier()

            def wout(k, carry):
                ww = min(gb, rpt_w)
                off = s * rpt_w + k * ww
                pltpu.sync_copy(acc.at[pl.ds(off, ww)], rows.at[0])
                pltpu.sync_copy(rows.at[0], out.at[pl.ds(base + off, ww)])
                return carry
            lax.fori_loop(0, rpt_w // min(gb, rpt_w), wout, 0)
            return carry0
        lax.fori_loop(0, passes, one_pass, 0)

    return seg


def _full(shape):
    return pl.BlockSpec(shape, lambda i: (0,) * len(shape))


def _k_combine_mm_stats(x_ref, agg_ref, w_ref, b_ref, h_ref, sum_ref, sq_ref):
    h = x_ref[...] + agg_ref[...]
    h_ref[...] = h
    z = jnp.dot(h, w_ref[...], preferred_element_type=jnp.float32) + b_ref[...]
    zs = jnp.sum(z, axis=0, keepdims=True)
    zq = jnp.sum(z * z, axis=0, keepdims=True)

    @pl.when(pl.program_id(0) == 0)
    def _():
        sum_ref[...] = zs
        sq_ref[...] = zq

    @pl.when(pl.program_id(0) != 0)
    def _():
        sum_ref[...] += zs
        sq_ref[...] += zq


def _combine_mm_stats(x, agg, w, b, bn):
    n, f_in = x.shape
    f_out = w.shape[1]
    grid = (n // bn,)
    return pl.pallas_call(
        _k_combine_mm_stats,
        grid=grid,
        in_specs=[
            pl.BlockSpec((bn, f_in), lambda i: (i, 0)),
            pl.BlockSpec((bn, f_in), lambda i: (i, 0)),
            _full(w.shape),
            _full((1, f_out)),
        ],
        out_specs=[
            pl.BlockSpec((bn, f_in), lambda i: (i, 0)),
            _full((1, f_out)),
            _full((1, f_out)),
        ],
        out_shape=[
            jax.ShapeDtypeStruct((n, f_in), jnp.float32),
            jax.ShapeDtypeStruct((1, f_out), jnp.float32),
            jax.ShapeDtypeStruct((1, f_out), jnp.float32),
        ],
    )(x, agg, w, b.reshape(1, f_out))


def _k_mlp_stats(h_ref, w1_ref, b1_ref, s1_ref, t1_ref, w2_ref, b2_ref,
                 u_ref, sum_ref, sq_ref):
    z = jnp.dot(h_ref[...], w1_ref[...], preferred_element_type=jnp.float32) + b1_ref[...]
    a = jnp.maximum(z * s1_ref[...] + t1_ref[...], 0.0)
    z2 = jnp.dot(a, w2_ref[...], preferred_element_type=jnp.float32) + b2_ref[...]
    u = jnp.maximum(z2, 0.0)
    u_ref[...] = u
    us = jnp.sum(u, axis=0, keepdims=True)
    uq = jnp.sum(u * u, axis=0, keepdims=True)

    @pl.when(pl.program_id(0) == 0)
    def _():
        sum_ref[...] = us
        sq_ref[...] = uq

    @pl.when(pl.program_id(0) != 0)
    def _():
        sum_ref[...] += us
        sq_ref[...] += uq


def _mlp_stats(h, w1, b1, s1, t1, w2, b2, bn):
    n, f_in = h.shape
    f_mid = w1.shape[1]
    f_out = w2.shape[1]
    grid = (n // bn,)
    return pl.pallas_call(
        _k_mlp_stats,
        grid=grid,
        in_specs=[
            pl.BlockSpec((bn, f_in), lambda i: (i, 0)),
            _full(w1.shape),
            _full((1, f_mid)),
            _full((1, f_mid)),
            _full((1, f_mid)),
            _full(w2.shape),
            _full((1, f_out)),
        ],
        out_specs=[
            pl.BlockSpec((bn, f_out), lambda i: (i, 0)),
            _full((1, f_out)),
            _full((1, f_out)),
        ],
        out_shape=[
            jax.ShapeDtypeStruct((n, f_out), jnp.float32),
            jax.ShapeDtypeStruct((1, f_out), jnp.float32),
            jax.ShapeDtypeStruct((1, f_out), jnp.float32),
        ],
    )(h, w1, b1.reshape(1, f_mid), s1.reshape(1, f_mid), t1.reshape(1, f_mid),
      w2, b2.reshape(1, f_out))


def _k_scale(u_ref, s_ref, t_ref, h_ref):
    h_ref[...] = u_ref[...] * s_ref[...] + t_ref[...]


def _scale(u, s, t, bn):
    n, f = u.shape
    return pl.pallas_call(
        _k_scale,
        grid=(n // bn,),
        in_specs=[
            pl.BlockSpec((bn, f), lambda i: (i, 0)),
            _full((1, f)),
            _full((1, f)),
        ],
        out_specs=pl.BlockSpec((bn, f), lambda i: (i, 0)),
        out_shape=jax.ShapeDtypeStruct((n, f), jnp.float32),
    )(u, s.reshape(1, f), t.reshape(1, f))


def _k_mlp_out(h2_ref, w1_ref, b1_ref, s1_ref, t1_ref, w2_ref, b2_ref,
               w3_ref, b3_ref, out_ref):
    z = jnp.dot(h2_ref[...], w1_ref[...], preferred_element_type=jnp.float32) + b1_ref[...]
    a = jnp.maximum(z * s1_ref[...] + t1_ref[...], 0.0)
    z2 = jnp.dot(a, w2_ref[...], preferred_element_type=jnp.float32) + b2_ref[...]
    v = jnp.maximum(z2, 0.0)
    out_ref[...] = jnp.dot(v, w3_ref[...], preferred_element_type=jnp.float32) + b3_ref[...]


def _mlp_out(h2, w1, b1, s1, t1, w2, b2, w3, b3, bn):
    n, f_in = h2.shape
    f_mid = w1.shape[1]
    f_mid2 = w2.shape[1]
    f_out = w3.shape[1]
    return pl.pallas_call(
        _k_mlp_out,
        grid=(n // bn,),
        in_specs=[
            pl.BlockSpec((bn, f_in), lambda i: (i, 0)),
            _full(w1.shape),
            _full((1, f_mid)),
            _full((1, f_mid)),
            _full((1, f_mid)),
            _full(w2.shape),
            _full((1, f_mid2)),
            _full(w3.shape),
            _full((1, f_out)),
        ],
        out_specs=pl.BlockSpec((bn, f_out), lambda i: (i, 0)),
        out_shape=jax.ShapeDtypeStruct((n, f_out), jnp.float32),
    )(h2, w1, b1.reshape(1, f_mid), s1.reshape(1, f_mid), t1.reshape(1, f_mid),
      w2, b2.reshape(1, f_mid2), w3, b3.reshape(1, f_out))


def _bn_scale_offset(ssum, ssq, g, b, n):
    m = ssum[0] / n
    v = ssq[0] / n - m * m
    s = g * lax.rsqrt(v + _EPS)
    t = b - m * s
    return s, t


def kernel(x, edge_index, W1a, b1a, g1a, be1a, W1b, b1b, go, bo,
           W2a, b2a, g2a, be2a, W2b, b2b, W3, b3):
    n = x.shape[0]
    src = edge_index[0].astype(jnp.int32)
    dst = edge_index[1].astype(jnp.int32)
    e = src.shape[0]

    ept = -(-e // (_NT * 128)) * 128
    e_pad = _NT * ept
    srcp = jnp.concatenate([src, jnp.zeros((e_pad - e,), jnp.int32)])
    dstp = jnp.concatenate([dst, jnp.full((e_pad - e,), 16383, jnp.int32)])
    packed = (srcp << 14) | dstp

    agg1 = _make_sc_segsum(256, 1, 64, ept)(x.reshape(n, 2, 128), packed)
    h_in, zs, zq = _combine_mm_stats(x, agg1.reshape(-1, 256), W1a, b1a, 2000)
    s1, t1 = _bn_scale_offset(zs, zq, g1a, be1a, n)
    u, us, uq = _mlp_stats(h_in, W1a, b1a, s1, t1, W1b, b1b, 2000)
    so, to = _bn_scale_offset(us, uq, go, bo, n)
    h = _scale(u, so, to, 2000)

    agg2 = _make_sc_segsum(512, 2, 32, ept)(h.reshape(n, 4, 128), packed)
    h2, zs2, zq2 = _combine_mm_stats(h, agg2.reshape(-1, 512), W2a, b2a, 2000)
    s2, t2 = _bn_scale_offset(zs2, zq2, g2a, be2a, n)
    out = _mlp_out(h2, W2a, b2a, s2, t2, W2b, b2b, W3, b3, 2000)
    return out

# --- scband reference (transcript-rebuilt; emitter-appended) ---
"""Pipeline reference for scband-gin-uw-46755013984848 (READ-ONLY COPY).

The authoritative reference and input builder live on the scoring server;
editing this copy changes nothing except your own understanding.
"""

import jax, jax.numpy as jnp
import numpy as np

N, E, IN_F, C1, C2, OUT_F = 10000, 160000, 256, 512, 512, 256


def _bn(h, g, b, eps=1e-5):
    m = jnp.mean(h, axis=0)
    v = jnp.var(h, axis=0)
    return (h - m) / jnp.sqrt(v + eps) * g + b


def setup_inputs(seed: int = 0) -> dict:
    key = jax.random.key(seed)
    ks = jax.random.split(key, 20)

    def lin(k, fan_in, fan_out):
        s = 1.0 / np.sqrt(fan_in)
        kw, kb = jax.random.split(k)
        W = jax.random.uniform(kw, (fan_in, fan_out), jnp.float32, -s, s)
        b = jax.random.uniform(kb, (fan_out,), jnp.float32, -s, s)
        return W, b

    W1a, b1a = lin(ks[2], IN_F, C1)
    W1b, b1b = lin(ks[3], C1, C1)
    W2a, b2a = lin(ks[4], C1, C2)
    W2b, b2b = lin(ks[5], C2, C2)
    W3, b3 = lin(ks[6], C2, OUT_F)

    return {
        "x": jax.random.normal(ks[0], (N, IN_F), jnp.float32),
        "edge_index": jax.random.randint(ks[1], (2, E), 0, N, dtype=jnp.int64),
        "W1a": W1a, "b1a": b1a,
        "g1a": jnp.ones((C1,), jnp.float32), "be1a": jnp.zeros((C1,), jnp.float32),
        "W1b": W1b, "b1b": b1b,
        "go": jnp.ones((C1,), jnp.float32), "bo": jnp.zeros((C1,), jnp.float32),
        "W2a": W2a, "b2a": b2a,
        "g2a": jnp.ones((C2,), jnp.float32), "be2a": jnp.zeros((C2,), jnp.float32),
        "W2b": W2b, "b2b": b2b,
        "W3": W3, "b3": b3,
    }


def reference(x, edge_index, W1a, b1a, g1a, be1a, W1b, b1b, go, bo,
              W2a, b2a, g2a, be2a, W2b, b2b, W3, b3):
    src = edge_index[0]
    dst = edge_index[1]
    n = x.shape[0]

    # --- GINConv 1: h = MLP((1+eps)*x + sum_{j in N(i)} x_j), eps=0 ---
    agg = jax.ops.segment_sum(jnp.take(x, src, axis=0), dst, num_segments=n)
    h = x + agg
    h = h @ W1a + b1a
    h = _bn(h, g1a, be1a)
    h = jax.nn.relu(h)
    h = h @ W1b + b1b
    h = jax.nn.relu(h)
    h = jax.nn.relu(h)  # outer F.relu(conv1(...))
    h = _bn(h, go, bo)  # self.bn1
    # dropout: identity (eval / deterministic)

    # --- GINConv 2 ---
    agg2 = jax.ops.segment_sum(jnp.take(h, src, axis=0), dst, num_segments=n)
    h2 = h + agg2
    h2 = h2 @ W2a + b2a
    h2 = _bn(h2, g2a, be2a)
    h2 = jax.nn.relu(h2)
    h2 = h2 @ W2b + b2b
    h2 = jax.nn.relu(h2)
    h2 = jax.nn.relu(h2)  # outer F.relu(conv2(...))

    out = h2 @ W3 + b3
    return out

if __name__ == "__main__":
    import jax
    _d = setup_inputs()
    print(jax.jit(kernel)(*tuple(_d.values())))

</pallas_src>

<mosaic_0001>
#map = affine_map<(d0, d1) -> (0, 0, 0)>
#map1 = affine_map<(d0, d1) -> (0)>
module attributes {stable_mosaic.version = 14 : i64} {
  func.func @seg(%arg0: i32, %arg1: i32, %arg2: memref<10000x2x128xf32, #tpu.memory_space<hbm>>, %arg3: memref<161792xi32, #tpu.memory_space<hbm>>, %arg4: memref<10240x2x128xf32, #tpu.memory_space<hbm>>, %arg5: memref<5248x2x128xf32, #tpu.memory_space<vmem_shared>>, %arg6: memref<10112xi32, #tpu.memory_space<vmem>>, %arg7: memref<2x64xi32, #tpu.memory_space<vmem>>, %arg8: memref<2x64xi32, #tpu.memory_space<vmem>>, %arg9: memref<2x64x2x128xf32, #tpu.memory_space<vmem>>, %arg10: memref<!tpu.dma_semaphore, #tpu.memory_space<semaphore_mem>>, %arg11: memref<!tpu.dma_semaphore, #tpu.memory_space<semaphore_mem>>) attributes {dimension_semantics = [#tpu.dimension_semantics<core_parallel>, #tpu.dimension_semantics<subcore_parallel>], iteration_bounds = array<i64: 2, 16>, scalar_prefetch = 0 : i64, scratch_operands = 7 : i64, tpu.core_type = #tpu.core_type<sc_vector_subcore>, window_params = [{transform_indices = #map}, {transform_indices = #map1}, {transform_indices = #map}]} {
    %scan3A = arith.constant 0 : i32
    %scan3A_0 = arith.constant 0 : i32
    %mul3A = arith.constant 2 : i32
    %mul3A_1 = arith.muli %scan3A_0, %mul3A : i32
    %add3A = arith.addi %mul3A_1, %arg0 : i32
    %mul3A_2 = arith.constant 5120 : i32
    %mul3A_3 = arith.muli %add3A, %mul3A_2 : i32
    %barrier3A = arith.constant 0 : index
    tpu.barrier barrier_id(%barrier3A)
    %scan3A_4 = arith.constant 0 : i32
    %scan3A_5 = arith.constant 0 : i32
    %scan3A_6 = arith.constant 64 : i32
    %scan3A_7 = arith.addi %scan3A_5, %scan3A_6 : i32
    %scan3A_8 = arith.constant 1 : i32
    scf.for %scan3A_97 = %scan3A_5 to %scan3A_7 step %scan3A_8  : i32 {
      %broadcast_in_dim3A = arith.constant 0.000000e+00 : f32
      %broadcast_in_dim3A_98 = vector.broadcast %broadcast_in_dim3A : f32 to vector<16xf32>
      %swap3A = arith.constant 0 : i32
      %swap3A_99 = arith.constant 0 : i32
      %swap3A_100 = arith.index_cast %swap3A : i32 to index
      %swap3A_101 = arith.index_cast %scan3A_97 : i32 to index
      %swap3A_102 = arith.index_cast %swap3A_99 : i32 to index
      %swap3A_103 = arith.constant 0 : index
      %swap3A_104 = tpu.vector_load %arg9[%swap3A_100, %swap3A_101, %swap3A_102, %swap3A_103] {strides = array<i32>} : memref<2x64x2x128xf32, #tpu.memory_space<vmem>>, vector<16xf32>,
      tpu.vector_store %arg9[%swap3A_100, %swap3A_101, %swap3A_102, %swap3A_103], %broadcast_in_dim3A_98 {strides = array<i32>} : memref<2x64x2x128xf32, #tpu.memory_space<vmem>>, vector<16xf32>,
      %broadcast_in_dim3A_105 = arith.constant 0.000000e+00 : f32
      %broadcast_in_dim3A_106 = vector.broadcast %broadcast_in_dim3A_105 : f32 to vector<16xf32>
      %swap3A_107 = arith.constant 0 : i32
      %swap3A_108 = arith.constant 0 : i32
      %swap3A_109 = arith.index_cast %swap3A_107 : i32 to index
      %swap3A_110 = arith.index_cast %scan3A_97 : i32 to index
      %swap3A_111 = arith.index_cast %swap3A_108 : i32 to index
      %swap3A_112 = arith.constant 16 : index
      %swap3A_113 = tpu.vector_load %arg9[%swap3A_109, %swap3A_110, %swap3A_111, %swap3A_112] {strides = array<i32>} : memref<2x64x2x128xf32, #tpu.memory_space<vmem>>, vector<16xf32>,
      tpu.vector_store %arg9[%swap3A_109, %swap3A_110, %swap3A_111, %swap3A_112], %broadcast_in_dim3A_106 {strides = array<i32>} : memref<2x64x2x128xf32, #tpu.memory_space<vmem>>, vector<16xf32>,
      %broadcast_in_dim3A_114 = arith.constant 0.000000e+00 : f32
      %broadcast_in_dim3A_115 = vector.broadcast %broadcast_in_dim3A_114 : f32 to vector<16xf32>
      %swap3A_116 = arith.constant 0 : i32
      %swap3A_117 = arith.constant 0 : i32
      %swap3A_118 = arith.index_cast %swap3A_116 : i32 to index
      %swap3A_119 = arith.index_cast %scan3A_97 : i32 to index
      %swap3A_120 = arith.index_cast %swap3A_117 : i32 to index
      %swap3A_121 = arith.constant 32 : index
      %swap3A_122 = tpu.vector_load %arg9[%swap3A_118, %swap3A_119, %swap3A_120, %swap3A_121] {strides = array<i32>} : memref<2x64x2x128xf32, #tpu.memory_space<vmem>>, vector<16xf32>,
      tpu.vector_store %arg9[%swap3A_118, %swap3A_119, %swap3A_120, %swap3A_121], %broadcast_in_dim3A_115 {strides = array<i32>} : memref<2x64x2x128xf32, #tpu.memory_space<vmem>>, vector<16xf32>,
      %broadcast_in_dim3A_123 = arith.constant 0.000000e+00 : f32
      %broadcast_in_dim3A_124 = vector.broadcast %broadcast_in_dim3A_123 : f32 to vector<16xf32>
      %swap3A_125 = arith.constant 0 : i32
      %swap3A_126 = arith.constant 0 : i32
      %swap3A_127 = arith.index_cast %swap3A_125 : i32 to index
      %swap3A_128 = arith.index_cast %scan3A_97 : i32 to index
      %swap3A_129 = arith.index_cast %swap3A_126 : i32 to index
      %swap3A_130 = arith.constant 48 : index
      %swap3A_131 = tpu.vector_load %arg9[%swap3A_127, %swap3A_128, %swap3A_129, %swap3A_130] {strides = array<i32>} : memref<2x64x2x128xf32, #tpu.memory_space<vmem>>, vector<16xf32>,
      tpu.vector_store %arg9[%swap3A_127, %swap3A_128, %swap3A_129, %swap3A_130], %broadcast_in_dim3A_124 {strides = array<i32>} : memref<2x64x2x128xf32, #tpu.memory_space<vmem>>, vector<16xf32>,
      %broadcast_in_dim3A_132 = arith.constant 0.000000e+00 : f32
      %broadcast_in_dim3A_133 = vector.broadcast %broadcast_in_dim3A_132 : f32 to vector<16xf32>
      %swap3A_134 = arith.constant 0 : i32
      %swap3A_135 = arith.constant 0 : i32
      %swap3A_136 = arith.index_cast %swap3A_134 : i32 to index
      %swap3A_137 = arith.index_cast %scan3A_97 : i32 to index
      %swap3A_138 = arith.index_cast %swap3A_135 : i32 to index
      %swap3A_139 = arith.constant 64 : index
      %swap3A_140 = tpu.vector_load %arg9[%swap3A_136, %swap3A_137, %swap3A_138, %swap3A_139] {strides = array<i32>} : memref<2x64x2x128xf32, #tpu.memory_space<vmem>>, vector<16xf32>,
      tpu.vector_store %arg9[%swap3A_136, %swap3A_137, %swap3A_138, %swap3A_139], %broadcast_in_dim3A_133 {strides = array<i32>} : memref<2x64x2x128xf32, #tpu.memory_space<vmem>>, vector<16xf32>,
      %broadcast_in_dim3A_141 = arith.constant 0.000000e+00 : f32
      %broadcast_in_dim3A_142 = vector.broadcast %broadcast_in_dim3A_141 : f32 to vector<16xf32>
      %swap3A_143 = arith.constant 0 : i32
      %swap3A_144 = arith.constant 0 : i32
      %swap3A_145 = arith.index_cast %swap3A_143 : i32 to index
      %swap3A_146 = arith.index_cast %scan3A_97 : i32 to index
      %swap3A_147 = arith.index_cast %swap3A_144 : i32 to index
      %swap3A_148 = arith.constant 80 : index
      %swap3A_149 = tpu.vector_load %arg9[%swap3A_145, %swap3A_146, %swap3A_147, %swap3A_148] {strides = array<i32>} : memref<2x64x2x128xf32, #tpu.memory_space<vmem>>, vector<16xf32>,
      tpu.vector_store %arg9[%swap3A_145, %swap3A_146, %swap3A_147, %swap3A_148], %broadcast_in_dim3A_142 {strides = array<i32>} : memref<2x64x2x128xf32, #tpu.memory_space<vmem>>, vector<16xf32>,
      %broadcast_in_dim3A_150 = arith.constant 0.000000e+00 : f32
      %broadcast_in_dim3A_151 = vector.broadcast %broadcast_in_dim3A_150 : f32 to vector<16xf32>
      %swap3A_152 = arith.constant 0 : i32
      %swap3A_153 = arith.constant 0 : i32
      %swap3A_154 = arith.index_cast %swap3A_152 : i32 to index
      %swap3A_155 = arith.index_cast %scan3A_97 : i32 to index
      %swap3A_156 = arith.index_cast %swap3A_153 : i32 to index
      %swap3A_157 = arith.constant 96 : index
      %swap3A_158 = tpu.vector_load %arg9[%swap3A_154, %swap3A_155, %swap3A_156, %swap3A_157] {strides = array<i32>} : memref<2x64x2x128xf32, #tpu.memory_space<vmem>>, vector<16xf32>,
      tpu.vector_store %arg9[%swap3A_154, %swap3A_155, %swap3A_156, %swap3A_157], %broadcast_in_dim3A_151 {strides = array<i32>} : memref<2x64x2x128xf32, #tpu.memory_space<vmem>>, vector<16xf32>,
      %broadcast_in_dim3A_159 = arith.constant 0.000000e+00 : f32
      %broadcast_in_dim3A_160 = vector.broadcast %broadcast_in_dim3A_159 : f32 to vector<16xf32>
      %swap3A_161 = arith.constant 0 : i32
      %swap3A_162 = arith.constant 0 : i32
      %swap3A_163 = arith.index_cast %swap3A_161 : i32 to index
      %swap3A_164 = arith.index_cast %scan3A_97 : i32 to index
      %swap3A_165 = arith.index_cast %swap3A_162 : i32 to index
      %swap3A_166 = arith.constant 112 : index
      %swap3A_167 = tpu.vector_load %arg9[%swap3A_163, %swap3A_164, %swap3A_165, %swap3A_166] {strides = array<i32>} : memref<2x64x2x128xf32, #tpu.memory_space<vmem>>, vector<16xf32>,
      tpu.vector_store %arg9[%swap3A_163, %swap3A_164, %swap3A_165, %swap3A_166], %broadcast_in_dim3A_160 {strides = array<i32>} : memref<2x64x2x128xf32, #tpu.memory_space<vmem>>, vector<16xf32>,
      %broadcast_in_dim3A_168 = arith.constant 0.000000e+00 : f32
      %broadcast_in_dim3A_169 = vector.broadcast %broadcast_in_dim3A_168 : f32 to vector<16xf32>
      %swap3A_170 = arith.constant 0 : i32
      %swap3A_171 = arith.constant 1 : i32
      %swap3A_172 = arith.index_cast %swap3A_170 : i32 to index
      %swap3A_173 = arith.index_cast %scan3A_97 : i32 to index
      %swap3A_174 = arith.index_cast %swap3A_171 : i32 to index
      %swap3A_175 = arith.constant 0 : index
      %swap3A_176 = tpu.vector_load %arg9[%swap3A_172, %swap3A_173, %swap3A_174, %swap3A_175] {strides = array<i32>} : memref<2x64x2x128xf32, #tpu.memory_space<vmem>>, vector<16xf32>,
      tpu.vector_store %arg9[%swap3A_172, %swap3A_173, %swap3A_174, %swap3A_175], %broadcast_in_dim3A_169 {strides = array<i32>} : memref<2x64x2x128xf32, #tpu.memory_space<vmem>>, vector<16xf32>,
      %broadcast_in_dim3A_177 = arith.constant 0.000000e+00 : f32
      %broadcast_in_dim3A_178 = vector.broadcast %broadcast_in_dim3A_177 : f32 to vector<16xf32>
      %swap3A_179 = arith.constant 0 : i32
      %swap3A_180 = arith.constant 1 : i32
      %swap3A_181 = arith.index_cast %swap3A_179 : i32 to index
      %swap3A_182 = arith.index_cast %scan3A_97 : i32 to index
      %swap3A_183 = arith.index_cast %swap3A_180 : i32 to index
      %swap3A_184 = arith.constant 16 : index
      %swap3A_185 = tpu.vector_load %arg9[%swap3A_181, %swap3A_182, %swap3A_183, %swap3A_184] {strides = array<i32>} : memref<2x64x2x128xf32, #tpu.memory_space<vmem>>, vector<16xf32>,
      tpu.vector_store %arg9[%swap3A_181, %swap3A_182, %swap3A_183, %swap3A_184], %broadcast_in_dim3A_178 {strides = array<i32>} : memref<2x64x2x128xf32, #tpu.memory_space<vmem>>, vector<16xf32>,
      %broadcast_in_dim3A_186 = arith.constant 0.000000e+00 : f32
      %broadcast_in_dim3A_187 = vector.broadcast %broadcast_in_dim3A_186 : f32 to vector<16xf32>
      %swap3A_188 = arith.constant 0 : i32
      %swap3A_189 = arith.constant 1 : i32
      %swap3A_190 = arith.index_cast %swap3A_188 : i32 to index
      %swap3A_191 = arith.index_cast %scan3A_97 : i32 to index
      %swap3A_192 = arith.index_cast %swap3A_189 : i32 to index
      %swap3A_193 = arith.constant 32 : index
      %swap3A_194 = tpu.vector_load %arg9[%swap3A_190, %swap3A_191, %swap3A_192, %swap3A_193] {strides = array<i32>} : memref<2x64x2x128xf32, #tpu.memory_space<vmem>>, vector<16xf32>,
      tpu.vector_store %arg9[%swap3A_190, %swap3A_191, %swap3A_192, %swap3A_193], %broadcast_in_dim3A_187 {strides = array<i32>} : memref<2x64x2x128xf32, #tpu.memory_space<vmem>>, vector<16xf32>,
      %broadcast_in_dim3A_195 = arith.constant 0.000000e+00 : f32
      %broadcast_in_dim3A_196 = vector.broadcast %broadcast_in_dim3A_195 : f32 to vector<16xf32>
      %swap3A_197 = arith.constant 0 : i32
      %swap3A_198 = arith.constant 1 : i32
      %swap3A_199 = arith.index_cast %swap3A_197 : i32 to index
      %swap3A_200 = arith.index_cast %scan3A_97 : i32 to index
      %swap3A_201 = arith.index_cast %swap3A_198 : i32 to index
      %swap3A_202 = arith.constant 48 : index
      %swap3A_203 = tpu.vector_load %arg9[%swap3A_199, %swap3A_200, %swap3A_201, %swap3A_202] {strides = array<i32>} : memref<2x64x2x128xf32, #tpu.memory_space<vmem>>, vector<16xf32>,
      tpu.vector_store %arg9[%swap3A_199, %swap3A_200, %swap3A_201, %swap3A_202], %broadcast_in_dim3A_196 {strides = array<i32>} : memref<2x64x2x128xf32, #tpu.memory_space<vmem>>, vector<16xf32>,
      %broadcast_in_dim3A_204 = arith.constant 0.000000e+00 : f32
      %broadcast_in_dim3A_205 = vector.broadcast %broadcast_in_dim3A_204 : f32 to vector<16xf32>
      %swap3A_206 = arith.constant 0 : i32
      %swap3A_207 = arith.constant 1 : i32
      %swap3A_208 = arith.index_cast %swap3A_206 : i32 to index
      %swap3A_209 = arith.index_cast %scan3A_97 : i32 to index
      %swap3A_210 = arith.index_cast %swap3A_207 : i32 to index
      %swap3A_211 = arith.constant 64 : index
      %swap3A_212 = tpu.vector_load %arg9[%swap3A_208, %swap3A_209, %swap3A_210, %swap3A_211] {strides = array<i32>} : memref<2x64x2x128xf32, #tpu.memory_space<vmem>>, vector<16xf32>,
      tpu.vector_store %arg9[%swap3A_208, %swap3A_209, %swap3A_210, %swap3A_211], %broadcast_in_dim3A_205 {strides = array<i32>} : memref<2x64x2x128xf32, #tpu.memory_space<vmem>>, vector<16xf32>,
      %broadcast_in_dim3A_213 = arith.constant 0.000000e+00 : f32
      %broadcast_in_dim3A_214 = vector.broadcast %broadcast_in_dim3A_213 : f32 to vector<16xf32>
      %swap3A_215 = arith.constant 0 : i32
      %swap3A_216 = arith.constant 1 : i32
      %swap3A_217 = arith.index_cast %swap3A_215 : i32 to index
      %swap3A_218 = arith.index_cast %scan3A_97 : i32 to index
      %swap3A_219 = arith.index_cast %swap3A_216 : i32 to index
      %swap3A_220 = arith.constant 80 : index
      %swap3A_221 = tpu.vector_load %arg9[%swap3A_217, %swap3A_218, %swap3A_219, %swap3A_220] {strides = array<i32>} : memref<2x64x2x128xf32, #tpu.memory_space<vmem>>, vector<16xf32>,
      tpu.vector_store %arg9[%swap3A_217, %swap3A_218, %swap3A_219, %swap3A_220], %broadcast_in_dim3A_214 {strides = array<i32>} : memref<2x64x2x128xf32, #tpu.memory_space<vmem>>, vector<16xf32>,
      %broadcast_in_dim3A_222 = arith.constant 0.000000e+00 : f32
      %broadcast_in_dim3A_223 = vector.broadcast %broadcast_in_dim3A_222 : f32 to vector<16xf32>
      %swap3A_224 = arith.constant 0 : i32
      %swap3A_225 = arith.constant 1 : i32
      %swap3A_226 = arith.index_cast %swap3A_224 : i32 to index
      %swap3A_227 = arith.index_cast %scan3A_97 : i32 to index
      %swap3A_228 = arith.index_cast %swap3A_225 : i32 to index
      %swap3A_229 = arith.constant 96 : index
      %swap3A_230 = tpu.vector_load %arg9[%swap3A_226, %swap3A_227, %swap3A_228, %swap3A_229] {strides = array<i32>} : memref<2x64x2x128xf32, #tpu.memory_space<vmem>>, vector<16xf32>,
      tpu.vector_store %arg9[%swap3A_226, %swap3A_227, %swap3A_228, %swap3A_229], %broadcast_in_dim3A_223 {strides = array<i32>} : memref<2x64x2x128xf32, #tpu.memory_space<vmem>>, vector<16xf32>,
      %broadcast_in_dim3A_231 = arith.constant 0.000000e+00 : f32
      %broadcast_in_dim3A_232 = vector.broadcast %broadcast_in_dim3A_231 : f32 to vector<16xf32>
      %swap3A_233 = arith.constant 0 : i32
      %swap3A_234 = arith.constant 1 : i32
      %swap3A_235 = arith.index_cast %swap3A_233 : i32 to index
      %swap3A_236 = arith.index_cast %scan3A_97 : i32 to index
      %swap3A_237 = arith.index_cast %swap3A_234 : i32 to index
      %swap3A_238 = arith.constant 112 : index
      %swap3A_239 = tpu.vector_load %arg9[%swap3A_235, %swap3A_236, %swap3A_237, %swap3A_238] {strides = array<i32>} : memref<2x64x2x128xf32, #tpu.memory_space<vmem>>, vector<16xf32>,
      tpu.vector_store %arg9[%swap3A_235, %swap3A_236, %swap3A_237, %swap3A_238], %broadcast_in_dim3A_232 {strides = array<i32>} : memref<2x64x2x128xf32, #tpu.memory_space<vmem>>, vector<16xf32>,
    }
    %scan3A_9 = arith.constant 64 : i32
    %scan3A_10 = arith.constant 0 : i32
    %scan3A_11 = arith.constant 0 : i32
    %scan3A_12 = arith.constant 5 : i32
    %scan3A_13 = arith.addi %scan3A_11, %scan3A_12 : i32
    %scan3A_14 = arith.constant 1 : i32
    scf.for %scan3A_97 = %scan3A_11 to %scan3A_13 step %scan3A_14  : i32 {
      %mul3A_98 = arith.constant 328 : i32
      %mul3A_99 = arith.muli %arg1, %mul3A_98 : i32
      %mul3A_100 = arith.constant 64 : i32
      %mul3A_101 = arith.muli %scan3A_97, %mul3A_100 : i32
      %add3A_102 = arith.addi %mul3A_99, %mul3A_101 : i32
      %run_scoped3A_103 = arith.constant 0 : i32
      "tpu.region"() ({
        %run_scoped3A_104 = tpu.sem_alloc : memref<!tpu.dma_semaphore, #tpu.memory_space<semaphore_mem>>
        %dma_start3A = arith.constant 0 : i32
        %dma_start3A_105 = arith.constant 0 : i32
        %dma_start3A_106 = arith.constant 0 : i32
        %dma_start3A_107 = tpu.memref_slice %arg9[%run_scoped3A_103, %dma_start3A, %dma_start3A_105, %dma_start3A_106] : memref<2x64x2x128xf32, #tpu.memory_space<vmem>> -> memref<1x64x2x128xf32, #tpu.memory_space<vmem>>
        %dma_start3A_108 = tpu.memref_squeeze %dma_start3A_107 : memref<1x64x2x128xf32, #tpu.memory_space<vmem>> -> memref<64x2x128xf32, #tpu.memory_space<vmem>>
        %dma_start3A_109 = arith.constant 0 : i32
        %dma_start3A_110 = arith.constant 0 : i32
        %dma_start3A_111 = arith.constant 0 : i32
        %dma_start3A_112 = tpu.memref_slice %dma_start3A_108[%dma_start3A_109, %dma_start3A_110, %dma_start3A_111] : memref<64x2x128xf32, #tpu.memory_space<vmem>> -> memref<64x2x128xf32, #tpu.memory_space<vmem>>
        %dma_start3A_113 = arith.constant 0 : i32
        %dma_start3A_114 = arith.constant 0 : i32
        %dma_start3A_115 = tpu.memref_slice %arg5[%add3A_102, %dma_start3A_113, %dma_start3A_114] : memref<5248x2x128xf32, #tpu.memory_space<vmem_shared>> -> memref<64x2x128xf32, #tpu.memory_space<vmem_shared>>
        %dma_start3A_116 = arith.constant 0 : i32
        %dma_start3A_117 = arith.constant 0 : i32
        %dma_start3A_118 = tpu.memref_slice %arg5[%add3A_102, %dma_start3A_116, %dma_start3A_117] : memref<5248x2x128xf32, #tpu.memory_space<vmem_shared>> -> memref<64x2x128xf32, #tpu.memory_space<vmem_shared>>
        %dma_start3A_119 = arith.constant 0 : i32
        %dma_start3A_120 = arith.constant 0 : i32
        %dma_start3A_121 = arith.constant 0 : i32
        %dma_start3A_122 = tpu.memref_slice %arg9[%run_scoped3A_103, %dma_start3A_119, %dma_start3A_120, %dma_start3A_121] : memref<2x64x2x128xf32, #tpu.memory_space<vmem>> -> memref<1x64x2x128xf32, #tpu.memory_space<vmem>>
        %dma_start3A_123 = tpu.memref_squeeze %dma_start3A_122 : memref<1x64x2x128xf32, #tpu.memory_space<vmem>> -> memref<64x2x128xf32, #tpu.memory_space<vmem>>
        %dma_start3A_124 = arith.constant 0 : i32
        %dma_start3A_125 = arith.constant 0 : i32
        %dma_start3A_126 = arith.constant 0 : i32
        %dma_start3A_127 = tpu.memref_slice %dma_start3A_123[%dma_start3A_124, %dma_start3A_125, %dma_start3A_126] : memref<64x2x128xf32, #tpu.memory_space<vmem>> -> memref<64x2x128xf32, #tpu.memory_space<vmem>>
        tpu.enqueue_dma source(%dma_start3A_127 : memref<64x2x128xf32, #tpu.memory_space<vmem>>) target(%dma_start3A_118 : memref<64x2x128xf32, #tpu.memory_space<vmem_shared>>) target_semaphore(%run_scoped3A_104 : memref<!tpu.dma_semaphore, #tpu.memory_space<semaphore_mem>>)
        %dma_wait3A = arith.constant 0 : i32
        %dma_wait3A_128 = arith.constant 0 : i32
        %dma_wait3A_129 = arith.constant 0 : i32
        %dma_wait3A_130 = tpu.memref_slice %arg9[%run_scoped3A_103, %dma_wait3A, %dma_wait3A_128, %dma_wait3A_129] : memref<2x64x2x128xf32, #tpu.memory_space<vmem>> -> memref<1x64x2x128xf32, #tpu.memory_space<vmem>>
        %dma_wait3A_131 = tpu.memref_squeeze %dma_wait3A_130 : memref<1x64x2x128xf32, #tpu.memory_space<vmem>> -> memref<64x2x128xf32, #tpu.memory_space<vmem>>
        %dma_wait3A_132 = arith.constant 0 : i32
        %dma_wait3A_133 = arith.constant 0 : i32
        %dma_wait3A_134 = arith.constant 0 : i32
        %dma_wait3A_135 = tpu.memref_slice %dma_wait3A_131[%dma_wait3A_132, %dma_wait3A_133, %dma_wait3A_134] : memref<64x2x128xf32, #tpu.memory_space<vmem>> -> memref<64x2x128xf32, #tpu.memory_space<vmem>>
        %dma_wait3A_136 = arith.constant 0 : i32
        %dma_wait3A_137 = arith.constant 0 : i32
        %dma_wait3A_138 = tpu.memref_slice %arg5[%add3A_102, %dma_wait3A_136, %dma_wait3A_137] : memref<5248x2x128xf32, #tpu.memory_space<vmem_shared>> -> memref<64x2x128xf32, #tpu.memory_space<vmem_shared>>
        %dma_wait3A_139 = arith.constant 0 : i32
        %dma_wait3A_140 = arith.constant 0 : i32
        %dma_wait3A_141 = tpu.memref_slice %arg5[%add3A_102, %dma_wait3A_139, %dma_wait3A_140] : memref<5248x2x128xf32, #tpu.memory_space<vmem_shared>> -> memref<64x2x128xf32, #tpu.memory_space<vmem_shared>>
        %dma_wait3A_142 = arith.constant 0 : i32
        %dma_wait3A_143 = arith.constant 0 : i32
        %dma_wait3A_144 = arith.constant 0 : i32
        %dma_wait3A_145 = tpu.memref_slice %arg9[%run_scoped3A_103, %dma_wait3A_142, %dma_wait3A_143, %dma_wait3A_144] : memref<2x64x2x128xf32, #tpu.memory_space<vmem>> -> memref<1x64x2x128xf32, #tpu.memory_space<vmem>>
        %dma_wait3A_146 = tpu.memref_squeeze %dma_wait3A_145 : memref<1x64x2x128xf32, #tpu.memory_space<vmem>> -> memref<64x2x128xf32, #tpu.memory_space<vmem>>
        %dma_wait3A_147 = arith.constant 0 : i32
        %dma_wait3A_148 = arith.constant 0 : i32
        %dma_wait3A_149 = arith.constant 0 : i32
        %dma_wait3A_150 = tpu.memref_slice %dma_wait3A_146[%dma_wait3A_147, %dma_wait3A_148, %dma_wait3A_149] : memref<64x2x128xf32, #tpu.memory_space<vmem>> -> memref<64x2x128xf32, #tpu.memory_space<vmem>>
        tpu.wait_dma2 semaphore(%run_scoped3A_104 : memref<!tpu.dma_semaphore, #tpu.memory_space<semaphore_mem>>) src(%dma_wait3A_150 : memref<64x2x128xf32, #tpu.memory_space<vmem>>) dst(%dma_wait3A_141 : memref<64x2x128xf32, #tpu.memory_space<vmem_shared>>)
        tpu.yield
      }) : () -> ()
    }
    %scan3A_15 = arith.constant 5 : i32
    %mul3A_16 = arith.constant 328 : i32
    %mul3A_17 = arith.muli %arg1, %mul3A_16 : i32
    %add3A_18 = arith.constant 328 : i32
    %add3A_19 = arith.addi %mul3A_17, %add3A_18 : i32
    %sub3A = arith.constant 8 : i32
    %sub3A_20 = arith.subi %add3A_19, %sub3A : i32
    %run_scoped3A = arith.constant 0 : i32
    "tpu.region"() ({
      %run_scoped3A_97 = tpu.sem_alloc : memref<!tpu.dma_semaphore, #tpu.memory_space<semaphore_mem>>
      %dma_start3A = arith.constant 0 : i32
      %dma_start3A_98 = arith.constant 0 : i32
      %dma_start3A_99 = arith.constant 0 : i32
      %dma_start3A_100 = tpu.memref_slice %arg9[%run_scoped3A, %dma_start3A, %dma_start3A_98, %dma_start3A_99] : memref<2x64x2x128xf32, #tpu.memory_space<vmem>> -> memref<1x64x2x128xf32, #tpu.memory_space<vmem>>
      %dma_start3A_101 = tpu.memref_squeeze %dma_start3A_100 : memref<1x64x2x128xf32, #tpu.memory_space<vmem>> -> memref<64x2x128xf32, #tpu.memory_space<vmem>>
      %dma_start3A_102 = arith.constant 0 : i32
      %dma_start3A_103 = arith.constant 0 : i32
      %dma_start3A_104 = arith.constant 0 : i32
      %dma_start3A_105 = tpu.memref_slice %dma_start3A_101[%dma_start3A_102, %dma_start3A_103, %dma_start3A_104] : memref<64x2x128xf32, #tpu.memory_space<vmem>> -> memref<8x2x128xf32, #tpu.memory_space<vmem>>
      %dma_start3A_106 = arith.constant 0 : i32
      %dma_start3A_107 = arith.constant 0 : i32
      %dma_start3A_108 = tpu.memref_slice %arg5[%sub3A_20, %dma_start3A_106, %dma_start3A_107] : memref<5248x2x128xf32, #tpu.memory_space<vmem_shared>> -> memref<8x2x128xf32, #tpu.memory_space<vmem_shared>>
      %dma_start3A_109 = arith.constant 0 : i32
      %dma_start3A_110 = arith.constant 0 : i32
      %dma_start3A_111 = tpu.memref_slice %arg5[%sub3A_20, %dma_start3A_109, %dma_start3A_110] : memref<5248x2x128xf32, #tpu.memory_space<vmem_shared>> -> memref<8x2x128xf32, #tpu.memory_space<vmem_shared>>
      %dma_start3A_112 = arith.constant 0 : i32
      %dma_start3A_113 = arith.constant 0 : i32
      %dma_start3A_114 = arith.constant 0 : i32
      %dma_start3A_115 = tpu.memref_slice %arg9[%run_scoped3A, %dma_start3A_112, %dma_start3A_113, %dma_start3A_114] : memref<2x64x2x128xf32, #tpu.memory_space<vmem>> -> memref<1x64x2x128xf32, #tpu.memory_space<vmem>>
      %dma_start3A_116 = tpu.memref_squeeze %dma_start3A_115 : memref<1x64x2x128xf32, #tpu.memory_space<vmem>> -> memref<64x2x128xf32, #tpu.memory_space<vmem>>
      %dma_start3A_117 = arith.constant 0 : i32
      %dma_start3A_118 = arith.constant 0 : i32
      %dma_start3A_119 = arith.constant 0 : i32
      %dma_start3A_120 = tpu.memref_slice %dma_start3A_116[%dma_start3A_117, %dma_start3A_118, %dma_start3A_119] : memref<64x2x128xf32, #tpu.memory_space<vmem>> -> memref<8x2x128xf32, #tpu.memory_space<vmem>>
      tpu.enqueue_dma source(%dma_start3A_120 : memref<8x2x128xf32, #tpu.memory_space<vmem>>) target(%dma_start3A_111 : memref<8x2x128xf32, #tpu.memory_space<vmem_shared>>) target_semaphore(%run_scoped3A_97 : memref<!tpu.dma_semaphore, #tpu.memory_space<semaphore_mem>>)
      %dma_wait3A = arith.constant 0 : i32
      %dma_wait3A_121 = arith.constant 0 : i32
      %dma_wait3A_122 = arith.constant 0 : i32
      %dma_wait3A_123 = tpu.memref_slice %arg9[%run_scoped3A, %dma_wait3A, %dma_wait3A_121, %dma_wait3A_122] : memref<2x64x2x128xf32, #tpu.memory_space<vmem>> -> memref<1x64x2x128xf32, #tpu.memory_space<vmem>>
      %dma_wait3A_124 = tpu.memref_squeeze %dma_wait3A_123 : memref<1x64x2x128xf32, #tpu.memory_space<vmem>> -> memref<64x2x128xf32, #tpu.memory_space<vmem>>
      %dma_wait3A_125 = arith.constant 0 : i32
      %dma_wait3A_126 = arith.constant 0 : i32
      %dma_wait3A_127 = arith.constant 0 : i32
      %dma_wait3A_128 = tpu.memref_slice %dma_wait3A_124[%dma_wait3A_125, %dma_wait3A_126, %dma_wait3A_127] : memref<64x2x128xf32, #tpu.memory_space<vmem>> -> memref<8x2x128xf32, #tpu.memory_space<vmem>>
      %dma_wait3A_129 = arith.constant 0 : i32
      %dma_wait3A_130 = arith.constant 0 : i32
      %dma_wait3A_131 = tpu.memref_slice %arg5[%sub3A_20, %dma_wait3A_129, %dma_wait3A_130] : memref<5248x2x128xf32, #tpu.memory_space<vmem_shared>> -> memref<8x2x128xf32, #tpu.memory_space<vmem_shared>>
      %dma_wait3A_132 = arith.constant 0 : i32
      %dma_wait3A_133 = arith.constant 0 : i32
      %dma_wait3A_134 = tpu.memref_slice %arg5[%sub3A_20, %dma_wait3A_132, %dma_wait3A_133] : memref<5248x2x128xf32, #tpu.memory_space<vmem_shared>> -> memref<8x2x128xf32, #tpu.memory_space<vmem_shared>>
      %dma_wait3A_135 = arith.constant 0 : i32
      %dma_wait3A_136 = arith.constant 0 : i32
      %dma_wait3A_137 = arith.constant 0 : i32
      %dma_wait3A_138 = tpu.memref_slice %arg9[%run_scoped3A, %dma_wait3A_135, %dma_wait3A_136, %dma_wait3A_137] : memref<2x64x2x128xf32, #tpu.memory_space<vmem>> -> memref<1x64x2x128xf32, #tpu.memory_space<vmem>>
      %dma_wait3A_139 = tpu.memref_squeeze %dma_wait3A_138 : memref<1x64x2x128xf32, #tpu.memory_space<vmem>> -> memref<64x2x128xf32, #tpu.memory_space<vmem>>
      %dma_wait3A_140 = arith.constant 0 : i32
      %dma_wait3A_141 = arith.constant 0 : i32
      %dma_wait3A_142 = arith.constant 0 : i32
      %dma_wait3A_143 = tpu.memref_slice %dma_wait3A_139[%dma_wait3A_140, %dma_wait3A_141, %dma_wait3A_142] : memref<64x2x128xf32, #tpu.memory_space<vmem>> -> memref<8x2x128xf32, #tpu.memory_space<vmem>>
      tpu.wait_dma2 semaphore(%run_scoped3A_97 : memref<!tpu.dma_semaphore, #tpu.memory_space<semaphore_mem>>) src(%dma_wait3A_143 : memref<8x2x128xf32, #tpu.memory_space<vmem>>) dst(%dma_wait3A_134 : memref<8x2x128xf32, #tpu.memory_space<vmem_shared>>)
      tpu.yield
    }) : () -> ()
    %mul3A_21 = arith.constant 10112 : i32
    %mul3A_22 = arith.muli %arg1, %mul3A_21 : i32
    "tpu.region"() ({
      %run_scoped3A_97 = tpu.sem_alloc : memref<!tpu.dma_semaphore, #tpu.memory_space<semaphore_mem>>
      %dma_start3A = tpu.memref_slice %arg3[%mul3A_22] : memref<161792xi32, #tpu.memory_space<hbm>> -> memref<10112xi32, #tpu.memory_space<hbm>>
      %dma_start3A_98 = tpu.memref_slice %arg3[%mul3A_22] : memref<161792xi32, #tpu.memory_space<hbm>> -> memref<10112xi32, #tpu.memory_space<hbm>>
      tpu.enqueue_dma source(%dma_start3A_98 : memref<10112xi32, #tpu.memory_space<hbm>>) target(%arg6 : memref<10112xi32, #tpu.memory_space<vmem>>) target_semaphore(%run_scoped3A_97 : memref<!tpu.dma_semaphore, #tpu.memory_space<semaphore_mem>>)
      %dma_wait3A = tpu.memref_slice %arg3[%mul3A_22] : memref<161792xi32, #tpu.memory_space<hbm>> -> memref<10112xi32, #tpu.memory_space<hbm>>
      %dma_wait3A_99 = tpu.memref_slice %arg3[%mul3A_22] : memref<161792xi32, #tpu.memory_space<hbm>> -> memref<10112xi32, #tpu.memory_space<hbm>>
      tpu.wait_dma2 semaphore(%run_scoped3A_97 : memref<!tpu.dma_semaphore, #tpu.memory_space<semaphore_mem>>) src(%dma_wait3A_99 : memref<10112xi32, #tpu.memory_space<hbm>>) dst(%arg6 : memref<10112xi32, #tpu.memory_space<vmem>>)
      tpu.yield
    }) : () -> ()
    %scan3A_23 = arith.constant 0 : i32
    %scan3A_24 = arith.constant 0 : i32
    %scan3A_25 = arith.constant 79 : i32
    %scan3A_26 = arith.addi %scan3A_24, %scan3A_25 : i32
    %scan3A_27 = arith.constant 1 : i32
    %scan3A_28 = scf.for %scan3A_97 = %scan3A_24 to %scan3A_26 step %scan3A_27 iter_args(%scan3A_98 = %scan3A_23) -> (i32)  : i32 {
      %mul3A_99 = arith.constant 128 : i32
      %mul3A_100 = arith.muli %scan3A_97, %mul3A_99 : i32
      %add3A_101 = arith.constant 0 : i32
      %add3A_102 = arith.addi %mul3A_100, %add3A_101 : i32
      %get3A = arith.index_cast %add3A_102 : i32 to index
      %get3A_103 = tpu.vector_load %arg6[%get3A] {strides = array<i32>} : memref<10112xi32, #tpu.memory_space<vmem>>, vector<16xi32>,
      %and3A_104 = arith.constant 16383 : i32
      %and3A_105 = vector.broadcast %and3A_104 : i32 to vector<16xi32>
      %and3A_106 = arith.andi %get3A_103, %and3A_105 : vector<16xi32>
      %sub3A_107 = vector.broadcast %mul3A_3 : i32 to vector<16xi32>
      %sub3A_108 = arith.subi %and3A_106, %sub3A_107 : vector<16xi32>
      %not3A = arith.constant dense<-1> : vector<16xi32>
      %not3A_109 = arith.xori %sub3A_108, %not3A : vector<16xi32>
      %sub3A_110 = arith.constant 5120 : i32
      %sub3A_111 = vector.broadcast %sub3A_110 : i32 to vector<16xi32>
      %sub3A_112 = arith.subi %sub3A_108, %sub3A_111 : vector<16xi32>
      %and3A_113 = arith.andi %not3A_109, %sub3A_112 : vector<16xi32>
      %shift_right_logical3A = arith.constant 31 : i32
      %shift_right_logical3A_114 = vector.broadcast %shift_right_logical3A : i32 to vector<16xi32>
      %shift_right_logical3A_115 = arith.shrui %and3A_113, %shift_right_logical3A_114 : vector<16xi32>
      %broadcast_in_dim3A = arith.constant true
      %broadcast_in_dim3A_116 = vector.broadcast %broadcast_in_dim3A : i1 to vector<16xi1>
      %masked_cumsum3A = tpu.scan <sum>, %shift_right_logical3A_115 masked %broadcast_in_dim3A_116 : vector<16xi32>, vector<16xi1> -> vector<16xi32>
      %mul3A_117 = arith.constant 128 : i32
      %mul3A_118 = arith.muli %scan3A_97, %mul3A_117 : i32
      %add3A_119 = arith.constant 16 : i32
      %add3A_120 = arith.addi %mul3A_118, %add3A_119 : i32
      %get3A_121 = arith.index_cast %add3A_120 : i32 to index
      %get3A_122 = tpu.vector_load %arg6[%get3A_121] {strides = array<i32>} : memref<10112xi32, #tpu.memory_space<vmem>>, vector<16xi32>,
      %and3A_123 = arith.constant 16383 : i32
      %and3A_124 = vector.broadcast %and3A_123 : i32 to vector<16xi32>
      %and3A_125 = arith.andi %get3A_122, %and3A_124 : vector<16xi32>
      %sub3A_126 = vector.broadcast %mul3A_3 : i32 to vector<16xi32>
      %sub3A_127 = arith.subi %and3A_125, %sub3A_126 : vector<16xi32>
      %not3A_128 = arith.constant dense<-1> : vector<16xi32>
      %not3A_129 = arith.xori %sub3A_127, %not3A_128 : vector<16xi32>
      %sub3A_130 = arith.constant 5120 : i32
      %sub3A_131 = vector.broadcast %sub3A_130 : i32 to vector<16xi32>
      %sub3A_132 = arith.subi %sub3A_127, %sub3A_131 : vector<16xi32>
      %and3A_133 = arith.andi %not3A_129, %sub3A_132 : vector<16xi32>
      %shift_right_logical3A_134 = arith.constant 31 : i32
      %shift_right_logical3A_135 = vector.broadcast %shift_right_logical3A_134 : i32 to vector<16xi32>
      %shift_right_logical3A_136 = arith.shrui %and3A_133, %shift_right_logical3A_135 : vector<16xi32>
      %broadcast_in_dim3A_137 = arith.constant true
      %broadcast_in_dim3A_138 = vector.broadcast %broadcast_in_dim3A_137 : i1 to vector<16xi1>
      %masked_cumsum3A_139 = tpu.scan <sum>, %shift_right_logical3A_136 masked %broadcast_in_dim3A_138 : vector<16xi32>, vector<16xi1> -> vector<16xi32>
      %mul3A_140 = arith.constant 128 : i32
      %mul3A_141 = arith.muli %scan3A_97, %mul3A_140 : i32
      %add3A_142 = arith.constant 32 : i32
      %add3A_143 = arith.addi %mul3A_141, %add3A_142 : i32
      %get3A_144 = arith.index_cast %add3A_143 : i32 to index
      %get3A_145 = tpu.vector_load %arg6[%get3A_144] {strides = array<i32>} : memref<10112xi32, #tpu.memory_space<vmem>>, vector<16xi32>,
      %and3A_146 = arith.constant 16383 : i32
      %and3A_147 = vector.broadcast %and3A_146 : i32 to vector<16xi32>
      %and3A_148 = arith.andi %get3A_145, %and3A_147 : vector<16xi32>
      %sub3A_149 = vector.broadcast %mul3A_3 : i32 to vector<16xi32>
      %sub3A_150 = arith.subi %and3A_148, %sub3A_149 : vector<16xi32>
      %not3A_151 = arith.constant dense<-1> : vector<16xi32>
      %not3A_152 = arith.xori %sub3A_150, %not3A_151 : vector<16xi32>
      %sub3A_153 = arith.constant 5120 : i32
      %sub3A_154 = vector.broadcast %sub3A_153 : i32 to vector<16xi32>
      %sub3A_155 = arith.subi %sub3A_150, %sub3A_154 : vector<16xi32>
      %and3A_156 = arith.andi %not3A_152, %sub3A_155 : vector<16xi32>
      %shift_right_logical3A_157 = arith.constant 31 : i32
      %shift_right_logical3A_158 = vector.broadcast %shift_right_logical3A_157 : i32 to vector<16xi32>
      %shift_right_logical3A_159 = arith.shrui %and3A_156, %shift_right_logical3A_158 : vector<16xi32>
      %broadcast_in_dim3A_160 = arith.constant true
      %broadcast_in_dim3A_161 = vector.broadcast %broadcast_in_dim3A_160 : i1 to vector<16xi1>
      %masked_cumsum3A_162 = tpu.scan <sum>, %shift_right_logical3A_159 masked %broadcast_in_dim3A_161 : vector<16xi32>, vector<16xi1> -> vector<16xi32>
      %mul3A_163 = arith.constant 128 : i32
      %mul3A_164 = arith.muli %scan3A_97, %mul3A_163 : i32
      %add3A_165 = arith.constant 48 : i32
      %add3A_166 = arith.addi %mul3A_164, %add3A_165 : i32
      %get3A_167 = arith.index_cast %add3A_166 : i32 to index
      %get3A_168 = tpu.vector_load %arg6[%get3A_167] {strides = array<i32>} : memref<10112xi32, #tpu.memory_space<vmem>>, vector<16xi32>,
      %and3A_169 = arith.constant 16383 : i32
      %and3A_170 = vector.broadcast %and3A_169 : i32 to vector<16xi32>
      %and3A_171 = arith.andi %get3A_168, %and3A_170 : vector<16xi32>
      %sub3A_172 = vector.broadcast %mul3A_3 : i32 to vector<16xi32>
      %sub3A_173 = arith.subi %and3A_171, %sub3A_172 : vector<16xi32>
      %not3A_174 = arith.constant dense<-1> : vector<16xi32>
      %not3A_175 = arith.xori %sub3A_173, %not3A_174 : vector<16xi32>
      %sub3A_176 = arith.constant 5120 : i32
      %sub3A_177 = vector.broadcast %sub3A_176 : i32 to vector<16xi32>
      %sub3A_178 = arith.subi %sub3A_173, %sub3A_177 : vector<16xi32>
      %and3A_179 = arith.andi %not3A_175, %sub3A_178 : vector<16xi32>
      %shift_right_logical3A_180 = arith.constant 31 : i32
      %shift_right_logical3A_181 = vector.broadcast %shift_right_logical3A_180 : i32 to vector<16xi32>
      %shift_right_logical3A_182 = arith.shrui %and3A_179, %shift_right_logical3A_181 : vector<16xi32>
      %broadcast_in_dim3A_183 = arith.constant true
      %broadcast_in_dim3A_184 = vector.broadcast %broadcast_in_dim3A_183 : i1 to vector<16xi1>
      %masked_cumsum3A_185 = tpu.scan <sum>, %shift_right_logical3A_182 masked %broadcast_in_dim3A_184 : vector<16xi32>, vector<16xi1> -> vector<16xi32>
      %mul3A_186 = arith.constant 128 : i32
      %mul3A_187 = arith.muli %scan3A_97, %mul3A_186 : i32
      %add3A_188 = arith.constant 64 : i32
      %add3A_189 = arith.addi %mul3A_187, %add3A_188 : i32
      %get3A_190 = arith.index_cast %add3A_189 : i32 to index
      %get3A_191 = tpu.vector_load %arg6[%get3A_190] {strides = array<i32>} : memref<10112xi32, #tpu.memory_space<vmem>>, vector<16xi32>,
      %and3A_192 = arith.constant 16383 : i32
      %and3A_193 = vector.broadcast %and3A_192 : i32 to vector<16xi32>
      %and3A_194 = arith.andi %get3A_191, %and3A_193 : vector<16xi32>
      %sub3A_195 = vector.broadcast %mul3A_3 : i32 to vector<16xi32>
      %sub3A_196 = arith.subi %and3A_194, %sub3A_195 : vector<16xi32>
      %not3A_197 = arith.constant dense<-1> : vector<16xi32>
      %not3A_198 = arith.xori %sub3A_196, %not3A_197 : vector<16xi32>
      %sub3A_199 = arith.constant 5120 : i32
      %sub3A_200 = vector.broadcast %sub3A_199 : i32 to vector<16xi32>
      %sub3A_201 = arith.subi %sub3A_196, %sub3A_200 : vector<16xi32>
      %and3A_202 = arith.andi %not3A_198, %sub3A_201 : vector<16xi32>
      %shift_right_logical3A_203 = arith.constant 31 : i32
      %shift_right_logical3A_204 = vector.broadcast %shift_right_logical3A_203 : i32 to vector<16xi32>
      %shift_right_logical3A_205 = arith.shrui %and3A_202, %shift_right_logical3A_204 : vector<16xi32>
      %broadcast_in_dim3A_206 = arith.constant true
      %broadcast_in_dim3A_207 = vector.broadcast %broadcast_in_dim3A_206 : i1 to vector<16xi1>
      %masked_cumsum3A_208 = tpu.scan <sum>, %shift_right_logical3A_205 masked %broadcast_in_dim3A_207 : vector<16xi32>, vector<16xi1> -> vector<16xi32>
      %mul3A_209 = arith.constant 128 : i32
      %mul3A_210 = arith.muli %scan3A_97, %mul3A_209 : i32
      %add3A_211 = arith.constant 80 : i32
      %add3A_212 = arith.addi %mul3A_210, %add3A_211 : i32
      %get3A_213 = arith.index_cast %add3A_212 : i32 to index
      %get3A_214 = tpu.vector_load %arg6[%get3A_213] {strides = array<i32>} : memref<10112xi32, #tpu.memory_space<vmem>>, vector<16xi32>,
      %and3A_215 = arith.constant 16383 : i32
      %and3A_216 = vector.broadcast %and3A_215 : i32 to vector<16xi32>
      %and3A_217 = arith.andi %get3A_214, %and3A_216 : vector<16xi32>
      %sub3A_218 = vector.broadcast %mul3A_3 : i32 to vector<16xi32>
      %sub3A_219 = arith.subi %and3A_217, %sub3A_218 : vector<16xi32>
      %not3A_220 = arith.constant dense<-1> : vector<16xi32>
      %not3A_221 = arith.xori %sub3A_219, %not3A_220 : vector<16xi32>
      %sub3A_222 = arith.constant 5120 : i32
      %sub3A_223 = vector.broadcast %sub3A_222 : i32 to vector<16xi32>
      %sub3A_224 = arith.subi %sub3A_219, %sub3A_223 : vector<16xi32>
      %and3A_225 = arith.andi %not3A_221, %sub3A_224 : vector<16xi32>
      %shift_right_logical3A_226 = arith.constant 31 : i32
      %shift_right_logical3A_227 = vector.broadcast %shift_right_logical3A_226 : i32 to vector<16xi32>
      %shift_right_logical3A_228 = arith.shrui %and3A_225, %shift_right_logical3A_227 : vector<16xi32>
      %broadcast_in_dim3A_229 = arith.constant true
      %broadcast_in_dim3A_230 = vector.broadcast %broadcast_in_dim3A_229 : i1 to vector<16xi1>
      %masked_cumsum3A_231 = tpu.scan <sum>, %shift_right_logical3A_228 masked %broadcast_in_dim3A_230 : vector<16xi32>, vector<16xi1> -> vector<16xi32>
      %mul3A_232 = arith.constant 128 : i32
      %mul3A_233 = arith.muli %scan3A_97, %mul3A_232 : i32
      %add3A_234 = arith.constant 96 : i32
      %add3A_235 = arith.addi %mul3A_233, %add3A_234 : i32
      %get3A_236 = arith.index_cast %add3A_235 : i32 to index
      %get3A_237 = tpu.vector_load %arg6[%get3A_236] {strides = array<i32>} : memref<10112xi32, #tpu.memory_space<vmem>>, vector<16xi32>,
      %and3A_238 = arith.constant 16383 : i32
      %and3A_239 = vector.broadcast %and3A_238 : i32 to vector<16xi32>
      %and3A_240 = arith.andi %get3A_237, %and3A_239 : vector<16xi32>
      %sub3A_241 = vector.broadcast %mul3A_3 : i32 to vector<16xi32>
      %sub3A_242 = arith.subi %and3A_240, %sub3A_241 : vector<16xi32>
      %not3A_243 = arith.constant dense<-1> : vector<16xi32>
      %not3A_244 = arith.xori %sub3A_242, %not3A_243 : vector<16xi32>
      %sub3A_245 = arith.constant 5120 : i32
      %sub3A_246 = vector.broadcast %sub3A_245 : i32 to vector<16xi32>
      %sub3A_247 = arith.subi %sub3A_242, %sub3A_246 : vector<16xi32>
      %and3A_248 = arith.andi %not3A_244, %sub3A_247 : vector<16xi32>
      %shift_right_logical3A_249 = arith.constant 31 : i32
      %shift_right_logical3A_250 = vector.broadcast %shift_right_logical3A_249 : i32 to vector<16xi32>
      %shift_right_logical3A_251 = arith.shrui %and3A_248, %shift_right_logical3A_250 : vector<16xi32>
      %broadcast_in_dim3A_252 = arith.constant true
      %broadcast_in_dim3A_253 = vector.broadcast %broadcast_in_dim3A_252 : i1 to vector<16xi1>
      %masked_cumsum3A_254 = tpu.scan <sum>, %shift_right_logical3A_251 masked %broadcast_in_dim3A_253 : vector<16xi32>, vector<16xi1> -> vector<16xi32>
      %mul3A_255 = arith.constant 128 : i32
      %mul3A_256 = arith.muli %scan3A_97, %mul3A_255 : i32
      %add3A_257 = arith.constant 112 : i32
      %add3A_258 = arith.addi %mul3A_256, %add3A_257 : i32
      %get3A_259 = arith.index_cast %add3A_258 : i32 to index
      %get3A_260 = tpu.vector_load %arg6[%get3A_259] {strides = array<i32>} : memref<10112xi32, #tpu.memory_space<vmem>>, vector<16xi32>,
      %and3A_261 = arith.constant 16383 : i32
      %and3A_262 = vector.broadcast %and3A_261 : i32 to vector<16xi32>
      %and3A_263 = arith.andi %get3A_260, %and3A_262 : vector<16xi32>
      %sub3A_264 = vector.broadcast %mul3A_3 : i32 to vector<16xi32>
      %sub3A_265 = arith.subi %and3A_263, %sub3A_264 : vector<16xi32>
      %not3A_266 = arith.constant dense<-1> : vector<16xi32>
      %not3A_267 = arith.xori %sub3A_265, %not3A_266 : vector<16xi32>
      %sub3A_268 = arith.constant 5120 : i32
      %sub3A_269 = vector.broadcast %sub3A_268 : i32 to vector<16xi32>
      %sub3A_270 = arith.subi %sub3A_265, %sub3A_269 : vector<16xi32>
      %and3A_271 = arith.andi %not3A_267, %sub3A_270 : vector<16xi32>
      %shift_right_logical3A_272 = arith.constant 31 : i32
      %shift_right_logical3A_273 = vector.broadcast %shift_right_logical3A_272 : i32 to vector<16xi32>
      %shift_right_logical3A_274 = arith.shrui %and3A_271, %shift_right_logical3A_273 : vector<16xi32>
      %broadcast_in_dim3A_275 = arith.constant true
      %broadcast_in_dim3A_276 = vector.broadcast %broadcast_in_dim3A_275 : i1 to vector<16xi1>
      %masked_cumsum3A_277 = tpu.scan <sum>, %shift_right_logical3A_274 masked %broadcast_in_dim3A_276 : vector<16xi32>, vector<16xi1> -> vector<16xi32>
      %add3A_278 = vector.broadcast %scan3A_98 : i32 to vector<16xi32>
      %add3A_279 = arith.addi %add3A_278, %masked_cumsum3A : vector<16xi32>
      %sub3A_280 = arith.constant 1 : i32
      %sub3A_281 = vector.broadcast %sub3A_280 : i32 to vector<16xi32>
      %sub3A_282 = arith.subi %add3A_279, %sub3A_281 : vector<16xi32>
      %mul3A_283 = arith.muli %sub3A_282, %shift_right_logical3A_115 : vector<16xi32>
      %mul3A_284 = arith.constant 128 : i32
      %mul3A_285 = arith.muli %scan3A_97, %mul3A_284 : i32
      %add3A_286 = arith.constant 0 : i32
      %add3A_287 = arith.addi %mul3A_285, %add3A_286 : i32
      %add3A_288 = arith.constant 15 : i32
      %add3A_289 = arith.addi %add3A_287, %add3A_288 : i32
      %sub3A_290 = arith.constant 1 : i32
      %sub3A_291 = vector.broadcast %sub3A_290 : i32 to vector<16xi32>
      %sub3A_292 = arith.subi %sub3A_291, %shift_right_logical3A_115 : vector<16xi32>
      %mul3A_293 = vector.broadcast %add3A_289 : i32 to vector<16xi32>
      %mul3A_294 = arith.muli %mul3A_293, %sub3A_292 : vector<16xi32>
      %add3A_295 = arith.addi %mul3A_283, %mul3A_294 : vector<16xi32>
      tpu.vector_store_idx %arg6[%add3A_295], %get3A_103 : memref<10112xi32, #tpu.memory_space<vmem>>[vector<16xi32>], vector<16xi32>,
      %slice3A = vector.extract_strided_slice %masked_cumsum3A {offsets = [15], sizes = [1], strides = [1]} : vector<16xi32> to vector<1xi32>
      %squeeze3A = vector.extract %slice3A[0] : i32 from vector<1xi32>
      %add3A_296 = arith.addi %scan3A_98, %squeeze3A : i32
      %add3A_297 = vector.broadcast %add3A_296 : i32 to vector<16xi32>
      %add3A_298 = arith.addi %add3A_297, %masked_cumsum3A_139 : vector<16xi32>
      %sub3A_299 = arith.constant 1 : i32
      %sub3A_300 = vector.broadcast %sub3A_299 : i32 to vector<16xi32>
      %sub3A_301 = arith.subi %add3A_298, %sub3A_300 : vector<16xi32>
      %mul3A_302 = arith.muli %sub3A_301, %shift_right_logical3A_136 : vector<16xi32>
      %mul3A_303 = arith.constant 128 : i32
      %mul3A_304 = arith.muli %scan3A_97, %mul3A_303 : i32
      %add3A_305 = arith.constant 16 : i32
      %add3A_306 = arith.addi %mul3A_304, %add3A_305 : i32
      %add3A_307 = arith.constant 15 : i32
      %add3A_308 = arith.addi %add3A_306, %add3A_307 : i32
      %sub3A_309 = arith.constant 1 : i32
      %sub3A_310 = vector.broadcast %sub3A_309 : i32 to vector<16xi32>
      %sub3A_311 = arith.subi %sub3A_310, %shift_right_logical3A_136 : vector<16xi32>
      %mul3A_312 = vector.broadcast %add3A_308 : i32 to vector<16xi32>
      %mul3A_313 = arith.muli %mul3A_312, %sub3A_311 : vector<16xi32>
      %add3A_314 = arith.addi %mul3A_302, %mul3A_313 : vector<16xi32>
      tpu.vector_store_idx %arg6[%add3A_314], %get3A_122 : memref<10112xi32, #tpu.memory_space<vmem>>[vector<16xi32>], vector<16xi32>,
      %slice3A_315 = vector.extract_strided_slice %masked_cumsum3A_139 {offsets = [15], sizes = [1], strides = [1]} : vector<16xi32> to vector<1xi32>
      %squeeze3A_316 = vector.extract %slice3A_315[0] : i32 from vector<1xi32>
      %add3A_317 = arith.addi %add3A_296, %squeeze3A_316 : i32
      %add3A_318 = vector.broadcast %add3A_317 : i32 to vector<16xi32>
      %add3A_319 = arith.addi %add3A_318, %masked_cumsum3A_162 : vector<16xi32>
      %sub3A_320 = arith.constant 1 : i32
      %sub3A_321 = vector.broadcast %sub3A_320 : i32 to vector<16xi32>
      %sub3A_322 = arith.subi %add3A_319, %sub3A_321 : vector<16xi32>
      %mul3A_323 = arith.muli %sub3A_322, %shift_right_logical3A_159 : vector<16xi32>
      %mul3A_324 = arith.constant 128 : i32
      %mul3A_325 = arith.muli %scan3A_97, %mul3A_324 : i32
      %add3A_326 = arith.constant 32 : i32
      %add3A_327 = arith.addi %mul3A_325, %add3A_326 : i32
      %add3A_328 = arith.constant 15 : i32
      %add3A_329 = arith.addi %add3A_327, %add3A_328 : i32
      %sub3A_330 = arith.constant 1 : i32
      %sub3A_331 = vector.broadcast %sub3A_330 : i32 to vector<16xi32>
      %sub3A_332 = arith.subi %sub3A_331, %shift_right_logical3A_159 : vector<16xi32>
      %mul3A_333 = vector.broadcast %add3A_329 : i32 to vector<16xi32>
      %mul3A_334 = arith.muli %mul3A_333, %sub3A_332 : vector<16xi32>
      %add3A_335 = arith.addi %mul3A_323, %mul3A_334 : vector<16xi32>
      tpu.vector_store_idx %arg6[%add3A_335], %get3A_145 : memref<10112xi32, #tpu.memory_space<vmem>>[vector<16xi32>], vector<16xi32>,
      %slice3A_336 = vector.extract_strided_slice %masked_cumsum3A_162 {offsets = [15], sizes = [1], strides = [1]} : vector<16xi32> to vector<1xi32>
      %squeeze3A_337 = vector.extract %slice3A_336[0] : i32 from vector<1xi32>
      %add3A_338 = arith.addi %add3A_317, %squeeze3A_337 : i32
      %add3A_339 = vector.broadcast %add3A_338 : i32 to vector<16xi32>
      %add3A_340 = arith.addi %add3A_339, %masked_cumsum3A_185 : vector<16xi32>
      %sub3A_341 = arith.constant 1 : i32
      %sub3A_342 = vector.broadcast %sub3A_341 : i32 to vector<16xi32>
      %sub3A_343 = arith.subi %add3A_340, %sub3A_342 : vector<16xi32>
      %mul3A_344 = arith.muli %sub3A_343, %shift_right_logical3A_182 : vector<16xi32>
      %mul3A_345 = arith.constant 128 : i32
      %mul3A_346 = arith.muli %scan3A_97, %mul3A_345 : i32
      %add3A_347 = arith.constant 48 : i32
      %add3A_348 = arith.addi %mul3A_346, %add3A_347 : i32
      %add3A_349 = arith.constant 15 : i32
      %add3A_350 = arith.addi %add3A_348, %add3A_349 : i32
      %sub3A_351 = arith.constant 1 : i32
      %sub3A_352 = vector.broadcast %sub3A_351 : i32 to vector<16xi32>
      %sub3A_353 = arith.subi %sub3A_352, %shift_right_logical3A_182 : vector<16xi32>
      %mul3A_354 = vector.broadcast %add3A_350 : i32 to vector<16xi32>
      %mul3A_355 = arith.muli %mul3A_354, %sub3A_353 : vector<16xi32>
      %add3A_356 = arith.addi %mul3A_344, %mul3A_355 : vector<16xi32>
      tpu.vector_store_idx %arg6[%add3A_356], %get3A_168 : memref<10112xi32, #tpu.memory_space<vmem>>[vector<16xi32>], vector<16xi32>,
      %slice3A_357 = vector.extract_strided_slice %masked_cumsum3A_185 {offsets = [15], sizes = [1], strides = [1]} : vector<16xi32> to vector<1xi32>
      %squeeze3A_358 = vector.extract %slice3A_357[0] : i32 from vector<1xi32>
      %add3A_359 = arith.addi %add3A_338, %squeeze3A_358 : i32
      %add3A_360 = vector.broadcast %add3A_359 : i32 to vector<16xi32>
      %add3A_361 = arith.addi %add3A_360, %masked_cumsum3A_208 : vector<16xi32>
      %sub3A_362 = arith.constant 1 : i32
      %sub3A_363 = vector.broadcast %sub3A_362 : i32 to vector<16xi32>
      %sub3A_364 = arith.subi %add3A_361, %sub3A_363 : vector<16xi32>
      %mul3A_365 = arith.muli %sub3A_364, %shift_right_logical3A_205 : vector<16xi32>
      %mul3A_366 = arith.constant 128 : i32
      %mul3A_367 = arith.muli %scan3A_97, %mul3A_366 : i32
      %add3A_368 = arith.constant 64 : i32
      %add3A_369 = arith.addi %mul3A_367, %add3A_368 : i32
      %add3A_370 = arith.constant 15 : i32
      %add3A_371 = arith.addi %add3A_369, %add3A_370 : i32
      %sub3A_372 = arith.constant 1 : i32
      %sub3A_373 = vector.broadcast %sub3A_372 : i32 to vector<16xi32>
      %sub3A_374 = arith.subi %sub3A_373, %shift_right_logical3A_205 : vector<16xi32>
      %mul3A_375 = vector.broadcast %add3A_371 : i32 to vector<16xi32>
      %mul3A_376 = arith.muli %mul3A_375, %sub3A_374 : vector<16xi32>
      %add3A_377 = arith.addi %mul3A_365, %mul3A_376 : vector<16xi32>
      tpu.vector_store_idx %arg6[%add3A_377], %get3A_191 : memref<10112xi32, #tpu.memory_space<vmem>>[vector<16xi32>], vector<16xi32>,
      %slice3A_378 = vector.extract_strided_slice %masked_cumsum3A_208 {offsets = [15], sizes = [1], strides = [1]} : vector<16xi32> to vector<1xi32>
      %squeeze3A_379 = vector.extract %slice3A_378[0] : i32 from vector<1xi32>
      %add3A_380 = arith.addi %add3A_359, %squeeze3A_379 : i32
      %add3A_381 = vector.broadcast %add3A_380 : i32 to vector<16xi32>
      %add3A_382 = arith.addi %add3A_381, %masked_cumsum3A_231 : vector<16xi32>
      %sub3A_383 = arith.constant 1 : i32
      %sub3A_384 = vector.broadcast %sub3A_383 : i32 to vector<16xi32>
      %sub3A_385 = arith.subi %add3A_382, %sub3A_384 : vector<16xi32>
      %mul3A_386 = arith.muli %sub3A_385, %shift_right_logical3A_228 : vector<16xi32>
      %mul3A_387 = arith.constant 128 : i32
      %mul3A_388 = arith.muli %scan3A_97, %mul3A_387 : i32
      %add3A_389 = arith.constant 80 : i32
      %add3A_390 = arith.addi %mul3A_388, %add3A_389 : i32
      %add3A_391 = arith.constant 15 : i32
      %add3A_392 = arith.addi %add3A_390, %add3A_391 : i32
      %sub3A_393 = arith.constant 1 : i32
      %sub3A_394 = vector.broadcast %sub3A_393 : i32 to vector<16xi32>
      %sub3A_395 = arith.subi %sub3A_394, %shift_right_logical3A_228 : vector<16xi32>
      %mul3A_396 = vector.broadcast %add3A_392 : i32 to vector<16xi32>
      %mul3A_397 = arith.muli %mul3A_396, %sub3A_395 : vector<16xi32>
      %add3A_398 = arith.addi %mul3A_386, %mul3A_397 : vector<16xi32>
      tpu.vector_store_idx %arg6[%add3A_398], %get3A_214 : memref<10112xi32, #tpu.memory_space<vmem>>[vector<16xi32>], vector<16xi32>,
      %slice3A_399 = vector.extract_strided_slice %masked_cumsum3A_231 {offsets = [15], sizes = [1], strides = [1]} : vector<16xi32> to vector<1xi32>
      %squeeze3A_400 = vector.extract %slice3A_399[0] : i32 from vector<1xi32>
      %add3A_401 = arith.addi %add3A_380, %squeeze3A_400 : i32
      %add3A_402 = vector.broadcast %add3A_401 : i32 to vector<16xi32>
      %add3A_403 = arith.addi %add3A_402, %masked_cumsum3A_254 : vector<16xi32>
      %sub3A_404 = arith.constant 1 : i32
      %sub3A_405 = vector.broadcast %sub3A_404 : i32 to vector<16xi32>
      %sub3A_406 = arith.subi %add3A_403, %sub3A_405 : vector<16xi32>
      %mul3A_407 = arith.muli %sub3A_406, %shift_right_logical3A_251 : vector<16xi32>
      %mul3A_408 = arith.constant 128 : i32
      %mul3A_409 = arith.muli %scan3A_97, %mul3A_408 : i32
      %add3A_410 = arith.constant 96 : i32
      %add3A_411 = arith.addi %mul3A_409, %add3A_410 : i32
      %add3A_412 = arith.constant 15 : i32
      %add3A_413 = arith.addi %add3A_411, %add3A_412 : i32
      %sub3A_414 = arith.constant 1 : i32
      %sub3A_415 = vector.broadcast %sub3A_414 : i32 to vector<16xi32>
      %sub3A_416 = arith.subi %sub3A_415, %shift_right_logical3A_251 : vector<16xi32>
      %mul3A_417 = vector.broadcast %add3A_413 : i32 to vector<16xi32>
      %mul3A_418 = arith.muli %mul3A_417, %sub3A_416 : vector<16xi32>
      %add3A_419 = arith.addi %mul3A_407, %mul3A_418 : vector<16xi32>
      tpu.vector_store_idx %arg6[%add3A_419], %get3A_237 : memref<10112xi32, #tpu.memory_space<vmem>>[vector<16xi32>], vector<16xi32>,
      %slice3A_420 = vector.extract_strided_slice %masked_cumsum3A_254 {offsets = [15], sizes = [1], strides = [1]} : vector<16xi32> to vector<1xi32>
      %squeeze3A_421 = vector.extract %slice3A_420[0] : i32 from vector<1xi32>
      %add3A_422 = arith.addi %add3A_401, %squeeze3A_421 : i32
      %add3A_423 = vector.broadcast %add3A_422 : i32 to vector<16xi32>
      %add3A_424 = arith.addi %add3A_423, %masked_cumsum3A_277 : vector<16xi32>
      %sub3A_425 = arith.constant 1 : i32
      %sub3A_426 = vector.broadcast %sub3A_425 : i32 to vector<16xi32>
      %sub3A_427 = arith.subi %add3A_424, %sub3A_426 : vector<16xi32>
      %mul3A_428 = arith.muli %sub3A_427, %shift_right_logical3A_274 : vector<16xi32>
      %mul3A_429 = arith.constant 128 : i32
      %mul3A_430 = arith.muli %scan3A_97, %mul3A_429 : i32
      %add3A_431 = arith.constant 112 : i32
      %add3A_432 = arith.addi %mul3A_430, %add3A_431 : i32
      %add3A_433 = arith.constant 15 : i32
      %add3A_434 = arith.addi %add3A_432, %add3A_433 : i32
      %sub3A_435 = arith.constant 1 : i32
      %sub3A_436 = vector.broadcast %sub3A_435 : i32 to vector<16xi32>
      %sub3A_437 = arith.subi %sub3A_436, %shift_right_logical3A_274 : vector<16xi32>
      %mul3A_438 = vector.broadcast %add3A_434 : i32 to vector<16xi32>
      %mul3A_439 = arith.muli %mul3A_438, %sub3A_437 : vector<16xi32>
      %add3A_440 = arith.addi %mul3A_428, %mul3A_439 : vector<16xi32>
      tpu.vector_store_idx %arg6[%add3A_440], %get3A_260 : memref<10112xi32, #tpu.memory_space<vmem>>[vector<16xi32>], vector<16xi32>,
      %slice3A_441 = vector.extract_strided_slice %masked_cumsum3A_277 {offsets = [15], sizes = [1], strides = [1]} : vector<16xi32> to vector<1xi32>
      %squeeze3A_442 = vector.extract %slice3A_441[0] : i32 from vector<1xi32>
      %add3A_443 = arith.addi %add3A_422, %squeeze3A_442 : i32
      scf.yield %add3A_443 : i32
    }
    %scan3A_29 = arith.constant 79 : i32
    %add3A_30 = arith.constant 64 : i32
    %add3A_31 = arith.addi %scan3A_28, %add3A_30 : i32
    %sub3A_32 = arith.constant 1 : i32
    %sub3A_33 = arith.subi %add3A_31, %sub3A_32 : i32
    %jit3A = arith.constant 64 : i32
    %div3A = arith.divsi %sub3A_33, %jit3A : i32
    %sign3A = arith.constant 0 : i32
    %sign3A_34 = arith.cmpi sgt, %sub3A_33, %sign3A : i32
    %sign3A_35 = arith.extui %sign3A_34 : i1 to i32
    %sign3A_36 = arith.constant 0 : i32
    %sign3A_37 = arith.cmpi slt, %sub3A_33, %sign3A_36 : i32
    %sign3A_38 = arith.extui %sign3A_37 : i1 to i32
    %sign3A_39 = arith.subi %sign3A_35, %sign3A_38 : i32
    %sign3A_40 = arith.constant 0 : i32
    %sign3A_41 = arith.cmpi sgt, %jit3A, %sign3A_40 : i32
    %sign3A_42 = arith.extui %sign3A_41 : i1 to i32
    %sign3A_43 = arith.constant 0 : i32
    %sign3A_44 = arith.cmpi slt, %jit3A, %sign3A_43 : i32
    %sign3A_45 = arith.extui %sign3A_44 : i1 to i32
    %sign3A_46 = arith.subi %sign3A_42, %sign3A_45 : i32
    %ne3A = arith.cmpi ne, %sign3A_39, %sign3A_46 : i32
    %rem3A = arith.remsi %sub3A_33, %jit3A : i32
    %ne3A_47 = arith.constant 0 : i32
    %ne3A_48 = arith.cmpi ne, %rem3A, %ne3A_47 : i32
    %and3A = arith.andi %ne3A, %ne3A_48 : i1
    %sub3A_49 = arith.constant 1 : i32
    %sub3A_50 = arith.subi %div3A, %sub3A_49 : i32
    %select_n3A = arith.select %and3A, %sub3A_50, %div3A : i32
    %barrier3A_51 = arith.constant 0 : index
    tpu.barrier barrier_id(%barrier3A_51)
    %gt3A = arith.constant 0 : i32
    %gt3A_52 = arith.cmpi sgt, %select_n3A, %gt3A : i32
    %convert_element_type3A = arith.extui %gt3A_52 : i1 to i32
    %cond3A = arith.constant 0 : i32
    %cond3A_53 = arith.cmpi ne, %convert_element_type3A, %cond3A : i32
    scf.if %cond3A_53 {
      %get3A = arith.constant 0 : index
      %get3A_97 = tpu.vector_load %arg6[%get3A] {strides = array<i32>} : memref<10112xi32, #tpu.memory_space<vmem>>, vector<16xi32>,
      %iota3A = tpu.iota {dimensions = array<i32: 0>} : vector<16xi32>
      %add3A_98 = arith.constant 0 : i32
      %add3A_99 = vector.broadcast %add3A_98 : i32 to vector<16xi32>
      %add3A_100 = arith.addi %add3A_99, %iota3A : vector<16xi32>
      %sub3A_101 = vector.broadcast %scan3A_28 : i32 to vector<16xi32>
      %sub3A_102 = arith.subi %add3A_100, %sub3A_101 : vector<16xi32>
      %shift_right_logical3A = arith.constant 31 : i32
      %shift_right_logical3A_103 = vector.broadcast %shift_right_logical3A : i32 to vector<16xi32>
      %shift_right_logical3A_104 = arith.shrui %sub3A_102, %shift_right_logical3A_103 : vector<16xi32>
      %shift_right_logical3A_105 = arith.constant 14 : i32
      %shift_right_logical3A_106 = vector.broadcast %shift_right_logical3A_105 : i32 to vector<16xi32>
      %shift_right_logical3A_107 = arith.shrui %get3A_97, %shift_right_logical3A_106 : vector<16xi32>
      %and3A_108 = arith.constant 16383 : i32
      %and3A_109 = vector.broadcast %and3A_108 : i32 to vector<16xi32>
      %and3A_110 = arith.andi %get3A_97, %and3A_109 : vector<16xi32>
      %sub3A_111 = vector.broadcast %mul3A_3 : i32 to vector<16xi32>
      %sub3A_112 = arith.subi %and3A_110, %sub3A_111 : vector<16xi32>
      %mul3A_113 = arith.muli %shift_right_logical3A_107, %shift_right_logical3A_104 : vector<16xi32>
      %swap3A = arith.constant 0 : i32
      %swap3A_114 = arith.index_cast %swap3A : i32 to index
      %swap3A_115 = arith.constant 0 : index
      %swap3A_116 = tpu.vector_load %arg7[%swap3A_114, %swap3A_115] {strides = array<i32>} : memref<2x64xi32, #tpu.memory_space<vmem>>, vector<16xi32>,
      tpu.vector_store %arg7[%swap3A_114, %swap3A_115], %mul3A_113 {strides = array<i32>} : memref<2x64xi32, #tpu.memory_space<vmem>>, vector<16xi32>,
      %mul3A_117 = arith.muli %sub3A_112, %shift_right_logical3A_104 : vector<16xi32>
      %sub3A_118 = arith.constant 1 : i32
      %sub3A_119 = vector.broadcast %sub3A_118 : i32 to vector<16xi32>
      %sub3A_120 = arith.subi %sub3A_119, %shift_right_logical3A_104 : vector<16xi32>
      %mul3A_121 = arith.constant 5120 : i32
      %mul3A_122 = vector.broadcast %mul3A_121 : i32 to vector<16xi32>
      %mul3A_123 = arith.muli %mul3A_122, %sub3A_120 : vector<16xi32>
      %add3A_124 = arith.addi %mul3A_117, %mul3A_123 : vector<16xi32>
      %swap3A_125 = arith.constant 0 : i32
      %swap3A_126 = arith.index_cast %swap3A_125 : i32 to index
      %swap3A_127 = arith.constant 0 : index
      %swap3A_128 = tpu.vector_load %arg8[%swap3A_126, %swap3A_127] {strides = array<i32>} : memref<2x64xi32, #tpu.memory_space<vmem>>, vector<16xi32>,
      tpu.vector_store %arg8[%swap3A_126, %swap3A_127], %add3A_124 {strides = array<i32>} : memref<2x64xi32, #tpu.memory_space<vmem>>, vector<16xi32>,
      %get3A_129 = arith.constant 16 : index
      %get3A_130 = tpu.vector_load %arg6[%get3A_129] {strides = array<i32>} : memref<10112xi32, #tpu.memory_space<vmem>>, vector<16xi32>,
      %iota3A_131 = tpu.iota {dimensions = array<i32: 0>} : vector<16xi32>
      %add3A_132 = arith.constant 16 : i32
      %add3A_133 = vector.broadcast %add3A_132 : i32 to vector<16xi32>
      %add3A_134 = arith.addi %add3A_133, %iota3A_131 : vector<16xi32>
      %sub3A_135 = vector.broadcast %scan3A_28 : i32 to vector<16xi32>
      %sub3A_136 = arith.subi %add3A_134, %sub3A_135 : vector<16xi32>
      %shift_right_logical3A_137 = arith.constant 31 : i32
      %shift_right_logical3A_138 = vector.broadcast %shift_right_logical3A_137 : i32 to vector<16xi32>
      %shift_right_logical3A_139 = arith.shrui %sub3A_136, %shift_right_logical3A_138 : vector<16xi32>
      %shift_right_logical3A_140 = arith.constant 14 : i32
      %shift_right_logical3A_141 = vector.broadcast %shift_right_logical3A_140 : i32 to vector<16xi32>
      %shift_right_logical3A_142 = arith.shrui %get3A_130, %shift_right_logical3A_141 : vector<16xi32>
      %and3A_143 = arith.constant 16383 : i32
      %and3A_144 = vector.broadcast %and3A_143 : i32 to vector<16xi32>
      %and3A_145 = arith.andi %get3A_130, %and3A_144 : vector<16xi32>
      %sub3A_146 = vector.broadcast %mul3A_3 : i32 to vector<16xi32>
      %sub3A_147 = arith.subi %and3A_145, %sub3A_146 : vector<16xi32>
      %mul3A_148 = arith.muli %shift_right_logical3A_142, %shift_right_logical3A_139 : vector<16xi32>
      %swap3A_149 = arith.constant 0 : i32
      %swap3A_150 = arith.index_cast %swap3A_149 : i32 to index
      %swap3A_151 = arith.constant 16 : index
      %swap3A_152 = tpu.vector_load %arg7[%swap3A_150, %swap3A_151] {strides = array<i32>} : memref<2x64xi32, #tpu.memory_space<vmem>>, vector<16xi32>,
      tpu.vector_store %arg7[%swap3A_150, %swap3A_151], %mul3A_148 {strides = array<i32>} : memref<2x64xi32, #tpu.memory_space<vmem>>, vector<16xi32>,
      %mul3A_153 = arith.muli %sub3A_147, %shift_right_logical3A_139 : vector<16xi32>
      %sub3A_154 = arith.constant 1 : i32
      %sub3A_155 = vector.broadcast %sub3A_154 : i32 to vector<16xi32>
      %sub3A_156 = arith.subi %sub3A_155, %shift_right_logical3A_139 : vector<16xi32>
      %mul3A_157 = arith.constant 5120 : i32
      %mul3A_158 = vector.broadcast %mul3A_157 : i32 to vector<16xi32>
      %mul3A_159 = arith.muli %mul3A_158, %sub3A_156 : vector<16xi32>
      %add3A_160 = arith.addi %mul3A_153, %mul3A_159 : vector<16xi32>
      %swap3A_161 = arith.constant 0 : i32
      %swap3A_162 = arith.index_cast %swap3A_161 : i32 to index
      %swap3A_163 = arith.constant 16 : index
      %swap3A_164 = tpu.vector_load %arg8[%swap3A_162, %swap3A_163] {strides = array<i32>} : memref<2x64xi32, #tpu.memory_space<vmem>>, vector<16xi32>,
      tpu.vector_store %arg8[%swap3A_162, %swap3A_163], %add3A_160 {strides = array<i32>} : memref<2x64xi32, #tpu.memory_space<vmem>>, vector<16xi32>,
      %get3A_165 = arith.constant 32 : index
      %get3A_166 = tpu.vector_load %arg6[%get3A_165] {strides = array<i32>} : memref<10112xi32, #tpu.memory_space<vmem>>, vector<16xi32>,
      %iota3A_167 = tpu.iota {dimensions = array<i32: 0>} : vector<16xi32>
      %add3A_168 = arith.constant 32 : i32
      %add3A_169 = vector.broadcast %add3A_168 : i32 to vector<16xi32>
      %add3A_170 = arith.addi %add3A_169, %iota3A_167 : vector<16xi32>
      %sub3A_171 = vector.broadcast %scan3A_28 : i32 to vector<16xi32>
      %sub3A_172 = arith.subi %add3A_170, %sub3A_171 : vector<16xi32>
      %shift_right_logical3A_173 = arith.constant 31 : i32
      %shift_right_logical3A_174 = vector.broadcast %shift_right_logical3A_173 : i32 to vector<16xi32>
      %shift_right_logical3A_175 = arith.shrui %sub3A_172, %shift_right_logical3A_174 : vector<16xi32>
      %shift_right_logical3A_176 = arith.constant 14 : i32
      %shift_right_logical3A_177 = vector.broadcast %shift_right_logical3A_176 : i32 to vector<16xi32>
      %shift_right_logical3A_178 = arith.shrui %get3A_166, %shift_right_logical3A_177 : vector<16xi32>
      %and3A_179 = arith.constant 16383 : i32
      %and3A_180 = vector.broadcast %and3A_179 : i32 to vector<16xi32>
      %and3A_181 = arith.andi %get3A_166, %and3A_180 : vector<16xi32>
      %sub3A_182 = vector.broadcast %mul3A_3 : i32 to vector<16xi32>
      %sub3A_183 = arith.subi %and3A_181, %sub3A_182 : vector<16xi32>
      %mul3A_184 = arith.muli %shift_right_logical3A_178, %shift_right_logical3A_175 : vector<16xi32>
      %swap3A_185 = arith.constant 0 : i32
      %swap3A_186 = arith.index_cast %swap3A_185 : i32 to index
      %swap3A_187 = arith.constant 32 : index
      %swap3A_188 = tpu.vector_load %arg7[%swap3A_186, %swap3A_187] {strides = array<i32>} : memref<2x64xi32, #tpu.memory_space<vmem>>, vector<16xi32>,
      tpu.vector_store %arg7[%swap3A_186, %swap3A_187], %mul3A_184 {strides = array<i32>} : memref<2x64xi32, #tpu.memory_space<vmem>>, vector<16xi32>,
      %mul3A_189 = arith.muli %sub3A_183, %shift_right_logical3A_175 : vector<16xi32>
      %sub3A_190 = arith.constant 1 : i32
      %sub3A_191 = vector.broadcast %sub3A_190 : i32 to vector<16xi32>
      %sub3A_192 = arith.subi %sub3A_191, %shift_right_logical3A_175 : vector<16xi32>
      %mul3A_193 = arith.constant 5120 : i32
      %mul3A_194 = vector.broadcast %mul3A_193 : i32 to vector<16xi32>
      %mul3A_195 = arith.muli %mul3A_194, %sub3A_192 : vector<16xi32>
      %add3A_196 = arith.addi %mul3A_189, %mul3A_195 : vector<16xi32>
      %swap3A_197 = arith.constant 0 : i32
      %swap3A_198 = arith.index_cast %swap3A_197 : i32 to index
      %swap3A_199 = arith.constant 32 : index
      %swap3A_200 = tpu.vector_load %arg8[%swap3A_198, %swap3A_199] {strides = array<i32>} : memref<2x64xi32, #tpu.memory_space<vmem>>, vector<16xi32>,
      tpu.vector_store %arg8[%swap3A_198, %swap3A_199], %add3A_196 {strides = array<i32>} : memref<2x64xi32, #tpu.memory_space<vmem>>, vector<16xi32>,
      %get3A_201 = arith.constant 48 : index
      %get3A_202 = tpu.vector_load %arg6[%get3A_201] {strides = array<i32>} : memref<10112xi32, #tpu.memory_space<vmem>>, vector<16xi32>,
      %iota3A_203 = tpu.iota {dimensions = array<i32: 0>} : vector<16xi32>
      %add3A_204 = arith.constant 48 : i32
      %add3A_205 = vector.broadcast %add3A_204 : i32 to vector<16xi32>
      %add3A_206 = arith.addi %add3A_205, %iota3A_203 : vector<16xi32>
      %sub3A_207 = vector.broadcast %scan3A_28 : i32 to vector<16xi32>
      %sub3A_208 = arith.subi %add3A_206, %sub3A_207 : vector<16xi32>
      %shift_right_logical3A_209 = arith.constant 31 : i32
      %shift_right_logical3A_210 = vector.broadcast %shift_right_logical3A_209 : i32 to vector<16xi32>
      %shift_right_logical3A_211 = arith.shrui %sub3A_208, %shift_right_logical3A_210 : vector<16xi32>
      %shift_right_logical3A_212 = arith.constant 14 : i32
      %shift_right_logical3A_213 = vector.broadcast %shift_right_logical3A_212 : i32 to vector<16xi32>
      %shift_right_logical3A_214 = arith.shrui %get3A_202, %shift_right_logical3A_213 : vector<16xi32>
      %and3A_215 = arith.constant 16383 : i32
      %and3A_216 = vector.broadcast %and3A_215 : i32 to vector<16xi32>
      %and3A_217 = arith.andi %get3A_202, %and3A_216 : vector<16xi32>
      %sub3A_218 = vector.broadcast %mul3A_3 : i32 to vector<16xi32>
      %sub3A_219 = arith.subi %and3A_217, %sub3A_218 : vector<16xi32>
      %mul3A_220 = arith.muli %shift_right_logical3A_214, %shift_right_logical3A_211 : vector<16xi32>
      %swap3A_221 = arith.constant 0 : i32
      %swap3A_222 = arith.index_cast %swap3A_221 : i32 to index
      %swap3A_223 = arith.constant 48 : index
      %swap3A_224 = tpu.vector_load %arg7[%swap3A_222, %swap3A_223] {strides = array<i32>} : memref<2x64xi32, #tpu.memory_space<vmem>>, vector<16xi32>,
      tpu.vector_store %arg7[%swap3A_222, %swap3A_223], %mul3A_220 {strides = array<i32>} : memref<2x64xi32, #tpu.memory_space<vmem>>, vector<16xi32>,
      %mul3A_225 = arith.muli %sub3A_219, %shift_right_logical3A_211 : vector<16xi32>
      %sub3A_226 = arith.constant 1 : i32
      %sub3A_227 = vector.broadcast %sub3A_226 : i32 to vector<16xi32>
      %sub3A_228 = arith.subi %sub3A_227, %shift_right_logical3A_211 : vector<16xi32>
      %mul3A_229 = arith.constant 5120 : i32
      %mul3A_230 = vector.broadcast %mul3A_229 : i32 to vector<16xi32>
      %mul3A_231 = arith.muli %mul3A_230, %sub3A_228 : vector<16xi32>
      %add3A_232 = arith.addi %mul3A_225, %mul3A_231 : vector<16xi32>
      %swap3A_233 = arith.constant 0 : i32
      %swap3A_234 = arith.index_cast %swap3A_233 : i32 to index
      %swap3A_235 = arith.constant 48 : index
      %swap3A_236 = tpu.vector_load %arg8[%swap3A_234, %swap3A_235] {strides = array<i32>} : memref<2x64xi32, #tpu.memory_space<vmem>>, vector<16xi32>,
      tpu.vector_store %arg8[%swap3A_234, %swap3A_235], %add3A_232 {strides = array<i32>} : memref<2x64xi32, #tpu.memory_space<vmem>>, vector<16xi32>,
      %dma_start3A = arith.constant 0 : i32
      %dma_start3A_237 = arith.constant 0 : i32
      %dma_start3A_238 = arith.constant 0 : i32
      %dma_start3A_239 = arith.constant 0 : i32
      %dma_start3A_240 = arith.constant 0 : i32
      %dma_start3A_241 = tpu.memref_slice %arg9[%dma_start3A_237, %dma_start3A_238, %dma_start3A_239, %dma_start3A_240] : memref<2x64x2x128xf32, #tpu.memory_space<vmem>> -> memref<1x64x2x128xf32, #tpu.memory_space<vmem>>
      %dma_start3A_242 = tpu.memref_squeeze %dma_start3A_241 : memref<1x64x2x128xf32, #tpu.memory_space<vmem>> -> memref<64x2x128xf32, #tpu.memory_space<vmem>>
      %dma_start3A_243 = arith.constant 0 : i32
      %dma_start3A_244 = tpu.memref_slice %arg7[%dma_start3A, %dma_start3A_243] : memref<2x64xi32, #tpu.memory_space<vmem>> -> memref<1x64xi32, #tpu.memory_space<vmem>>
      %dma_start3A_245 = tpu.memref_squeeze %dma_start3A_244 : memref<1x64xi32, #tpu.memory_space<vmem>> -> memref<64xi32, #tpu.memory_space<vmem>>
      %dma_start3A_246 = arith.constant 0 : i32
      %dma_start3A_247 = arith.constant 0 : i32
      %dma_start3A_248 = arith.constant 0 : i32
      %dma_start3A_249 = tpu.memref_slice %arg2[%dma_start3A_246, %dma_start3A_247, %dma_start3A_248] : memref<10000x2x128xf32, #tpu.memory_space<hbm>> -> memref<10000x2x128xf32, #tpu.memory_space<hbm>>
      tpu.enqueue_indirect_dma source(%dma_start3A_249 : memref<10000x2x128xf32, #tpu.memory_space<hbm>>) target(%dma_start3A_242 : memref<64x2x128xf32, #tpu.memory_space<vmem>>) offsets(%dma_start3A_245 : memref<64xi32, #tpu.memory_space<vmem>>) semaphore(%arg10 : memref<!tpu.dma_semaphore, #tpu.memory_space<semaphore_mem>>)
    } else {
    }
    %add3A_54 = arith.constant 1 : i32
    %add3A_55 = arith.addi %select_n3A, %add3A_54 : i32
    %jit3A_56 = arith.constant 2 : i32
    %div3A_57 = arith.divsi %add3A_55, %jit3A_56 : i32
    %sign3A_58 = arith.constant 0 : i32
    %sign3A_59 = arith.cmpi sgt, %add3A_55, %sign3A_58 : i32
    %sign3A_60 = arith.extui %sign3A_59 : i1 to i32
    %sign3A_61 = arith.constant 0 : i32
    %sign3A_62 = arith.cmpi slt, %add3A_55, %sign3A_61 : i32
    %sign3A_63 = arith.extui %sign3A_62 : i1 to i32
    %sign3A_64 = arith.subi %sign3A_60, %sign3A_63 : i32
    %sign3A_65 = arith.constant 0 : i32
    %sign3A_66 = arith.cmpi sgt, %jit3A_56, %sign3A_65 : i32
    %sign3A_67 = arith.extui %sign3A_66 : i1 to i32
    %sign3A_68 = arith.constant 0 : i32
    %sign3A_69 = arith.cmpi slt, %jit3A_56, %sign3A_68 : i32
    %sign3A_70 = arith.extui %sign3A_69 : i1 to i32
    %sign3A_71 = arith.subi %sign3A_67, %sign3A_70 : i32
    %ne3A_72 = arith.cmpi ne, %sign3A_64, %sign3A_71 : i32
    %rem3A_73 = arith.remsi %add3A_55, %jit3A_56 : i32
    %ne3A_74 = arith.constant 0 : i32
    %ne3A_75 = arith.cmpi ne, %rem3A_73, %ne3A_74 : i32
    %and3A_76 = arith.andi %ne3A_72, %ne3A_75 : i1
    %sub3A_77 = arith.constant 1 : i32
    %sub3A_78 = arith.subi %div3A_57, %sub3A_77 : i32
    %select_n3A_79 = arith.select %and3A_76, %sub3A_78, %div3A_57 : i32
    %while3A = arith.constant 0 : i32
    %while3A_80 = arith.constant 0 : i32
    %while3A_81 = arith.subi %select_n3A_79, %while3A_80 : i32
    %while3A_82 = arith.addi %while3A_80, %while3A_81 : i32
    %while3A_83 = arith.constant 1 : i32
    %while3A_84 = arith.divsi %while3A_81, %while3A_83 : i32
    %while3A_85 = arith.muli %while3A_84, %while3A_83 : i32
    %while3A_86 = arith.addi %while3A_80, %while3A_85 : i32
    %while3A_87 = arith.constant 1 : i32
    scf.for %while3A_97 = %while3A_80 to %while3A_86 step %while3A_87  : i32 {
      %mul3A_98 = arith.constant 2 : i32
      %mul3A_99 = arith.muli %while3A_97, %mul3A_98 : i32
      %add3A_100 = arith.constant 0 : i32
      %add3A_101 = arith.addi %mul3A_99, %add3A_100 : i32
      %add3A_102 = arith.constant 1 : i32
      %add3A_103 = arith.addi %add3A_101, %add3A_102 : i32
      %lt3A = arith.cmpi slt, %add3A_103, %select_n3A : i32
      %convert_element_type3A_104 = arith.extui %lt3A : i1 to i32
      %cond3A_105 = arith.constant 0 : i32
      %cond3A_106 = arith.cmpi ne, %convert_element_type3A_104, %cond3A_105 : i32
      scf.if %cond3A_106 {
        %add3A_125 = arith.constant 1 : i32
        %add3A_126 = arith.addi %add3A_101, %add3A_125 : i32
        %mul3A_127 = arith.constant 64 : i32
        %mul3A_128 = arith.muli %add3A_126, %mul3A_127 : i32
        %add3A_129 = arith.constant 0 : i32
        %add3A_130 = arith.addi %mul3A_128, %add3A_129 : i32
        %get3A = arith.index_cast %add3A_130 : i32 to index
        %get3A_131 = tpu.vector_load %arg6[%get3A] {strides = array<i32>} : memref<10112xi32, #tpu.memory_space<vmem>>, vector<16xi32>,
        %iota3A = tpu.iota {dimensions = array<i32: 0>} : vector<16xi32>
        %add3A_132 = vector.broadcast %add3A_130 : i32 to vector<16xi32>
        %add3A_133 = arith.addi %add3A_132, %iota3A : vector<16xi32>
        %sub3A_134 = vector.broadcast %scan3A_28 : i32 to vector<16xi32>
        %sub3A_135 = arith.subi %add3A_133, %sub3A_134 : vector<16xi32>
        %shift_right_logical3A = arith.constant 31 : i32
        %shift_right_logical3A_136 = vector.broadcast %shift_right_logical3A : i32 to vector<16xi32>
        %shift_right_logical3A_137 = arith.shrui %sub3A_135, %shift_right_logical3A_136 : vector<16xi32>
        %shift_right_logical3A_138 = arith.constant 14 : i32
        %shift_right_logical3A_139 = vector.broadcast %shift_right_logical3A_138 : i32 to vector<16xi32>
        %shift_right_logical3A_140 = arith.shrui %get3A_131, %shift_right_logical3A_139 : vector<16xi32>
        %and3A_141 = arith.constant 16383 : i32
        %and3A_142 = vector.broadcast %and3A_141 : i32 to vector<16xi32>
        %and3A_143 = arith.andi %get3A_131, %and3A_142 : vector<16xi32>
        %sub3A_144 = vector.broadcast %mul3A_3 : i32 to vector<16xi32>
        %sub3A_145 = arith.subi %and3A_143, %sub3A_144 : vector<16xi32>
        %mul3A_146 = arith.muli %shift_right_logical3A_140, %shift_right_logical3A_137 : vector<16xi32>
        %swap3A = arith.constant 1 : i32
        %swap3A_147 = arith.index_cast %swap3A : i32 to index
        %swap3A_148 = arith.constant 0 : index
        %swap3A_149 = tpu.vector_load %arg7[%swap3A_147, %swap3A_148] {strides = array<i32>} : memref<2x64xi32, #tpu.memory_space<vmem>>, vector<16xi32>,
        tpu.vector_store %arg7[%swap3A_147, %swap3A_148], %mul3A_146 {strides = array<i32>} : memref<2x64xi32, #tpu.memory_space<vmem>>, vector<16xi32>,
        %mul3A_150 = arith.muli %sub3A_145, %shift_right_logical3A_137 : vector<16xi32>
        %sub3A_151 = arith.constant 1 : i32
        %sub3A_152 = vector.broadcast %sub3A_151 : i32 to vector<16xi32>
        %sub3A_153 = arith.subi %sub3A_152, %shift_right_logical3A_137 : vector<16xi32>
        %mul3A_154 = arith.constant 5120 : i32
        %mul3A_155 = vector.broadcast %mul3A_154 : i32 to vector<16xi32>
        %mul3A_156 = arith.muli %mul3A_155, %sub3A_153 : vector<16xi32>
        %add3A_157 = arith.addi %mul3A_150, %mul3A_156 : vector<16xi32>
        %swap3A_158 = arith.constant 1 : i32
        %swap3A_159 = arith.index_cast %swap3A_158 : i32 to index
        %swap3A_160 = arith.constant 0 : index
        %swap3A_161 = tpu.vector_load %arg8[%swap3A_159, %swap3A_160] {strides = array<i32>} : memref<2x64xi32, #tpu.memory_space<vmem>>, vector<16xi32>,
        tpu.vector_store %arg8[%swap3A_159, %swap3A_160], %add3A_157 {strides = array<i32>} : memref<2x64xi32, #tpu.memory_space<vmem>>, vector<16xi32>,
        %mul3A_162 = arith.constant 64 : i32
        %mul3A_163 = arith.muli %add3A_126, %mul3A_162 : i32
        %add3A_164 = arith.constant 16 : i32
        %add3A_165 = arith.addi %mul3A_163, %add3A_164 : i32
        %get3A_166 = arith.index_cast %add3A_165 : i32 to index
        %get3A_167 = tpu.vector_load %arg6[%get3A_166] {strides = array<i32>} : memref<10112xi32, #tpu.memory_space<vmem>>, vector<16xi32>,
        %iota3A_168 = tpu.iota {dimensions = array<i32: 0>} : vector<16xi32>
        %add3A_169 = vector.broadcast %add3A_165 : i32 to vector<16xi32>
        %add3A_170 = arith.addi %add3A_169, %iota3A_168 : vector<16xi32>
        %sub3A_171 = vector.broadcast %scan3A_28 : i32 to vector<16xi32>
        %sub3A_172 = arith.subi %add3A_170, %sub3A_171 : vector<16xi32>
        %shift_right_logical3A_173 = arith.constant 31 : i32
        %shift_right_logical3A_174 = vector.broadcast %shift_right_logical3A_173 : i32 to vector<16xi32>
        %shift_right_logical3A_175 = arith.shrui %sub3A_172, %shift_right_logical3A_174 : vector<16xi32>
        %shift_right_logical3A_176 = arith.constant 14 : i32
        %shift_right_logical3A_177 = vector.broadcast %shift_right_logical3A_176 : i32 to vector<16xi32>
        %shift_right_logical3A_178 = arith.shrui %get3A_167, %shift_right_logical3A_177 : vector<16xi32>
        %and3A_179 = arith.constant 16383 : i32
        %and3A_180 = vector.broadcast %and3A_179 : i32 to vector<16xi32>
        %and3A_181 = arith.andi %get3A_167, %and3A_180 : vector<16xi32>
        %sub3A_182 = vector.broadcast %mul3A_3 : i32 to vector<16xi32>
        %sub3A_183 = arith.subi %and3A_181, %sub3A_182 : vector<16xi32>
        %mul3A_184 = arith.muli %shift_right_logical3A_178, %shift_right_logical3A_175 : vector<16xi32>
        %swap3A_185 = arith.constant 1 : i32
        %swap3A_186 = arith.index_cast %swap3A_185 : i32 to index
        %swap3A_187 = arith.constant 16 : index
        %swap3A_188 = tpu.vector_load %arg7[%swap3A_186, %swap3A_187] {strides = array<i32>} : memref<2x64xi32, #tpu.memory_space<vmem>>, vector<16xi32>,
        tpu.vector_store %arg7[%swap3A_186, %swap3A_187], %mul3A_184 {strides = array<i32>} : memref<2x64xi32, #tpu.memory_space<vmem>>, vector<16xi32>,
        %mul3A_189 = arith.muli %sub3A_183, %shift_right_logical3A_175 : vector<16xi32>
        %sub3A_190 = arith.constant 1 : i32
        %sub3A_191 = vector.broadcast %sub3A_190 : i32 to vector<16xi32>
        %sub3A_192 = arith.subi %sub3A_191, %shift_right_logical3A_175 : vector<16xi32>
        %mul3A_193 = arith.constant 5120 : i32
        %mul3A_194 = vector.broadcast %mul3A_193 : i32 to vector<16xi32>
        %mul3A_195 = arith.muli %mul3A_194, %sub3A_192 : vector<16xi32>
        %add3A_196 = arith.addi %mul3A_189, %mul3A_195 : vector<16xi32>
        %swap3A_197 = arith.constant 1 : i32
        %swap3A_198 = arith.index_cast %swap3A_197 : i32 to index
        %swap3A_199 = arith.constant 16 : index
        %swap3A_200 = tpu.vector_load %arg8[%swap3A_198, %swap3A_199] {strides = array<i32>} : memref<2x64xi32, #tpu.memory_space<vmem>>, vector<16xi32>,
        tpu.vector_store %arg8[%swap3A_198, %swap3A_199], %add3A_196 {strides = array<i32>} : memref<2x64xi32, #tpu.memory_space<vmem>>, vector<16xi32>,
        %mul3A_201 = arith.constant 64 : i32
        %mul3A_202 = arith.muli %add3A_126, %mul3A_201 : i32
        %add3A_203 = arith.constant 32 : i32
        %add3A_204 = arith.addi %mul3A_202, %add3A_203 : i32
        %get3A_205 = arith.index_cast %add3A_204 : i32 to index
        %get3A_206 = tpu.vector_load %arg6[%get3A_205] {strides = array<i32>} : memref<10112xi32, #tpu.memory_space<vmem>>, vector<16xi32>,
        %iota3A_207 = tpu.iota {dimensions = array<i32: 0>} : vector<16xi32>
        %add3A_208 = vector.broadcast %add3A_204 : i32 to vector<16xi32>
        %add3A_209 = arith.addi %add3A_208, %iota3A_207 : vector<16xi32>
        %sub3A_210 = vector.broadcast %scan3A_28 : i32 to vector<16xi32>
        %sub3A_211 = arith.subi %add3A_209, %sub3A_210 : vector<16xi32>
        %shift_right_logical3A_212 = arith.constant 31 : i32
        %shift_right_logical3A_213 = vector.broadcast %shift_right_logical3A_212 : i32 to vector<16xi32>
        %shift_right_logical3A_214 = arith.shrui %sub3A_211, %shift_right_logical3A_213 : vector<16xi32>
        %shift_right_logical3A_215 = arith.constant 14 : i32
        %shift_right_logical3A_216 = vector.broadcast %shift_right_logical3A_215 : i32 to vector<16xi32>
        %shift_right_logical3A_217 = arith.shrui %get3A_206, %shift_right_logical3A_216 : vector<16xi32>
        %and3A_218 = arith.constant 16383 : i32
        %and3A_219 = vector.broadcast %and3A_218 : i32 to vector<16xi32>
        %and3A_220 = arith.andi %get3A_206, %and3A_219 : vector<16xi32>
        %sub3A_221 = vector.broadcast %mul3A_3 : i32 to vector<16xi32>
        %sub3A_222 = arith.subi %and3A_220, %sub3A_221 : vector<16xi32>
        %mul3A_223 = arith.muli %shift_right_logical3A_217, %shift_right_logical3A_214 : vector<16xi32>
        %swap3A_224 = arith.constant 1 : i32
        %swap3A_225 = arith.index_cast %swap3A_224 : i32 to index
        %swap3A_226 = arith.constant 32 : index
        %swap3A_227 = tpu.vector_load %arg7[%swap3A_225, %swap3A_226] {strides = array<i32>} : memref<2x64xi32, #tpu.memory_space<vmem>>, vector<16xi32>,
        tpu.vector_store %arg7[%swap3A_225, %swap3A_226], %mul3A_223 {strides = array<i32>} : memref<2x64xi32, #tpu.memory_space<vmem>>, vector<16xi32>,
        %mul3A_228 = arith.muli %sub3A_222, %shift_right_logical3A_214 : vector<16xi32>
        %sub3A_229 = arith.constant 1 : i32
        %sub3A_230 = vector.broadcast %sub3A_229 : i32 to vector<16xi32>
        %sub3A_231 = arith.subi %sub3A_230, %shift_right_logical3A_214 : vector<16xi32>
        %mul3A_232 = arith.constant 5120 : i32
        %mul3A_233 = vector.broadcast %mul3A_232 : i32 to vector<16xi32>
        %mul3A_234 = arith.muli %mul3A_233, %sub3A_231 : vector<16xi32>
        %add3A_235 = arith.addi %mul3A_228, %mul3A_234 : vector<16xi32>
        %swap3A_236 = arith.constant 1 : i32
        %swap3A_237 = arith.index_cast %swap3A_236 : i32 to index
        %swap3A_238 = arith.constant 32 : index
        %swap3A_239 = tpu.vector_load %arg8[%swap3A_237, %swap3A_238] {strides = array<i32>} : memref<2x64xi32, #tpu.memory_space<vmem>>, vector<16xi32>,
        tpu.vector_store %arg8[%swap3A_237, %swap3A_238], %add3A_235 {strides = array<i32>} : memref<2x64xi32, #tpu.memory_space<vmem>>, vector<16xi32>,
        %mul3A_240 = arith.constant 64 : i32
        %mul3A_241 = arith.muli %add3A_126, %mul3A_240 : i32
        %add3A_242 = arith.constant 48 : i32
        %add3A_243 = arith.addi %mul3A_241, %add3A_242 : i32
        %get3A_244 = arith.index_cast %add3A_243 : i32 to index
        %get3A_245 = tpu.vector_load %arg6[%get3A_244] {strides = array<i32>} : memref<10112xi32, #tpu.memory_space<vmem>>, vector<16xi32>,
        %iota3A_246 = tpu.iota {dimensions = array<i32: 0>} : vector<16xi32>
        %add3A_247 = vector.broadcast %add3A_243 : i32 to vector<16xi32>
        %add3A_248 = arith.addi %add3A_247, %iota3A_246 : vector<16xi32>
        %sub3A_249 = vector.broadcast %scan3A_28 : i32 to vector<16xi32>
        %sub3A_250 = arith.subi %add3A_248, %sub3A_249 : vector<16xi32>
        %shift_right_logical3A_251 = arith.constant 31 : i32
        %shift_right_logical3A_252 = vector.broadcast %shift_right_logical3A_251 : i32 to vector<16xi32>
        %shift_right_logical3A_253 = arith.shrui %sub3A_250, %shift_right_logical3A_252 : vector<16xi32>
        %shift_right_logical3A_254 = arith.constant 14 : i32
        %shift_right_logical3A_255 = vector.broadcast %shift_right_logical3A_254 : i32 to vector<16xi32>
        %shift_right_logical3A_256 = arith.shrui %get3A_245, %shift_right_logical3A_255 : vector<16xi32>
        %and3A_257 = arith.constant 16383 : i32
        %and3A_258 = vector.broadcast %and3A_257 : i32 to vector<16xi32>
        %and3A_259 = arith.andi %get3A_245, %and3A_258 : vector<16xi32>
        %sub3A_260 = vector.broadcast %mul3A_3 : i32 to vector<16xi32>
        %sub3A_261 = arith.subi %and3A_259, %sub3A_260 : vector<16xi32>
        %mul3A_262 = arith.muli %shift_right_logical3A_256, %shift_right_logical3A_253 : vector<16xi32>
        %swap3A_263 = arith.constant 1 : i32
        %swap3A_264 = arith.index_cast %swap3A_263 : i32 to index
        %swap3A_265 = arith.constant 48 : index
        %swap3A_266 = tpu.vector_load %arg7[%swap3A_264, %swap3A_265] {strides = array<i32>} : memref<2x64xi32, #tpu.memory_space<vmem>>, vector<16xi32>,
        tpu.vector_store %arg7[%swap3A_264, %swap3A_265], %mul3A_262 {strides = array<i32>} : memref<2x64xi32, #tpu.memory_space<vmem>>, vector<16xi32>,
        %mul3A_267 = arith.muli %sub3A_261, %shift_right_logical3A_253 : vector<16xi32>
        %sub3A_268 = arith.constant 1 : i32
        %sub3A_269 = vector.broadcast %sub3A_268 : i32 to vector<16xi32>
        %sub3A_270 = arith.subi %sub3A_269, %shift_right_logical3A_253 : vector<16xi32>
        %mul3A_271 = arith.constant 5120 : i32
        %mul3A_272 = vector.broadcast %mul3A_271 : i32 to vector<16xi32>
        %mul3A_273 = arith.muli %mul3A_272, %sub3A_270 : vector<16xi32>
        %add3A_274 = arith.addi %mul3A_267, %mul3A_273 : vector<16xi32>
        %swap3A_275 = arith.constant 1 : i32
        %swap3A_276 = arith.index_cast %swap3A_275 : i32 to index
        %swap3A_277 = arith.constant 48 : index
        %swap3A_278 = tpu.vector_load %arg8[%swap3A_276, %swap3A_277] {strides = array<i32>} : memref<2x64xi32, #tpu.memory_space<vmem>>, vector<16xi32>,
        tpu.vector_store %arg8[%swap3A_276, %swap3A_277], %add3A_274 {strides = array<i32>} : memref<2x64xi32, #tpu.memory_space<vmem>>, vector<16xi32>,
        %dma_start3A = arith.constant 1 : i32
        %dma_start3A_279 = arith.constant 1 : i32
        %dma_start3A_280 = arith.constant 0 : i32
        %dma_start3A_281 = arith.constant 0 : i32
        %dma_start3A_282 = arith.constant 0 : i32
        %dma_start3A_283 = tpu.memref_slice %arg9[%dma_start3A_279, %dma_start3A_280, %dma_start3A_281, %dma_start3A_282] : memref<2x64x2x128xf32, #tpu.memory_space<vmem>> -> memref<1x64x2x128xf32, #tpu.memory_space<vmem>>
        %dma_start3A_284 = tpu.memref_squeeze %dma_start3A_283 : memref<1x64x2x128xf32, #tpu.memory_space<vmem>> -> memref<64x2x128xf32, #tpu.memory_space<vmem>>
        %dma_start3A_285 = arith.constant 0 : i32
        %dma_start3A_286 = tpu.memref_slice %arg7[%dma_start3A, %dma_start3A_285] : memref<2x64xi32, #tpu.memory_space<vmem>> -> memref<1x64xi32, #tpu.memory_space<vmem>>
        %dma_start3A_287 = tpu.memref_squeeze %dma_start3A_286 : memref<1x64xi32, #tpu.memory_space<vmem>> -> memref<64xi32, #tpu.memory_space<vmem>>
        %dma_start3A_288 = arith.constant 0 : i32
        %dma_start3A_289 = arith.constant 0 : i32
        %dma_start3A_290 = arith.constant 0 : i32
        %dma_start3A_291 = tpu.memref_slice %arg2[%dma_start3A_288, %dma_start3A_289, %dma_start3A_290] : memref<10000x2x128xf32, #tpu.memory_space<hbm>> -> memref<10000x2x128xf32, #tpu.memory_space<hbm>>
        tpu.enqueue_indirect_dma source(%dma_start3A_291 : memref<10000x2x128xf32, #tpu.memory_space<hbm>>) target(%dma_start3A_284 : memref<64x2x128xf32, #tpu.memory_space<vmem>>) offsets(%dma_start3A_287 : memref<64xi32, #tpu.memory_space<vmem>>) semaphore(%arg11 : memref<!tpu.dma_semaphore, #tpu.memory_space<semaphore_mem>>)
      } else {
      }
      %lt3A_107 = arith.cmpi slt, %add3A_101, %select_n3A : i32
      %convert_element_type3A_108 = arith.extui %lt3A_107 : i1 to i32
      %cond3A_109 = arith.constant 0 : i32
      %cond3A_110 = arith.cmpi ne, %convert_element_type3A_108, %cond3A_109 : i32
      scf.if %cond3A_110 {
        %dma_wait3A = arith.constant 0 : i32
        %dma_wait3A_125 = arith.constant 0 : i32
        %dma_wait3A_126 = arith.constant 0 : i32
        %dma_wait3A_127 = arith.constant 0 : i32
        %dma_wait3A_128 = arith.constant 0 : i32
        %dma_wait3A_129 = tpu.memref_slice %arg9[%dma_wait3A_125, %dma_wait3A_126, %dma_wait3A_127, %dma_wait3A_128] : memref<2x64x2x128xf32, #tpu.memory_space<vmem>> -> memref<1x64x2x128xf32, #tpu.memory_space<vmem>>
        %dma_wait3A_130 = tpu.memref_squeeze %dma_wait3A_129 : memref<1x64x2x128xf32, #tpu.memory_space<vmem>> -> memref<64x2x128xf32, #tpu.memory_space<vmem>>
        %dma_wait3A_131 = arith.constant 0 : i32
        %dma_wait3A_132 = tpu.memref_slice %arg7[%dma_wait3A, %dma_wait3A_131] : memref<2x64xi32, #tpu.memory_space<vmem>> -> memref<1x64xi32, #tpu.memory_space<vmem>>
        %dma_wait3A_133 = tpu.memref_squeeze %dma_wait3A_132 : memref<1x64xi32, #tpu.memory_space<vmem>> -> memref<64xi32, #tpu.memory_space<vmem>>
        %dma_wait3A_134 = arith.constant 0 : i32
        %dma_wait3A_135 = arith.constant 0 : i32
        %dma_wait3A_136 = arith.constant 0 : i32
        %dma_wait3A_137 = tpu.memref_slice %arg2[%dma_wait3A_134, %dma_wait3A_135, %dma_wait3A_136] : memref<10000x2x128xf32, #tpu.memory_space<hbm>> -> memref<10000x2x128xf32, #tpu.memory_space<hbm>>
        tpu.wait_indirect_dma semaphore(%arg10 : memref<!tpu.dma_semaphore, #tpu.memory_space<semaphore_mem>>) src(%dma_wait3A_137 : memref<10000x2x128xf32, #tpu.memory_space<hbm>>) dst(%dma_wait3A_130 : memref<64x2x128xf32, #tpu.memory_space<vmem>>)
        %run_scoped3A_138 = arith.constant 0 : i32
        %run_scoped3A_139 = arith.constant 0 : i32
        "tpu.region"() ({
          %run_scoped3A_140 = tpu.sem_alloc : memref<!tpu.dma_semaphore, #tpu.memory_space<semaphore_mem>>
          %dma_start3A = arith.constant 0 : i32
          %dma_start3A_141 = arith.constant 0 : i32
          %dma_start3A_142 = arith.constant 0 : i32
          %dma_start3A_143 = tpu.memref_slice %arg9[%run_scoped3A_138, %dma_start3A, %dma_start3A_141, %dma_start3A_142] : memref<2x64x2x128xf32, #tpu.memory_space<vmem>> -> memref<1x64x2x128xf32, #tpu.memory_space<vmem>>
          %dma_start3A_144 = tpu.memref_squeeze %dma_start3A_143 : memref<1x64x2x128xf32, #tpu.memory_space<vmem>> -> memref<64x2x128xf32, #tpu.memory_space<vmem>>
          %dma_start3A_145 = arith.constant 0 : i32
          %dma_start3A_146 = tpu.memref_slice %arg8[%run_scoped3A_139, %dma_start3A_145] : memref<2x64xi32, #tpu.memory_space<vmem>> -> memref<1x64xi32, #tpu.memory_space<vmem>>
          %dma_start3A_147 = tpu.memref_squeeze %dma_start3A_146 : memref<1x64xi32, #tpu.memory_space<vmem>> -> memref<64xi32, #tpu.memory_space<vmem>>
          %dma_start3A_148 = arith.constant 0 : i32
          %dma_start3A_149 = arith.constant 0 : i32
          %dma_start3A_150 = arith.constant 0 : i32
          %dma_start3A_151 = tpu.memref_slice %arg5[%dma_start3A_148, %dma_start3A_149, %dma_start3A_150] : memref<5248x2x128xf32, #tpu.memory_space<vmem_shared>> -> memref<5248x2x128xf32, #tpu.memory_space<vmem_shared>>
          tpu.enqueue_indirect_dma source(%dma_start3A_144 : memref<64x2x128xf32, #tpu.memory_space<vmem>>) target(%dma_start3A_151 : memref<5248x2x128xf32, #tpu.memory_space<vmem_shared>>) offsets(%dma_start3A_147 : memref<64xi32, #tpu.memory_space<vmem>>) semaphore(%run_scoped3A_140 : memref<!tpu.dma_semaphore, #tpu.memory_space<semaphore_mem>>) {add = true}
          %dma_wait3A_152 = arith.constant 0 : i32
          %dma_wait3A_153 = arith.constant 0 : i32
          %dma_wait3A_154 = arith.constant 0 : i32
          %dma_wait3A_155 = tpu.memref_slice %arg9[%run_scoped3A_138, %dma_wait3A_152, %dma_wait3A_153, %dma_wait3A_154] : memref<2x64x2x128xf32, #tpu.memory_space<vmem>> -> memref<1x64x2x128xf32, #tpu.memory_space<vmem>>
          %dma_wait3A_156 = tpu.memref_squeeze %dma_wait3A_155 : memref<1x64x2x128xf32, #tpu.memory_space<vmem>> -> memref<64x2x128xf32, #tpu.memory_space<vmem>>
          %dma_wait3A_157 = arith.constant 0 : i32
          %dma_wait3A_158 = tpu.memref_slice %arg8[%run_scoped3A_139, %dma_wait3A_157] : memref<2x64xi32, #tpu.memory_space<vmem>> -> memref<1x64xi32, #tpu.memory_space<vmem>>
          %dma_wait3A_159 = tpu.memref_squeeze %dma_wait3A_158 : memref<1x64xi32, #tpu.memory_space<vmem>> -> memref<64xi32, #tpu.memory_space<vmem>>
          %dma_wait3A_160 = arith.constant 0 : i32
          %dma_wait3A_161 = arith.constant 0 : i32
          %dma_wait3A_162 = arith.constant 0 : i32
          %dma_wait3A_163 = tpu.memref_slice %arg5[%dma_wait3A_160, %dma_wait3A_161, %dma_wait3A_162] : memref<5248x2x128xf32, #tpu.memory_space<vmem_shared>> -> memref<5248x2x128xf32, #tpu.memory_space<vmem_shared>>
          tpu.wait_indirect_dma semaphore(%run_scoped3A_140 : memref<!tpu.dma_semaphore, #tpu.memory_space<semaphore_mem>>) src(%dma_wait3A_156 : memref<64x2x128xf32, #tpu.memory_space<vmem>>) dst(%dma_wait3A_163 : memref<5248x2x128xf32, #tpu.memory_space<vmem_shared>>)
          tpu.yield
        }) : () -> ()
      } else {
      }
      %mul3A_111 = arith.constant 2 : i32
      %mul3A_112 = arith.muli %while3A_97, %mul3A_111 : i32
      %add3A_113 = arith.constant 1 : i32
      %add3A_114 = arith.addi %mul3A_112, %add3A_113 : i32
      %add3A_115 = arith.constant 1 : i32
      %add3A_116 = arith.addi %add3A_114, %add3A_115 : i32
      %lt3A_117 = arith.cmpi slt, %add3A_116, %select_n3A : i32
      %convert_element_type3A_118 = arith.extui %lt3A_117 : i1 to i32
      %cond3A_119 = arith.constant 0 : i32
      %cond3A_120 = arith.cmpi ne, %convert_element_type3A_118, %cond3A_119 : i32
      scf.if %cond3A_120 {
        %add3A_125 = arith.constant 1 : i32
        %add3A_126 = arith.addi %add3A_114, %add3A_125 : i32
        %mul3A_127 = arith.constant 64 : i32
        %mul3A_128 = arith.muli %add3A_126, %mul3A_127 : i32
        %add3A_129 = arith.constant 0 : i32
        %add3A_130 = arith.addi %mul3A_128, %add3A_129 : i32
        %get3A = arith.index_cast %add3A_130 : i32 to index
        %get3A_131 = tpu.vector_load %arg6[%get3A] {strides = array<i32>} : memref<10112xi32, #tpu.memory_space<vmem>>, vector<16xi32>,
        %iota3A = tpu.iota {dimensions = array<i32: 0>} : vector<16xi32>
        %add3A_132 = vector.broadcast %add3A_130 : i32 to vector<16xi32>
        %add3A_133 = arith.addi %add3A_132, %iota3A : vector<16xi32>
        %sub3A_134 = vector.broadcast %scan3A_28 : i32 to vector<16xi32>
        %sub3A_135 = arith.subi %add3A_133, %sub3A_134 : vector<16xi32>
        %shift_right_logical3A = arith.constant 31 : i32
        %shift_right_logical3A_136 = vector.broadcast %shift_right_logical3A : i32 to vector<16xi32>
        %shift_right_logical3A_137 = arith.shrui %sub3A_135, %shift_right_logical3A_136 : vector<16xi32>
        %shift_right_logical3A_138 = arith.constant 14 : i32
        %shift_right_logical3A_139 = vector.broadcast %shift_right_logical3A_138 : i32 to vector<16xi32>
        %shift_right_logical3A_140 = arith.shrui %get3A_131, %shift_right_logical3A_139 : vector<16xi32>
        %and3A_141 = arith.constant 16383 : i32
        %and3A_142 = vector.broadcast %and3A_141 : i32 to vector<16xi32>
        %and3A_143 = arith.andi %get3A_131, %and3A_142 : vector<16xi32>
        %sub3A_144 = vector.broadcast %mul3A_3 : i32 to vector<16xi32>
        %sub3A_145 = arith.subi %and3A_143, %sub3A_144 : vector<16xi32>
        %mul3A_146 = arith.muli %shift_right_logical3A_140, %shift_right_logical3A_137 : vector<16xi32>
        %swap3A = arith.constant 0 : i32
        %swap3A_147 = arith.index_cast %swap3A : i32 to index
        %swap3A_148 = arith.constant 0 : index
        %swap3A_149 = tpu.vector_load %arg7[%swap3A_147, %swap3A_148] {strides = array<i32>} : memref<2x64xi32, #tpu.memory_space<vmem>>, vector<16xi32>,
        tpu.vector_store %arg7[%swap3A_147, %swap3A_148], %mul3A_146 {strides = array<i32>} : memref<2x64xi32, #tpu.memory_space<vmem>>, vector<16xi32>,
        %mul3A_150 = arith.muli %sub3A_145, %shift_right_logical3A_137 : vector<16xi32>
        %sub3A_151 = arith.constant 1 : i32
        %sub3A_152 = vector.broadcast %sub3A_151 : i32 to vector<16xi32>
        %sub3A_153 = arith.subi %sub3A_152, %shift_right_logical3A_137 : vector<16xi32>
        %mul3A_154 = arith.constant 5120 : i32
        %mul3A_155 = vector.broadcast %mul3A_154 : i32 to vector<16xi32>
        %mul3A_156 = arith.muli %mul3A_155, %sub3A_153 : vector<16xi32>
        %add3A_157 = arith.addi %mul3A_150, %mul3A_156 : vector<16xi32>
        %swap3A_158 = arith.constant 0 : i32
        %swap3A_159 = arith.index_cast %swap3A_158 : i32 to index
        %swap3A_160 = arith.constant 0 : index
        %swap3A_161 = tpu.vector_load %arg8[%swap3A_159, %swap3A_160] {strides = array<i32>} : memref<2x64xi32, #tpu.memory_space<vmem>>, vector<16xi32>,
        tpu.vector_store %arg8[%swap3A_159, %swap3A_160], %add3A_157 {strides = array<i32>} : memref<2x64xi32, #tpu.memory_space<vmem>>, vector<16xi32>,
        %mul3A_162 = arith.constant 64 : i32
        %mul3A_163 = arith.muli %add3A_126, %mul3A_162 : i32
        %add3A_164 = arith.constant 16 : i32
        %add3A_165 = arith.addi %mul3A_163, %add3A_164 : i32
        %get3A_166 = arith.index_cast %add3A_165 : i32 to index
        %get3A_167 = tpu.vector_load %arg6[%get3A_166] {strides = array<i32>} : memref<10112xi32, #tpu.memory_space<vmem>>, vector<16xi32>,
        %iota3A_168 = tpu.iota {dimensions = array<i32: 0>} : vector<16xi32>
        %add3A_169 = vector.broadcast %add3A_165 : i32 to vector<16xi32>
        %add3A_170 = arith.addi %add3A_169, %iota3A_168 : vector<16xi32>
        %sub3A_171 = vector.broadcast %scan3A_28 : i32 to vector<16xi32>
        %sub3A_172 = arith.subi %add3A_170, %sub3A_171 : vector<16xi32>
        %shift_right_logical3A_173 = arith.constant 31 : i32
        %shift_right_logical3A_174 = vector.broadcast %shift_right_logical3A_173 : i32 to vector<16xi32>
        %shift_right_logical3A_175 = arith.shrui %sub3A_172, %shift_right_logical3A_174 : vector<16xi32>
        %shift_right_logical3A_176 = arith.constant 14 : i32
        %shift_right_logical3A_177 = vector.broadcast %shift_right_logical3A_176 : i32 to vector<16xi32>
        %shift_right_logical3A_178 = arith.shrui %get3A_167, %shift_right_logical3A_177 : vector<16xi32>
        %and3A_179 = arith.constant 16383 : i32
        %and3A_180 = vector.broadcast %and3A_179 : i32 to vector<16xi32>
        %and3A_181 = arith.andi %get3A_167, %and3A_180 : vector<16xi32>
        %sub3A_182 = vector.broadcast %mul3A_3 : i32 to vector<16xi32>
        %sub3A_183 = arith.subi %and3A_181, %sub3A_182 : vector<16xi32>
        %mul3A_184 = arith.muli %shift_right_logical3A_178, %shift_right_logical3A_175 : vector<16xi32>
        %swap3A_185 = arith.constant 0 : i32
        %swap3A_186 = arith.index_cast %swap3A_185 : i32 to index
        %swap3A_187 = arith.constant 16 : index
        %swap3A_188 = tpu.vector_load %arg7[%swap3A_186, %swap3A_187] {strides = array<i32>} : memref<2x64xi32, #tpu.memory_space<vmem>>, vector<16xi32>,
        tpu.vector_store %arg7[%swap3A_186, %swap3A_187], %mul3A_184 {strides = array<i32>} : memref<2x64xi32, #tpu.memory_space<vmem>>, vector<16xi32>,
        %mul3A_189 = arith.muli %sub3A_183, %shift_right_logical3A_175 : vector<16xi32>
        %sub3A_190 = arith.constant 1 : i32
        %sub3A_191 = vector.broadcast %sub3A_190 : i32 to vector<16xi32>
        %sub3A_192 = arith.subi %sub3A_191, %shift_right_logical3A_175 : vector<16xi32>
        %mul3A_193 = arith.constant 5120 : i32
        %mul3A_194 = vector.broadcast %mul3A_193 : i32 to vector<16xi32>
        %mul3A_195 = arith.muli %mul3A_194, %sub3A_192 : vector<16xi32>
        %add3A_196 = arith.addi %mul3A_189, %mul3A_195 : vector<16xi32>
        %swap3A_197 = arith.constant 0 : i32
        %swap3A_198 = arith.index_cast %swap3A_197 : i32 to index
        %swap3A_199 = arith.constant 16 : index
        %swap3A_200 = tpu.vector_load %arg8[%swap3A_198, %swap3A_199] {strides = array<i32>} : memref<2x64xi32, #tpu.memory_space<vmem>>, vector<16xi32>,
        tpu.vector_store %arg8[%swap3A_198, %swap3A_199], %add3A_196 {strides = array<i32>} : memref<2x64xi32, #tpu.memory_space<vmem>>, vector<16xi32>,
        %mul3A_201 = arith.constant 64 : i32
        %mul3A_202 = arith.muli %add3A_126, %mul3A_201 : i32
        %add3A_203 = arith.constant 32 : i32
        %add3A_204 = arith.addi %mul3A_202, %add3A_203 : i32
        %get3A_205 = arith.index_cast %add3A_204 : i32 to index
        %get3A_206 = tpu.vector_load %arg6[%get3A_205] {strides = array<i32>} : memref<10112xi32, #tpu.memory_space<vmem>>, vector<16xi32>,
        %iota3A_207 = tpu.iota {dimensions = array<i32: 0>} : vector<16xi32>
        %add3A_208 = vector.broadcast %add3A_204 : i32 to vector<16xi32>
        %add3A_209 = arith.addi %add3A_208, %iota3A_207 : vector<16xi32>
        %sub3A_210 = vector.broadcast %scan3A_28 : i32 to vector<16xi32>
        %sub3A_211 = arith.subi %add3A_209, %sub3A_210 : vector<16xi32>
        %shift_right_logical3A_212 = arith.constant 31 : i32
        %shift_right_logical3A_213 = vector.broadcast %shift_right_logical3A_212 : i32 to vector<16xi32>
        %shift_right_logical3A_214 = arith.shrui %sub3A_211, %shift_right_logical3A_213 : vector<16xi32>
        %shift_right_logical3A_215 = arith.constant 14 : i32
        %shift_right_logical3A_216 = vector.broadcast %shift_right_logical3A_215 : i32 to vector<16xi32>
        %shift_right_logical3A_217 = arith.shrui %get3A_206, %shift_right_logical3A_216 : vector<16xi32>
        %and3A_218 = arith.constant 16383 : i32
        %and3A_219 = vector.broadcast %and3A_218 : i32 to vector<16xi32>
        %and3A_220 = arith.andi %get3A_206, %and3A_219 : vector<16xi32>
        %sub3A_221 = vector.broadcast %mul3A_3 : i32 to vector<16xi32>
        %sub3A_222 = arith.subi %and3A_220, %sub3A_221 : vector<16xi32>
        %mul3A_223 = arith.muli %shift_right_logical3A_217, %shift_right_logical3A_214 : vector<16xi32>
        %swap3A_224 = arith.constant 0 : i32
        %swap3A_225 = arith.index_cast %swap3A_224 : i32 to index
        %swap3A_226 = arith.constant 32 : index
        %swap3A_227 = tpu.vector_load %arg7[%swap3A_225, %swap3A_226] {strides = array<i32>} : memref<2x64xi32, #tpu.memory_space<vmem>>, vector<16xi32>,
        tpu.vector_store %arg7[%swap3A_225, %swap3A_226], %mul3A_223 {strides = array<i32>} : memref<2x64xi32, #tpu.memory_space<vmem>>, vector<16xi32>,
        %mul3A_228 = arith.muli %sub3A_222, %shift_right_logical3A_214 : vector<16xi32>
        %sub3A_229 = arith.constant 1 : i32
        %sub3A_230 = vector.broadcast %sub3A_229 : i32 to vector<16xi32>
        %sub3A_231 = arith.subi %sub3A_230, %shift_right_logical3A_214 : vector<16xi32>
        %mul3A_232 = arith.constant 5120 : i32
        %mul3A_233 = vector.broadcast %mul3A_232 : i32 to vector<16xi32>
        %mul3A_234 = arith.muli %mul3A_233, %sub3A_231 : vector<16xi32>
        %add3A_235 = arith.addi %mul3A_228, %mul3A_234 : vector<16xi32>
        %swap3A_236 = arith.constant 0 : i32
        %swap3A_237 = arith.index_cast %swap3A_236 : i32 to index
        %swap3A_238 = arith.constant 32 : index
        %swap3A_239 = tpu.vector_load %arg8[%swap3A_237, %swap3A_238] {strides = array<i32>} : memref<2x64xi32, #tpu.memory_space<vmem>>, vector<16xi32>,
        tpu.vector_store %arg8[%swap3A_237, %swap3A_238], %add3A_235 {strides = array<i32>} : memref<2x64xi32, #tpu.memory_space<vmem>>, vector<16xi32>,
        %mul3A_240 = arith.constant 64 : i32
        %mul3A_241 = arith.muli %add3A_126, %mul3A_240 : i32
        %add3A_242 = arith.constant 48 : i32
        %add3A_243 = arith.addi %mul3A_241, %add3A_242 : i32
        %get3A_244 = arith.index_cast %add3A_243 : i32 to index
        %get3A_245 = tpu.vector_load %arg6[%get3A_244] {strides = array<i32>} : memref<10112xi32, #tpu.memory_space<vmem>>, vector<16xi32>,
        %iota3A_246 = tpu.iota {dimensions = array<i32: 0>} : vector<16xi32>
        %add3A_247 = vector.broadcast %add3A_243 : i32 to vector<16xi32>
        %add3A_248 = arith.addi %add3A_247, %iota3A_246 : vector<16xi32>
        %sub3A_249 = vector.broadcast %scan3A_28 : i32 to vector<16xi32>
        %sub3A_250 = arith.subi %add3A_248, %sub3A_249 : vector<16xi32>
        %shift_right_logical3A_251 = arith.constant 31 : i32
        %shift_right_logical3A_252 = vector.broadcast %shift_right_logical3A_251 : i32 to vector<16xi32>
        %shift_right_logical3A_253 = arith.shrui %sub3A_250, %shift_right_logical3A_252 : vector<16xi32>
        %shift_right_logical3A_254 = arith.constant 14 : i32
        %shift_right_logical3A_255 = vector.broadcast %shift_right_logical3A_254 : i32 to vector<16xi32>
        %shift_right_logical3A_256 = arith.shrui %get3A_245, %shift_right_logical3A_255 : vector<16xi32>
        %and3A_257 = arith.constant 16383 : i32
        %and3A_258 = vector.broadcast %and3A_257 : i32 to vector<16xi32>
        %and3A_259 = arith.andi %get3A_245, %and3A_258 : vector<16xi32>
        %sub3A_260 = vector.broadcast %mul3A_3 : i32 to vector<16xi32>
        %sub3A_261 = arith.subi %and3A_259, %sub3A_260 : vector<16xi32>
        %mul3A_262 = arith.muli %shift_right_logical3A_256, %shift_right_logical3A_253 : vector<16xi32>
        %swap3A_263 = arith.constant 0 : i32
        %swap3A_264 = arith.index_cast %swap3A_263 : i32 to index
        %swap3A_265 = arith.constant 48 : index
        %swap3A_266 = tpu.vector_load %arg7[%swap3A_264, %swap3A_265] {strides = array<i32>} : memref<2x64xi32, #tpu.memory_space<vmem>>, vector<16xi32>,
        tpu.vector_store %arg7[%swap3A_264, %swap3A_265], %mul3A_262 {strides = array<i32>} : memref<2x64xi32, #tpu.memory_space<vmem>>, vector<16xi32>,
        %mul3A_267 = arith.muli %sub3A_261, %shift_right_logical3A_253 : vector<16xi32>
        %sub3A_268 = arith.constant 1 : i32
        %sub3A_269 = vector.broadcast %sub3A_268 : i32 to vector<16xi32>
        %sub3A_270 = arith.subi %sub3A_269, %shift_right_logical3A_253 : vector<16xi32>
        %mul3A_271 = arith.constant 5120 : i32
        %mul3A_272 = vector.broadcast %mul3A_271 : i32 to vector<16xi32>
        %mul3A_273 = arith.muli %mul3A_272, %sub3A_270 : vector<16xi32>
        %add3A_274 = arith.addi %mul3A_267, %mul3A_273 : vector<16xi32>
        %swap3A_275 = arith.constant 0 : i32
        %swap3A_276 = arith.index_cast %swap3A_275 : i32 to index
        %swap3A_277 = arith.constant 48 : index
        %swap3A_278 = tpu.vector_load %arg8[%swap3A_276, %swap3A_277] {strides = array<i32>} : memref<2x64xi32, #tpu.memory_space<vmem>>, vector<16xi32>,
        tpu.vector_store %arg8[%swap3A_276, %swap3A_277], %add3A_274 {strides = array<i32>} : memref<2x64xi32, #tpu.memory_space<vmem>>, vector<16xi32>,
        %dma_start3A = arith.constant 0 : i32
        %dma_start3A_279 = arith.constant 0 : i32
        %dma_start3A_280 = arith.constant 0 : i32
        %dma_start3A_281 = arith.constant 0 : i32
        %dma_start3A_282 = arith.constant 0 : i32
        %dma_start3A_283 = tpu.memref_slice %arg9[%dma_start3A_279, %dma_start3A_280, %dma_start3A_281, %dma_start3A_282] : memref<2x64x2x128xf32, #tpu.memory_space<vmem>> -> memref<1x64x2x128xf32, #tpu.memory_space<vmem>>
        %dma_start3A_284 = tpu.memref_squeeze %dma_start3A_283 : memref<1x64x2x128xf32, #tpu.memory_space<vmem>> -> memref<64x2x128xf32, #tpu.memory_space<vmem>>
        %dma_start3A_285 = arith.constant 0 : i32
        %dma_start3A_286 = tpu.memref_slice %arg7[%dma_start3A, %dma_start3A_285] : memref<2x64xi32, #tpu.memory_space<vmem>> -> memref<1x64xi32, #tpu.memory_space<vmem>>
        %dma_start3A_287 = tpu.memref_squeeze %dma_start3A_286 : memref<1x64xi32, #tpu.memory_space<vmem>> -> memref<64xi32, #tpu.memory_space<vmem>>
        %dma_start3A_288 = arith.constant 0 : i32
        %dma_start3A_289 = arith.constant 0 : i32
        %dma_start3A_290 = arith.constant 0 : i32
        %dma_start3A_291 = tpu.memref_slice %arg2[%dma_start3A_288, %dma_start3A_289, %dma_start3A_290] : memref<10000x2x128xf32, #tpu.memory_space<hbm>> -> memref<10000x2x128xf32, #tpu.memory_space<hbm>>
        tpu.enqueue_indirect_dma source(%dma_start3A_291 : memref<10000x2x128xf32, #tpu.memory_space<hbm>>) target(%dma_start3A_284 : memref<64x2x128xf32, #tpu.memory_space<vmem>>) offsets(%dma_start3A_287 : memref<64xi32, #tpu.memory_space<vmem>>) semaphore(%arg10 : memref<!tpu.dma_semaphore, #tpu.memory_space<semaphore_mem>>)
      } else {
      }
      %lt3A_121 = arith.cmpi slt, %add3A_114, %select_n3A : i32
      %convert_element_type3A_122 = arith.extui %lt3A_121 : i1 to i32
      %cond3A_123 = arith.constant 0 : i32
      %cond3A_124 = arith.cmpi ne, %convert_element_type3A_122, %cond3A_123 : i32
      scf.if %cond3A_124 {
        %dma_wait3A = arith.constant 0 : i32
        %dma_wait3A_125 = arith.constant 1 : i32
        %dma_wait3A_126 = arith.constant 0 : i32
        %dma_wait3A_127 = arith.constant 0 : i32
        %dma_wait3A_128 = arith.constant 0 : i32
        %dma_wait3A_129 = tpu.memref_slice %arg9[%dma_wait3A_125, %dma_wait3A_126, %dma_wait3A_127, %dma_wait3A_128] : memref<2x64x2x128xf32, #tpu.memory_space<vmem>> -> memref<1x64x2x128xf32, #tpu.memory_space<vmem>>
        %dma_wait3A_130 = tpu.memref_squeeze %dma_wait3A_129 : memref<1x64x2x128xf32, #tpu.memory_space<vmem>> -> memref<64x2x128xf32, #tpu.memory_space<vmem>>
        %dma_wait3A_131 = arith.constant 0 : i32
        %dma_wait3A_132 = tpu.memref_slice %arg7[%dma_wait3A, %dma_wait3A_131] : memref<2x64xi32, #tpu.memory_space<vmem>> -> memref<1x64xi32, #tpu.memory_space<vmem>>
        %dma_wait3A_133 = tpu.memref_squeeze %dma_wait3A_132 : memref<1x64xi32, #tpu.memory_space<vmem>> -> memref<64xi32, #tpu.memory_space<vmem>>
        %dma_wait3A_134 = arith.constant 0 : i32
        %dma_wait3A_135 = arith.constant 0 : i32
        %dma_wait3A_136 = arith.constant 0 : i32
        %dma_wait3A_137 = tpu.memref_slice %arg2[%dma_wait3A_134, %dma_wait3A_135, %dma_wait3A_136] : memref<10000x2x128xf32, #tpu.memory_space<hbm>> -> memref<10000x2x128xf32, #tpu.memory_space<hbm>>
        tpu.wait_indirect_dma semaphore(%arg11 : memref<!tpu.dma_semaphore, #tpu.memory_space<semaphore_mem>>) src(%dma_wait3A_137 : memref<10000x2x128xf32, #tpu.memory_space<hbm>>) dst(%dma_wait3A_130 : memref<64x2x128xf32, #tpu.memory_space<vmem>>)
        %run_scoped3A_138 = arith.constant 1 : i32
        %run_scoped3A_139 = arith.constant 1 : i32
        "tpu.region"() ({
          %run_scoped3A_140 = tpu.sem_alloc : memref<!tpu.dma_semaphore, #tpu.memory_space<semaphore_mem>>
          %dma_start3A = arith.constant 0 : i32
          %dma_start3A_141 = arith.constant 0 : i32
          %dma_start3A_142 = arith.constant 0 : i32
          %dma_start3A_143 = tpu.memref_slice %arg9[%run_scoped3A_138, %dma_start3A, %dma_start3A_141, %dma_start3A_142] : memref<2x64x2x128xf32, #tpu.memory_space<vmem>> -> memref<1x64x2x128xf32, #tpu.memory_space<vmem>>
          %dma_start3A_144 = tpu.memref_squeeze %dma_start3A_143 : memref<1x64x2x128xf32, #tpu.memory_space<vmem>> -> memref<64x2x128xf32, #tpu.memory_space<vmem>>
          %dma_start3A_145 = arith.constant 0 : i32
          %dma_start3A_146 = tpu.memref_slice %arg8[%run_scoped3A_139, %dma_start3A_145] : memref<2x64xi32, #tpu.memory_space<vmem>> -> memref<1x64xi32, #tpu.memory_space<vmem>>
          %dma_start3A_147 = tpu.memref_squeeze %dma_start3A_146 : memref<1x64xi32, #tpu.memory_space<vmem>> -> memref<64xi32, #tpu.memory_space<vmem>>
          %dma_start3A_148 = arith.constant 0 : i32
          %dma_start3A_149 = arith.constant 0 : i32
          %dma_start3A_150 = arith.constant 0 : i32
          %dma_start3A_151 = tpu.memref_slice %arg5[%dma_start3A_148, %dma_start3A_149, %dma_start3A_150] : memref<5248x2x128xf32, #tpu.memory_space<vmem_shared>> -> memref<5248x2x128xf32, #tpu.memory_space<vmem_shared>>
          tpu.enqueue_indirect_dma source(%dma_start3A_144 : memref<64x2x128xf32, #tpu.memory_space<vmem>>) target(%dma_start3A_151 : memref<5248x2x128xf32, #tpu.memory_space<vmem_shared>>) offsets(%dma_start3A_147 : memref<64xi32, #tpu.memory_space<vmem>>) semaphore(%run_scoped3A_140 : memref<!tpu.dma_semaphore, #tpu.memory_space<semaphore_mem>>) {add = true}
          %dma_wait3A_152 = arith.constant 0 : i32
          %dma_wait3A_153 = arith.constant 0 : i32
          %dma_wait3A_154 = arith.constant 0 : i32
          %dma_wait3A_155 = tpu.memref_slice %arg9[%run_scoped3A_138, %dma_wait3A_152, %dma_wait3A_153, %dma_wait3A_154] : memref<2x64x2x128xf32, #tpu.memory_space<vmem>> -> memref<1x64x2x128xf32, #tpu.memory_space<vmem>>
          %dma_wait3A_156 = tpu.memref_squeeze %dma_wait3A_155 : memref<1x64x2x128xf32, #tpu.memory_space<vmem>> -> memref<64x2x128xf32, #tpu.memory_space<vmem>>
          %dma_wait3A_157 = arith.constant 0 : i32
          %dma_wait3A_158 = tpu.memref_slice %arg8[%run_scoped3A_139, %dma_wait3A_157] : memref<2x64xi32, #tpu.memory_space<vmem>> -> memref<1x64xi32, #tpu.memory_space<vmem>>
          %dma_wait3A_159 = tpu.memref_squeeze %dma_wait3A_158 : memref<1x64xi32, #tpu.memory_space<vmem>> -> memref<64xi32, #tpu.memory_space<vmem>>
          %dma_wait3A_160 = arith.constant 0 : i32
          %dma_wait3A_161 = arith.constant 0 : i32
          %dma_wait3A_162 = arith.constant 0 : i32
          %dma_wait3A_163 = tpu.memref_slice %arg5[%dma_wait3A_160, %dma_wait3A_161, %dma_wait3A_162] : memref<5248x2x128xf32, #tpu.memory_space<vmem_shared>> -> memref<5248x2x128xf32, #tpu.memory_space<vmem_shared>>
          tpu.wait_indirect_dma semaphore(%run_scoped3A_140 : memref<!tpu.dma_semaphore, #tpu.memory_space<semaphore_mem>>) src(%dma_wait3A_156 : memref<64x2x128xf32, #tpu.memory_space<vmem>>) dst(%dma_wait3A_163 : memref<5248x2x128xf32, #tpu.memory_space<vmem_shared>>)
          tpu.yield
        }) : () -> ()
      } else {
      }
    }
    %while3A_88 = arith.constant 1 : i32
    scf.for %while3A_97 = %while3A_86 to %while3A_82 step %while3A_88  : i32 {
      %mul3A_98 = arith.constant 2 : i32
      %mul3A_99 = arith.muli %while3A_97, %mul3A_98 : i32
      %add3A_100 = arith.constant 0 : i32
      %add3A_101 = arith.addi %mul3A_99, %add3A_100 : i32
      %add3A_102 = arith.constant 1 : i32
      %add3A_103 = arith.addi %add3A_101, %add3A_102 : i32
      %lt3A = arith.cmpi slt, %add3A_103, %select_n3A : i32
      %convert_element_type3A_104 = arith.extui %lt3A : i1 to i32
      %cond3A_105 = arith.constant 0 : i32
      %cond3A_106 = arith.cmpi ne, %convert_element_type3A_104, %cond3A_105 : i32
      scf.if %cond3A_106 {
        %add3A_125 = arith.constant 1 : i32
        %add3A_126 = arith.addi %add3A_101, %add3A_125 : i32
        %mul3A_127 = arith.constant 64 : i32
        %mul3A_128 = arith.muli %add3A_126, %mul3A_127 : i32
        %add3A_129 = arith.constant 0 : i32
        %add3A_130 = arith.addi %mul3A_128, %add3A_129 : i32
        %get3A = arith.index_cast %add3A_130 : i32 to index
        %get3A_131 = tpu.vector_load %arg6[%get3A] {strides = array<i32>} : memref<10112xi32, #tpu.memory_space<vmem>>, vector<16xi32>,
        %iota3A = tpu.iota {dimensions = array<i32: 0>} : vector<16xi32>
        %add3A_132 = vector.broadcast %add3A_130 : i32 to vector<16xi32>
        %add3A_133 = arith.addi %add3A_132, %iota3A : vector<16xi32>
        %sub3A_134 = vector.broadcast %scan3A_28 : i32 to vector<16xi32>
        %sub3A_135 = arith.subi %add3A_133, %sub3A_134 : vector<16xi32>
        %shift_right_logical3A = arith.constant 31 : i32
        %shift_right_logical3A_136 = vector.broadcast %shift_right_logical3A : i32 to vector<16xi32>
        %shift_right_logical3A_137 = arith.shrui %sub3A_135, %shift_right_logical3A_136 : vector<16xi32>
        %shift_right_logical3A_138 = arith.constant 14 : i32
        %shift_right_logical3A_139 = vector.broadcast %shift_right_logical3A_138 : i32 to vector<16xi32>
        %shift_right_logical3A_140 = arith.shrui %get3A_131, %shift_right_logical3A_139 : vector<16xi32>
        %and3A_141 = arith.constant 16383 : i32
        %and3A_142 = vector.broadcast %and3A_141 : i32 to vector<16xi32>
        %and3A_143 = arith.andi %get3A_131, %and3A_142 : vector<16xi32>
        %sub3A_144 = vector.broadcast %mul3A_3 : i32 to vector<16xi32>
        %sub3A_145 = arith.subi %and3A_143, %sub3A_144 : vector<16xi32>
        %mul3A_146 = arith.muli %shift_right_logical3A_140, %shift_right_logical3A_137 : vector<16xi32>
        %swap3A = arith.constant 1 : i32
        %swap3A_147 = arith.index_cast %swap3A : i32 to index
        %swap3A_148 = arith.constant 0 : index
        %swap3A_149 = tpu.vector_load %arg7[%swap3A_147, %swap3A_148] {strides = array<i32>} : memref<2x64xi32, #tpu.memory_space<vmem>>, vector<16xi32>,
        tpu.vector_store %arg7[%swap3A_147, %swap3A_148], %mul3A_146 {strides = array<i32>} : memref<2x64xi32, #tpu.memory_space<vmem>>, vector<16xi32>,
        %mul3A_150 = arith.muli %sub3A_145, %shift_right_logical3A_137 : vector<16xi32>
        %sub3A_151 = arith.constant 1 : i32
        %sub3A_152 = vector.broadcast %sub3A_151 : i32 to vector<16xi32>
        %sub3A_153 = arith.subi %sub3A_152, %shift_right_logical3A_137 : vector<16xi32>
        %mul3A_154 = arith.constant 5120 : i32
        %mul3A_155 = vector.broadcast %mul3A_154 : i32 to vector<16xi32>
        %mul3A_156 = arith.muli %mul3A_155, %sub3A_153 : vector<16xi32>
        %add3A_157 = arith.addi %mul3A_150, %mul3A_156 : vector<16xi32>
        %swap3A_158 = arith.constant 1 : i32
        %swap3A_159 = arith.index_cast %swap3A_158 : i32 to index
        %swap3A_160 = arith.constant 0 : index
        %swap3A_161 = tpu.vector_load %arg8[%swap3A_159, %swap3A_160] {strides = array<i32>} : memref<2x64xi32, #tpu.memory_space<vmem>>, vector<16xi32>,
        tpu.vector_store %arg8[%swap3A_159, %swap3A_160], %add3A_157 {strides = array<i32>} : memref<2x64xi32, #tpu.memory_space<vmem>>, vector<16xi32>,
        %mul3A_162 = arith.constant 64 : i32
        %mul3A_163 = arith.muli %add3A_126, %mul3A_162 : i32
        %add3A_164 = arith.constant 16 : i32
        %add3A_165 = arith.addi %mul3A_163, %add3A_164 : i32
        %get3A_166 = arith.index_cast %add3A_165 : i32 to index
        %get3A_167 = tpu.vector_load %arg6[%get3A_166] {strides = array<i32>} : memref<10112xi32, #tpu.memory_space<vmem>>, vector<16xi32>,
        %iota3A_168 = tpu.iota {dimensions = array<i32: 0>} : vector<16xi32>
        %add3A_169 = vector.broadcast %add3A_165 : i32 to vector<16xi32>
        %add3A_170 = arith.addi %add3A_169, %iota3A_168 : vector<16xi32>
        %sub3A_171 = vector.broadcast %scan3A_28 : i32 to vector<16xi32>
        %sub3A_172 = arith.subi %add3A_170, %sub3A_171 : vector<16xi32>
        %shift_right_logical3A_173 = arith.constant 31 : i32
        %shift_right_logical3A_174 = vector.broadcast %shift_right_logical3A_173 : i32 to vector<16xi32>
        %shift_right_logical3A_175 = arith.shrui %sub3A_172, %shift_right_logical3A_174 : vector<16xi32>
        %shift_right_logical3A_176 = arith.constant 14 : i32
        %shift_right_logical3A_177 = vector.broadcast %shift_right_logical3A_176 : i32 to vector<16xi32>
        %shift_right_logical3A_178 = arith.shrui %get3A_167, %shift_right_logical3A_177 : vector<16xi32>
        %and3A_179 = arith.constant 16383 : i32
        %and3A_180 = vector.broadcast %and3A_179 : i32 to vector<16xi32>
        %and3A_181 = arith.andi %get3A_167, %and3A_180 : vector<16xi32>
        %sub3A_182 = vector.broadcast %mul3A_3 : i32 to vector<16xi32>
        %sub3A_183 = arith.subi %and3A_181, %sub3A_182 : vector<16xi32>
        %mul3A_184 = arith.muli %shift_right_logical3A_178, %shift_right_logical3A_175 : vector<16xi32>
        %swap3A_185 = arith.constant 1 : i32
        %swap3A_186 = arith.index_cast %swap3A_185 : i32 to index
        %swap3A_187 = arith.constant 16 : index
        %swap3A_188 = tpu.vector_load %arg7[%swap3A_186, %swap3A_187] {strides = array<i32>} : memref<2x64xi32, #tpu.memory_space<vmem>>, vector<16xi32>,
        tpu.vector_store %arg7[%swap3A_186, %swap3A_187], %mul3A_184 {strides = array<i32>} : memref<2x64xi32, #tpu.memory_space<vmem>>, vector<16xi32>,
        %mul3A_189 = arith.muli %sub3A_183, %shift_right_logical3A_175 : vector<16xi32>
        %sub3A_190 = arith.constant 1 : i32
        %sub3A_191 = vector.broadcast %sub3A_190 : i32 to vector<16xi32>
        %sub3A_192 = arith.subi %sub3A_191, %shift_right_logical3A_175 : vector<16xi32>
        %mul3A_193 = arith.constant 5120 : i32
        %mul3A_194 = vector.broadcast %mul3A_193 : i32 to vector<16xi32>
        %mul3A_195 = arith.muli %mul3A_194, %sub3A_192 : vector<16xi32>
        %add3A_196 = arith.addi %mul3A_189, %mul3A_195 : vector<16xi32>
        %swap3A_197 = arith.constant 1 : i32
        %swap3A_198 = arith.index_cast %swap3A_197 : i32 to index
        %swap3A_199 = arith.constant 16 : index
        %swap3A_200 = tpu.vector_load %arg8[%swap3A_198, %swap3A_199] {strides = array<i32>} : memref<2x64xi32, #tpu.memory_space<vmem>>, vector<16xi32>,
        tpu.vector_store %arg8[%swap3A_198, %swap3A_199], %add3A_196 {strides = array<i32>} : memref<2x64xi32, #tpu.memory_space<vmem>>, vector<16xi32>,
        %mul3A_201 = arith.constant 64 : i32
        %mul3A_202 = arith.muli %add3A_126, %mul3A_201 : i32
        %add3A_203 = arith.constant 32 : i32
        %add3A_204 = arith.addi %mul3A_202, %add3A_203 : i32
        %get3A_205 = arith.index_cast %add3A_204 : i32 to index
        %get3A_206 = tpu.vector_load %arg6[%get3A_205] {strides = array<i32>} : memref<10112xi32, #tpu.memory_space<vmem>>, vector<16xi32>,
        %iota3A_207 = tpu.iota {dimensions = array<i32: 0>} : vector<16xi32>
        %add3A_208 = vector.broadcast %add3A_204 : i32 to vector<16xi32>
        %add3A_209 = arith.addi %add3A_208, %iota3A_207 : vector<16xi32>
        %sub3A_210 = vector.broadcast %scan3A_28 : i32 to vector<16xi32>
        %sub3A_211 = arith.subi %add3A_209, %sub3A_210 : vector<16xi32>
        %shift_right_logical3A_212 = arith.constant 31 : i32
        %shift_right_logical3A_213 = vector.broadcast %shift_right_logical3A_212 : i32 to vector<16xi32>
        %shift_right_logical3A_214 = arith.shrui %sub3A_211, %shift_right_logical3A_213 : vector<16xi32>
        %shift_right_logical3A_215 = arith.constant 14 : i32
        %shift_right_logical3A_216 = vector.broadcast %shift_right_logical3A_215 : i32 to vector<16xi32>
        %shift_right_logical3A_217 = arith.shrui %get3A_206, %shift_right_logical3A_216 : vector<16xi32>
        %and3A_218 = arith.constant 16383 : i32
        %and3A_219 = vector.broadcast %and3A_218 : i32 to vector<16xi32>
        %and3A_220 = arith.andi %get3A_206, %and3A_219 : vector<16xi32>
        %sub3A_221 = vector.broadcast %mul3A_3 : i32 to vector<16xi32>
        %sub3A_222 = arith.subi %and3A_220, %sub3A_221 : vector<16xi32>
        %mul3A_223 = arith.muli %shift_right_logical3A_217, %shift_right_logical3A_214 : vector<16xi32>
        %swap3A_224 = arith.constant 1 : i32
        %swap3A_225 = arith.index_cast %swap3A_224 : i32 to index
        %swap3A_226 = arith.constant 32 : index
        %swap3A_227 = tpu.vector_load %arg7[%swap3A_225, %swap3A_226] {strides = array<i32>} : memref<2x64xi32, #tpu.memory_space<vmem>>, vector<16xi32>,
        tpu.vector_store %arg7[%swap3A_225, %swap3A_226], %mul3A_223 {strides = array<i32>} : memref<2x64xi32, #tpu.memory_space<vmem>>, vector<16xi32>,
        %mul3A_228 = arith.muli %sub3A_222, %shift_right_logical3A_214 : vector<16xi32>
        %sub3A_229 = arith.constant 1 : i32
        %sub3A_230 = vector.broadcast %sub3A_229 : i32 to vector<16xi32>
        %sub3A_231 = arith.subi %sub3A_230, %shift_right_logical3A_214 : vector<16xi32>
        %mul3A_232 = arith.constant 5120 : i32
        %mul3A_233 = vector.broadcast %mul3A_232 : i32 to vector<16xi32>
        %mul3A_234 = arith.muli %mul3A_233, %sub3A_231 : vector<16xi32>
        %add3A_235 = arith.addi %mul3A_228, %mul3A_234 : vector<16xi32>
        %swap3A_236 = arith.constant 1 : i32
        %swap3A_237 = arith.index_cast %swap3A_236 : i32 to index
        %swap3A_238 = arith.constant 32 : index
        %swap3A_239 = tpu.vector_load %arg8[%swap3A_237, %swap3A_238] {strides = array<i32>} : memref<2x64xi32, #tpu.memory_space<vmem>>, vector<16xi32>,
        tpu.vector_store %arg8[%swap3A_237, %swap3A_238], %add3A_235 {strides = array<i32>} : memref<2x64xi32, #tpu.memory_space<vmem>>, vector<16xi32>,
        %mul3A_240 = arith.constant 64 : i32
        %mul3A_241 = arith.muli %add3A_126, %mul3A_240 : i32
        %add3A_242 = arith.constant 48 : i32
        %add3A_243 = arith.addi %mul3A_241, %add3A_242 : i32
        %get3A_244 = arith.index_cast %add3A_243 : i32 to index
        %get3A_245 = tpu.vector_load %arg6[%get3A_244] {strides = array<i32>} : memref<10112xi32, #tpu.memory_space<vmem>>, vector<16xi32>,
        %iota3A_246 = tpu.iota {dimensions = array<i32: 0>} : vector<16xi32>
        %add3A_247 = vector.broadcast %add3A_243 : i32 to vector<16xi32>
        %add3A_248 = arith.addi %add3A_247, %iota3A_246 : vector<16xi32>
        %sub3A_249 = vector.broadcast %scan3A_28 : i32 to vector<16xi32>
        %sub3A_250 = arith.subi %add3A_248, %sub3A_249 : vector<16xi32>
        %shift_right_logical3A_251 = arith.constant 31 : i32
        %shift_right_logical3A_252 = vector.broadcast %shift_right_logical3A_251 : i32 to vector<16xi32>
        %shift_right_logical3A_253 = arith.shrui %sub3A_250, %shift_right_logical3A_252 : vector<16xi32>
        %shift_right_logical3A_254 = arith.constant 14 : i32
        %shift_right_logical3A_255 = vector.broadcast %shift_right_logical3A_254 : i32 to vector<16xi32>
        %shift_right_logical3A_256 = arith.shrui %get3A_245, %shift_right_logical3A_255 : vector<16xi32>
        %and3A_257 = arith.constant 16383 : i32
        %and3A_258 = vector.broadcast %and3A_257 : i32 to vector<16xi32>
        %and3A_259 = arith.andi %get3A_245, %and3A_258 : vector<16xi32>
        %sub3A_260 = vector.broadcast %mul3A_3 : i32 to vector<16xi32>
        %sub3A_261 = arith.subi %and3A_259, %sub3A_260 : vector<16xi32>
        %mul3A_262 = arith.muli %shift_right_logical3A_256, %shift_right_logical3A_253 : vector<16xi32>
        %swap3A_263 = arith.constant 1 : i32
        %swap3A_264 = arith.index_cast %swap3A_263 : i32 to index
        %swap3A_265 = arith.constant 48 : index
        %swap3A_266 = tpu.vector_load %arg7[%swap3A_264, %swap3A_265] {strides = array<i32>} : memref<2x64xi32, #tpu.memory_space<vmem>>, vector<16xi32>,
        tpu.vector_store %arg7[%swap3A_264, %swap3A_265], %mul3A_262 {strides = array<i32>} : memref<2x64xi32, #tpu.memory_space<vmem>>, vector<16xi32>,
        %mul3A_267 = arith.muli %sub3A_261, %shift_right_logical3A_253 : vector<16xi32>
        %sub3A_268 = arith.constant 1 : i32
        %sub3A_269 = vector.broadcast %sub3A_268 : i32 to vector<16xi32>
        %sub3A_270 = arith.subi %sub3A_269, %shift_right_logical3A_253 : vector<16xi32>
        %mul3A_271 = arith.constant 5120 : i32
        %mul3A_272 = vector.broadcast %mul3A_271 : i32 to vector<16xi32>
        %mul3A_273 = arith.muli %mul3A_272, %sub3A_270 : vector<16xi32>
        %add3A_274 = arith.addi %mul3A_267, %mul3A_273 : vector<16xi32>
        %swap3A_275 = arith.constant 1 : i32
        %swap3A_276 = arith.index_cast %swap3A_275 : i32 to index
        %swap3A_277 = arith.constant 48 : index
        %swap3A_278 = tpu.vector_load %arg8[%swap3A_276, %swap3A_277] {strides = array<i32>} : memref<2x64xi32, #tpu.memory_space<vmem>>, vector<16xi32>,
        tpu.vector_store %arg8[%swap3A_276, %swap3A_277], %add3A_274 {strides = array<i32>} : memref<2x64xi32, #tpu.memory_space<vmem>>, vector<16xi32>,
        %dma_start3A = arith.constant 1 : i32
        %dma_start3A_279 = arith.constant 1 : i32
        %dma_start3A_280 = arith.constant 0 : i32
        %dma_start3A_281 = arith.constant 0 : i32
        %dma_start3A_282 = arith.constant 0 : i32
        %dma_start3A_283 = tpu.memref_slice %arg9[%dma_start3A_279, %dma_start3A_280, %dma_start3A_281, %dma_start3A_282] : memref<2x64x2x128xf32, #tpu.memory_space<vmem>> -> memref<1x64x2x128xf32, #tpu.memory_space<vmem>>
        %dma_start3A_284 = tpu.memref_squeeze %dma_start3A_283 : memref<1x64x2x128xf32, #tpu.memory_space<vmem>> -> memref<64x2x128xf32, #tpu.memory_space<vmem>>
        %dma_start3A_285 = arith.constant 0 : i32
        %dma_start3A_286 = tpu.memref_slice %arg7[%dma_start3A, %dma_start3A_285] : memref<2x64xi32, #tpu.memory_space<vmem>> -> memref<1x64xi32, #tpu.memory_space<vmem>>
        %dma_start3A_287 = tpu.memref_squeeze %dma_start3A_286 : memref<1x64xi32, #tpu.memory_space<vmem>> -> memref<64xi32, #tpu.memory_space<vmem>>
        %dma_start3A_288 = arith.constant 0 : i32
        %dma_start3A_289 = arith.constant 0 : i32
        %dma_start3A_290 = arith.constant 0 : i32
        %dma_start3A_291 = tpu.memref_slice %arg2[%dma_start3A_288, %dma_start3A_289, %dma_start3A_290] : memref<10000x2x128xf32, #tpu.memory_space<hbm>> -> memref<10000x2x128xf32, #tpu.memory_space<hbm>>
        tpu.enqueue_indirect_dma source(%dma_start3A_291 : memref<10000x2x128xf32, #tpu.memory_space<hbm>>) target(%dma_start3A_284 : memref<64x2x128xf32, #tpu.memory_space<vmem>>) offsets(%dma_start3A_287 : memref<64xi32, #tpu.memory_space<vmem>>) semaphore(%arg11 : memref<!tpu.dma_semaphore, #tpu.memory_space<semaphore_mem>>)
      } else {
      }
      %lt3A_107 = arith.cmpi slt, %add3A_101, %select_n3A : i32
      %convert_element_type3A_108 = arith.extui %lt3A_107 : i1 to i32
      %cond3A_109 = arith.constant 0 : i32
      %cond3A_110 = arith.cmpi ne, %convert_element_type3A_108, %cond3A_109 : i32
      scf.if %cond3A_110 {
        %dma_wait3A = arith.constant 0 : i32
        %dma_wait3A_125 = arith.constant 0 : i32
        %dma_wait3A_126 = arith.constant 0 : i32
        %dma_wait3A_127 = arith.constant 0 : i32
        %dma_wait3A_128 = arith.constant 0 : i32
        %dma_wait3A_129 = tpu.memref_slice %arg9[%dma_wait3A_125, %dma_wait3A_126, %dma_wait3A_127, %dma_wait3A_128] : memref<2x64x2x128xf32, #tpu.memory_space<vmem>> -> memref<1x64x2x128xf32, #tpu.memory_space<vmem>>
        %dma_wait3A_130 = tpu.memref_squeeze %dma_wait3A_129 : memref<1x64x2x128xf32, #tpu.memory_space<vmem>> -> memref<64x2x128xf32, #tpu.memory_space<vmem>>
        %dma_wait3A_131 = arith.constant 0 : i32
        %dma_wait3A_132 = tpu.memref_slice %arg7[%dma_wait3A, %dma_wait3A_131] : memref<2x64xi32, #tpu.memory_space<vmem>> -> memref<1x64xi32, #tpu.memory_space<vmem>>
        %dma_wait3A_133 = tpu.memref_squeeze %dma_wait3A_132 : memref<1x64xi32, #tpu.memory_space<vmem>> -> memref<64xi32, #tpu.memory_space<vmem>>
        %dma_wait3A_134 = arith.constant 0 : i32
        %dma_wait3A_135 = arith.constant 0 : i32
        %dma_wait3A_136 = arith.constant 0 : i32
        %dma_wait3A_137 = tpu.memref_slice %arg2[%dma_wait3A_134, %dma_wait3A_135, %dma_wait3A_136] : memref<10000x2x128xf32, #tpu.memory_space<hbm>> -> memref<10000x2x128xf32, #tpu.memory_space<hbm>>
        tpu.wait_indirect_dma semaphore(%arg10 : memref<!tpu.dma_semaphore, #tpu.memory_space<semaphore_mem>>) src(%dma_wait3A_137 : memref<10000x2x128xf32, #tpu.memory_space<hbm>>) dst(%dma_wait3A_130 : memref<64x2x128xf32, #tpu.memory_space<vmem>>)
        %run_scoped3A_138 = arith.constant 0 : i32
        %run_scoped3A_139 = arith.constant 0 : i32
        "tpu.region"() ({
          %run_scoped3A_140 = tpu.sem_alloc : memref<!tpu.dma_semaphore, #tpu.memory_space<semaphore_mem>>
          %dma_start3A = arith.constant 0 : i32
          %dma_start3A_141 = arith.constant 0 : i32
          %dma_start3A_142 = arith.constant 0 : i32
          %dma_start3A_143 = tpu.memref_slice %arg9[%run_scoped3A_138, %dma_start3A, %dma_start3A_141, %dma_start3A_142] : memref<2x64x2x128xf32, #tpu.memory_space<vmem>> -> memref<1x64x2x128xf32, #tpu.memory_space<vmem>>
          %dma_start3A_144 = tpu.memref_squeeze %dma_start3A_143 : memref<1x64x2x128xf32, #tpu.memory_space<vmem>> -> memref<64x2x128xf32, #tpu.memory_space<vmem>>
          %dma_start3A_145 = arith.constant 0 : i32
          %dma_start3A_146 = tpu.memref_slice %arg8[%run_scoped3A_139, %dma_start3A_145] : memref<2x64xi32, #tpu.memory_space<vmem>> -> memref<1x64xi32, #tpu.memory_space<vmem>>
          %dma_start3A_147 = tpu.memref_squeeze %dma_start3A_146 : memref<1x64xi32, #tpu.memory_space<vmem>> -> memref<64xi32, #tpu.memory_space<vmem>>
          %dma_start3A_148 = arith.constant 0 : i32
          %dma_start3A_149 = arith.constant 0 : i32
          %dma_start3A_150 = arith.constant 0 : i32
          %dma_start3A_151 = tpu.memref_slice %arg5[%dma_start3A_148, %dma_start3A_149, %dma_start3A_150] : memref<5248x2x128xf32, #tpu.memory_space<vmem_shared>> -> memref<5248x2x128xf32, #tpu.memory_space<vmem_shared>>
          tpu.enqueue_indirect_dma source(%dma_start3A_144 : memref<64x2x128xf32, #tpu.memory_space<vmem>>) target(%dma_start3A_151 : memref<5248x2x128xf32, #tpu.memory_space<vmem_shared>>) offsets(%dma_start3A_147 : memref<64xi32, #tpu.memory_space<vmem>>) semaphore(%run_scoped3A_140 : memref<!tpu.dma_semaphore, #tpu.memory_space<semaphore_mem>>) {add = true}
          %dma_wait3A_152 = arith.constant 0 : i32
          %dma_wait3A_153 = arith.constant 0 : i32
          %dma_wait3A_154 = arith.constant 0 : i32
          %dma_wait3A_155 = tpu.memref_slice %arg9[%run_scoped3A_138, %dma_wait3A_152, %dma_wait3A_153, %dma_wait3A_154] : memref<2x64x2x128xf32, #tpu.memory_space<vmem>> -> memref<1x64x2x128xf32, #tpu.memory_space<vmem>>
          %dma_wait3A_156 = tpu.memref_squeeze %dma_wait3A_155 : memref<1x64x2x128xf32, #tpu.memory_space<vmem>> -> memref<64x2x128xf32, #tpu.memory_space<vmem>>
          %dma_wait3A_157 = arith.constant 0 : i32
          %dma_wait3A_158 = tpu.memref_slice %arg8[%run_scoped3A_139, %dma_wait3A_157] : memref<2x64xi32, #tpu.memory_space<vmem>> -> memref<1x64xi32, #tpu.memory_space<vmem>>
          %dma_wait3A_159 = tpu.memref_squeeze %dma_wait3A_158 : memref<1x64xi32, #tpu.memory_space<vmem>> -> memref<64xi32, #tpu.memory_space<vmem>>
          %dma_wait3A_160 = arith.constant 0 : i32
          %dma_wait3A_161 = arith.constant 0 : i32
          %dma_wait3A_162 = arith.constant 0 : i32
          %dma_wait3A_163 = tpu.memref_slice %arg5[%dma_wait3A_160, %dma_wait3A_161, %dma_wait3A_162] : memref<5248x2x128xf32, #tpu.memory_space<vmem_shared>> -> memref<5248x2x128xf32, #tpu.memory_space<vmem_shared>>
          tpu.wait_indirect_dma semaphore(%run_scoped3A_140 : memref<!tpu.dma_semaphore, #tpu.memory_space<semaphore_mem>>) src(%dma_wait3A_156 : memref<64x2x128xf32, #tpu.memory_space<vmem>>) dst(%dma_wait3A_163 : memref<5248x2x128xf32, #tpu.memory_space<vmem_shared>>)
          tpu.yield
        }) : () -> ()
      } else {
      }
      %mul3A_111 = arith.constant 2 : i32
      %mul3A_112 = arith.muli %while3A_97, %mul3A_111 : i32
      %add3A_113 = arith.constant 1 : i32
      %add3A_114 = arith.addi %mul3A_112, %add3A_113 : i32
      %add3A_115 = arith.constant 1 : i32
      %add3A_116 = arith.addi %add3A_114, %add3A_115 : i32
      %lt3A_117 = arith.cmpi slt, %add3A_116, %select_n3A : i32
      %convert_element_type3A_118 = arith.extui %lt3A_117 : i1 to i32
      %cond3A_119 = arith.constant 0 : i32
      %cond3A_120 = arith.cmpi ne, %convert_element_type3A_118, %cond3A_119 : i32
      scf.if %cond3A_120 {
        %add3A_125 = arith.constant 1 : i32
        %add3A_126 = arith.addi %add3A_114, %add3A_125 : i32
        %mul3A_127 = arith.constant 64 : i32
        %mul3A_128 = arith.muli %add3A_126, %mul3A_127 : i32
        %add3A_129 = arith.constant 0 : i32
        %add3A_130 = arith.addi %mul3A_128, %add3A_129 : i32
        %get3A = arith.index_cast %add3A_130 : i32 to index
        %get3A_131 = tpu.vector_load %arg6[%get3A] {strides = array<i32>} : memref<10112xi32, #tpu.memory_space<vmem>>, vector<16xi32>,
        %iota3A = tpu.iota {dimensions = array<i32: 0>} : vector<16xi32>
        %add3A_132 = vector.broadcast %add3A_130 : i32 to vector<16xi32>
        %add3A_133 = arith.addi %add3A_132, %iota3A : vector<16xi32>
        %sub3A_134 = vector.broadcast %scan3A_28 : i32 to vector<16xi32>
        %sub3A_135 = arith.subi %add3A_133, %sub3A_134 : vector<16xi32>
        %shift_right_logical3A = arith.constant 31 : i32
        %shift_right_logical3A_136 = vector.broadcast %shift_right_logical3A : i32 to vector<16xi32>
        %shift_right_logical3A_137 = arith.shrui %sub3A_135, %shift_right_logical3A_136 : vector<16xi32>
        %shift_right_logical3A_138 = arith.constant 14 : i32
        %shift_right_logical3A_139 = vector.broadcast %shift_right_logical3A_138 : i32 to vector<16xi32>
        %shift_right_logical3A_140 = arith.shrui %get3A_131, %shift_right_logical3A_139 : vector<16xi32>
        %and3A_141 = arith.constant 16383 : i32
        %and3A_142 = vector.broadcast %and3A_141 : i32 to vector<16xi32>
        %and3A_143 = arith.andi %get3A_131, %and3A_142 : vector<16xi32>
        %sub3A_144 = vector.broadcast %mul3A_3 : i32 to vector<16xi32>
        %sub3A_145 = arith.subi %and3A_143, %sub3A_144 : vector<16xi32>
        %mul3A_146 = arith.muli %shift_right_logical3A_140, %shift_right_logical3A_137 : vector<16xi32>
        %swap3A = arith.constant 0 : i32
        %swap3A_147 = arith.index_cast %swap3A : i32 to index
        %swap3A_148 = arith.constant 0 : index
        %swap3A_149 = tpu.vector_load %arg7[%swap3A_147, %swap3A_148] {strides = array<i32>} : memref<2x64xi32, #tpu.memory_space<vmem>>, vector<16xi32>,
        tpu.vector_store %arg7[%swap3A_147, %swap3A_148], %mul3A_146 {strides = array<i32>} : memref<2x64xi32, #tpu.memory_space<vmem>>, vector<16xi32>,
        %mul3A_150 = arith.muli %sub3A_145, %shift_right_logical3A_137 : vector<16xi32>
        %sub3A_151 = arith.constant 1 : i32
        %sub3A_152 = vector.broadcast %sub3A_151 : i32 to vector<16xi32>
        %sub3A_153 = arith.subi %sub3A_152, %shift_right_logical3A_137 : vector<16xi32>
        %mul3A_154 = arith.constant 5120 : i32
        %mul3A_155 = vector.broadcast %mul3A_154 : i32 to vector<16xi32>
        %mul3A_156 = arith.muli %mul3A_155, %sub3A_153 : vector<16xi32>
        %add3A_157 = arith.addi %mul3A_150, %mul3A_156 : vector<16xi32>
        %swap3A_158 = arith.constant 0 : i32
        %swap3A_159 = arith.index_cast %swap3A_158 : i32 to index
        %swap3A_160 = arith.constant 0 : index
        %swap3A_161 = tpu.vector_load %arg8[%swap3A_159, %swap3A_160] {strides = array<i32>} : memref<2x64xi32, #tpu.memory_space<vmem>>, vector<16xi32>,
        tpu.vector_store %arg8[%swap3A_159, %swap3A_160], %add3A_157 {strides = array<i32>} : memref<2x64xi32, #tpu.memory_space<vmem>>, vector<16xi32>,
        %mul3A_162 = arith.constant 64 : i32
        %mul3A_163 = arith.muli %add3A_126, %mul3A_162 : i32
        %add3A_164 = arith.constant 16 : i32
        %add3A_165 = arith.addi %mul3A_163, %add3A_164 : i32
        %get3A_166 = arith.index_cast %add3A_165 : i32 to index
        %get3A_167 = tpu.vector_load %arg6[%get3A_166] {strides = array<i32>} : memref<10112xi32, #tpu.memory_space<vmem>>, vector<16xi32>,
        %iota3A_168 = tpu.iota {dimensions = array<i32: 0>} : vector<16xi32>
        %add3A_169 = vector.broadcast %add3A_165 : i32 to vector<16xi32>
        %add3A_170 = arith.addi %add3A_169, %iota3A_168 : vector<16xi32>
        %sub3A_171 = vector.broadcast %scan3A_28 : i32 to vector<16xi32>
        %sub3A_172 = arith.subi %add3A_170, %sub3A_171 : vector<16xi32>
        %shift_right_logical3A_173 = arith.constant 31 : i32
        %shift_right_logical3A_174 = vector.broadcast %shift_right_logical3A_173 : i32 to vector<16xi32>
        %shift_right_logical3A_175 = arith.shrui %sub3A_172, %shift_right_logical3A_174 : vector<16xi32>
        %shift_right_logical3A_176 = arith.constant 14 : i32
        %shift_right_logical3A_177 = vector.broadcast %shift_right_logical3A_176 : i32 to vector<16xi32>
        %shift_right_logical3A_178 = arith.shrui %get3A_167, %shift_right_logical3A_177 : vector<16xi32>
        %and3A_179 = arith.constant 16383 : i32
        %and3A_180 = vector.broadcast %and3A_179 : i32 to vector<16xi32>
        %and3A_181 = arith.andi %get3A_167, %and3A_180 : vector<16xi32>
        %sub3A_182 = vector.broadcast %mul3A_3 : i32 to vector<16xi32>
        %sub3A_183 = arith.subi %and3A_181, %sub3A_182 : vector<16xi32>
        %mul3A_184 = arith.muli %shift_right_logical3A_178, %shift_right_logical3A_175 : vector<16xi32>
        %swap3A_185 = arith.constant 0 : i32
        %swap3A_186 = arith.index_cast %swap3A_185 : i32 to index
        %swap3A_187 = arith.constant 16 : index
        %swap3A_188 = tpu.vector_load %arg7[%swap3A_186, %swap3A_187] {strides = array<i32>} : memref<2x64xi32, #tpu.memory_space<vmem>>, vector<16xi32>,
        tpu.vector_store %arg7[%swap3A_186, %swap3A_187], %mul3A_184 {strides = array<i32>} : memref<2x64xi32, #tpu.memory_space<vmem>>, vector<16xi32>,
        %mul3A_189 = arith.muli %sub3A_183, %shift_right_logical3A_175 : vector<16xi32>
        %sub3A_190 = arith.constant 1 : i32
        %sub3A_191 = vector.broadcast %sub3A_190 : i32 to vector<16xi32>
        %sub3A_192 = arith.subi %sub3A_191, %shift_right_logical3A_175 : vector<16xi32>
        %mul3A_193 = arith.constant 5120 : i32
        %mul3A_194 = vector.broadcast %mul3A_193 : i32 to vector<16xi32>
        %mul3A_195 = arith.muli %mul3A_194, %sub3A_192 : vector<16xi32>
        %add3A_196 = arith.addi %mul3A_189, %mul3A_195 : vector<16xi32>
        %swap3A_197 = arith.constant 0 : i32
        %swap3A_198 = arith.index_cast %swap3A_197 : i32 to index
        %swap3A_199 = arith.constant 16 : index
        %swap3A_200 = tpu.vector_load %arg8[%swap3A_198, %swap3A_199] {strides = array<i32>} : memref<2x64xi32, #tpu.memory_space<vmem>>, vector<16xi32>,
        tpu.vector_store %arg8[%swap3A_198, %swap3A_199], %add3A_196 {strides = array<i32>} : memref<2x64xi32, #tpu.memory_space<vmem>>, vector<16xi32>,
        %mul3A_201 = arith.constant 64 : i32
        %mul3A_202 = arith.muli %add3A_126, %mul3A_201 : i32
        %add3A_203 = arith.constant 32 : i32
        %add3A_204 = arith.addi %mul3A_202, %add3A_203 : i32
        %get3A_205 = arith.index_cast %add3A_204 : i32 to index
        %get3A_206 = tpu.vector_load %arg6[%get3A_205] {strides = array<i32>} : memref<10112xi32, #tpu.memory_space<vmem>>, vector<16xi32>,
        %iota3A_207 = tpu.iota {dimensions = array<i32: 0>} : vector<16xi32>
        %add3A_208 = vector.broadcast %add3A_204 : i32 to vector<16xi32>
        %add3A_209 = arith.addi %add3A_208, %iota3A_207 : vector<16xi32>
        %sub3A_210 = vector.broadcast %scan3A_28 : i32 to vector<16xi32>
        %sub3A_211 = arith.subi %add3A_209, %sub3A_210 : vector<16xi32>
        %shift_right_logical3A_212 = arith.constant 31 : i32
        %shift_right_logical3A_213 = vector.broadcast %shift_right_logical3A_212 : i32 to vector<16xi32>
        %shift_right_logical3A_214 = arith.shrui %sub3A_211, %shift_right_logical3A_213 : vector<16xi32>
        %shift_right_logical3A_215 = arith.constant 14 : i32
        %shift_right_logical3A_216 = vector.broadcast %shift_right_logical3A_215 : i32 to vector<16xi32>
        %shift_right_logical3A_217 = arith.shrui %get3A_206, %shift_right_logical3A_216 : vector<16xi32>
        %and3A_218 = arith.constant 16383 : i32
        %and3A_219 = vector.broadcast %and3A_218 : i32 to vector<16xi32>
        %and3A_220 = arith.andi %get3A_206, %and3A_219 : vector<16xi32>
        %sub3A_221 = vector.broadcast %mul3A_3 : i32 to vector<16xi32>
        %sub3A_222 = arith.subi %and3A_220, %sub3A_221 : vector<16xi32>
        %mul3A_223 = arith.muli %shift_right_logical3A_217, %shift_right_logical3A_214 : vector<16xi32>
        %swap3A_224 = arith.constant 0 : i32
        %swap3A_225 = arith.index_cast %swap3A_224 : i32 to index
        %swap3A_226 = arith.constant 32 : index
        %swap3A_227 = tpu.vector_load %arg7[%swap3A_225, %swap3A_226] {strides = array<i32>} : memref<2x64xi32, #tpu.memory_space<vmem>>, vector<16xi32>,
        tpu.vector_store %arg7[%swap3A_225, %swap3A_226], %mul3A_223 {strides = array<i32>} : memref<2x64xi32, #tpu.memory_space<vmem>>, vector<16xi32>,
        %mul3A_228 = arith.muli %sub3A_222, %shift_right_logical3A_214 : vector<16xi32>
        %sub3A_229 = arith.constant 1 : i32
        %sub3A_230 = vector.broadcast %sub3A_229 : i32 to vector<16xi32>
        %sub3A_231 = arith.subi %sub3A_230, %shift_right_logical3A_214 : vector<16xi32>
        %mul3A_232 = arith.constant 5120 : i32
        %mul3A_233 = vector.broadcast %mul3A_232 : i32 to vector<16xi32>
        %mul3A_234 = arith.muli %mul3A_233, %sub3A_231 : vector<16xi32>
        %add3A_235 = arith.addi %mul3A_228, %mul3A_234 : vector<16xi32>
        %swap3A_236 = arith.constant 0 : i32
        %swap3A_237 = arith.index_cast %swap3A_236 : i32 to index
        %swap3A_238 = arith.constant 32 : index
        %swap3A_239 = tpu.vector_load %arg8[%swap3A_237, %swap3A_238] {strides = array<i32>} : memref<2x64xi32, #tpu.memory_space<vmem>>, vector<16xi32>,
        tpu.vector_store %arg8[%swap3A_237, %swap3A_238], %add3A_235 {strides = array<i32>} : memref<2x64xi32, #tpu.memory_space<vmem>>, vector<16xi32>,
        %mul3A_240 = arith.constant 64 : i32
        %mul3A_241 = arith.muli %add3A_126, %mul3A_240 : i32
        %add3A_242 = arith.constant 48 : i32
        %add3A_243 = arith.addi %mul3A_241, %add3A_242 : i32
        %get3A_244 = arith.index_cast %add3A_243 : i32 to index
        %get3A_245 = tpu.vector_load %arg6[%get3A_244] {strides = array<i32>} : memref<10112xi32, #tpu.memory_space<vmem>>, vector<16xi32>,
        %iota3A_246 = tpu.iota {dimensions = array<i32: 0>} : vector<16xi32>
        %add3A_247 = vector.broadcast %add3A_243 : i32 to vector<16xi32>
        %add3A_248 = arith.addi %add3A_247, %iota3A_246 : vector<16xi32>
        %sub3A_249 = vector.broadcast %scan3A_28 : i32 to vector<16xi32>
        %sub3A_250 = arith.subi %add3A_248, %sub3A_249 : vector<16xi32>
        %shift_right_logical3A_251 = arith.constant 31 : i32
        %shift_right_logical3A_252 = vector.broadcast %shift_right_logical3A_251 : i32 to vector<16xi32>
        %shift_right_logical3A_253 = arith.shrui %sub3A_250, %shift_right_logical3A_252 : vector<16xi32>
        %shift_right_logical3A_254 = arith.constant 14 : i32
        %shift_right_logical3A_255 = vector.broadcast %shift_right_logical3A_254 : i32 to vector<16xi32>
        %shift_right_logical3A_256 = arith.shrui %get3A_245, %shift_right_logical3A_255 : vector<16xi32>
        %and3A_257 = arith.constant 16383 : i32
        %and3A_258 = vector.broadcast %and3A_257 : i32 to vector<16xi32>
        %and3A_259 = arith.andi %get3A_245, %and3A_258 : vector<16xi32>
        %sub3A_260 = vector.broadcast %mul3A_3 : i32 to vector<16xi32>
        %sub3A_261 = arith.subi %and3A_259, %sub3A_260 : vector<16xi32>
        %mul3A_262 = arith.muli %shift_right_logical3A_256, %shift_right_logical3A_253 : vector<16xi32>
        %swap3A_263 = arith.constant 0 : i32
        %swap3A_264 = arith.index_cast %swap3A_263 : i32 to index
        %swap3A_265 = arith.constant 48 : index
        %swap3A_266 = tpu.vector_load %arg7[%swap3A_264, %swap3A_265] {strides = array<i32>} : memref<2x64xi32, #tpu.memory_space<vmem>>, vector<16xi32>,
        tpu.vector_store %arg7[%swap3A_264, %swap3A_265], %mul3A_262 {strides = array<i32>} : memref<2x64xi32, #tpu.memory_space<vmem>>, vector<16xi32>,
        %mul3A_267 = arith.muli %sub3A_261, %shift_right_logical3A_253 : vector<16xi32>
        %sub3A_268 = arith.constant 1 : i32
        %sub3A_269 = vector.broadcast %sub3A_268 : i32 to vector<16xi32>
        %sub3A_270 = arith.subi %sub3A_269, %shift_right_logical3A_253 : vector<16xi32>
        %mul3A_271 = arith.constant 5120 : i32
        %mul3A_272 = vector.broadcast %mul3A_271 : i32 to vector<16xi32>
        %mul3A_273 = arith.muli %mul3A_272, %sub3A_270 : vector<16xi32>
        %add3A_274 = arith.addi %mul3A_267, %mul3A_273 : vector<16xi32>
        %swap3A_275 = arith.constant 0 : i32
        %swap3A_276 = arith.index_cast %swap3A_275 : i32 to index
        %swap3A_277 = arith.constant 48 : index
        %swap3A_278 = tpu.vector_load %arg8[%swap3A_276, %swap3A_277] {strides = array<i32>} : memref<2x64xi32, #tpu.memory_space<vmem>>, vector<16xi32>,
        tpu.vector_store %arg8[%swap3A_276, %swap3A_277], %add3A_274 {strides = array<i32>} : memref<2x64xi32, #tpu.memory_space<vmem>>, vector<16xi32>,
        %dma_start3A = arith.constant 0 : i32
        %dma_start3A_279 = arith.constant 0 : i32
        %dma_start3A_280 = arith.constant 0 : i32
        %dma_start3A_281 = arith.constant 0 : i32
        %dma_start3A_282 = arith.constant 0 : i32
        %dma_start3A_283 = tpu.memref_slice %arg9[%dma_start3A_279, %dma_start3A_280, %dma_start3A_281, %dma_start3A_282] : memref<2x64x2x128xf32, #tpu.memory_space<vmem>> -> memref<1x64x2x128xf32, #tpu.memory_space<vmem>>
        %dma_start3A_284 = tpu.memref_squeeze %dma_start3A_283 : memref<1x64x2x128xf32, #tpu.memory_space<vmem>> -> memref<64x2x128xf32, #tpu.memory_space<vmem>>
        %dma_start3A_285 = arith.constant 0 : i32
        %dma_start3A_286 = tpu.memref_slice %arg7[%dma_start3A, %dma_start3A_285] : memref<2x64xi32, #tpu.memory_space<vmem>> -> memref<1x64xi32, #tpu.memory_space<vmem>>
        %dma_start3A_287 = tpu.memref_squeeze %dma_start3A_286 : memref<1x64xi32, #tpu.memory_space<vmem>> -> memref<64xi32, #tpu.memory_space<vmem>>
        %dma_start3A_288 = arith.constant 0 : i32
        %dma_start3A_289 = arith.constant 0 : i32
        %dma_start3A_290 = arith.constant 0 : i32
        %dma_start3A_291 = tpu.memref_slice %arg2[%dma_start3A_288, %dma_start3A_289, %dma_start3A_290] : memref<10000x2x128xf32, #tpu.memory_space<hbm>> -> memref<10000x2x128xf32, #tpu.memory_space<hbm>>
        tpu.enqueue_indirect_dma source(%dma_start3A_291 : memref<10000x2x128xf32, #tpu.memory_space<hbm>>) target(%dma_start3A_284 : memref<64x2x128xf32, #tpu.memory_space<vmem>>) offsets(%dma_start3A_287 : memref<64xi32, #tpu.memory_space<vmem>>) semaphore(%arg10 : memref<!tpu.dma_semaphore, #tpu.memory_space<semaphore_mem>>)
      } else {
      }
      %lt3A_121 = arith.cmpi slt, %add3A_114, %select_n3A : i32
      %convert_element_type3A_122 = arith.extui %lt3A_121 : i1 to i32
      %cond3A_123 = arith.constant 0 : i32
      %cond3A_124 = arith.cmpi ne, %convert_element_type3A_122, %cond3A_123 : i32
      scf.if %cond3A_124 {
        %dma_wait3A = arith.constant 0 : i32
        %dma_wait3A_125 = arith.constant 1 : i32
        %dma_wait3A_126 = arith.constant 0 : i32
        %dma_wait3A_127 = arith.constant 0 : i32
        %dma_wait3A_128 = arith.constant 0 : i32
        %dma_wait3A_129 = tpu.memref_slice %arg9[%dma_wait3A_125, %dma_wait3A_126, %dma_wait3A_127, %dma_wait3A_128] : memref<2x64x2x128xf32, #tpu.memory_space<vmem>> -> memref<1x64x2x128xf32, #tpu.memory_space<vmem>>
        %dma_wait3A_130 = tpu.memref_squeeze %dma_wait3A_129 : memref<1x64x2x128xf32, #tpu.memory_space<vmem>> -> memref<64x2x128xf32, #tpu.memory_space<vmem>>
        %dma_wait3A_131 = arith.constant 0 : i32
        %dma_wait3A_132 = tpu.memref_slice %arg7[%dma_wait3A, %dma_wait3A_131] : memref<2x64xi32, #tpu.memory_space<vmem>> -> memref<1x64xi32, #tpu.memory_space<vmem>>
        %dma_wait3A_133 = tpu.memref_squeeze %dma_wait3A_132 : memref<1x64xi32, #tpu.memory_space<vmem>> -> memref<64xi32, #tpu.memory_space<vmem>>
        %dma_wait3A_134 = arith.constant 0 : i32
        %dma_wait3A_135 = arith.constant 0 : i32
        %dma_wait3A_136 = arith.constant 0 : i32
        %dma_wait3A_137 = tpu.memref_slice %arg2[%dma_wait3A_134, %dma_wait3A_135, %dma_wait3A_136] : memref<10000x2x128xf32, #tpu.memory_space<hbm>> -> memref<10000x2x128xf32, #tpu.memory_space<hbm>>
        tpu.wait_indirect_dma semaphore(%arg11 : memref<!tpu.dma_semaphore, #tpu.memory_space<semaphore_mem>>) src(%dma_wait3A_137 : memref<10000x2x128xf32, #tpu.memory_space<hbm>>) dst(%dma_wait3A_130 : memref<64x2x128xf32, #tpu.memory_space<vmem>>)
        %run_scoped3A_138 = arith.constant 1 : i32
        %run_scoped3A_139 = arith.constant 1 : i32
        "tpu.region"() ({
          %run_scoped3A_140 = tpu.sem_alloc : memref<!tpu.dma_semaphore, #tpu.memory_space<semaphore_mem>>
          %dma_start3A = arith.constant 0 : i32
          %dma_start3A_141 = arith.constant 0 : i32
          %dma_start3A_142 = arith.constant 0 : i32
          %dma_start3A_143 = tpu.memref_slice %arg9[%run_scoped3A_138, %dma_start3A, %dma_start3A_141, %dma_start3A_142] : memref<2x64x2x128xf32, #tpu.memory_space<vmem>> -> memref<1x64x2x128xf32, #tpu.memory_space<vmem>>
          %dma_start3A_144 = tpu.memref_squeeze %dma_start3A_143 : memref<1x64x2x128xf32, #tpu.memory_space<vmem>> -> memref<64x2x128xf32, #tpu.memory_space<vmem>>
          %dma_start3A_145 = arith.constant 0 : i32
          %dma_start3A_146 = tpu.memref_slice %arg8[%run_scoped3A_139, %dma_start3A_145] : memref<2x64xi32, #tpu.memory_space<vmem>> -> memref<1x64xi32, #tpu.memory_space<vmem>>
          %dma_start3A_147 = tpu.memref_squeeze %dma_start3A_146 : memref<1x64xi32, #tpu.memory_space<vmem>> -> memref<64xi32, #tpu.memory_space<vmem>>
          %dma_start3A_148 = arith.constant 0 : i32
          %dma_start3A_149 = arith.constant 0 : i32
          %dma_start3A_150 = arith.constant 0 : i32
          %dma_start3A_151 = tpu.memref_slice %arg5[%dma_start3A_148, %dma_start3A_149, %dma_start3A_150] : memref<5248x2x128xf32, #tpu.memory_space<vmem_shared>> -> memref<5248x2x128xf32, #tpu.memory_space<vmem_shared>>
          tpu.enqueue_indirect_dma source(%dma_start3A_144 : memref<64x2x128xf32, #tpu.memory_space<vmem>>) target(%dma_start3A_151 : memref<5248x2x128xf32, #tpu.memory_space<vmem_shared>>) offsets(%dma_start3A_147 : memref<64xi32, #tpu.memory_space<vmem>>) semaphore(%run_scoped3A_140 : memref<!tpu.dma_semaphore, #tpu.memory_space<semaphore_mem>>) {add = true}
          %dma_wait3A_152 = arith.constant 0 : i32
          %dma_wait3A_153 = arith.constant 0 : i32
          %dma_wait3A_154 = arith.constant 0 : i32
          %dma_wait3A_155 = tpu.memref_slice %arg9[%run_scoped3A_138, %dma_wait3A_152, %dma_wait3A_153, %dma_wait3A_154] : memref<2x64x2x128xf32, #tpu.memory_space<vmem>> -> memref<1x64x2x128xf32, #tpu.memory_space<vmem>>
          %dma_wait3A_156 = tpu.memref_squeeze %dma_wait3A_155 : memref<1x64x2x128xf32, #tpu.memory_space<vmem>> -> memref<64x2x128xf32, #tpu.memory_space<vmem>>
          %dma_wait3A_157 = arith.constant 0 : i32
          %dma_wait3A_158 = tpu.memref_slice %arg8[%run_scoped3A_139, %dma_wait3A_157] : memref<2x64xi32, #tpu.memory_space<vmem>> -> memref<1x64xi32, #tpu.memory_space<vmem>>
          %dma_wait3A_159 = tpu.memref_squeeze %dma_wait3A_158 : memref<1x64xi32, #tpu.memory_space<vmem>> -> memref<64xi32, #tpu.memory_space<vmem>>
          %dma_wait3A_160 = arith.constant 0 : i32
          %dma_wait3A_161 = arith.constant 0 : i32
          %dma_wait3A_162 = arith.constant 0 : i32
          %dma_wait3A_163 = tpu.memref_slice %arg5[%dma_wait3A_160, %dma_wait3A_161, %dma_wait3A_162] : memref<5248x2x128xf32, #tpu.memory_space<vmem_shared>> -> memref<5248x2x128xf32, #tpu.memory_space<vmem_shared>>
          tpu.wait_indirect_dma semaphore(%run_scoped3A_140 : memref<!tpu.dma_semaphore, #tpu.memory_space<semaphore_mem>>) src(%dma_wait3A_156 : memref<64x2x128xf32, #tpu.memory_space<vmem>>) dst(%dma_wait3A_163 : memref<5248x2x128xf32, #tpu.memory_space<vmem_shared>>)
          tpu.yield
        }) : () -> ()
      } else {
      }
    }
    %barrier3A_89 = arith.constant 0 : index
    tpu.barrier barrier_id(%barrier3A_89)
    %scan3A_90 = arith.constant 0 : i32
    %scan3A_91 = arith.constant 0 : i32
    %scan3A_92 = arith.constant 5 : i32
    %scan3A_93 = arith.addi %scan3A_91, %scan3A_92 : i32
    %scan3A_94 = arith.constant 1 : i32
    scf.for %scan3A_97 = %scan3A_91 to %scan3A_93 step %scan3A_94  : i32 {
      %mul3A_98 = arith.constant 320 : i32
      %mul3A_99 = arith.muli %arg1, %mul3A_98 : i32
      %mul3A_100 = arith.constant 64 : i32
      %mul3A_101 = arith.muli %scan3A_97, %mul3A_100 : i32
      %add3A_102 = arith.addi %mul3A_99, %mul3A_101 : i32
      %run_scoped3A_103 = arith.constant 0 : i32
      "tpu.region"() ({
        %run_scoped3A_106 = tpu.sem_alloc : memref<!tpu.dma_semaphore, #tpu.memory_space<semaphore_mem>>
        %dma_start3A = arith.constant 0 : i32
        %dma_start3A_107 = arith.constant 0 : i32
        %dma_start3A_108 = arith.constant 0 : i32
        %dma_start3A_109 = tpu.memref_slice %arg9[%run_scoped3A_103, %dma_start3A, %dma_start3A_107, %dma_start3A_108] : memref<2x64x2x128xf32, #tpu.memory_space<vmem>> -> memref<1x64x2x128xf32, #tpu.memory_space<vmem>>
        %dma_start3A_110 = tpu.memref_squeeze %dma_start3A_109 : memref<1x64x2x128xf32, #tpu.memory_space<vmem>> -> memref<64x2x128xf32, #tpu.memory_space<vmem>>
        %dma_start3A_111 = arith.constant 0 : i32
        %dma_start3A_112 = arith.constant 0 : i32
        %dma_start3A_113 = tpu.memref_slice %arg5[%add3A_102, %dma_start3A_111, %dma_start3A_112] : memref<5248x2x128xf32, #tpu.memory_space<vmem_shared>> -> memref<64x2x128xf32, #tpu.memory_space<vmem_shared>>
        %dma_start3A_114 = arith.constant 0 : i32
        %dma_start3A_115 = arith.constant 0 : i32
        %dma_start3A_116 = arith.constant 0 : i32
        %dma_start3A_117 = tpu.memref_slice %arg9[%run_scoped3A_103, %dma_start3A_114, %dma_start3A_115, %dma_start3A_116] : memref<2x64x2x128xf32, #tpu.memory_space<vmem>> -> memref<1x64x2x128xf32, #tpu.memory_space<vmem>>
        %dma_start3A_118 = tpu.memref_squeeze %dma_start3A_117 : memref<1x64x2x128xf32, #tpu.memory_space<vmem>> -> memref<64x2x128xf32, #tpu.memory_space<vmem>>
        %dma_start3A_119 = arith.constant 0 : i32
        %dma_start3A_120 = arith.constant 0 : i32
        %dma_start3A_121 = tpu.memref_slice %arg5[%add3A_102, %dma_start3A_119, %dma_start3A_120] : memref<5248x2x128xf32, #tpu.memory_space<vmem_shared>> -> memref<64x2x128xf32, #tpu.memory_space<vmem_shared>>
        tpu.enqueue_dma source(%dma_start3A_121 : memref<64x2x128xf32, #tpu.memory_space<vmem_shared>>) target(%dma_start3A_118 : memref<64x2x128xf32, #tpu.memory_space<vmem>>) target_semaphore(%run_scoped3A_106 : memref<!tpu.dma_semaphore, #tpu.memory_space<semaphore_mem>>)
        %dma_wait3A = arith.constant 0 : i32
        %dma_wait3A_122 = arith.constant 0 : i32
        %dma_wait3A_123 = arith.constant 0 : i32
        %dma_wait3A_124 = tpu.memref_slice %arg9[%run_scoped3A_103, %dma_wait3A, %dma_wait3A_122, %dma_wait3A_123] : memref<2x64x2x128xf32, #tpu.memory_space<vmem>> -> memref<1x64x2x128xf32, #tpu.memory_space<vmem>>
        %dma_wait3A_125 = tpu.memref_squeeze %dma_wait3A_124 : memref<1x64x2x128xf32, #tpu.memory_space<vmem>> -> memref<64x2x128xf32, #tpu.memory_space<vmem>>
        %dma_wait3A_126 = arith.constant 0 : i32
        %dma_wait3A_127 = arith.constant 0 : i32
        %dma_wait3A_128 = tpu.memref_slice %arg5[%add3A_102, %dma_wait3A_126, %dma_wait3A_127] : memref<5248x2x128xf32, #tpu.memory_space<vmem_shared>> -> memref<64x2x128xf32, #tpu.memory_space<vmem_shared>>
        %dma_wait3A_129 = arith.constant 0 : i32
        %dma_wait3A_130 = arith.constant 0 : i32
        %dma_wait3A_131 = arith.constant 0 : i32
        %dma_wait3A_132 = tpu.memref_slice %arg9[%run_scoped3A_103, %dma_wait3A_129, %dma_wait3A_130, %dma_wait3A_131] : memref<2x64x2x128xf32, #tpu.memory_space<vmem>> -> memref<1x64x2x128xf32, #tpu.memory_space<vmem>>
        %dma_wait3A_133 = tpu.memref_squeeze %dma_wait3A_132 : memref<1x64x2x128xf32, #tpu.memory_space<vmem>> -> memref<64x2x128xf32, #tpu.memory_space<vmem>>
        %dma_wait3A_134 = arith.constant 0 : i32
        %dma_wait3A_135 = arith.constant 0 : i32
        %dma_wait3A_136 = tpu.memref_slice %arg5[%add3A_102, %dma_wait3A_134, %dma_wait3A_135] : memref<5248x2x128xf32, #tpu.memory_space<vmem_shared>> -> memref<64x2x128xf32, #tpu.memory_space<vmem_shared>>
        tpu.wait_dma2 semaphore(%run_scoped3A_106 : memref<!tpu.dma_semaphore, #tpu.memory_space<semaphore_mem>>) src(%dma_wait3A_136 : memref<64x2x128xf32, #tpu.memory_space<vmem_shared>>) dst(%dma_wait3A_133 : memref<64x2x128xf32, #tpu.memory_space<vmem>>)
        tpu.yield
      }) : () -> ()
      %add3A_104 = arith.addi %mul3A_3, %add3A_102 : i32
      %run_scoped3A_105 = arith.constant 0 : i32
      "tpu.region"() ({
        %run_scoped3A_106 = tpu.sem_alloc : memref<!tpu.dma_semaphore, #tpu.memory_space<semaphore_mem>>
        %dma_start3A = arith.constant 0 : i32
        %dma_start3A_107 = arith.constant 0 : i32
        %dma_start3A_108 = arith.constant 0 : i32
        %dma_start3A_109 = tpu.memref_slice %arg9[%run_scoped3A_105, %dma_start3A, %dma_start3A_107, %dma_start3A_108] : memref<2x64x2x128xf32, #tpu.memory_space<vmem>> -> memref<1x64x2x128xf32, #tpu.memory_space<vmem>>
        %dma_start3A_110 = tpu.memref_squeeze %dma_start3A_109 : memref<1x64x2x128xf32, #tpu.memory_space<vmem>> -> memref<64x2x128xf32, #tpu.memory_space<vmem>>
        %dma_start3A_111 = arith.constant 0 : i32
        %dma_start3A_112 = arith.constant 0 : i32
        %dma_start3A_113 = tpu.memref_slice %arg4[%add3A_104, %dma_start3A_111, %dma_start3A_112] : memref<10240x2x128xf32, #tpu.memory_space<hbm>> -> memref<64x2x128xf32, #tpu.memory_space<hbm>>
        %dma_start3A_114 = arith.constant 0 : i32
        %dma_start3A_115 = arith.constant 0 : i32
        %dma_start3A_116 = tpu.memref_slice %arg4[%add3A_104, %dma_start3A_114, %dma_start3A_115] : memref<10240x2x128xf32, #tpu.memory_space<hbm>> -> memref<64x2x128xf32, #tpu.memory_space<hbm>>
        %dma_start3A_117 = arith.constant 0 : i32
        %dma_start3A_118 = arith.constant 0 : i32
        %dma_start3A_119 = arith.constant 0 : i32
        %dma_start3A_120 = tpu.memref_slice %arg9[%run_scoped3A_105, %dma_start3A_117, %dma_start3A_118, %dma_start3A_119] : memref<2x64x2x128xf32, #tpu.memory_space<vmem>> -> memref<1x64x2x128xf32, #tpu.memory_space<vmem>>
        %dma_start3A_121 = tpu.memref_squeeze %dma_start3A_120 : memref<1x64x2x128xf32, #tpu.memory_space<vmem>> -> memref<64x2x128xf32, #tpu.memory_space<vmem>>
        tpu.enqueue_dma source(%dma_start3A_121 : memref<64x2x128xf32, #tpu.memory_space<vmem>>) target(%dma_start3A_116 : memref<64x2x128xf32, #tpu.memory_space<hbm>>) target_semaphore(%run_scoped3A_106 : memref<!tpu.dma_semaphore, #tpu.memory_space<semaphore_mem>>)
        %dma_wait3A = arith.constant 0 : i32
        %dma_wait3A_122 = arith.constant 0 : i32
        %dma_wait3A_123 = arith.constant 0 : i32
        %dma_wait3A_124 = tpu.memref_slice %arg9[%run_scoped3A_105, %dma_wait3A, %dma_wait3A_122, %dma_wait3A_123] : memref<2x64x2x128xf32, #tpu.memory_space<vmem>> -> memref<1x64x2x128xf32, #tpu.memory_space<vmem>>
        %dma_wait3A_125 = tpu.memref_squeeze %dma_wait3A_124 : memref<1x64x2x128xf32, #tpu.memory_space<vmem>> -> memref<64x2x128xf32, #tpu.memory_space<vmem>>
        %dma_wait3A_126 = arith.constant 0 : i32
        %dma_wait3A_127 = arith.constant 0 : i32
        %dma_wait3A_128 = tpu.memref_slice %arg4[%add3A_104, %dma_wait3A_126, %dma_wait3A_127] : memref<10240x2x128xf32, #tpu.memory_space<hbm>> -> memref<64x2x128xf32, #tpu.memory_space<hbm>>
        %dma_wait3A_129 = arith.constant 0 : i32
        %dma_wait3A_130 = arith.constant 0 : i32
        %dma_wait3A_131 = tpu.memref_slice %arg4[%add3A_104, %dma_wait3A_129, %dma_wait3A_130] : memref<10240x2x128xf32, #tpu.memory_space<hbm>> -> memref<64x2x128xf32, #tpu.memory_space<hbm>>
        %dma_wait3A_132 = arith.constant 0 : i32
        %dma_wait3A_133 = arith.constant 0 : i32
        %dma_wait3A_134 = arith.constant 0 : i32
        %dma_wait3A_135 = tpu.memref_slice %arg9[%run_scoped3A_105, %dma_wait3A_132, %dma_wait3A_133, %dma_wait3A_134] : memref<2x64x2x128xf32, #tpu.memory_space<vmem>> -> memref<1x64x2x128xf32, #tpu.memory_space<vmem>>
        %dma_wait3A_136 = tpu.memref_squeeze %dma_wait3A_135 : memref<1x64x2x128xf32, #tpu.memory_space<vmem>> -> memref<64x2x128xf32, #tpu.memory_space<vmem>>
        tpu.wait_dma2 semaphore(%run_scoped3A_106 : memref<!tpu.dma_semaphore, #tpu.memory_space<semaphore_mem>>) src(%dma_wait3A_136 : memref<64x2x128xf32, #tpu.memory_space<vmem>>) dst(%dma_wait3A_131 : memref<64x2x128xf32, #tpu.memory_space<hbm>>)
        tpu.yield
      }) : () -> ()
    }
    %scan3A_95 = arith.constant 5 : i32
    %scan3A_96 = arith.constant 1 : i32
    return
  }
}

#map = affine_map<(d0, d1) -> (0, 0, 0)>
#map1 = affine_map<(d0, d1) -> (0)>
module attributes {stable_mosaic.version = 14 : i64} {
  func.func @seg(%arg0: i32, %arg1: i32, %arg2: memref<10000x4x128xf32, #tpu.memory_space<hbm>>, %arg3: memref<161792xi32, #tpu.memory_space<hbm>>, %arg4: memref<10240x4x128xf32, #tpu.memory_space<hbm>>, %arg5: memref<2688x4x128xf32, #tpu.memory_space<vmem_shared>>, %arg6: memref<10112xi32, #tpu.memory_space<vmem>>, %arg7: memref<2x32xi32, #tpu.memory_space<vmem>>, %arg8: memref<2x32xi32, #tpu.memory_space<vmem>>, %arg9: memref<2x32x4x128xf32, #tpu.memory_space<vmem>>, %arg10: memref<!tpu.dma_semaphore, #tpu.memory_space<semaphore_mem>>, %arg11: memref<!tpu.dma_semaphore, #tpu.memory_space<semaphore_mem>>) attributes {dimension_semantics = [#tpu.dimension_semantics<core_parallel>, #tpu.dimension_semantics<subcore_parallel>], iteration_bounds = array<i64: 2, 16>, scalar_prefetch = 0 : i64, scratch_operands = 7 : i64, tpu.core_type = #tpu.core_type<sc_vector_subcore>, window_params = [{transform_indices = #map}, {transform_indices = #map1}, {transform_indices = #map}]} {
    %scan3A = arith.constant 0 : i32
    %scan3A_0 = arith.constant 0 : i32
    %scan3A_1 = arith.constant 2 : i32
    %scan3A_2 = arith.addi %scan3A_0, %scan3A_1 : i32
    %scan3A_3 = arith.constant 1 : i32
    scf.for %scan3A_5 = %scan3A_0 to %scan3A_2 step %scan3A_3  : i32 {
      %mul3A = arith.constant 2 : i32
      %mul3A_6 = arith.muli %scan3A_5, %mul3A : i32
      %add3A = arith.addi %mul3A_6, %arg0 : i32
      %mul3A_7 = arith.constant 2560 : i32
      %mul3A_8 = arith.muli %add3A, %mul3A_7 : i32
      %barrier3A = arith.constant 0 : index
      tpu.barrier barrier_id(%barrier3A)
      %scan3A_9 = arith.constant 0 : i32
      %scan3A_10 = arith.constant 0 : i32
      %scan3A_11 = arith.constant 32 : i32
      %scan3A_12 = arith.addi %scan3A_10, %scan3A_11 : i32
      %scan3A_13 = arith.constant 1 : i32
      scf.for %scan3A_101 = %scan3A_10 to %scan3A_12 step %scan3A_13  : i32 {
        %broadcast_in_dim3A = arith.constant 0.000000e+00 : f32
        %broadcast_in_dim3A_102 = vector.broadcast %broadcast_in_dim3A : f32 to vector<16xf32>
        %swap3A = arith.constant 0 : i32
        %swap3A_103 = arith.constant 0 : i32
        %swap3A_104 = arith.index_cast %swap3A : i32 to index
        %swap3A_105 = arith.index_cast %scan3A_101 : i32 to index
        %swap3A_106 = arith.index_cast %swap3A_103 : i32 to index
        %swap3A_107 = arith.constant 0 : index
        %swap3A_108 = tpu.vector_load %arg9[%swap3A_104, %swap3A_105, %swap3A_106, %swap3A_107] {strides = array<i32>} : memref<2x32x4x128xf32, #tpu.memory_space<vmem>>, vector<16xf32>,
        tpu.vector_store %arg9[%swap3A_104, %swap3A_105, %swap3A_106, %swap3A_107], %broadcast_in_dim3A_102 {strides = array<i32>} : memref<2x32x4x128xf32, #tpu.memory_space<vmem>>, vector<16xf32>,
        %broadcast_in_dim3A_109 = arith.constant 0.000000e+00 : f32
        %broadcast_in_dim3A_110 = vector.broadcast %broadcast_in_dim3A_109 : f32 to vector<16xf32>
        %swap3A_111 = arith.constant 0 : i32
        %swap3A_112 = arith.constant 0 : i32
        %swap3A_113 = arith.index_cast %swap3A_111 : i32 to index
        %swap3A_114 = arith.index_cast %scan3A_101 : i32 to index
        %swap3A_115 = arith.index_cast %swap3A_112 : i32 to index
        %swap3A_116 = arith.constant 16 : index
        %swap3A_117 = tpu.vector_load %arg9[%swap3A_113, %swap3A_114, %swap3A_115, %swap3A_116] {strides = array<i32>} : memref<2x32x4x128xf32, #tpu.memory_space<vmem>>, vector<16xf32>,
        tpu.vector_store %arg9[%swap3A_113, %swap3A_114, %swap3A_115, %swap3A_116], %broadcast_in_dim3A_110 {strides = array<i32>} : memref<2x32x4x128xf32, #tpu.memory_space<vmem>>, vector<16xf32>,
        %broadcast_in_dim3A_118 = arith.constant 0.000000e+00 : f32
        %broadcast_in_dim3A_119 = vector.broadcast %broadcast_in_dim3A_118 : f32 to vector<16xf32>
        %swap3A_120 = arith.constant 0 : i32
        %swap3A_121 = arith.constant 0 : i32
        %swap3A_122 = arith.index_cast %swap3A_120 : i32 to index
        %swap3A_123 = arith.index_cast %scan3A_101 : i32 to index
        %swap3A_124 = arith.index_cast %swap3A_121 : i32 to index
        %swap3A_125 = arith.constant 32 : index
        %swap3A_126 = tpu.vector_load %arg9[%swap3A_122, %swap3A_123, %swap3A_124, %swap3A_125] {strides = array<i32>} : memref<2x32x4x128xf32, #tpu.memory_space<vmem>>, vector<16xf32>,
        tpu.vector_store %arg9[%swap3A_122, %swap3A_123, %swap3A_124, %swap3A_125], %broadcast_in_dim3A_119 {strides = array<i32>} : memref<2x32x4x128xf32, #tpu.memory_space<vmem>>, vector<16xf32>,
        %broadcast_in_dim3A_127 = arith.constant 0.000000e+00 : f32
        %broadcast_in_dim3A_128 = vector.broadcast %broadcast_in_dim3A_127 : f32 to vector<16xf32>
        %swap3A_129 = arith.constant 0 : i32
        %swap3A_130 = arith.constant 0 : i32
        %swap3A_131 = arith.index_cast %swap3A_129 : i32 to index
        %swap3A_132 = arith.index_cast %scan3A_101 : i32 to index
        %swap3A_133 = arith.index_cast %swap3A_130 : i32 to index
        %swap3A_134 = arith.constant 48 : index
        %swap3A_135 = tpu.vector_load %arg9[%swap3A_131, %swap3A_132, %swap3A_133, %swap3A_134] {strides = array<i32>} : memref<2x32x4x128xf32, #tpu.memory_space<vmem>>, vector<16xf32>,
        tpu.vector_store %arg9[%swap3A_131, %swap3A_132, %swap3A_133, %swap3A_134], %broadcast_in_dim3A_128 {strides = array<i32>} : memref<2x32x4x128xf32, #tpu.memory_space<vmem>>, vector<16xf32>,
        %broadcast_in_dim3A_136 = arith.constant 0.000000e+00 : f32
        %broadcast_in_dim3A_137 = vector.broadcast %broadcast_in_dim3A_136 : f32 to vector<16xf32>
        %swap3A_138 = arith.constant 0 : i32
        %swap3A_139 = arith.constant 0 : i32
        %swap3A_140 = arith.index_cast %swap3A_138 : i32 to index
        %swap3A_141 = arith.index_cast %scan3A_101 : i32 to index
        %swap3A_142 = arith.index_cast %swap3A_139 : i32 to index
        %swap3A_143 = arith.constant 64 : index
        %swap3A_144 = tpu.vector_load %arg9[%swap3A_140, %swap3A_141, %swap3A_142, %swap3A_143] {strides = array<i32>} : memref<2x32x4x128xf32, #tpu.memory_space<vmem>>, vector<16xf32>,
        tpu.vector_store %arg9[%swap3A_140, %swap3A_141, %swap3A_142, %swap3A_143], %broadcast_in_dim3A_137 {strides = array<i32>} : memref<2x32x4x128xf32, #tpu.memory_space<vmem>>, vector<16xf32>,
        %broadcast_in_dim3A_145 = arith.constant 0.000000e+00 : f32
        %broadcast_in_dim3A_146 = vector.broadcast %broadcast_in_dim3A_145 : f32 to vector<16xf32>
        %swap3A_147 = arith.constant 0 : i32
        %swap3A_148 = arith.constant 0 : i32
        %swap3A_149 = arith.index_cast %swap3A_147 : i32 to index
        %swap3A_150 = arith.index_cast %scan3A_101 : i32 to index
        %swap3A_151 = arith.index_cast %swap3A_148 : i32 to index
        %swap3A_152 = arith.constant 80 : index
        %swap3A_153 = tpu.vector_load %arg9[%swap3A_149, %swap3A_150, %swap3A_151, %swap3A_152] {strides = array<i32>} : memref<2x32x4x128xf32, #tpu.memory_space<vmem>>, vector<16xf32>,
        tpu.vector_store %arg9[%swap3A_149, %swap3A_150, %swap3A_151, %swap3A_152], %broadcast_in_dim3A_146 {strides = array<i32>} : memref<2x32x4x128xf32, #tpu.memory_space<vmem>>, vector<16xf32>,
        %broadcast_in_dim3A_154 = arith.constant 0.000000e+00 : f32
        %broadcast_in_dim3A_155 = vector.broadcast %broadcast_in_dim3A_154 : f32 to vector<16xf32>
        %swap3A_156 = arith.constant 0 : i32
        %swap3A_157 = arith.constant 0 : i32
        %swap3A_158 = arith.index_cast %swap3A_156 : i32 to index
        %swap3A_159 = arith.index_cast %scan3A_101 : i32 to index
        %swap3A_160 = arith.index_cast %swap3A_157 : i32 to index
        %swap3A_161 = arith.constant 96 : index
        %swap3A_162 = tpu.vector_load %arg9[%swap3A_158, %swap3A_159, %swap3A_160, %swap3A_161] {strides = array<i32>} : memref<2x32x4x128xf32, #tpu.memory_space<vmem>>, vector<16xf32>,
        tpu.vector_store %arg9[%swap3A_158, %swap3A_159, %swap3A_160, %swap3A_161], %broadcast_in_dim3A_155 {strides = array<i32>} : memref<2x32x4x128xf32, #tpu.memory_space<vmem>>, vector<16xf32>,
        %broadcast_in_dim3A_163 = arith.constant 0.000000e+00 : f32
        %broadcast_in_dim3A_164 = vector.broadcast %broadcast_in_dim3A_163 : f32 to vector<16xf32>
        %swap3A_165 = arith.constant 0 : i32
        %swap3A_166 = arith.constant 0 : i32
        %swap3A_167 = arith.index_cast %swap3A_165 : i32 to index
        %swap3A_168 = arith.index_cast %scan3A_101 : i32 to index
        %swap3A_169 = arith.index_cast %swap3A_166 : i32 to index
        %swap3A_170 = arith.constant 112 : index
        %swap3A_171 = tpu.vector_load %arg9[%swap3A_167, %swap3A_168, %swap3A_169, %swap3A_170] {strides = array<i32>} : memref<2x32x4x128xf32, #tpu.memory_space<vmem>>, vector<16xf32>,
        tpu.vector_store %arg9[%swap3A_167, %swap3A_168, %swap3A_169, %swap3A_170], %broadcast_in_dim3A_164 {strides = array<i32>} : memref<2x32x4x128xf32, #tpu.memory_space<vmem>>, vector<16xf32>,
        %broadcast_in_dim3A_172 = arith.constant 0.000000e+00 : f32
        %broadcast_in_dim3A_173 = vector.broadcast %broadcast_in_dim3A_172 : f32 to vector<16xf32>
        %swap3A_174 = arith.constant 0 : i32
        %swap3A_175 = arith.constant 1 : i32
        %swap3A_176 = arith.index_cast %swap3A_174 : i32 to index
        %swap3A_177 = arith.index_cast %scan3A_101 : i32 to index
        %swap3A_178 = arith.index_cast %swap3A_175 : i32 to index
        %swap3A_179 = arith.constant 0 : index
        %swap3A_180 = tpu.vector_load %arg9[%swap3A_176, %swap3A_177, %swap3A_178, %swap3A_179] {strides = array<i32>} : memref<2x32x4x128xf32, #tpu.memory_space<vmem>>, vector<16xf32>,
        tpu.vector_store %arg9[%swap3A_176, %swap3A_177, %swap3A_178, %swap3A_179], %broadcast_in_dim3A_173 {strides = array<i32>} : memref<2x32x4x128xf32, #tpu.memory_space<vmem>>, vector<16xf32>,
        %broadcast_in_dim3A_181 = arith.constant 0.000000e+00 : f32
        %broadcast_in_dim3A_182 = vector.broadcast %broadcast_in_dim3A_181 : f32 to vector<16xf32>
        %swap3A_183 = arith.constant 0 : i32
        %swap3A_184 = arith.constant 1 : i32
        %swap3A_185 = arith.index_cast %swap3A_183 : i32 to index
        %swap3A_186 = arith.index_cast %scan3A_101 : i32 to index
        %swap3A_187 = arith.index_cast %swap3A_184 : i32 to index
        %swap3A_188 = arith.constant 16 : index
        %swap3A_189 = tpu.vector_load %arg9[%swap3A_185, %swap3A_186, %swap3A_187, %swap3A_188] {strides = array<i32>} : memref<2x32x4x128xf32, #tpu.memory_space<vmem>>, vector<16xf32>,
        tpu.vector_store %arg9[%swap3A_185, %swap3A_186, %swap3A_187, %swap3A_188], %broadcast_in_dim3A_182 {strides = array<i32>} : memref<2x32x4x128xf32, #tpu.memory_space<vmem>>, vector<16xf32>,
        %broadcast_in_dim3A_190 = arith.constant 0.000000e+00 : f32
        %broadcast_in_dim3A_191 = vector.broadcast %broadcast_in_dim3A_190 : f32 to vector<16xf32>
        %swap3A_192 = arith.constant 0 : i32
        %swap3A_193 = arith.constant 1 : i32
        %swap3A_194 = arith.index_cast %swap3A_192 : i32 to index
        %swap3A_195 = arith.index_cast %scan3A_101 : i32 to index
        %swap3A_196 = arith.index_cast %swap3A_193 : i32 to index
        %swap3A_197 = arith.constant 32 : index
        %swap3A_198 = tpu.vector_load %arg9[%swap3A_194, %swap3A_195, %swap3A_196, %swap3A_197] {strides = array<i32>} : memref<2x32x4x128xf32, #tpu.memory_space<vmem>>, vector<16xf32>,
        tpu.vector_store %arg9[%swap3A_194, %swap3A_195, %swap3A_196, %swap3A_197], %broadcast_in_dim3A_191 {strides = array<i32>} : memref<2x32x4x128xf32, #tpu.memory_space<vmem>>, vector<16xf32>,
        %broadcast_in_dim3A_199 = arith.constant 0.000000e+00 : f32
        %broadcast_in_dim3A_200 = vector.broadcast %broadcast_in_dim3A_199 : f32 to vector<16xf32>
        %swap3A_201 = arith.constant 0 : i32
        %swap3A_202 = arith.constant 1 : i32
        %swap3A_203 = arith.index_cast %swap3A_201 : i32 to index
        %swap3A_204 = arith.index_cast %scan3A_101 : i32 to index
        %swap3A_205 = arith.index_cast %swap3A_202 : i32 to index
        %swap3A_206 = arith.constant 48 : index
        %swap3A_207 = tpu.vector_load %arg9[%swap3A_203, %swap3A_204, %swap3A_205, %swap3A_206] {strides = array<i32>} : memref<2x32x4x128xf32, #tpu.memory_space<vmem>>, vector<16xf32>,
        tpu.vector_store %arg9[%swap3A_203, %swap3A_204, %swap3A_205, %swap3A_206], %broadcast_in_dim3A_200 {strides = array<i32>} : memref<2x32x4x128xf32, #tpu.memory_space<vmem>>, vector<16xf32>,
        %broadcast_in_dim3A_208 = arith.constant 0.000000e+00 : f32
        %broadcast_in_dim3A_209 = vector.broadcast %broadcast_in_dim3A_208 : f32 to vector<16xf32>
        %swap3A_210 = arith.constant 0 : i32
        %swap3A_211 = arith.constant 1 : i32
        %swap3A_212 = arith.index_cast %swap3A_210 : i32 to index
        %swap3A_213 = arith.index_cast %scan3A_101 : i32 to index
        %swap3A_214 = arith.index_cast %swap3A_211 : i32 to index
        %swap3A_215 = arith.constant 64 : index
        %swap3A_216 = tpu.vector_load %arg9[%swap3A_212, %swap3A_213, %swap3A_214, %swap3A_215] {strides = array<i32>} : memref<2x32x4x128xf32, #tpu.memory_space<vmem>>, vector<16xf32>,
        tpu.vector_store %arg9[%swap3A_212, %swap3A_213, %swap3A_214, %swap3A_215], %broadcast_in_dim3A_209 {strides = array<i32>} : memref<2x32x4x128xf32, #tpu.memory_space<vmem>>, vector<16xf32>,
        %broadcast_in_dim3A_217 = arith.constant 0.000000e+00 : f32
        %broadcast_in_dim3A_218 = vector.broadcast %broadcast_in_dim3A_217 : f32 to vector<16xf32>
        %swap3A_219 = arith.constant 0 : i32
        %swap3A_220 = arith.constant 1 : i32
        %swap3A_221 = arith.index_cast %swap3A_219 : i32 to index
        %swap3A_222 = arith.index_cast %scan3A_101 : i32 to index
        %swap3A_223 = arith.index_cast %swap3A_220 : i32 to index
        %swap3A_224 = arith.constant 80 : index
        %swap3A_225 = tpu.vector_load %arg9[%swap3A_221, %swap3A_222, %swap3A_223, %swap3A_224] {strides = array<i32>} : memref<2x32x4x128xf32, #tpu.memory_space<vmem>>, vector<16xf32>,
        tpu.vector_store %arg9[%swap3A_221, %swap3A_222, %swap3A_223, %swap3A_224], %broadcast_in_dim3A_218 {strides = array<i32>} : memref<2x32x4x128xf32, #tpu.memory_space<vmem>>, vector<16xf32>,
        %broadcast_in_dim3A_226 = arith.constant 0.000000e+00 : f32
        %broadcast_in_dim3A_227 = vector.broadcast %broadcast_in_dim3A_226 : f32 to vector<16xf32>
        %swap3A_228 = arith.constant 0 : i32
        %swap3A_229 = arith.constant 1 : i32
        %swap3A_230 = arith.index_cast %swap3A_228 : i32 to index
        %swap3A_231 = arith.index_cast %scan3A_101 : i32 to index
        %swap3A_232 = arith.index_cast %swap3A_229 : i32 to index
        %swap3A_233 = arith.constant 96 : index
        %swap3A_234 = tpu.vector_load %arg9[%swap3A_230, %swap3A_231, %swap3A_232, %swap3A_233] {strides = array<i32>} : memref<2x32x4x128xf32, #tpu.memory_space<vmem>>, vector<16xf32>,
        tpu.vector_store %arg9[%swap3A_230, %swap3A_231, %swap3A_232, %swap3A_233], %broadcast_in_dim3A_227 {strides = array<i32>} : memref<2x32x4x128xf32, #tpu.memory_space<vmem>>, vector<16xf32>,
        %broadcast_in_dim3A_235 = arith.constant 0.000000e+00 : f32
        %broadcast_in_dim3A_236 = vector.broadcast %broadcast_in_dim3A_235 : f32 to vector<16xf32>
        %swap3A_237 = arith.constant 0 : i32
        %swap3A_238 = arith.constant 1 : i32
        %swap3A_239 = arith.index_cast %swap3A_237 : i32 to index
        %swap3A_240 = arith.index_cast %scan3A_101 : i32 to index
        %swap3A_241 = arith.index_cast %swap3A_238 : i32 to index
        %swap3A_242 = arith.constant 112 : index
        %swap3A_243 = tpu.vector_load %arg9[%swap3A_239, %swap3A_240, %swap3A_241, %swap3A_242] {strides = array<i32>} : memref<2x32x4x128xf32, #tpu.memory_space<vmem>>, vector<16xf32>,
        tpu.vector_store %arg9[%swap3A_239, %swap3A_240, %swap3A_241, %swap3A_242], %broadcast_in_dim3A_236 {strides = array<i32>} : memref<2x32x4x128xf32, #tpu.memory_space<vmem>>, vector<16xf32>,
        %broadcast_in_dim3A_244 = arith.constant 0.000000e+00 : f32
        %broadcast_in_dim3A_245 = vector.broadcast %broadcast_in_dim3A_244 : f32 to vector<16xf32>
        %swap3A_246 = arith.constant 0 : i32
        %swap3A_247 = arith.constant 2 : i32
        %swap3A_248 = arith.index_cast %swap3A_246 : i32 to index
        %swap3A_249 = arith.index_cast %scan3A_101 : i32 to index
        %swap3A_250 = arith.index_cast %swap3A_247 : i32 to index
        %swap3A_251 = arith.constant 0 : index
        %swap3A_252 = tpu.vector_load %arg9[%swap3A_248, %swap3A_249, %swap3A_250, %swap3A_251] {strides = array<i32>} : memref<2x32x4x128xf32, #tpu.memory_space<vmem>>, vector<16xf32>,
        tpu.vector_store %arg9[%swap3A_248, %swap3A_249, %swap3A_250, %swap3A_251], %broadcast_in_dim3A_245 {strides = array<i32>} : memref<2x32x4x128xf32, #tpu.memory_space<vmem>>, vector<16xf32>,
        %broadcast_in_dim3A_253 = arith.constant 0.000000e+00 : f32
        %broadcast_in_dim3A_254 = vector.broadcast %broadcast_in_dim3A_253 : f32 to vector<16xf32>
        %swap3A_255 = arith.constant 0 : i32
        %swap3A_256 = arith.constant 2 : i32
        %swap3A_257 = arith.index_cast %swap3A_255 : i32 to index
        %swap3A_258 = arith.index_cast %scan3A_101 : i32 to index
        %swap3A_259 = arith.index_cast %swap3A_256 : i32 to index
        %swap3A_260 = arith.constant 16 : index
        %swap3A_261 = tpu.vector_load %arg9[%swap3A_257, %swap3A_258, %swap3A_259, %swap3A_260] {strides = array<i32>} : memref<2x32x4x128xf32, #tpu.memory_space<vmem>>, vector<16xf32>,
        tpu.vector_store %arg9[%swap3A_257, %swap3A_258, %swap3A_259, %swap3A_260], %broadcast_in_dim3A_254 {strides = array<i32>} : memref<2x32x4x128xf32, #tpu.memory_space<vmem>>, vector<16xf32>,
        %broadcast_in_dim3A_262 = arith.constant 0.000000e+00 : f32
        %broadcast_in_dim3A_263 = vector.broadcast %broadcast_in_dim3A_262 : f32 to vector<16xf32>
        %swap3A_264 = arith.constant 0 : i32
        %swap3A_265 = arith.constant 2 : i32
        %swap3A_266 = arith.index_cast %swap3A_264 : i32 to index
        %swap3A_267 = arith.index_cast %scan3A_101 : i32 to index
        %swap3A_268 = arith.index_cast %swap3A_265 : i32 to index
        %swap3A_269 = arith.constant 32 : index
        %swap3A_270 = tpu.vector_load %arg9[%swap3A_266, %swap3A_267, %swap3A_268, %swap3A_269] {strides = array<i32>} : memref<2x32x4x128xf32, #tpu.memory_space<vmem>>, vector<16xf32>,
        tpu.vector_store %arg9[%swap3A_266, %swap3A_267, %swap3A_268, %swap3A_269], %broadcast_in_dim3A_263 {strides = array<i32>} : memref<2x32x4x128xf32, #tpu.memory_space<vmem>>, vector<16xf32>,
        %broadcast_in_dim3A_271 = arith.constant 0.000000e+00 : f32
        %broadcast_in_dim3A_272 = vector.broadcast %broadcast_in_dim3A_271 : f32 to vector<16xf32>
        %swap3A_273 = arith.constant 0 : i32
        %swap3A_274 = arith.constant 2 : i32
        %swap3A_275 = arith.index_cast %swap3A_273 : i32 to index
        %swap3A_276 = arith.index_cast %scan3A_101 : i32 to index
        %swap3A_277 = arith.index_cast %swap3A_274 : i32 to index
        %swap3A_278 = arith.constant 48 : index
        %swap3A_279 = tpu.vector_load %arg9[%swap3A_275, %swap3A_276, %swap3A_277, %swap3A_278] {strides = array<i32>} : memref<2x32x4x128xf32, #tpu.memory_space<vmem>>, vector<16xf32>,
        tpu.vector_store %arg9[%swap3A_275, %swap3A_276, %swap3A_277, %swap3A_278], %broadcast_in_dim3A_272 {strides = array<i32>} : memref<2x32x4x128xf32, #tpu.memory_space<vmem>>, vector<16xf32>,
        %broadcast_in_dim3A_280 = arith.constant 0.000000e+00 : f32
        %broadcast_in_dim3A_281 = vector.broadcast %broadcast_in_dim3A_280 : f32 to vector<16xf32>
        %swap3A_282 = arith.constant 0 : i32
        %swap3A_283 = arith.constant 2 : i32
        %swap3A_284 = arith.index_cast %swap3A_282 : i32 to index
        %swap3A_285 = arith.index_cast %scan3A_101 : i32 to index
        %swap3A_286 = arith.index_cast %swap3A_283 : i32 to index
        %swap3A_287 = arith.constant 64 : index
        %swap3A_288 = tpu.vector_load %arg9[%swap3A_284, %swap3A_285, %swap3A_286, %swap3A_287] {strides = array<i32>} : memref<2x32x4x128xf32, #tpu.memory_space<vmem>>, vector<16xf32>,
        tpu.vector_store %arg9[%swap3A_284, %swap3A_285, %swap3A_286, %swap3A_287], %broadcast_in_dim3A_281 {strides = array<i32>} : memref<2x32x4x128xf32, #tpu.memory_space<vmem>>, vector<16xf32>,
        %broadcast_in_dim3A_289 = arith.constant 0.000000e+00 : f32
        %broadcast_in_dim3A_290 = vector.broadcast %broadcast_in_dim3A_289 : f32 to vector<16xf32>
        %swap3A_291 = arith.constant 0 : i32
        %swap3A_292 = arith.constant 2 : i32
        %swap3A_293 = arith.index_cast %swap3A_291 : i32 to index
        %swap3A_294 = arith.index_cast %scan3A_101 : i32 to index
        %swap3A_295 = arith.index_cast %swap3A_292 : i32 to index
        %swap3A_296 = arith.constant 80 : index
        %swap3A_297 = tpu.vector_load %arg9[%swap3A_293, %swap3A_294, %swap3A_295, %swap3A_296] {strides = array<i32>} : memref<2x32x4x128xf32, #tpu.memory_space<vmem>>, vector<16xf32>,
        tpu.vector_store %arg9[%swap3A_293, %swap3A_294, %swap3A_295, %swap3A_296], %broadcast_in_dim3A_290 {strides = array<i32>} : memref<2x32x4x128xf32, #tpu.memory_space<vmem>>, vector<16xf32>,
        %broadcast_in_dim3A_298 = arith.constant 0.000000e+00 : f32
        %broadcast_in_dim3A_299 = vector.broadcast %broadcast_in_dim3A_298 : f32 to vector<16xf32>
        %swap3A_300 = arith.constant 0 : i32
        %swap3A_301 = arith.constant 2 : i32
        %swap3A_302 = arith.index_cast %swap3A_300 : i32 to index
        %swap3A_303 = arith.index_cast %scan3A_101 : i32 to index
        %swap3A_304 = arith.index_cast %swap3A_301 : i32 to index
        %swap3A_305 = arith.constant 96 : index
        %swap3A_306 = tpu.vector_load %arg9[%swap3A_302, %swap3A_303, %swap3A_304, %swap3A_305] {strides = array<i32>} : memref<2x32x4x128xf32, #tpu.memory_space<vmem>>, vector<16xf32>,
        tpu.vector_store %arg9[%swap3A_302, %swap3A_303, %swap3A_304, %swap3A_305], %broadcast_in_dim3A_299 {strides = array<i32>} : memref<2x32x4x128xf32, #tpu.memory_space<vmem>>, vector<16xf32>,
        %broadcast_in_dim3A_307 = arith.constant 0.000000e+00 : f32
        %broadcast_in_dim3A_308 = vector.broadcast %broadcast_in_dim3A_307 : f32 to vector<16xf32>
        %swap3A_309 = arith.constant 0 : i32
        %swap3A_310 = arith.constant 2 : i32
        %swap3A_311 = arith.index_cast %swap3A_309 : i32 to index
        %swap3A_312 = arith.index_cast %scan3A_101 : i32 to index
        %swap3A_313 = arith.index_cast %swap3A_310 : i32 to index
        %swap3A_314 = arith.constant 112 : index
        %swap3A_315 = tpu.vector_load %arg9[%swap3A_311, %swap3A_312, %swap3A_313, %swap3A_314] {strides = array<i32>} : memref<2x32x4x128xf32, #tpu.memory_space<vmem>>, vector<16xf32>,
        tpu.vector_store %arg9[%swap3A_311, %swap3A_312, %swap3A_313, %swap3A_314], %broadcast_in_dim3A_308 {strides = array<i32>} : memref<2x32x4x128xf32, #tpu.memory_space<vmem>>, vector<16xf32>,
        %broadcast_in_dim3A_316 = arith.constant 0.000000e+00 : f32
        %broadcast_in_dim3A_317 = vector.broadcast %broadcast_in_dim3A_316 : f32 to vector<16xf32>
        %swap3A_318 = arith.constant 0 : i32
        %swap3A_319 = arith.constant 3 : i32
        %swap3A_320 = arith.index_cast %swap3A_318 : i32 to index
        %swap3A_321 = arith.index_cast %scan3A_101 : i32 to index
        %swap3A_322 = arith.index_cast %swap3A_319 : i32 to index
        %swap3A_323 = arith.constant 0 : index
        %swap3A_324 = tpu.vector_load %arg9[%swap3A_320, %swap3A_321, %swap3A_322, %swap3A_323] {strides = array<i32>} : memref<2x32x4x128xf32, #tpu.memory_space<vmem>>, vector<16xf32>,
        tpu.vector_store %arg9[%swap3A_320, %swap3A_321, %swap3A_322, %swap3A_323], %broadcast_in_dim3A_317 {strides = array<i32>} : memref<2x32x4x128xf32, #tpu.memory_space<vmem>>, vector<16xf32>,
        %broadcast_in_dim3A_325 = arith.constant 0.000000e+00 : f32
        %broadcast_in_dim3A_326 = vector.broadcast %broadcast_in_dim3A_325 : f32 to vector<16xf32>
        %swap3A_327 = arith.constant 0 : i32
        %swap3A_328 = arith.constant 3 : i32
        %swap3A_329 = arith.index_cast %swap3A_327 : i32 to index
        %swap3A_330 = arith.index_cast %scan3A_101 : i32 to index
        %swap3A_331 = arith.index_cast %swap3A_328 : i32 to index
        %swap3A_332 = arith.constant 16 : index
        %swap3A_333 = tpu.vector_load %arg9[%swap3A_329, %swap3A_330, %swap3A_331, %swap3A_332] {strides = array<i32>} : memref<2x32x4x128xf32, #tpu.memory_space<vmem>>, vector<16xf32>,
        tpu.vector_store %arg9[%swap3A_329, %swap3A_330, %swap3A_331, %swap3A_332], %broadcast_in_dim3A_326 {strides = array<i32>} : memref<2x32x4x128xf32, #tpu.memory_space<vmem>>, vector<16xf32>,
        %broadcast_in_dim3A_334 = arith.constant 0.000000e+00 : f32
        %broadcast_in_dim3A_335 = vector.broadcast %broadcast_in_dim3A_334 : f32 to vector<16xf32>
        %swap3A_336 = arith.constant 0 : i32
        %swap3A_337 = arith.constant 3 : i32
        %swap3A_338 = arith.index_cast %swap3A_336 : i32 to index
        %swap3A_339 = arith.index_cast %scan3A_101 : i32 to index
        %swap3A_340 = arith.index_cast %swap3A_337 : i32 to index
        %swap3A_341 = arith.constant 32 : index
        %swap3A_342 = tpu.vector_load %arg9[%swap3A_338, %swap3A_339, %swap3A_340, %swap3A_341] {strides = array<i32>} : memref<2x32x4x128xf32, #tpu.memory_space<vmem>>, vector<16xf32>,
        tpu.vector_store %arg9[%swap3A_338, %swap3A_339, %swap3A_340, %swap3A_341], %broadcast_in_dim3A_335 {strides = array<i32>} : memref<2x32x4x128xf32, #tpu.memory_space<vmem>>, vector<16xf32>,
        %broadcast_in_dim3A_343 = arith.constant 0.000000e+00 : f32
        %broadcast_in_dim3A_344 = vector.broadcast %broadcast_in_dim3A_343 : f32 to vector<16xf32>
        %swap3A_345 = arith.constant 0 : i32
        %swap3A_346 = arith.constant 3 : i32
        %swap3A_347 = arith.index_cast %swap3A_345 : i32 to index
        %swap3A_348 = arith.index_cast %scan3A_101 : i32 to index
        %swap3A_349 = arith.index_cast %swap3A_346 : i32 to index
        %swap3A_350 = arith.constant 48 : index
        %swap3A_351 = tpu.vector_load %arg9[%swap3A_347, %swap3A_348, %swap3A_349, %swap3A_350] {strides = array<i32>} : memref<2x32x4x128xf32, #tpu.memory_space<vmem>>, vector<16xf32>,
        tpu.vector_store %arg9[%swap3A_347, %swap3A_348, %swap3A_349, %swap3A_350], %broadcast_in_dim3A_344 {strides = array<i32>} : memref<2x32x4x128xf32, #tpu.memory_space<vmem>>, vector<16xf32>,
        %broadcast_in_dim3A_352 = arith.constant 0.000000e+00 : f32
        %broadcast_in_dim3A_353 = vector.broadcast %broadcast_in_dim3A_352 : f32 to vector<16xf32>
        %swap3A_354 = arith.constant 0 : i32
        %swap3A_355 = arith.constant 3 : i32
        %swap3A_356 = arith.index_cast %swap3A_354 : i32 to index
        %swap3A_357 = arith.index_cast %scan3A_101 : i32 to index
        %swap3A_358 = arith.index_cast %swap3A_355 : i32 to index
        %swap3A_359 = arith.constant 64 : index
        %swap3A_360 = tpu.vector_load %arg9[%swap3A_356, %swap3A_357, %swap3A_358, %swap3A_359] {strides = array<i32>} : memref<2x32x4x128xf32, #tpu.memory_space<vmem>>, vector<16xf32>,
        tpu.vector_store %arg9[%swap3A_356, %swap3A_357, %swap3A_358, %swap3A_359], %broadcast_in_dim3A_353 {strides = array<i32>} : memref<2x32x4x128xf32, #tpu.memory_space<vmem>>, vector<16xf32>,
        %broadcast_in_dim3A_361 = arith.constant 0.000000e+00 : f32
        %broadcast_in_dim3A_362 = vector.broadcast %broadcast_in_dim3A_361 : f32 to vector<16xf32>
        %swap3A_363 = arith.constant 0 : i32
        %swap3A_364 = arith.constant 3 : i32
        %swap3A_365 = arith.index_cast %swap3A_363 : i32 to index
        %swap3A_366 = arith.index_cast %scan3A_101 : i32 to index
        %swap3A_367 = arith.index_cast %swap3A_364 : i32 to index
        %swap3A_368 = arith.constant 80 : index
        %swap3A_369 = tpu.vector_load %arg9[%swap3A_365, %swap3A_366, %swap3A_367, %swap3A_368] {strides = array<i32>} : memref<2x32x4x128xf32, #tpu.memory_space<vmem>>, vector<16xf32>,
        tpu.vector_store %arg9[%swap3A_365, %swap3A_366, %swap3A_367, %swap3A_368], %broadcast_in_dim3A_362 {strides = array<i32>} : memref<2x32x4x128xf32, #tpu.memory_space<vmem>>, vector<16xf32>,
        %broadcast_in_dim3A_370 = arith.constant 0.000000e+00 : f32
        %broadcast_in_dim3A_371 = vector.broadcast %broadcast_in_dim3A_370 : f32 to vector<16xf32>
        %swap3A_372 = arith.constant 0 : i32
        %swap3A_373 = arith.constant 3 : i32
        %swap3A_374 = arith.index_cast %swap3A_372 : i32 to index
        %swap3A_375 = arith.index_cast %scan3A_101 : i32 to index
        %swap3A_376 = arith.index_cast %swap3A_373 : i32 to index
        %swap3A_377 = arith.constant 96 : index
        %swap3A_378 = tpu.vector_load %arg9[%swap3A_374, %swap3A_375, %swap3A_376, %swap3A_377] {strides = array<i32>} : memref<2x32x4x128xf32, #tpu.memory_space<vmem>>, vector<16xf32>,
        tpu.vector_store %arg9[%swap3A_374, %swap3A_375, %swap3A_376, %swap3A_377], %broadcast_in_dim3A_371 {strides = array<i32>} : memref<2x32x4x128xf32, #tpu.memory_space<vmem>>, vector<16xf32>,
        %broadcast_in_dim3A_379 = arith.constant 0.000000e+00 : f32
        %broadcast_in_dim3A_380 = vector.broadcast %broadcast_in_dim3A_379 : f32 to vector<16xf32>
        %swap3A_381 = arith.constant 0 : i32
        %swap3A_382 = arith.constant 3 : i32
        %swap3A_383 = arith.index_cast %swap3A_381 : i32 to index
        %swap3A_384 = arith.index_cast %scan3A_101 : i32 to index
        %swap3A_385 = arith.index_cast %swap3A_382 : i32 to index
        %swap3A_386 = arith.constant 112 : index
        %swap3A_387 = tpu.vector_load %arg9[%swap3A_383, %swap3A_384, %swap3A_385, %swap3A_386] {strides = array<i32>} : memref<2x32x4x128xf32, #tpu.memory_space<vmem>>, vector<16xf32>,
        tpu.vector_store %arg9[%swap3A_383, %swap3A_384, %swap3A_385, %swap3A_386], %broadcast_in_dim3A_380 {strides = array<i32>} : memref<2x32x4x128xf32, #tpu.memory_space<vmem>>, vector<16xf32>,
      }
      %scan3A_14 = arith.constant 32 : i32
      %scan3A_15 = arith.constant 0 : i32
      %scan3A_16 = arith.constant 0 : i32
      %scan3A_17 = arith.constant 5 : i32
      %scan3A_18 = arith.addi %scan3A_16, %scan3A_17 : i32
      %scan3A_19 = arith.constant 1 : i32
      scf.for %scan3A_101 = %scan3A_16 to %scan3A_18 step %scan3A_19  : i32 {
        %mul3A_102 = arith.constant 168 : i32
        %mul3A_103 = arith.muli %arg1, %mul3A_102 : i32
        %mul3A_104 = arith.constant 32 : i32
        %mul3A_105 = arith.muli %scan3A_101, %mul3A_104 : i32
        %add3A_106 = arith.addi %mul3A_103, %mul3A_105 : i32
        %run_scoped3A_107 = arith.constant 0 : i32
        "tpu.region"() ({
          %run_scoped3A_108 = tpu.sem_alloc : memref<!tpu.dma_semaphore, #tpu.memory_space<semaphore_mem>>
          %dma_start3A = arith.constant 0 : i32
          %dma_start3A_109 = arith.constant 0 : i32
          %dma_start3A_110 = arith.constant 0 : i32
          %dma_start3A_111 = tpu.memref_slice %arg9[%run_scoped3A_107, %dma_start3A, %dma_start3A_109, %dma_start3A_110] : memref<2x32x4x128xf32, #tpu.memory_space<vmem>> -> memref<1x32x4x128xf32, #tpu.memory_space<vmem>>
          %dma_start3A_112 = tpu.memref_squeeze %dma_start3A_111 : memref<1x32x4x128xf32, #tpu.memory_space<vmem>> -> memref<32x4x128xf32, #tpu.memory_space<vmem>>
          %dma_start3A_113 = arith.constant 0 : i32
          %dma_start3A_114 = arith.constant 0 : i32
          %dma_start3A_115 = arith.constant 0 : i32
          %dma_start3A_116 = tpu.memref_slice %dma_start3A_112[%dma_start3A_113, %dma_start3A_114, %dma_start3A_115] : memref<32x4x128xf32, #tpu.memory_space<vmem>> -> memref<32x4x128xf32, #tpu.memory_space<vmem>>
          %dma_start3A_117 = arith.constant 0 : i32
          %dma_start3A_118 = arith.constant 0 : i32
          %dma_start3A_119 = tpu.memref_slice %arg5[%add3A_106, %dma_start3A_117, %dma_start3A_118] : memref<2688x4x128xf32, #tpu.memory_space<vmem_shared>> -> memref<32x4x128xf32, #tpu.memory_space<vmem_shared>>
          %dma_start3A_120 = arith.constant 0 : i32
          %dma_start3A_121 = arith.constant 0 : i32
          %dma_start3A_122 = tpu.memref_slice %arg5[%add3A_106, %dma_start3A_120, %dma_start3A_121] : memref<2688x4x128xf32, #tpu.memory_space<vmem_shared>> -> memref<32x4x128xf32, #tpu.memory_space<vmem_shared>>
          %dma_start3A_123 = arith.constant 0 : i32
          %dma_start3A_124 = arith.constant 0 : i32
          %dma_start3A_125 = arith.constant 0 : i32
          %dma_start3A_126 = tpu.memref_slice %arg9[%run_scoped3A_107, %dma_start3A_123, %dma_start3A_124, %dma_start3A_125] : memref<2x32x4x128xf32, #tpu.memory_space<vmem>> -> memref<1x32x4x128xf32, #tpu.memory_space<vmem>>
          %dma_start3A_127 = tpu.memref_squeeze %dma_start3A_126 : memref<1x32x4x128xf32, #tpu.memory_space<vmem>> -> memref<32x4x128xf32, #tpu.memory_space<vmem>>
          %dma_start3A_128 = arith.constant 0 : i32
          %dma_start3A_129 = arith.constant 0 : i32
          %dma_start3A_130 = arith.constant 0 : i32
          %dma_start3A_131 = tpu.memref_slice %dma_start3A_127[%dma_start3A_128, %dma_start3A_129, %dma_start3A_130] : memref<32x4x128xf32, #tpu.memory_space<vmem>> -> memref<32x4x128xf32, #tpu.memory_space<vmem>>
          tpu.enqueue_dma source(%dma_start3A_131 : memref<32x4x128xf32, #tpu.memory_space<vmem>>) target(%dma_start3A_122 : memref<32x4x128xf32, #tpu.memory_space<vmem_shared>>) target_semaphore(%run_scoped3A_108 : memref<!tpu.dma_semaphore, #tpu.memory_space<semaphore_mem>>)
          %dma_wait3A = arith.constant 0 : i32
          %dma_wait3A_132 = arith.constant 0 : i32
          %dma_wait3A_133 = arith.constant 0 : i32
          %dma_wait3A_134 = tpu.memref_slice %arg9[%run_scoped3A_107, %dma_wait3A, %dma_wait3A_132, %dma_wait3A_133] : memref<2x32x4x128xf32, #tpu.memory_space<vmem>> -> memref<1x32x4x128xf32, #tpu.memory_space<vmem>>
          %dma_wait3A_135 = tpu.memref_squeeze %dma_wait3A_134 : memref<1x32x4x128xf32, #tpu.memory_space<vmem>> -> memref<32x4x128xf32, #tpu.memory_space<vmem>>
          %dma_wait3A_136 = arith.constant 0 : i32
          %dma_wait3A_137 = arith.constant 0 : i32
          %dma_wait3A_138 = arith.constant 0 : i32
          %dma_wait3A_139 = tpu.memref_slice %dma_wait3A_135[%dma_wait3A_136, %dma_wait3A_137, %dma_wait3A_138] : memref<32x4x128xf32, #tpu.memory_space<vmem>> -> memref<32x4x128xf32, #tpu.memory_space<vmem>>
          %dma_wait3A_140 = arith.constant 0 : i32
          %dma_wait3A_141 = arith.constant 0 : i32
          %dma_wait3A_142 = tpu.memref_slice %arg5[%add3A_106, %dma_wait3A_140, %dma_wait3A_141] : memref<2688x4x128xf32, #tpu.memory_space<vmem_shared>> -> memref<32x4x128xf32, #tpu.memory_space<vmem_shared>>
          %dma_wait3A_143 = arith.constant 0 : i32
          %dma_wait3A_144 = arith.constant 0 : i32
          %dma_wait3A_145 = tpu.memref_slice %arg5[%add3A_106, %dma_wait3A_143, %dma_wait3A_144] : memref<2688x4x128xf32, #tpu.memory_space<vmem_shared>> -> memref<32x4x128xf32, #tpu.memory_space<vmem_shared>>
          %dma_wait3A_146 = arith.constant 0 : i32
          %dma_wait3A_147 = arith.constant 0 : i32
          %dma_wait3A_148 = arith.constant 0 : i32
          %dma_wait3A_149 = tpu.memref_slice %arg9[%run_scoped3A_107, %dma_wait3A_146, %dma_wait3A_147, %dma_wait3A_148] : memref<2x32x4x128xf32, #tpu.memory_space<vmem>> -> memref<1x32x4x128xf32, #tpu.memory_space<vmem>>
          %dma_wait3A_150 = tpu.memref_squeeze %dma_wait3A_149 : memref<1x32x4x128xf32, #tpu.memory_space<vmem>> -> memref<32x4x128xf32, #tpu.memory_space<vmem>>
          %dma_wait3A_151 = arith.constant 0 : i32
          %dma_wait3A_152 = arith.constant 0 : i32
          %dma_wait3A_153 = arith.constant 0 : i32
          %dma_wait3A_154 = tpu.memref_slice %dma_wait3A_150[%dma_wait3A_151, %dma_wait3A_152, %dma_wait3A_153] : memref<32x4x128xf32, #tpu.memory_space<vmem>> -> memref<32x4x128xf32, #tpu.memory_space<vmem>>
          tpu.wait_dma2 semaphore(%run_scoped3A_108 : memref<!tpu.dma_semaphore, #tpu.memory_space<semaphore_mem>>) src(%dma_wait3A_154 : memref<32x4x128xf32, #tpu.memory_space<vmem>>) dst(%dma_wait3A_145 : memref<32x4x128xf32, #tpu.memory_space<vmem_shared>>)
          tpu.yield
        }) : () -> ()
      }
      %scan3A_20 = arith.constant 5 : i32
      %mul3A_21 = arith.constant 168 : i32
      %mul3A_22 = arith.muli %arg1, %mul3A_21 : i32
      %add3A_23 = arith.constant 168 : i32
      %add3A_24 = arith.addi %mul3A_22, %add3A_23 : i32
      %sub3A = arith.constant 8 : i32
      %sub3A_25 = arith.subi %add3A_24, %sub3A : i32
      %run_scoped3A = arith.constant 0 : i32
      "tpu.region"() ({
        %run_scoped3A_101 = tpu.sem_alloc : memref<!tpu.dma_semaphore, #tpu.memory_space<semaphore_mem>>
        %dma_start3A = arith.constant 0 : i32
        %dma_start3A_102 = arith.constant 0 : i32
        %dma_start3A_103 = arith.constant 0 : i32
        %dma_start3A_104 = tpu.memref_slice %arg9[%run_scoped3A, %dma_start3A, %dma_start3A_102, %dma_start3A_103] : memref<2x32x4x128xf32, #tpu.memory_space<vmem>> -> memref<1x32x4x128xf32, #tpu.memory_space<vmem>>
        %dma_start3A_105 = tpu.memref_squeeze %dma_start3A_104 : memref<1x32x4x128xf32, #tpu.memory_space<vmem>> -> memref<32x4x128xf32, #tpu.memory_space<vmem>>
        %dma_start3A_106 = arith.constant 0 : i32
        %dma_start3A_107 = arith.constant 0 : i32
        %dma_start3A_108 = arith.constant 0 : i32
        %dma_start3A_109 = tpu.memref_slice %dma_start3A_105[%dma_start3A_106, %dma_start3A_107, %dma_start3A_108] : memref<32x4x128xf32, #tpu.memory_space<vmem>> -> memref<8x4x128xf32, #tpu.memory_space<vmem>>
        %dma_start3A_110 = arith.constant 0 : i32
        %dma_start3A_111 = arith.constant 0 : i32
        %dma_start3A_112 = tpu.memref_slice %arg5[%sub3A_25, %dma_start3A_110, %dma_start3A_111] : memref<2688x4x128xf32, #tpu.memory_space<vmem_shared>> -> memref<8x4x128xf32, #tpu.memory_space<vmem_shared>>
        %dma_start3A_113 = arith.constant 0 : i32
        %dma_start3A_114 = arith.constant 0 : i32
        %dma_start3A_115 = tpu.memref_slice %arg5[%sub3A_25, %dma_start3A_113, %dma_start3A_114] : memref<2688x4x128xf32, #tpu.memory_space<vmem_shared>> -> memref<8x4x128xf32, #tpu.memory_space<vmem_shared>>
        %dma_start3A_116 = arith.constant 0 : i32
        %dma_start3A_117 = arith.constant 0 : i32
        %dma_start3A_118 = arith.constant 0 : i32
        %dma_start3A_119 = tpu.memref_slice %arg9[%run_scoped3A, %dma_start3A_116, %dma_start3A_117, %dma_start3A_118] : memref<2x32x4x128xf32, #tpu.memory_space<vmem>> -> memref<1x32x4x128xf32, #tpu.memory_space<vmem>>
        %dma_start3A_120 = tpu.memref_squeeze %dma_start3A_119 : memref<1x32x4x128xf32, #tpu.memory_space<vmem>> -> memref<32x4x128xf32, #tpu.memory_space<vmem>>
        %dma_start3A_121 = arith.constant 0 : i32
        %dma_start3A_122 = arith.constant 0 : i32
        %dma_start3A_123 = arith.constant 0 : i32
        %dma_start3A_124 = tpu.memref_slice %dma_start3A_120[%dma_start3A_121, %dma_start3A_122, %dma_start3A_123] : memref<32x4x128xf32, #tpu.memory_space<vmem>> -> memref<8x4x128xf32, #tpu.memory_space<vmem>>
        tpu.enqueue_dma source(%dma_start3A_124 : memref<8x4x128xf32, #tpu.memory_space<vmem>>) target(%dma_start3A_115 : memref<8x4x128xf32, #tpu.memory_space<vmem_shared>>) target_semaphore(%run_scoped3A_101 : memref<!tpu.dma_semaphore, #tpu.memory_space<semaphore_mem>>)
        %dma_wait3A = arith.constant 0 : i32
        %dma_wait3A_125 = arith.constant 0 : i32
        %dma_wait3A_126 = arith.constant 0 : i32
        %dma_wait3A_127 = tpu.memref_slice %arg9[%run_scoped3A, %dma_wait3A, %dma_wait3A_125, %dma_wait3A_126] : memref<2x32x4x128xf32, #tpu.memory_space<vmem>> -> memref<1x32x4x128xf32, #tpu.memory_space<vmem>>
        %dma_wait3A_128 = tpu.memref_squeeze %dma_wait3A_127 : memref<1x32x4x128xf32, #tpu.memory_space<vmem>> -> memref<32x4x128xf32, #tpu.memory_space<vmem>>
        %dma_wait3A_129 = arith.constant 0 : i32
        %dma_wait3A_130 = arith.constant 0 : i32
        %dma_wait3A_131 = arith.constant 0 : i32
        %dma_wait3A_132 = tpu.memref_slice %dma_wait3A_128[%dma_wait3A_129, %dma_wait3A_130, %dma_wait3A_131] : memref<32x4x128xf32, #tpu.memory_space<vmem>> -> memref<8x4x128xf32, #tpu.memory_space<vmem>>
        %dma_wait3A_133 = arith.constant 0 : i32
        %dma_wait3A_134 = arith.constant 0 : i32
        %dma_wait3A_135 = tpu.memref_slice %arg5[%sub3A_25, %dma_wait3A_133, %dma_wait3A_134] : memref<2688x4x128xf32, #tpu.memory_space<vmem_shared>> -> memref<8x4x128xf32, #tpu.memory_space<vmem_shared>>
        %dma_wait3A_136 = arith.constant 0 : i32
        %dma_wait3A_137 = arith.constant 0 : i32
        %dma_wait3A_138 = tpu.memref_slice %arg5[%sub3A_25, %dma_wait3A_136, %dma_wait3A_137] : memref<2688x4x128xf32, #tpu.memory_space<vmem_shared>> -> memref<8x4x128xf32, #tpu.memory_space<vmem_shared>>
        %dma_wait3A_139 = arith.constant 0 : i32
        %dma_wait3A_140 = arith.constant 0 : i32
        %dma_wait3A_141 = arith.constant 0 : i32
        %dma_wait3A_142 = tpu.memref_slice %arg9[%run_scoped3A, %dma_wait3A_139, %dma_wait3A_140, %dma_wait3A_141] : memref<2x32x4x128xf32, #tpu.memory_space<vmem>> -> memref<1x32x4x128xf32, #tpu.memory_space<vmem>>
        %dma_wait3A_143 = tpu.memref_squeeze %dma_wait3A_142 : memref<1x32x4x128xf32, #tpu.memory_space<vmem>> -> memref<32x4x128xf32, #tpu.memory_space<vmem>>
        %dma_wait3A_144 = arith.constant 0 : i32
        %dma_wait3A_145 = arith.constant 0 : i32
        %dma_wait3A_146 = arith.constant 0 : i32
        %dma_wait3A_147 = tpu.memref_slice %dma_wait3A_143[%dma_wait3A_144, %dma_wait3A_145, %dma_wait3A_146] : memref<32x4x128xf32, #tpu.memory_space<vmem>> -> memref<8x4x128xf32, #tpu.memory_space<vmem>>
        tpu.wait_dma2 semaphore(%run_scoped3A_101 : memref<!tpu.dma_semaphore, #tpu.memory_space<semaphore_mem>>) src(%dma_wait3A_147 : memref<8x4x128xf32, #tpu.memory_space<vmem>>) dst(%dma_wait3A_138 : memref<8x4x128xf32, #tpu.memory_space<vmem_shared>>)
        tpu.yield
      }) : () -> ()
      %mul3A_26 = arith.constant 10112 : i32
      %mul3A_27 = arith.muli %arg1, %mul3A_26 : i32
      "tpu.region"() ({
        %run_scoped3A_101 = tpu.sem_alloc : memref<!tpu.dma_semaphore, #tpu.memory_space<semaphore_mem>>
        %dma_start3A = tpu.memref_slice %arg3[%mul3A_27] : memref<161792xi32, #tpu.memory_space<hbm>> -> memref<10112xi32, #tpu.memory_space<hbm>>
        %dma_start3A_102 = tpu.memref_slice %arg3[%mul3A_27] : memref<161792xi32, #tpu.memory_space<hbm>> -> memref<10112xi32, #tpu.memory_space<hbm>>
        tpu.enqueue_dma source(%dma_start3A_102 : memref<10112xi32, #tpu.memory_space<hbm>>) target(%arg6 : memref<10112xi32, #tpu.memory_space<vmem>>) target_semaphore(%run_scoped3A_101 : memref<!tpu.dma_semaphore, #tpu.memory_space<semaphore_mem>>)
        %dma_wait3A = tpu.memref_slice %arg3[%mul3A_27] : memref<161792xi32, #tpu.memory_space<hbm>> -> memref<10112xi32, #tpu.memory_space<hbm>>
        %dma_wait3A_103 = tpu.memref_slice %arg3[%mul3A_27] : memref<161792xi32, #tpu.memory_space<hbm>> -> memref<10112xi32, #tpu.memory_space<hbm>>
        tpu.wait_dma2 semaphore(%run_scoped3A_101 : memref<!tpu.dma_semaphore, #tpu.memory_space<semaphore_mem>>) src(%dma_wait3A_103 : memref<10112xi32, #tpu.memory_space<hbm>>) dst(%arg6 : memref<10112xi32, #tpu.memory_space<vmem>>)
        tpu.yield
      }) : () -> ()
      %scan3A_28 = arith.constant 0 : i32
      %scan3A_29 = arith.constant 0 : i32
      %scan3A_30 = arith.constant 79 : i32
      %scan3A_31 = arith.addi %scan3A_29, %scan3A_30 : i32
      %scan3A_32 = arith.constant 1 : i32
      %scan3A_33 = scf.for %scan3A_101 = %scan3A_29 to %scan3A_31 step %scan3A_32 iter_args(%scan3A_102 = %scan3A_28) -> (i32)  : i32 {
        %mul3A_103 = arith.constant 128 : i32
        %mul3A_104 = arith.muli %scan3A_101, %mul3A_103 : i32
        %add3A_105 = arith.constant 0 : i32
        %add3A_106 = arith.addi %mul3A_104, %add3A_105 : i32
        %get3A = arith.index_cast %add3A_106 : i32 to index
        %get3A_107 = tpu.vector_load %arg6[%get3A] {strides = array<i32>} : memref<10112xi32, #tpu.memory_space<vmem>>, vector<16xi32>,
        %and3A_108 = arith.constant 16383 : i32
        %and3A_109 = vector.broadcast %and3A_108 : i32 to vector<16xi32>
        %and3A_110 = arith.andi %get3A_107, %and3A_109 : vector<16xi32>
        %sub3A_111 = vector.broadcast %mul3A_8 : i32 to vector<16xi32>
        %sub3A_112 = arith.subi %and3A_110, %sub3A_111 : vector<16xi32>
        %not3A = arith.constant dense<-1> : vector<16xi32>
        %not3A_113 = arith.xori %sub3A_112, %not3A : vector<16xi32>
        %sub3A_114 = arith.constant 2560 : i32
        %sub3A_115 = vector.broadcast %sub3A_114 : i32 to vector<16xi32>
        %sub3A_116 = arith.subi %sub3A_112, %sub3A_115 : vector<16xi32>
        %and3A_117 = arith.andi %not3A_113, %sub3A_116 : vector<16xi32>
        %shift_right_logical3A = arith.constant 31 : i32
        %shift_right_logical3A_118 = vector.broadcast %shift_right_logical3A : i32 to vector<16xi32>
        %shift_right_logical3A_119 = arith.shrui %and3A_117, %shift_right_logical3A_118 : vector<16xi32>
        %broadcast_in_dim3A = arith.constant true
        %broadcast_in_dim3A_120 = vector.broadcast %broadcast_in_dim3A : i1 to vector<16xi1>
        %masked_cumsum3A = tpu.scan <sum>, %shift_right_logical3A_119 masked %broadcast_in_dim3A_120 : vector<16xi32>, vector<16xi1> -> vector<16xi32>
        %mul3A_121 = arith.constant 128 : i32
        %mul3A_122 = arith.muli %scan3A_101, %mul3A_121 : i32
        %add3A_123 = arith.constant 16 : i32
        %add3A_124 = arith.addi %mul3A_122, %add3A_123 : i32
        %get3A_125 = arith.index_cast %add3A_124 : i32 to index
        %get3A_126 = tpu.vector_load %arg6[%get3A_125] {strides = array<i32>} : memref<10112xi32, #tpu.memory_space<vmem>>, vector<16xi32>,
        %and3A_127 = arith.constant 16383 : i32
        %and3A_128 = vector.broadcast %and3A_127 : i32 to vector<16xi32>
        %and3A_129 = arith.andi %get3A_126, %and3A_128 : vector<16xi32>
        %sub3A_130 = vector.broadcast %mul3A_8 : i32 to vector<16xi32>
        %sub3A_131 = arith.subi %and3A_129, %sub3A_130 : vector<16xi32>
        %not3A_132 = arith.constant dense<-1> : vector<16xi32>
        %not3A_133 = arith.xori %sub3A_131, %not3A_132 : vector<16xi32>
        %sub3A_134 = arith.constant 2560 : i32
        %sub3A_135 = vector.broadcast %sub3A_134 : i32 to vector<16xi32>
        %sub3A_136 = arith.subi %sub3A_131, %sub3A_135 : vector<16xi32>
        %and3A_137 = arith.andi %not3A_133, %sub3A_136 : vector<16xi32>
        %shift_right_logical3A_138 = arith.constant 31 : i32
        %shift_right_logical3A_139 = vector.broadcast %shift_right_logical3A_138 : i32 to vector<16xi32>
        %shift_right_logical3A_140 = arith.shrui %and3A_137, %shift_right_logical3A_139 : vector<16xi32>
        %broadcast_in_dim3A_141 = arith.constant true
        %broadcast_in_dim3A_142 = vector.broadcast %broadcast_in_dim3A_141 : i1 to vector<16xi1>
        %masked_cumsum3A_143 = tpu.scan <sum>, %shift_right_logical3A_140 masked %broadcast_in_dim3A_142 : vector<16xi32>, vector<16xi1> -> vector<16xi32>
        %mul3A_144 = arith.constant 128 : i32
        %mul3A_145 = arith.muli %scan3A_101, %mul3A_144 : i32
        %add3A_146 = arith.constant 32 : i32
        %add3A_147 = arith.addi %mul3A_145, %add3A_146 : i32
        %get3A_148 = arith.index_cast %add3A_147 : i32 to index
        %get3A_149 = tpu.vector_load %arg6[%get3A_148] {strides = array<i32>} : memref<10112xi32, #tpu.memory_space<vmem>>, vector<16xi32>,
        %and3A_150 = arith.constant 16383 : i32
        %and3A_151 = vector.broadcast %and3A_150 : i32 to vector<16xi32>
        %and3A_152 = arith.andi %get3A_149, %and3A_151 : vector<16xi32>
        %sub3A_153 = vector.broadcast %mul3A_8 : i32 to vector<16xi32>
        %sub3A_154 = arith.subi %and3A_152, %sub3A_153 : vector<16xi32>
        %not3A_155 = arith.constant dense<-1> : vector<16xi32>
        %not3A_156 = arith.xori %sub3A_154, %not3A_155 : vector<16xi32>
        %sub3A_157 = arith.constant 2560 : i32
        %sub3A_158 = vector.broadcast %sub3A_157 : i32 to vector<16xi32>
        %sub3A_159 = arith.subi %sub3A_154, %sub3A_158 : vector<16xi32>
        %and3A_160 = arith.andi %not3A_156, %sub3A_159 : vector<16xi32>
        %shift_right_logical3A_161 = arith.constant 31 : i32
        %shift_right_logical3A_162 = vector.broadcast %shift_right_logical3A_161 : i32 to vector<16xi32>
        %shift_right_logical3A_163 = arith.shrui %and3A_160, %shift_right_logical3A_162 : vector<16xi32>
        %broadcast_in_dim3A_164 = arith.constant true
        %broadcast_in_dim3A_165 = vector.broadcast %broadcast_in_dim3A_164 : i1 to vector<16xi1>
        %masked_cumsum3A_166 = tpu.scan <sum>, %shift_right_logical3A_163 masked %broadcast_in_dim3A_165 : vector<16xi32>, vector<16xi1> -> vector<16xi32>
        %mul3A_167 = arith.constant 128 : i32
        %mul3A_168 = arith.muli %scan3A_101, %mul3A_167 : i32
        %add3A_169 = arith.constant 48 : i32
        %add3A_170 = arith.addi %mul3A_168, %add3A_169 : i32
        %get3A_171 = arith.index_cast %add3A_170 : i32 to index
        %get3A_172 = tpu.vector_load %arg6[%get3A_171] {strides = array<i32>} : memref<10112xi32, #tpu.memory_space<vmem>>, vector<16xi32>,
        %and3A_173 = arith.constant 16383 : i32
        %and3A_174 = vector.broadcast %and3A_173 : i32 to vector<16xi32>
        %and3A_175 = arith.andi %get3A_172, %and3A_174 : vector<16xi32>
        %sub3A_176 = vector.broadcast %mul3A_8 : i32 to vector<16xi32>
        %sub3A_177 = arith.subi %and3A_175, %sub3A_176 : vector<16xi32>
        %not3A_178 = arith.constant dense<-1> : vector<16xi32>
        %not3A_179 = arith.xori %sub3A_177, %not3A_178 : vector<16xi32>
        %sub3A_180 = arith.constant 2560 : i32
        %sub3A_181 = vector.broadcast %sub3A_180 : i32 to vector<16xi32>
        %sub3A_182 = arith.subi %sub3A_177, %sub3A_181 : vector<16xi32>
        %and3A_183 = arith.andi %not3A_179, %sub3A_182 : vector<16xi32>
        %shift_right_logical3A_184 = arith.constant 31 : i32
        %shift_right_logical3A_185 = vector.broadcast %shift_right_logical3A_184 : i32 to vector<16xi32>
        %shift_right_logical3A_186 = arith.shrui %and3A_183, %shift_right_logical3A_185 : vector<16xi32>
        %broadcast_in_dim3A_187 = arith.constant true
        %broadcast_in_dim3A_188 = vector.broadcast %broadcast_in_dim3A_187 : i1 to vector<16xi1>
        %masked_cumsum3A_189 = tpu.scan <sum>, %shift_right_logical3A_186 masked %broadcast_in_dim3A_188 : vector<16xi32>, vector<16xi1> -> vector<16xi32>
        %mul3A_190 = arith.constant 128 : i32
        %mul3A_191 = arith.muli %scan3A_101, %mul3A_190 : i32
        %add3A_192 = arith.constant 64 : i32
        %add3A_193 = arith.addi %mul3A_191, %add3A_192 : i32
        %get3A_194 = arith.index_cast %add3A_193 : i32 to index
        %get3A_195 = tpu.vector_load %arg6[%get3A_194] {strides = array<i32>} : memref<10112xi32, #tpu.memory_space<vmem>>, vector<16xi32>,
        %and3A_196 = arith.constant 16383 : i32
        %and3A_197 = vector.broadcast %and3A_196 : i32 to vector<16xi32>
        %and3A_198 = arith.andi %get3A_195, %and3A_197 : vector<16xi32>
        %sub3A_199 = vector.broadcast %mul3A_8 : i32 to vector<16xi32>
        %sub3A_200 = arith.subi %and3A_198, %sub3A_199 : vector<16xi32>
        %not3A_201 = arith.constant dense<-1> : vector<16xi32>
        %not3A_202 = arith.xori %sub3A_200, %not3A_201 : vector<16xi32>
        %sub3A_203 = arith.constant 2560 : i32
        %sub3A_204 = vector.broadcast %sub3A_203 : i32 to vector<16xi32>
        %sub3A_205 = arith.subi %sub3A_200, %sub3A_204 : vector<16xi32>
        %and3A_206 = arith.andi %not3A_202, %sub3A_205 : vector<16xi32>
        %shift_right_logical3A_207 = arith.constant 31 : i32
        %shift_right_logical3A_208 = vector.broadcast %shift_right_logical3A_207 : i32 to vector<16xi32>
        %shift_right_logical3A_209 = arith.shrui %and3A_206, %shift_right_logical3A_208 : vector<16xi32>
        %broadcast_in_dim3A_210 = arith.constant true
        %broadcast_in_dim3A_211 = vector.broadcast %broadcast_in_dim3A_210 : i1 to vector<16xi1>
        %masked_cumsum3A_212 = tpu.scan <sum>, %shift_right_logical3A_209 masked %broadcast_in_dim3A_211 : vector<16xi32>, vector<16xi1> -> vector<16xi32>
        %mul3A_213 = arith.constant 128 : i32
        %mul3A_214 = arith.muli %scan3A_101, %mul3A_213 : i32
        %add3A_215 = arith.constant 80 : i32
        %add3A_216 = arith.addi %mul3A_214, %add3A_215 : i32
        %get3A_217 = arith.index_cast %add3A_216 : i32 to index
        %get3A_218 = tpu.vector_load %arg6[%get3A_217] {strides = array<i32>} : memref<10112xi32, #tpu.memory_space<vmem>>, vector<16xi32>,
        %and3A_219 = arith.constant 16383 : i32
        %and3A_220 = vector.broadcast %and3A_219 : i32 to vector<16xi32>
        %and3A_221 = arith.andi %get3A_218, %and3A_220 : vector<16xi32>
        %sub3A_222 = vector.broadcast %mul3A_8 : i32 to vector<16xi32>
        %sub3A_223 = arith.subi %and3A_221, %sub3A_222 : vector<16xi32>
        %not3A_224 = arith.constant dense<-1> : vector<16xi32>
        %not3A_225 = arith.xori %sub3A_223, %not3A_224 : vector<16xi32>
        %sub3A_226 = arith.constant 2560 : i32
        %sub3A_227 = vector.broadcast %sub3A_226 : i32 to vector<16xi32>
        %sub3A_228 = arith.subi %sub3A_223, %sub3A_227 : vector<16xi32>
        %and3A_229 = arith.andi %not3A_225, %sub3A_228 : vector<16xi32>
        %shift_right_logical3A_230 = arith.constant 31 : i32
        %shift_right_logical3A_231 = vector.broadcast %shift_right_logical3A_230 : i32 to vector<16xi32>
        %shift_right_logical3A_232 = arith.shrui %and3A_229, %shift_right_logical3A_231 : vector<16xi32>
        %broadcast_in_dim3A_233 = arith.constant true
        %broadcast_in_dim3A_234 = vector.broadcast %broadcast_in_dim3A_233 : i1 to vector<16xi1>
        %masked_cumsum3A_235 = tpu.scan <sum>, %shift_right_logical3A_232 masked %broadcast_in_dim3A_234 : vector<16xi32>, vector<16xi1> -> vector<16xi32>
        %mul3A_236 = arith.constant 128 : i32
        %mul3A_237 = arith.muli %scan3A_101, %mul3A_236 : i32
        %add3A_238 = arith.constant 96 : i32
        %add3A_239 = arith.addi %mul3A_237, %add3A_238 : i32
        %get3A_240 = arith.index_cast %add3A_239 : i32 to index
        %get3A_241 = tpu.vector_load %arg6[%get3A_240] {strides = array<i32>} : memref<10112xi32, #tpu.memory_space<vmem>>, vector<16xi32>,
        %and3A_242 = arith.constant 16383 : i32
        %and3A_243 = vector.broadcast %and3A_242 : i32 to vector<16xi32>
        %and3A_244 = arith.andi %get3A_241, %and3A_243 : vector<16xi32>
        %sub3A_245 = vector.broadcast %mul3A_8 : i32 to vector<16xi32>
        %sub3A_246 = arith.subi %and3A_244, %sub3A_245 : vector<16xi32>
        %not3A_247 = arith.constant dense<-1> : vector<16xi32>
        %not3A_248 = arith.xori %sub3A_246, %not3A_247 : vector<16xi32>
        %sub3A_249 = arith.constant 2560 : i32
        %sub3A_250 = vector.broadcast %sub3A_249 : i32 to vector<16xi32>
        %sub3A_251 = arith.subi %sub3A_246, %sub3A_250 : vector<16xi32>
        %and3A_252 = arith.andi %not3A_248, %sub3A_251 : vector<16xi32>
        %shift_right_logical3A_253 = arith.constant 31 : i32
        %shift_right_logical3A_254 = vector.broadcast %shift_right_logical3A_253 : i32 to vector<16xi32>
        %shift_right_logical3A_255 = arith.shrui %and3A_252, %shift_right_logical3A_254 : vector<16xi32>
        %broadcast_in_dim3A_256 = arith.constant true
        %broadcast_in_dim3A_257 = vector.broadcast %broadcast_in_dim3A_256 : i1 to vector<16xi1>
        %masked_cumsum3A_258 = tpu.scan <sum>, %shift_right_logical3A_255 masked %broadcast_in_dim3A_257 : vector<16xi32>, vector<16xi1> -> vector<16xi32>
        %mul3A_259 = arith.constant 128 : i32
        %mul3A_260 = arith.muli %scan3A_101, %mul3A_259 : i32
        %add3A_261 = arith.constant 112 : i32
        %add3A_262 = arith.addi %mul3A_260, %add3A_261 : i32
        %get3A_263 = arith.index_cast %add3A_262 : i32 to index
        %get3A_264 = tpu.vector_load %arg6[%get3A_263] {strides = array<i32>} : memref<10112xi32, #tpu.memory_space<vmem>>, vector<16xi32>,
        %and3A_265 = arith.constant 16383 : i32
        %and3A_266 = vector.broadcast %and3A_265 : i32 to vector<16xi32>
        %and3A_267 = arith.andi %get3A_264, %and3A_266 : vector<16xi32>
        %sub3A_268 = vector.broadcast %mul3A_8 : i32 to vector<16xi32>
        %sub3A_269 = arith.subi %and3A_267, %sub3A_268 : vector<16xi32>
        %not3A_270 = arith.constant dense<-1> : vector<16xi32>
        %not3A_271 = arith.xori %sub3A_269, %not3A_270 : vector<16xi32>
        %sub3A_272 = arith.constant 2560 : i32
        %sub3A_273 = vector.broadcast %sub3A_272 : i32 to vector<16xi32>
        %sub3A_274 = arith.subi %sub3A_269, %sub3A_273 : vector<16xi32>
        %and3A_275 = arith.andi %not3A_271, %sub3A_274 : vector<16xi32>
        %shift_right_logical3A_276 = arith.constant 31 : i32
        %shift_right_logical3A_277 = vector.broadcast %shift_right_logical3A_276 : i32 to vector<16xi32>
        %shift_right_logical3A_278 = arith.shrui %and3A_275, %shift_right_logical3A_277 : vector<16xi32>
        %broadcast_in_dim3A_279 = arith.constant true
        %broadcast_in_dim3A_280 = vector.broadcast %broadcast_in_dim3A_279 : i1 to vector<16xi1>
        %masked_cumsum3A_281 = tpu.scan <sum>, %shift_right_logical3A_278 masked %broadcast_in_dim3A_280 : vector<16xi32>, vector<16xi1> -> vector<16xi32>
        %add3A_282 = vector.broadcast %scan3A_102 : i32 to vector<16xi32>
        %add3A_283 = arith.addi %add3A_282, %masked_cumsum3A : vector<16xi32>
        %sub3A_284 = arith.constant 1 : i32
        %sub3A_285 = vector.broadcast %sub3A_284 : i32 to vector<16xi32>
        %sub3A_286 = arith.subi %add3A_283, %sub3A_285 : vector<16xi32>
        %mul3A_287 = arith.muli %sub3A_286, %shift_right_logical3A_119 : vector<16xi32>
        %mul3A_288 = arith.constant 128 : i32
        %mul3A_289 = arith.muli %scan3A_101, %mul3A_288 : i32
        %add3A_290 = arith.constant 0 : i32
        %add3A_291 = arith.addi %mul3A_289, %add3A_290 : i32
        %add3A_292 = arith.constant 15 : i32
        %add3A_293 = arith.addi %add3A_291, %add3A_292 : i32
        %sub3A_294 = arith.constant 1 : i32
        %sub3A_295 = vector.broadcast %sub3A_294 : i32 to vector<16xi32>
        %sub3A_296 = arith.subi %sub3A_295, %shift_right_logical3A_119 : vector<16xi32>
        %mul3A_297 = vector.broadcast %add3A_293 : i32 to vector<16xi32>
        %mul3A_298 = arith.muli %mul3A_297, %sub3A_296 : vector<16xi32>
        %add3A_299 = arith.addi %mul3A_287, %mul3A_298 : vector<16xi32>
        tpu.vector_store_idx %arg6[%add3A_299], %get3A_107 : memref<10112xi32, #tpu.memory_space<vmem>>[vector<16xi32>], vector<16xi32>,
        %slice3A = vector.extract_strided_slice %masked_cumsum3A {offsets = [15], sizes = [1], strides = [1]} : vector<16xi32> to vector<1xi32>
        %squeeze3A = vector.extract %slice3A[0] : i32 from vector<1xi32>
        %add3A_300 = arith.addi %scan3A_102, %squeeze3A : i32
        %add3A_301 = vector.broadcast %add3A_300 : i32 to vector<16xi32>
        %add3A_302 = arith.addi %add3A_301, %masked_cumsum3A_143 : vector<16xi32>
        %sub3A_303 = arith.constant 1 : i32
        %sub3A_304 = vector.broadcast %sub3A_303 : i32 to vector<16xi32>
        %sub3A_305 = arith.subi %add3A_302, %sub3A_304 : vector<16xi32>
        %mul3A_306 = arith.muli %sub3A_305, %shift_right_logical3A_140 : vector<16xi32>
        %mul3A_307 = arith.constant 128 : i32
        %mul3A_308 = arith.muli %scan3A_101, %mul3A_307 : i32
        %add3A_309 = arith.constant 16 : i32
        %add3A_310 = arith.addi %mul3A_308, %add3A_309 : i32
        %add3A_311 = arith.constant 15 : i32
        %add3A_312 = arith.addi %add3A_310, %add3A_311 : i32
        %sub3A_313 = arith.constant 1 : i32
        %sub3A_314 = vector.broadcast %sub3A_313 : i32 to vector<16xi32>
        %sub3A_315 = arith.subi %sub3A_314, %shift_right_logical3A_140 : vector<16xi32>
        %mul3A_316 = vector.broadcast %add3A_312 : i32 to vector<16xi32>
        %mul3A_317 = arith.muli %mul3A_316, %sub3A_315 : vector<16xi32>
        %add3A_318 = arith.addi %mul3A_306, %mul3A_317 : vector<16xi32>
        tpu.vector_store_idx %arg6[%add3A_318], %get3A_126 : memref<10112xi32, #tpu.memory_space<vmem>>[vector<16xi32>], vector<16xi32>,
        %slice3A_319 = vector.extract_strided_slice %masked_cumsum3A_143 {offsets = [15], sizes = [1], strides = [1]} : vector<16xi32> to vector<1xi32>
        %squeeze3A_320 = vector.extract %slice3A_319[0] : i32 from vector<1xi32>
        %add3A_321 = arith.addi %add3A_300, %squeeze3A_320 : i32
        %add3A_322 = vector.broadcast %add3A_321 : i32 to vector<16xi32>
        %add3A_323 = arith.addi %add3A_322, %masked_cumsum3A_166 : vector<16xi32>
        %sub3A_324 = arith.constant 1 : i32
        %sub3A_325 = vector.broadcast %sub3A_324 : i32 to vector<16xi32>
        %sub3A_326 = arith.subi %add3A_323, %sub3A_325 : vector<16xi32>
        %mul3A_327 = arith.muli %sub3A_326, %shift_right_logical3A_163 : vector<16xi32>
        %mul3A_328 = arith.constant 128 : i32
        %mul3A_329 = arith.muli %scan3A_101, %mul3A_328 : i32
        %add3A_330 = arith.constant 32 : i32
        %add3A_331 = arith.addi %mul3A_329, %add3A_330 : i32
        %add3A_332 = arith.constant 15 : i32
        %add3A_333 = arith.addi %add3A_331, %add3A_332 : i32
        %sub3A_334 = arith.constant 1 : i32
        %sub3A_335 = vector.broadcast %sub3A_334 : i32 to vector<16xi32>
        %sub3A_336 = arith.subi %sub3A_335, %shift_right_logical3A_163 : vector<16xi32>
        %mul3A_337 = vector.broadcast %add3A_333 : i32 to vector<16xi32>
        %mul3A_338 = arith.muli %mul3A_337, %sub3A_336 : vector<16xi32>
        %add3A_339 = arith.addi %mul3A_327, %mul3A_338 : vector<16xi32>
        tpu.vector_store_idx %arg6[%add3A_339], %get3A_149 : memref<10112xi32, #tpu.memory_space<vmem>>[vector<16xi32>], vector<16xi32>,
        %slice3A_340 = vector.extract_strided_slice %masked_cumsum3A_166 {offsets = [15], sizes = [1], strides = [1]} : vector<16xi32> to vector<1xi32>
        %squeeze3A_341 = vector.extract %slice3A_340[0] : i32 from vector<1xi32>
        %add3A_342 = arith.addi %add3A_321, %squeeze3A_341 : i32
        %add3A_343 = vector.broadcast %add3A_342 : i32 to vector<16xi32>
        %add3A_344 = arith.addi %add3A_343, %masked_cumsum3A_189 : vector<16xi32>
        %sub3A_345 = arith.constant 1 : i32
        %sub3A_346 = vector.broadcast %sub3A_345 : i32 to vector<16xi32>
        %sub3A_347 = arith.subi %add3A_344, %sub3A_346 : vector<16xi32>
        %mul3A_348 = arith.muli %sub3A_347, %shift_right_logical3A_186 : vector<16xi32>
        %mul3A_349 = arith.constant 128 : i32
        %mul3A_350 = arith.muli %scan3A_101, %mul3A_349 : i32
        %add3A_351 = arith.constant 48 : i32
        %add3A_352 = arith.addi %mul3A_350, %add3A_351 : i32
        %add3A_353 = arith.constant 15 : i32
        %add3A_354 = arith.addi %add3A_352, %add3A_353 : i32
        %sub3A_355 = arith.constant 1 : i32
        %sub3A_356 = vector.broadcast %sub3A_355 : i32 to vector<16xi32>
        %sub3A_357 = arith.subi %sub3A_356, %shift_right_logical3A_186 : vector<16xi32>
        %mul3A_358 = vector.broadcast %add3A_354 : i32 to vector<16xi32>
        %mul3A_359 = arith.muli %mul3A_358, %sub3A_357 : vector<16xi32>
        %add3A_360 = arith.addi %mul3A_348, %mul3A_359 : vector<16xi32>
        tpu.vector_store_idx %arg6[%add3A_360], %get3A_172 : memref<10112xi32, #tpu.memory_space<vmem>>[vector<16xi32>], vector<16xi32>,
        %slice3A_361 = vector.extract_strided_slice %masked_cumsum3A_189 {offsets = [15], sizes = [1], strides = [1]} : vector<16xi32> to vector<1xi32>
        %squeeze3A_362 = vector.extract %slice3A_361[0] : i32 from vector<1xi32>
        %add3A_363 = arith.addi %add3A_342, %squeeze3A_362 : i32
        %add3A_364 = vector.broadcast %add3A_363 : i32 to vector<16xi32>
        %add3A_365 = arith.addi %add3A_364, %masked_cumsum3A_212 : vector<16xi32>
        %sub3A_366 = arith.constant 1 : i32
        %sub3A_367 = vector.broadcast %sub3A_366 : i32 to vector<16xi32>
        %sub3A_368 = arith.subi %add3A_365, %sub3A_367 : vector<16xi32>
        %mul3A_369 = arith.muli %sub3A_368, %shift_right_logical3A_209 : vector<16xi32>
        %mul3A_370 = arith.constant 128 : i32
        %mul3A_371 = arith.muli %scan3A_101, %mul3A_370 : i32
        %add3A_372 = arith.constant 64 : i32
        %add3A_373 = arith.addi %mul3A_371, %add3A_372 : i32
        %add3A_374 = arith.constant 15 : i32
        %add3A_375 = arith.addi %add3A_373, %add3A_374 : i32
        %sub3A_376 = arith.constant 1 : i32
        %sub3A_377 = vector.broadcast %sub3A_376 : i32 to vector<16xi32>
        %sub3A_378 = arith.subi %sub3A_377, %shift_right_logical3A_209 : vector<16xi32>
        %mul3A_379 = vector.broadcast %add3A_375 : i32 to vector<16xi32>
        %mul3A_380 = arith.muli %mul3A_379, %sub3A_378 : vector<16xi32>
        %add3A_381 = arith.addi %mul3A_369, %mul3A_380 : vector<16xi32>
        tpu.vector_store_idx %arg6[%add3A_381], %get3A_195 : memref<10112xi32, #tpu.memory_space<vmem>>[vector<16xi32>], vector<16xi32>,
        %slice3A_382 = vector.extract_strided_slice %masked_cumsum3A_212 {offsets = [15], sizes = [1], strides = [1]} : vector<16xi32> to vector<1xi32>
        %squeeze3A_383 = vector.extract %slice3A_382[0] : i32 from vector<1xi32>
        %add3A_384 = arith.addi %add3A_363, %squeeze3A_383 : i32
        %add3A_385 = vector.broadcast %add3A_384 : i32 to vector<16xi32>
        %add3A_386 = arith.addi %add3A_385, %masked_cumsum3A_235 : vector<16xi32>
        %sub3A_387 = arith.constant 1 : i32
        %sub3A_388 = vector.broadcast %sub3A_387 : i32 to vector<16xi32>
        %sub3A_389 = arith.subi %add3A_386, %sub3A_388 : vector<16xi32>
        %mul3A_390 = arith.muli %sub3A_389, %shift_right_logical3A_232 : vector<16xi32>
        %mul3A_391 = arith.constant 128 : i32
        %mul3A_392 = arith.muli %scan3A_101, %mul3A_391 : i32
        %add3A_393 = arith.constant 80 : i32
        %add3A_394 = arith.addi %mul3A_392, %add3A_393 : i32
        %add3A_395 = arith.constant 15 : i32
        %add3A_396 = arith.addi %add3A_394, %add3A_395 : i32
        %sub3A_397 = arith.constant 1 : i32
        %sub3A_398 = vector.broadcast %sub3A_397 : i32 to vector<16xi32>
        %sub3A_399 = arith.subi %sub3A_398, %shift_right_logical3A_232 : vector<16xi32>
        %mul3A_400 = vector.broadcast %add3A_396 : i32 to vector<16xi32>
        %mul3A_401 = arith.muli %mul3A_400, %sub3A_399 : vector<16xi32>
        %add3A_402 = arith.addi %mul3A_390, %mul3A_401 : vector<16xi32>
        tpu.vector_store_idx %arg6[%add3A_402], %get3A_218 : memref<10112xi32, #tpu.memory_space<vmem>>[vector<16xi32>], vector<16xi32>,
        %slice3A_403 = vector.extract_strided_slice %masked_cumsum3A_235 {offsets = [15], sizes = [1], strides = [1]} : vector<16xi32> to vector<1xi32>
        %squeeze3A_404 = vector.extract %slice3A_403[0] : i32 from vector<1xi32>
        %add3A_405 = arith.addi %add3A_384, %squeeze3A_404 : i32
        %add3A_406 = vector.broadcast %add3A_405 : i32 to vector<16xi32>
        %add3A_407 = arith.addi %add3A_406, %masked_cumsum3A_258 : vector<16xi32>
        %sub3A_408 = arith.constant 1 : i32
        %sub3A_409 = vector.broadcast %sub3A_408 : i32 to vector<16xi32>
        %sub3A_410 = arith.subi %add3A_407, %sub3A_409 : vector<16xi32>
        %mul3A_411 = arith.muli %sub3A_410, %shift_right_logical3A_255 : vector<16xi32>
        %mul3A_412 = arith.constant 128 : i32
        %mul3A_413 = arith.muli %scan3A_101, %mul3A_412 : i32
        %add3A_414 = arith.constant 96 : i32
        %add3A_415 = arith.addi %mul3A_413, %add3A_414 : i32
        %add3A_416 = arith.constant 15 : i32
        %add3A_417 = arith.addi %add3A_415, %add3A_416 : i32
        %sub3A_418 = arith.constant 1 : i32
        %sub3A_419 = vector.broadcast %sub3A_418 : i32 to vector<16xi32>
        %sub3A_420 = arith.subi %sub3A_419, %shift_right_logical3A_255 : vector<16xi32>
        %mul3A_421 = vector.broadcast %add3A_417 : i32 to vector<16xi32>
        %mul3A_422 = arith.muli %mul3A_421, %sub3A_420 : vector<16xi32>
        %add3A_423 = arith.addi %mul3A_411, %mul3A_422 : vector<16xi32>
        tpu.vector_store_idx %arg6[%add3A_423], %get3A_241 : memref<10112xi32, #tpu.memory_space<vmem>>[vector<16xi32>], vector<16xi32>,
        %slice3A_424 = vector.extract_strided_slice %masked_cumsum3A_258 {offsets = [15], sizes = [1], strides = [1]} : vector<16xi32> to vector<1xi32>
        %squeeze3A_425 = vector.extract %slice3A_424[0] : i32 from vector<1xi32>
        %add3A_426 = arith.addi %add3A_405, %squeeze3A_425 : i32
        %add3A_427 = vector.broadcast %add3A_426 : i32 to vector<16xi32>
        %add3A_428 = arith.addi %add3A_427, %masked_cumsum3A_281 : vector<16xi32>
        %sub3A_429 = arith.constant 1 : i32
        %sub3A_430 = vector.broadcast %sub3A_429 : i32 to vector<16xi32>
        %sub3A_431 = arith.subi %add3A_428, %sub3A_430 : vector<16xi32>
        %mul3A_432 = arith.muli %sub3A_431, %shift_right_logical3A_278 : vector<16xi32>
        %mul3A_433 = arith.constant 128 : i32
        %mul3A_434 = arith.muli %scan3A_101, %mul3A_433 : i32
        %add3A_435 = arith.constant 112 : i32
        %add3A_436 = arith.addi %mul3A_434, %add3A_435 : i32
        %add3A_437 = arith.constant 15 : i32
        %add3A_438 = arith.addi %add3A_436, %add3A_437 : i32
        %sub3A_439 = arith.constant 1 : i32
        %sub3A_440 = vector.broadcast %sub3A_439 : i32 to vector<16xi32>
        %sub3A_441 = arith.subi %sub3A_440, %shift_right_logical3A_278 : vector<16xi32>
        %mul3A_442 = vector.broadcast %add3A_438 : i32 to vector<16xi32>
        %mul3A_443 = arith.muli %mul3A_442, %sub3A_441 : vector<16xi32>
        %add3A_444 = arith.addi %mul3A_432, %mul3A_443 : vector<16xi32>
        tpu.vector_store_idx %arg6[%add3A_444], %get3A_264 : memref<10112xi32, #tpu.memory_space<vmem>>[vector<16xi32>], vector<16xi32>,
        %slice3A_445 = vector.extract_strided_slice %masked_cumsum3A_281 {offsets = [15], sizes = [1], strides = [1]} : vector<16xi32> to vector<1xi32>
        %squeeze3A_446 = vector.extract %slice3A_445[0] : i32 from vector<1xi32>
        %add3A_447 = arith.addi %add3A_426, %squeeze3A_446 : i32
        scf.yield %add3A_447 : i32
      }
      %scan3A_34 = arith.constant 79 : i32
      %add3A_35 = arith.constant 32 : i32
      %add3A_36 = arith.addi %scan3A_33, %add3A_35 : i32
      %sub3A_37 = arith.constant 1 : i32
      %sub3A_38 = arith.subi %add3A_36, %sub3A_37 : i32
      %jit3A = arith.constant 32 : i32
      %div3A = arith.divsi %sub3A_38, %jit3A : i32
      %sign3A = arith.constant 0 : i32
      %sign3A_39 = arith.cmpi sgt, %sub3A_38, %sign3A : i32
      %sign3A_40 = arith.extui %sign3A_39 : i1 to i32
      %sign3A_41 = arith.constant 0 : i32
      %sign3A_42 = arith.cmpi slt, %sub3A_38, %sign3A_41 : i32
      %sign3A_43 = arith.extui %sign3A_42 : i1 to i32
      %sign3A_44 = arith.subi %sign3A_40, %sign3A_43 : i32
      %sign3A_45 = arith.constant 0 : i32
      %sign3A_46 = arith.cmpi sgt, %jit3A, %sign3A_45 : i32
      %sign3A_47 = arith.extui %sign3A_46 : i1 to i32
      %sign3A_48 = arith.constant 0 : i32
      %sign3A_49 = arith.cmpi slt, %jit3A, %sign3A_48 : i32
      %sign3A_50 = arith.extui %sign3A_49 : i1 to i32
      %sign3A_51 = arith.subi %sign3A_47, %sign3A_50 : i32
      %ne3A = arith.cmpi ne, %sign3A_44, %sign3A_51 : i32
      %rem3A = arith.remsi %sub3A_38, %jit3A : i32
      %ne3A_52 = arith.constant 0 : i32
      %ne3A_53 = arith.cmpi ne, %rem3A, %ne3A_52 : i32
      %and3A = arith.andi %ne3A, %ne3A_53 : i1
      %sub3A_54 = arith.constant 1 : i32
      %sub3A_55 = arith.subi %div3A, %sub3A_54 : i32
      %select_n3A = arith.select %and3A, %sub3A_55, %div3A : i32
      %barrier3A_56 = arith.constant 0 : index
      tpu.barrier barrier_id(%barrier3A_56)
      %gt3A = arith.constant 0 : i32
      %gt3A_57 = arith.cmpi sgt, %select_n3A, %gt3A : i32
      %convert_element_type3A = arith.extui %gt3A_57 : i1 to i32
      %cond3A = arith.constant 0 : i32
      %cond3A_58 = arith.cmpi ne, %convert_element_type3A, %cond3A : i32
      scf.if %cond3A_58 {
        %get3A = arith.constant 0 : index
        %get3A_101 = tpu.vector_load %arg6[%get3A] {strides = array<i32>} : memref<10112xi32, #tpu.memory_space<vmem>>, vector<16xi32>,
        %iota3A = tpu.iota {dimensions = array<i32: 0>} : vector<16xi32>
        %add3A_102 = arith.constant 0 : i32
        %add3A_103 = vector.broadcast %add3A_102 : i32 to vector<16xi32>
        %add3A_104 = arith.addi %add3A_103, %iota3A : vector<16xi32>
        %sub3A_105 = vector.broadcast %scan3A_33 : i32 to vector<16xi32>
        %sub3A_106 = arith.subi %add3A_104, %sub3A_105 : vector<16xi32>
        %shift_right_logical3A = arith.constant 31 : i32
        %shift_right_logical3A_107 = vector.broadcast %shift_right_logical3A : i32 to vector<16xi32>
        %shift_right_logical3A_108 = arith.shrui %sub3A_106, %shift_right_logical3A_107 : vector<16xi32>
        %shift_right_logical3A_109 = arith.constant 14 : i32
        %shift_right_logical3A_110 = vector.broadcast %shift_right_logical3A_109 : i32 to vector<16xi32>
        %shift_right_logical3A_111 = arith.shrui %get3A_101, %shift_right_logical3A_110 : vector<16xi32>
        %and3A_112 = arith.constant 16383 : i32
        %and3A_113 = vector.broadcast %and3A_112 : i32 to vector<16xi32>
        %and3A_114 = arith.andi %get3A_101, %and3A_113 : vector<16xi32>
        %sub3A_115 = vector.broadcast %mul3A_8 : i32 to vector<16xi32>
        %sub3A_116 = arith.subi %and3A_114, %sub3A_115 : vector<16xi32>
        %mul3A_117 = arith.muli %shift_right_logical3A_111, %shift_right_logical3A_108 : vector<16xi32>
        %swap3A = arith.constant 0 : i32
        %swap3A_118 = arith.index_cast %swap3A : i32 to index
        %swap3A_119 = arith.constant 0 : index
        %swap3A_120 = tpu.vector_load %arg7[%swap3A_118, %swap3A_119] {strides = array<i32>} : memref<2x32xi32, #tpu.memory_space<vmem>>, vector<16xi32>,
        tpu.vector_store %arg7[%swap3A_118, %swap3A_119], %mul3A_117 {strides = array<i32>} : memref<2x32xi32, #tpu.memory_space<vmem>>, vector<16xi32>,
        %mul3A_121 = arith.muli %sub3A_116, %shift_right_logical3A_108 : vector<16xi32>
        %sub3A_122 = arith.constant 1 : i32
        %sub3A_123 = vector.broadcast %sub3A_122 : i32 to vector<16xi32>
        %sub3A_124 = arith.subi %sub3A_123, %shift_right_logical3A_108 : vector<16xi32>
        %mul3A_125 = arith.constant 2560 : i32
        %mul3A_126 = vector.broadcast %mul3A_125 : i32 to vector<16xi32>
        %mul3A_127 = arith.muli %mul3A_126, %sub3A_124 : vector<16xi32>
        %add3A_128 = arith.addi %mul3A_121, %mul3A_127 : vector<16xi32>
        %swap3A_129 = arith.constant 0 : i32
        %swap3A_130 = arith.index_cast %swap3A_129 : i32 to index
        %swap3A_131 = arith.constant 0 : index
        %swap3A_132 = tpu.vector_load %arg8[%swap3A_130, %swap3A_131] {strides = array<i32>} : memref<2x32xi32, #tpu.memory_space<vmem>>, vector<16xi32>,
        tpu.vector_store %arg8[%swap3A_130, %swap3A_131], %add3A_128 {strides = array<i32>} : memref<2x32xi32, #tpu.memory_space<vmem>>, vector<16xi32>,
        %get3A_133 = arith.constant 16 : index
        %get3A_134 = tpu.vector_load %arg6[%get3A_133] {strides = array<i32>} : memref<10112xi32, #tpu.memory_space<vmem>>, vector<16xi32>,
        %iota3A_135 = tpu.iota {dimensions = array<i32: 0>} : vector<16xi32>
        %add3A_136 = arith.constant 16 : i32
        %add3A_137 = vector.broadcast %add3A_136 : i32 to vector<16xi32>
        %add3A_138 = arith.addi %add3A_137, %iota3A_135 : vector<16xi32>
        %sub3A_139 = vector.broadcast %scan3A_33 : i32 to vector<16xi32>
        %sub3A_140 = arith.subi %add3A_138, %sub3A_139 : vector<16xi32>
        %shift_right_logical3A_141 = arith.constant 31 : i32
        %shift_right_logical3A_142 = vector.broadcast %shift_right_logical3A_141 : i32 to vector<16xi32>
        %shift_right_logical3A_143 = arith.shrui %sub3A_140, %shift_right_logical3A_142 : vector<16xi32>
        %shift_right_logical3A_144 = arith.constant 14 : i32
        %shift_right_logical3A_145 = vector.broadcast %shift_right_logical3A_144 : i32 to vector<16xi32>
        %shift_right_logical3A_146 = arith.shrui %get3A_134, %shift_right_logical3A_145 : vector<16xi32>
        %and3A_147 = arith.constant 16383 : i32
        %and3A_148 = vector.broadcast %and3A_147 : i32 to vector<16xi32>
        %and3A_149 = arith.andi %get3A_134, %and3A_148 : vector<16xi32>
        %sub3A_150 = vector.broadcast %mul3A_8 : i32 to vector<16xi32>
        %sub3A_151 = arith.subi %and3A_149, %sub3A_150 : vector<16xi32>
        %mul3A_152 = arith.muli %shift_right_logical3A_146, %shift_right_logical3A_143 : vector<16xi32>
        %swap3A_153 = arith.constant 0 : i32
        %swap3A_154 = arith.index_cast %swap3A_153 : i32 to index
        %swap3A_155 = arith.constant 16 : index
        %swap3A_156 = tpu.vector_load %arg7[%swap3A_154, %swap3A_155] {strides = array<i32>} : memref<2x32xi32, #tpu.memory_space<vmem>>, vector<16xi32>,
        tpu.vector_store %arg7[%swap3A_154, %swap3A_155], %mul3A_152 {strides = array<i32>} : memref<2x32xi32, #tpu.memory_space<vmem>>, vector<16xi32>,
        %mul3A_157 = arith.muli %sub3A_151, %shift_right_logical3A_143 : vector<16xi32>
        %sub3A_158 = arith.constant 1 : i32
        %sub3A_159 = vector.broadcast %sub3A_158 : i32 to vector<16xi32>
        %sub3A_160 = arith.subi %sub3A_159, %shift_right_logical3A_143 : vector<16xi32>
        %mul3A_161 = arith.constant 2560 : i32
        %mul3A_162 = vector.broadcast %mul3A_161 : i32 to vector<16xi32>
        %mul3A_163 = arith.muli %mul3A_162, %sub3A_160 : vector<16xi32>
        %add3A_164 = arith.addi %mul3A_157, %mul3A_163 : vector<16xi32>
        %swap3A_165 = arith.constant 0 : i32
        %swap3A_166 = arith.index_cast %swap3A_165 : i32 to index
        %swap3A_167 = arith.constant 16 : index
        %swap3A_168 = tpu.vector_load %arg8[%swap3A_166, %swap3A_167] {strides = array<i32>} : memref<2x32xi32, #tpu.memory_space<vmem>>, vector<16xi32>,
        tpu.vector_store %arg8[%swap3A_166, %swap3A_167], %add3A_164 {strides = array<i32>} : memref<2x32xi32, #tpu.memory_space<vmem>>, vector<16xi32>,
        %dma_start3A = arith.constant 0 : i32
        %dma_start3A_169 = arith.constant 0 : i32
        %dma_start3A_170 = arith.constant 0 : i32
        %dma_start3A_171 = arith.constant 0 : i32
        %dma_start3A_172 = arith.constant 0 : i32
        %dma_start3A_173 = tpu.memref_slice %arg9[%dma_start3A_169, %dma_start3A_170, %dma_start3A_171, %dma_start3A_172] : memref<2x32x4x128xf32, #tpu.memory_space<vmem>> -> memref<1x32x4x128xf32, #tpu.memory_space<vmem>>
        %dma_start3A_174 = tpu.memref_squeeze %dma_start3A_173 : memref<1x32x4x128xf32, #tpu.memory_space<vmem>> -> memref<32x4x128xf32, #tpu.memory_space<vmem>>
        %dma_start3A_175 = arith.constant 0 : i32
        %dma_start3A_176 = tpu.memref_slice %arg7[%dma_start3A, %dma_start3A_175] : memref<2x32xi32, #tpu.memory_space<vmem>> -> memref<1x32xi32, #tpu.memory_space<vmem>>
        %dma_start3A_177 = tpu.memref_squeeze %dma_start3A_176 : memref<1x32xi32, #tpu.memory_space<vmem>> -> memref<32xi32, #tpu.memory_space<vmem>>
        %dma_start3A_178 = arith.constant 0 : i32
        %dma_start3A_179 = arith.constant 0 : i32
        %dma_start3A_180 = arith.constant 0 : i32
        %dma_start3A_181 = tpu.memref_slice %arg2[%dma_start3A_178, %dma_start3A_179, %dma_start3A_180] : memref<10000x4x128xf32, #tpu.memory_space<hbm>> -> memref<10000x4x128xf32, #tpu.memory_space<hbm>>
        tpu.enqueue_indirect_dma source(%dma_start3A_181 : memref<10000x4x128xf32, #tpu.memory_space<hbm>>) target(%dma_start3A_174 : memref<32x4x128xf32, #tpu.memory_space<vmem>>) offsets(%dma_start3A_177 : memref<32xi32, #tpu.memory_space<vmem>>) semaphore(%arg10 : memref<!tpu.dma_semaphore, #tpu.memory_space<semaphore_mem>>)
      } else {
      }
      %add3A_59 = arith.constant 1 : i32
      %add3A_60 = arith.addi %select_n3A, %add3A_59 : i32
      %jit3A_61 = arith.constant 2 : i32
      %div3A_62 = arith.divsi %add3A_60, %jit3A_61 : i32
      %sign3A_63 = arith.constant 0 : i32
      %sign3A_64 = arith.cmpi sgt, %add3A_60, %sign3A_63 : i32
      %sign3A_65 = arith.extui %sign3A_64 : i1 to i32
      %sign3A_66 = arith.constant 0 : i32
      %sign3A_67 = arith.cmpi slt, %add3A_60, %sign3A_66 : i32
      %sign3A_68 = arith.extui %sign3A_67 : i1 to i32
      %sign3A_69 = arith.subi %sign3A_65, %sign3A_68 : i32
      %sign3A_70 = arith.constant 0 : i32
      %sign3A_71 = arith.cmpi sgt, %jit3A_61, %sign3A_70 : i32
      %sign3A_72 = arith.extui %sign3A_71 : i1 to i32
      %sign3A_73 = arith.constant 0 : i32
      %sign3A_74 = arith.cmpi slt, %jit3A_61, %sign3A_73 : i32
      %sign3A_75 = arith.extui %sign3A_74 : i1 to i32
      %sign3A_76 = arith.subi %sign3A_72, %sign3A_75 : i32
      %ne3A_77 = arith.cmpi ne, %sign3A_69, %sign3A_76 : i32
      %rem3A_78 = arith.remsi %add3A_60, %jit3A_61 : i32
      %ne3A_79 = arith.constant 0 : i32
      %ne3A_80 = arith.cmpi ne, %rem3A_78, %ne3A_79 : i32
      %and3A_81 = arith.andi %ne3A_77, %ne3A_80 : i1
      %sub3A_82 = arith.constant 1 : i32
      %sub3A_83 = arith.subi %div3A_62, %sub3A_82 : i32
      %select_n3A_84 = arith.select %and3A_81, %sub3A_83, %div3A_62 : i32
      %while3A = arith.constant 0 : i32
      %while3A_85 = arith.constant 0 : i32
      %while3A_86 = arith.subi %select_n3A_84, %while3A_85 : i32
      %while3A_87 = arith.addi %while3A_85, %while3A_86 : i32
      %while3A_88 = arith.constant 1 : i32
      %while3A_89 = arith.divsi %while3A_86, %while3A_88 : i32
      %while3A_90 = arith.muli %while3A_89, %while3A_88 : i32
      %while3A_91 = arith.addi %while3A_85, %while3A_90 : i32
      %while3A_92 = arith.constant 1 : i32
      scf.for %while3A_101 = %while3A_85 to %while3A_91 step %while3A_92  : i32 {
        %mul3A_102 = arith.constant 2 : i32
        %mul3A_103 = arith.muli %while3A_101, %mul3A_102 : i32
        %add3A_104 = arith.constant 0 : i32
        %add3A_105 = arith.addi %mul3A_103, %add3A_104 : i32
        %add3A_106 = arith.constant 1 : i32
        %add3A_107 = arith.addi %add3A_105, %add3A_106 : i32
        %lt3A = arith.cmpi slt, %add3A_107, %select_n3A : i32
        %convert_element_type3A_108 = arith.extui %lt3A : i1 to i32
        %cond3A_109 = arith.constant 0 : i32
        %cond3A_110 = arith.cmpi ne, %convert_element_type3A_108, %cond3A_109 : i32
        scf.if %cond3A_110 {
          %add3A_129 = arith.constant 1 : i32
          %add3A_130 = arith.addi %add3A_105, %add3A_129 : i32
          %mul3A_131 = arith.constant 32 : i32
          %mul3A_132 = arith.muli %add3A_130, %mul3A_131 : i32
          %add3A_133 = arith.constant 0 : i32
          %add3A_134 = arith.addi %mul3A_132, %add3A_133 : i32
          %get3A = arith.index_cast %add3A_134 : i32 to index
          %get3A_135 = tpu.vector_load %arg6[%get3A] {strides = array<i32>} : memref<10112xi32, #tpu.memory_space<vmem>>, vector<16xi32>,
          %iota3A = tpu.iota {dimensions = array<i32: 0>} : vector<16xi32>
          %add3A_136 = vector.broadcast %add3A_134 : i32 to vector<16xi32>
          %add3A_137 = arith.addi %add3A_136, %iota3A : vector<16xi32>
          %sub3A_138 = vector.broadcast %scan3A_33 : i32 to vector<16xi32>
          %sub3A_139 = arith.subi %add3A_137, %sub3A_138 : vector<16xi32>
          %shift_right_logical3A = arith.constant 31 : i32
          %shift_right_logical3A_140 = vector.broadcast %shift_right_logical3A : i32 to vector<16xi32>
          %shift_right_logical3A_141 = arith.shrui %sub3A_139, %shift_right_logical3A_140 : vector<16xi32>
          %shift_right_logical3A_142 = arith.constant 14 : i32
          %shift_right_logical3A_143 = vector.broadcast %shift_right_logical3A_142 : i32 to vector<16xi32>
          %shift_right_logical3A_144 = arith.shrui %get3A_135, %shift_right_logical3A_143 : vector<16xi32>
          %and3A_145 = arith.constant 16383 : i32
          %and3A_146 = vector.broadcast %and3A_145 : i32 to vector<16xi32>
          %and3A_147 = arith.andi %get3A_135, %and3A_146 : vector<16xi32>
          %sub3A_148 = vector.broadcast %mul3A_8 : i32 to vector<16xi32>
          %sub3A_149 = arith.subi %and3A_147, %sub3A_148 : vector<16xi32>
          %mul3A_150 = arith.muli %shift_right_logical3A_144, %shift_right_logical3A_141 : vector<16xi32>
          %swap3A = arith.constant 1 : i32
          %swap3A_151 = arith.index_cast %swap3A : i32 to index
          %swap3A_152 = arith.constant 0 : index
          %swap3A_153 = tpu.vector_load %arg7[%swap3A_151, %swap3A_152] {strides = array<i32>} : memref<2x32xi32, #tpu.memory_space<vmem>>, vector<16xi32>,
          tpu.vector_store %arg7[%swap3A_151, %swap3A_152], %mul3A_150 {strides = array<i32>} : memref<2x32xi32, #tpu.memory_space<vmem>>, vector<16xi32>,
          %mul3A_154 = arith.muli %sub3A_149, %shift_right_logical3A_141 : vector<16xi32>
          %sub3A_155 = arith.constant 1 : i32
          %sub3A_156 = vector.broadcast %sub3A_155 : i32 to vector<16xi32>
          %sub3A_157 = arith.subi %sub3A_156, %shift_right_logical3A_141 : vector<16xi32>
          %mul3A_158 = arith.constant 2560 : i32
          %mul3A_159 = vector.broadcast %mul3A_158 : i32 to vector<16xi32>
          %mul3A_160 = arith.muli %mul3A_159, %sub3A_157 : vector<16xi32>
          %add3A_161 = arith.addi %mul3A_154, %mul3A_160 : vector<16xi32>
          %swap3A_162 = arith.constant 1 : i32
          %swap3A_163 = arith.index_cast %swap3A_162 : i32 to index
          %swap3A_164 = arith.constant 0 : index
          %swap3A_165 = tpu.vector_load %arg8[%swap3A_163, %swap3A_164] {strides = array<i32>} : memref<2x32xi32, #tpu.memory_space<vmem>>, vector<16xi32>,
          tpu.vector_store %arg8[%swap3A_163, %swap3A_164], %add3A_161 {strides = array<i32>} : memref<2x32xi32, #tpu.memory_space<vmem>>, vector<16xi32>,
          %mul3A_166 = arith.constant 32 : i32
          %mul3A_167 = arith.muli %add3A_130, %mul3A_166 : i32
          %add3A_168 = arith.constant 16 : i32
          %add3A_169 = arith.addi %mul3A_167, %add3A_168 : i32
          %get3A_170 = arith.index_cast %add3A_169 : i32 to index
          %get3A_171 = tpu.vector_load %arg6[%get3A_170] {strides = array<i32>} : memref<10112xi32, #tpu.memory_space<vmem>>, vector<16xi32>,
          %iota3A_172 = tpu.iota {dimensions = array<i32: 0>} : vector<16xi32>
          %add3A_173 = vector.broadcast %add3A_169 : i32 to vector<16xi32>
          %add3A_174 = arith.addi %add3A_173, %iota3A_172 : vector<16xi32>
          %sub3A_175 = vector.broadcast %scan3A_33 : i32 to vector<16xi32>
          %sub3A_176 = arith.subi %add3A_174, %sub3A_175 : vector<16xi32>
          %shift_right_logical3A_177 = arith.constant 31 : i32
          %shift_right_logical3A_178 = vector.broadcast %shift_right_logical3A_177 : i32 to vector<16xi32>
          %shift_right_logical3A_179 = arith.shrui %sub3A_176, %shift_right_logical3A_178 : vector<16xi32>
          %shift_right_logical3A_180 = arith.constant 14 : i32
          %shift_right_logical3A_181 = vector.broadcast %shift_right_logical3A_180 : i32 to vector<16xi32>
          %shift_right_logical3A_182 = arith.shrui %get3A_171, %shift_right_logical3A_181 : vector<16xi32>
          %and3A_183 = arith.constant 16383 : i32
          %and3A_184 = vector.broadcast %and3A_183 : i32 to vector<16xi32>
          %and3A_185 = arith.andi %get3A_171, %and3A_184 : vector<16xi32>
          %sub3A_186 = vector.broadcast %mul3A_8 : i32 to vector<16xi32>
          %sub3A_187 = arith.subi %and3A_185, %sub3A_186 : vector<16xi32>
          %mul3A_188 = arith.muli %shift_right_logical3A_182, %shift_right_logical3A_179 : vector<16xi32>
          %swap3A_189 = arith.constant 1 : i32
          %swap3A_190 = arith.index_cast %swap3A_189 : i32 to index
          %swap3A_191 = arith.constant 16 : index
          %swap3A_192 = tpu.vector_load %arg7[%swap3A_190, %swap3A_191] {strides = array<i32>} : memref<2x32xi32, #tpu.memory_space<vmem>>, vector<16xi32>,
          tpu.vector_store %arg7[%swap3A_190, %swap3A_191], %mul3A_188 {strides = array<i32>} : memref<2x32xi32, #tpu.memory_space<vmem>>, vector<16xi32>,
          %mul3A_193 = arith.muli %sub3A_187, %shift_right_logical3A_179 : vector<16xi32>
          %sub3A_194 = arith.constant 1 : i32
          %sub3A_195 = vector.broadcast %sub3A_194 : i32 to vector<16xi32>
          %sub3A_196 = arith.subi %sub3A_195, %shift_right_logical3A_179 : vector<16xi32>
          %mul3A_197 = arith.constant 2560 : i32
          %mul3A_198 = vector.broadcast %mul3A_197 : i32 to vector<16xi32>
          %mul3A_199 = arith.muli %mul3A_198, %sub3A_196 : vector<16xi32>
          %add3A_200 = arith.addi %mul3A_193, %mul3A_199 : vector<16xi32>
          %swap3A_201 = arith.constant 1 : i32
          %swap3A_202 = arith.index_cast %swap3A_201 : i32 to index
          %swap3A_203 = arith.constant 16 : index
          %swap3A_204 = tpu.vector_load %arg8[%swap3A_202, %swap3A_203] {strides = array<i32>} : memref<2x32xi32, #tpu.memory_space<vmem>>, vector<16xi32>,
          tpu.vector_store %arg8[%swap3A_202, %swap3A_203], %add3A_200 {strides = array<i32>} : memref<2x32xi32, #tpu.memory_space<vmem>>, vector<16xi32>,
          %dma_start3A = arith.constant 1 : i32
          %dma_start3A_205 = arith.constant 1 : i32
          %dma_start3A_206 = arith.constant 0 : i32
          %dma_start3A_207 = arith.constant 0 : i32
          %dma_start3A_208 = arith.constant 0 : i32
          %dma_start3A_209 = tpu.memref_slice %arg9[%dma_start3A_205, %dma_start3A_206, %dma_start3A_207, %dma_start3A_208] : memref<2x32x4x128xf32, #tpu.memory_space<vmem>> -> memref<1x32x4x128xf32, #tpu.memory_space<vmem>>
          %dma_start3A_210 = tpu.memref_squeeze %dma_start3A_209 : memref<1x32x4x128xf32, #tpu.memory_space<vmem>> -> memref<32x4x128xf32, #tpu.memory_space<vmem>>
          %dma_start3A_211 = arith.constant 0 : i32
          %dma_start3A_212 = tpu.memref_slice %arg7[%dma_start3A, %dma_start3A_211] : memref<2x32xi32, #tpu.memory_space<vmem>> -> memref<1x32xi32, #tpu.memory_space<vmem>>
          %dma_start3A_213 = tpu.memref_squeeze %dma_start3A_212 : memref<1x32xi32, #tpu.memory_space<vmem>> -> memref<32xi32, #tpu.memory_space<vmem>>
          %dma_start3A_214 = arith.constant 0 : i32
          %dma_start3A_215 = arith.constant 0 : i32
          %dma_start3A_216 = arith.constant 0 : i32
          %dma_start3A_217 = tpu.memref_slice %arg2[%dma_start3A_214, %dma_start3A_215, %dma_start3A_216] : memref<10000x4x128xf32, #tpu.memory_space<hbm>> -> memref<10000x4x128xf32, #tpu.memory_space<hbm>>
          tpu.enqueue_indirect_dma source(%dma_start3A_217 : memref<10000x4x128xf32, #tpu.memory_space<hbm>>) target(%dma_start3A_210 : memref<32x4x128xf32, #tpu.memory_space<vmem>>) offsets(%dma_start3A_213 : memref<32xi32, #tpu.memory_space<vmem>>) semaphore(%arg11 : memref<!tpu.dma_semaphore, #tpu.memory_space<semaphore_mem>>)
        } else {
        }
        %lt3A_111 = arith.cmpi slt, %add3A_105, %select_n3A : i32
        %convert_element_type3A_112 = arith.extui %lt3A_111 : i1 to i32
        %cond3A_113 = arith.constant 0 : i32
        %cond3A_114 = arith.cmpi ne, %convert_element_type3A_112, %cond3A_113 : i32
        scf.if %cond3A_114 {
          %dma_wait3A = arith.constant 0 : i32
          %dma_wait3A_129 = arith.constant 0 : i32
          %dma_wait3A_130 = arith.constant 0 : i32
          %dma_wait3A_131 = arith.constant 0 : i32
          %dma_wait3A_132 = arith.constant 0 : i32
          %dma_wait3A_133 = tpu.memref_slice %arg9[%dma_wait3A_129, %dma_wait3A_130, %dma_wait3A_131, %dma_wait3A_132] : memref<2x32x4x128xf32, #tpu.memory_space<vmem>> -> memref<1x32x4x128xf32, #tpu.memory_space<vmem>>
          %dma_wait3A_134 = tpu.memref_squeeze %dma_wait3A_133 : memref<1x32x4x128xf32, #tpu.memory_space<vmem>> -> memref<32x4x128xf32, #tpu.memory_space<vmem>>
          %dma_wait3A_135 = arith.constant 0 : i32
          %dma_wait3A_136 = tpu.memref_slice %arg7[%dma_wait3A, %dma_wait3A_135] : memref<2x32xi32, #tpu.memory_space<vmem>> -> memref<1x32xi32, #tpu.memory_space<vmem>>
          %dma_wait3A_137 = tpu.memref_squeeze %dma_wait3A_136 : memref<1x32xi32, #tpu.memory_space<vmem>> -> memref<32xi32, #tpu.memory_space<vmem>>
          %dma_wait3A_138 = arith.constant 0 : i32
          %dma_wait3A_139 = arith.constant 0 : i32
          %dma_wait3A_140 = arith.constant 0 : i32
          %dma_wait3A_141 = tpu.memref_slice %arg2[%dma_wait3A_138, %dma_wait3A_139, %dma_wait3A_140] : memref<10000x4x128xf32, #tpu.memory_space<hbm>> -> memref<10000x4x128xf32, #tpu.memory_space<hbm>>
          tpu.wait_indirect_dma semaphore(%arg10 : memref<!tpu.dma_semaphore, #tpu.memory_space<semaphore_mem>>) src(%dma_wait3A_141 : memref<10000x4x128xf32, #tpu.memory_space<hbm>>) dst(%dma_wait3A_134 : memref<32x4x128xf32, #tpu.memory_space<vmem>>)
          %run_scoped3A_142 = arith.constant 0 : i32
          %run_scoped3A_143 = arith.constant 0 : i32
          "tpu.region"() ({
            %run_scoped3A_144 = tpu.sem_alloc : memref<!tpu.dma_semaphore, #tpu.memory_space<semaphore_mem>>
            %dma_start3A = arith.constant 0 : i32
            %dma_start3A_145 = arith.constant 0 : i32
            %dma_start3A_146 = arith.constant 0 : i32
            %dma_start3A_147 = tpu.memref_slice %arg9[%run_scoped3A_142, %dma_start3A, %dma_start3A_145, %dma_start3A_146] : memref<2x32x4x128xf32, #tpu.memory_space<vmem>> -> memref<1x32x4x128xf32, #tpu.memory_space<vmem>>
            %dma_start3A_148 = tpu.memref_squeeze %dma_start3A_147 : memref<1x32x4x128xf32, #tpu.memory_space<vmem>> -> memref<32x4x128xf32, #tpu.memory_space<vmem>>
            %dma_start3A_149 = arith.constant 0 : i32
            %dma_start3A_150 = tpu.memref_slice %arg8[%run_scoped3A_143, %dma_start3A_149] : memref<2x32xi32, #tpu.memory_space<vmem>> -> memref<1x32xi32, #tpu.memory_space<vmem>>
            %dma_start3A_151 = tpu.memref_squeeze %dma_start3A_150 : memref<1x32xi32, #tpu.memory_space<vmem>> -> memref<32xi32, #tpu.memory_space<vmem>>
            %dma_start3A_152 = arith.constant 0 : i32
            %dma_start3A_153 = arith.constant 0 : i32
            %dma_start3A_154 = arith.constant 0 : i32
            %dma_start3A_155 = tpu.memref_slice %arg5[%dma_start3A_152, %dma_start3A_153, %dma_start3A_154] : memref<2688x4x128xf32, #tpu.memory_space<vmem_shared>> -> memref<2688x4x128xf32, #tpu.memory_space<vmem_shared>>
            tpu.enqueue_indirect_dma source(%dma_start3A_148 : memref<32x4x128xf32, #tpu.memory_space<vmem>>) target(%dma_start3A_155 : memref<2688x4x128xf32, #tpu.memory_space<vmem_shared>>) offsets(%dma_start3A_151 : memref<32xi32, #tpu.memory_space<vmem>>) semaphore(%run_scoped3A_144 : memref<!tpu.dma_semaphore, #tpu.memory_space<semaphore_mem>>) {add = true}
            %dma_wait3A_156 = arith.constant 0 : i32
            %dma_wait3A_157 = arith.constant 0 : i32
            %dma_wait3A_158 = arith.constant 0 : i32
            %dma_wait3A_159 = tpu.memref_slice %arg9[%run_scoped3A_142, %dma_wait3A_156, %dma_wait3A_157, %dma_wait3A_158] : memref<2x32x4x128xf32, #tpu.memory_space<vmem>> -> memref<1x32x4x128xf32, #tpu.memory_space<vmem>>
            %dma_wait3A_160 = tpu.memref_squeeze %dma_wait3A_159 : memref<1x32x4x128xf32, #tpu.memory_space<vmem>> -> memref<32x4x128xf32, #tpu.memory_space<vmem>>
            %dma_wait3A_161 = arith.constant 0 : i32
            %dma_wait3A_162 = tpu.memref_slice %arg8[%run_scoped3A_143, %dma_wait3A_161] : memref<2x32xi32, #tpu.memory_space<vmem>> -> memref<1x32xi32, #tpu.memory_space<vmem>>
            %dma_wait3A_163 = tpu.memref_squeeze %dma_wait3A_162 : memref<1x32xi32, #tpu.memory_space<vmem>> -> memref<32xi32, #tpu.memory_space<vmem>>
            %dma_wait3A_164 = arith.constant 0 : i32
            %dma_wait3A_165 = arith.constant 0 : i32
            %dma_wait3A_166 = arith.constant 0 : i32
            %dma_wait3A_167 = tpu.memref_slice %arg5[%dma_wait3A_164, %dma_wait3A_165, %dma_wait3A_166] : memref<2688x4x128xf32, #tpu.memory_space<vmem_shared>> -> memref<2688x4x128xf32, #tpu.memory_space<vmem_shared>>
            tpu.wait_indirect_dma semaphore(%run_scoped3A_144 : memref<!tpu.dma_semaphore, #tpu.memory_space<semaphore_mem>>) src(%dma_wait3A_160 : memref<32x4x128xf32, #tpu.memory_space<vmem>>) dst(%dma_wait3A_167 : memref<2688x4x128xf32, #tpu.memory_space<vmem_shared>>)
            tpu.yield
          }) : () -> ()
        } else {
        }
        %mul3A_115 = arith.constant 2 : i32
        %mul3A_116 = arith.muli %while3A_101, %mul3A_115 : i32
        %add3A_117 = arith.constant 1 : i32
        %add3A_118 = arith.addi %mul3A_116, %add3A_117 : i32
        %add3A_119 = arith.constant 1 : i32
        %add3A_120 = arith.addi %add3A_118, %add3A_119 : i32
        %lt3A_121 = arith.cmpi slt, %add3A_120, %select_n3A : i32
        %convert_element_type3A_122 = arith.extui %lt3A_121 : i1 to i32
        %cond3A_123 = arith.constant 0 : i32
        %cond3A_124 = arith.cmpi ne, %convert_element_type3A_122, %cond3A_123 : i32
        scf.if %cond3A_124 {
          %add3A_129 = arith.constant 1 : i32
          %add3A_130 = arith.addi %add3A_118, %add3A_129 : i32
          %mul3A_131 = arith.constant 32 : i32
          %mul3A_132 = arith.muli %add3A_130, %mul3A_131 : i32
          %add3A_133 = arith.constant 0 : i32
          %add3A_134 = arith.addi %mul3A_132, %add3A_133 : i32
          %get3A = arith.index_cast %add3A_134 : i32 to index
          %get3A_135 = tpu.vector_load %arg6[%get3A] {strides = array<i32>} : memref<10112xi32, #tpu.memory_space<vmem>>, vector<16xi32>,
          %iota3A = tpu.iota {dimensions = array<i32: 0>} : vector<16xi32>
          %add3A_136 = vector.broadcast %add3A_134 : i32 to vector<16xi32>
          %add3A_137 = arith.addi %add3A_136, %iota3A : vector<16xi32>
          %sub3A_138 = vector.broadcast %scan3A_33 : i32 to vector<16xi32>
          %sub3A_139 = arith.subi %add3A_137, %sub3A_138 : vector<16xi32>
          %shift_right_logical3A = arith.constant 31 : i32
          %shift_right_logical3A_140 = vector.broadcast %shift_right_logical3A : i32 to vector<16xi32>
          %shift_right_logical3A_141 = arith.shrui %sub3A_139, %shift_right_logical3A_140 : vector<16xi32>
          %shift_right_logical3A_142 = arith.constant 14 : i32
          %shift_right_logical3A_143 = vector.broadcast %shift_right_logical3A_142 : i32 to vector<16xi32>
          %shift_right_logical3A_144 = arith.shrui %get3A_135, %shift_right_logical3A_143 : vector<16xi32>
          %and3A_145 = arith.constant 16383 : i32
          %and3A_146 = vector.broadcast %and3A_145 : i32 to vector<16xi32>
          %and3A_147 = arith.andi %get3A_135, %and3A_146 : vector<16xi32>
          %sub3A_148 = vector.broadcast %mul3A_8 : i32 to vector<16xi32>
          %sub3A_149 = arith.subi %and3A_147, %sub3A_148 : vector<16xi32>
          %mul3A_150 = arith.muli %shift_right_logical3A_144, %shift_right_logical3A_141 : vector<16xi32>
          %swap3A = arith.constant 0 : i32
          %swap3A_151 = arith.index_cast %swap3A : i32 to index
          %swap3A_152 = arith.constant 0 : index
          %swap3A_153 = tpu.vector_load %arg7[%swap3A_151, %swap3A_152] {strides = array<i32>} : memref<2x32xi32, #tpu.memory_space<vmem>>, vector<16xi32>,
          tpu.vector_store %arg7[%swap3A_151, %swap3A_152], %mul3A_150 {strides = array<i32>} : memref<2x32xi32, #tpu.memory_space<vmem>>, vector<16xi32>,
          %mul3A_154 = arith.muli %sub3A_149, %shift_right_logical3A_141 : vector<16xi32>
          %sub3A_155 = arith.constant 1 : i32
          %sub3A_156 = vector.broadcast %sub3A_155 : i32 to vector<16xi32>
          %sub3A_157 = arith.subi %sub3A_156, %shift_right_logical3A_141 : vector<16xi32>
          %mul3A_158 = arith.constant 2560 : i32
          %mul3A_159 = vector.broadcast %mul3A_158 : i32 to vector<16xi32>
          %mul3A_160 = arith.muli %mul3A_159, %sub3A_157 : vector<16xi32>
          %add3A_161 = arith.addi %mul3A_154, %mul3A_160 : vector<16xi32>
          %swap3A_162 = arith.constant 0 : i32
          %swap3A_163 = arith.index_cast %swap3A_162 : i32 to index
          %swap3A_164 = arith.constant 0 : index
          %swap3A_165 = tpu.vector_load %arg8[%swap3A_163, %swap3A_164] {strides = array<i32>} : memref<2x32xi32, #tpu.memory_space<vmem>>, vector<16xi32>,
          tpu.vector_store %arg8[%swap3A_163, %swap3A_164], %add3A_161 {strides = array<i32>} : memref<2x32xi32, #tpu.memory_space<vmem>>, vector<16xi32>,
          %mul3A_166 = arith.constant 32 : i32
          %mul3A_167 = arith.muli %add3A_130, %mul3A_166 : i32
          %add3A_168 = arith.constant 16 : i32
          %add3A_169 = arith.addi %mul3A_167, %add3A_168 : i32
          %get3A_170 = arith.index_cast %add3A_169 : i32 to index
          %get3A_171 = tpu.vector_load %arg6[%get3A_170] {strides = array<i32>} : memref<10112xi32, #tpu.memory_space<vmem>>, vector<16xi32>,
          %iota3A_172 = tpu.iota {dimensions = array<i32: 0>} : vector<16xi32>
          %add3A_173 = vector.broadcast %add3A_169 : i32 to vector<16xi32>
          %add3A_174 = arith.addi %add3A_173, %iota3A_172 : vector<16xi32>
          %sub3A_175 = vector.broadcast %scan3A_33 : i32 to vector<16xi32>
          %sub3A_176 = arith.subi %add3A_174, %sub3A_175 : vector<16xi32>
          %shift_right_logical3A_177 = arith.constant 31 : i32
          %shift_right_logical3A_178 = vector.broadcast %shift_right_logical3A_177 : i32 to vector<16xi32>
          %shift_right_logical3A_179 = arith.shrui %sub3A_176, %shift_right_logical3A_178 : vector<16xi32>
          %shift_right_logical3A_180 = arith.constant 14 : i32
          %shift_right_logical3A_181 = vector.broadcast %shift_right_logical3A_180 : i32 to vector<16xi32>
          %shift_right_logical3A_182 = arith.shrui %get3A_171, %shift_right_logical3A_181 : vector<16xi32>
          %and3A_183 = arith.constant 16383 : i32
          %and3A_184 = vector.broadcast %and3A_183 : i32 to vector<16xi32>
          %and3A_185 = arith.andi %get3A_171, %and3A_184 : vector<16xi32>
          %sub3A_186 = vector.broadcast %mul3A_8 : i32 to vector<16xi32>
          %sub3A_187 = arith.subi %and3A_185, %sub3A_186 : vector<16xi32>
          %mul3A_188 = arith.muli %shift_right_logical3A_182, %shift_right_logical3A_179 : vector<16xi32>
          %swap3A_189 = arith.constant 0 : i32
          %swap3A_190 = arith.index_cast %swap3A_189 : i32 to index
          %swap3A_191 = arith.constant 16 : index
          %swap3A_192 = tpu.vector_load %arg7[%swap3A_190, %swap3A_191] {strides = array<i32>} : memref<2x32xi32, #tpu.memory_space<vmem>>, vector<16xi32>,
          tpu.vector_store %arg7[%swap3A_190, %swap3A_191], %mul3A_188 {strides = array<i32>} : memref<2x32xi32, #tpu.memory_space<vmem>>, vector<16xi32>,
          %mul3A_193 = arith.muli %sub3A_187, %shift_right_logical3A_179 : vector<16xi32>
          %sub3A_194 = arith.constant 1 : i32
          %sub3A_195 = vector.broadcast %sub3A_194 : i32 to vector<16xi32>
          %sub3A_196 = arith.subi %sub3A_195, %shift_right_logical3A_179 : vector<16xi32>
          %mul3A_197 = arith.constant 2560 : i32
          %mul3A_198 = vector.broadcast %mul3A_197 : i32 to vector<16xi32>
          %mul3A_199 = arith.muli %mul3A_198, %sub3A_196 : vector<16xi32>
          %add3A_200 = arith.addi %mul3A_193, %mul3A_199 : vector<16xi32>
          %swap3A_201 = arith.constant 0 : i32
          %swap3A_202 = arith.index_cast %swap3A_201 : i32 to index
          %swap3A_203 = arith.constant 16 : index
          %swap3A_204 = tpu.vector_load %arg8[%swap3A_202, %swap3A_203] {strides = array<i32>} : memref<2x32xi32, #tpu.memory_space<vmem>>, vector<16xi32>,
          tpu.vector_store %arg8[%swap3A_202, %swap3A_203], %add3A_200 {strides = array<i32>} : memref<2x32xi32, #tpu.memory_space<vmem>>, vector<16xi32>,
          %dma_start3A = arith.constant 0 : i32
          %dma_start3A_205 = arith.constant 0 : i32
          %dma_start3A_206 = arith.constant 0 : i32
          %dma_start3A_207 = arith.constant 0 : i32
          %dma_start3A_208 = arith.constant 0 : i32
          %dma_start3A_209 = tpu.memref_slice %arg9[%dma_start3A_205, %dma_start3A_206, %dma_start3A_207, %dma_start3A_208] : memref<2x32x4x128xf32, #tpu.memory_space<vmem>> -> memref<1x32x4x128xf32, #tpu.memory_space<vmem>>
          %dma_start3A_210 = tpu.memref_squeeze %dma_start3A_209 : memref<1x32x4x128xf32, #tpu.memory_space<vmem>> -> memref<32x4x128xf32, #tpu.memory_space<vmem>>
          %dma_start3A_211 = arith.constant 0 : i32
          %dma_start3A_212 = tpu.memref_slice %arg7[%dma_start3A, %dma_start3A_211] : memref<2x32xi32, #tpu.memory_space<vmem>> -> memref<1x32xi32, #tpu.memory_space<vmem>>
          %dma_start3A_213 = tpu.memref_squeeze %dma_start3A_212 : memref<1x32xi32, #tpu.memory_space<vmem>> -> memref<32xi32, #tpu.memory_space<vmem>>
          %dma_start3A_214 = arith.constant 0 : i32
          %dma_start3A_215 = arith.constant 0 : i32
          %dma_start3A_216 = arith.constant 0 : i32
          %dma_start3A_217 = tpu.memref_slice %arg2[%dma_start3A_214, %dma_start3A_215, %dma_start3A_216] : memref<10000x4x128xf32, #tpu.memory_space<hbm>> -> memref<10000x4x128xf32, #tpu.memory_space<hbm>>
          tpu.enqueue_indirect_dma source(%dma_start3A_217 : memref<10000x4x128xf32, #tpu.memory_space<hbm>>) target(%dma_start3A_210 : memref<32x4x128xf32, #tpu.memory_space<vmem>>) offsets(%dma_start3A_213 : memref<32xi32, #tpu.memory_space<vmem>>) semaphore(%arg10 : memref<!tpu.dma_semaphore, #tpu.memory_space<semaphore_mem>>)
        } else {
        }
        %lt3A_125 = arith.cmpi slt, %add3A_118, %select_n3A : i32
        %convert_element_type3A_126 = arith.extui %lt3A_125 : i1 to i32
        %cond3A_127 = arith.constant 0 : i32
        %cond3A_128 = arith.cmpi ne, %convert_element_type3A_126, %cond3A_127 : i32
        scf.if %cond3A_128 {
          %dma_wait3A = arith.constant 0 : i32
          %dma_wait3A_129 = arith.constant 1 : i32
          %dma_wait3A_130 = arith.constant 0 : i32
          %dma_wait3A_131 = arith.constant 0 : i32
          %dma_wait3A_132 = arith.constant 0 : i32
          %dma_wait3A_133 = tpu.memref_slice %arg9[%dma_wait3A_129, %dma_wait3A_130, %dma_wait3A_131, %dma_wait3A_132] : memref<2x32x4x128xf32, #tpu.memory_space<vmem>> -> memref<1x32x4x128xf32, #tpu.memory_space<vmem>>
          %dma_wait3A_134 = tpu.memref_squeeze %dma_wait3A_133 : memref<1x32x4x128xf32, #tpu.memory_space<vmem>> -> memref<32x4x128xf32, #tpu.memory_space<vmem>>
          %dma_wait3A_135 = arith.constant 0 : i32
          %dma_wait3A_136 = tpu.memref_slice %arg7[%dma_wait3A, %dma_wait3A_135] : memref<2x32xi32, #tpu.memory_space<vmem>> -> memref<1x32xi32, #tpu.memory_space<vmem>>
          %dma_wait3A_137 = tpu.memref_squeeze %dma_wait3A_136 : memref<1x32xi32, #tpu.memory_space<vmem>> -> memref<32xi32, #tpu.memory_space<vmem>>
          %dma_wait3A_138 = arith.constant 0 : i32
          %dma_wait3A_139 = arith.constant 0 : i32
          %dma_wait3A_140 = arith.constant 0 : i32
          %dma_wait3A_141 = tpu.memref_slice %arg2[%dma_wait3A_138, %dma_wait3A_139, %dma_wait3A_140] : memref<10000x4x128xf32, #tpu.memory_space<hbm>> -> memref<10000x4x128xf32, #tpu.memory_space<hbm>>
          tpu.wait_indirect_dma semaphore(%arg11 : memref<!tpu.dma_semaphore, #tpu.memory_space<semaphore_mem>>) src(%dma_wait3A_141 : memref<10000x4x128xf32, #tpu.memory_space<hbm>>) dst(%dma_wait3A_134 : memref<32x4x128xf32, #tpu.memory_space<vmem>>)
          %run_scoped3A_142 = arith.constant 1 : i32
          %run_scoped3A_143 = arith.constant 1 : i32
          "tpu.region"() ({
            %run_scoped3A_144 = tpu.sem_alloc : memref<!tpu.dma_semaphore, #tpu.memory_space<semaphore_mem>>
            %dma_start3A = arith.constant 0 : i32
            %dma_start3A_145 = arith.constant 0 : i32
            %dma_start3A_146 = arith.constant 0 : i32
            %dma_start3A_147 = tpu.memref_slice %arg9[%run_scoped3A_142, %dma_start3A, %dma_start3A_145, %dma_start3A_146] : memref<2x32x4x128xf32, #tpu.memory_space<vmem>> -> memref<1x32x4x128xf32, #tpu.memory_space<vmem>>
            %dma_start3A_148 = tpu.memref_squeeze %dma_start3A_147 : memref<1x32x4x128xf32, #tpu.memory_space<vmem>> -> memref<32x4x128xf32, #tpu.memory_space<vmem>>
            %dma_start3A_149 = arith.constant 0 : i32
            %dma_start3A_150 = tpu.memref_slice %arg8[%run_scoped3A_143, %dma_start3A_149] : memref<2x32xi32, #tpu.memory_space<vmem>> -> memref<1x32xi32, #tpu.memory_space<vmem>>
            %dma_start3A_151 = tpu.memref_squeeze %dma_start3A_150 : memref<1x32xi32, #tpu.memory_space<vmem>> -> memref<32xi32, #tpu.memory_space<vmem>>
            %dma_start3A_152 = arith.constant 0 : i32
            %dma_start3A_153 = arith.constant 0 : i32
            %dma_start3A_154 = arith.constant 0 : i32
            %dma_start3A_155 = tpu.memref_slice %arg5[%dma_start3A_152, %dma_start3A_153, %dma_start3A_154] : memref<2688x4x128xf32, #tpu.memory_space<vmem_shared>> -> memref<2688x4x128xf32, #tpu.memory_space<vmem_shared>>
            tpu.enqueue_indirect_dma source(%dma_start3A_148 : memref<32x4x128xf32, #tpu.memory_space<vmem>>) target(%dma_start3A_155 : memref<2688x4x128xf32, #tpu.memory_space<vmem_shared>>) offsets(%dma_start3A_151 : memref<32xi32, #tpu.memory_space<vmem>>) semaphore(%run_scoped3A_144 : memref<!tpu.dma_semaphore, #tpu.memory_space<semaphore_mem>>) {add = true}
            %dma_wait3A_156 = arith.constant 0 : i32
            %dma_wait3A_157 = arith.constant 0 : i32
            %dma_wait3A_158 = arith.constant 0 : i32
            %dma_wait3A_159 = tpu.memref_slice %arg9[%run_scoped3A_142, %dma_wait3A_156, %dma_wait3A_157, %dma_wait3A_158] : memref<2x32x4x128xf32, #tpu.memory_space<vmem>> -> memref<1x32x4x128xf32, #tpu.memory_space<vmem>>
            %dma_wait3A_160 = tpu.memref_squeeze %dma_wait3A_159 : memref<1x32x4x128xf32, #tpu.memory_space<vmem>> -> memref<32x4x128xf32, #tpu.memory_space<vmem>>
            %dma_wait3A_161 = arith.constant 0 : i32
            %dma_wait3A_162 = tpu.memref_slice %arg8[%run_scoped3A_143, %dma_wait3A_161] : memref<2x32xi32, #tpu.memory_space<vmem>> -> memref<1x32xi32, #tpu.memory_space<vmem>>
            %dma_wait3A_163 = tpu.memref_squeeze %dma_wait3A_162 : memref<1x32xi32, #tpu.memory_space<vmem>> -> memref<32xi32, #tpu.memory_space<vmem>>
            %dma_wait3A_164 = arith.constant 0 : i32
            %dma_wait3A_165 = arith.constant 0 : i32
            %dma_wait3A_166 = arith.constant 0 : i32
            %dma_wait3A_167 = tpu.memref_slice %arg5[%dma_wait3A_164, %dma_wait3A_165, %dma_wait3A_166] : memref<2688x4x128xf32, #tpu.memory_space<vmem_shared>> -> memref<2688x4x128xf32, #tpu.memory_space<vmem_shared>>
            tpu.wait_indirect_dma semaphore(%run_scoped3A_144 : memref<!tpu.dma_semaphore, #tpu.memory_space<semaphore_mem>>) src(%dma_wait3A_160 : memref<32x4x128xf32, #tpu.memory_space<vmem>>) dst(%dma_wait3A_167 : memref<2688x4x128xf32, #tpu.memory_space<vmem_shared>>)
            tpu.yield
          }) : () -> ()
        } else {
        }
      }
      %while3A_93 = arith.constant 1 : i32
      scf.for %while3A_101 = %while3A_91 to %while3A_87 step %while3A_93  : i32 {
        %mul3A_102 = arith.constant 2 : i32
        %mul3A_103 = arith.muli %while3A_101, %mul3A_102 : i32
        %add3A_104 = arith.constant 0 : i32
        %add3A_105 = arith.addi %mul3A_103, %add3A_104 : i32
        %add3A_106 = arith.constant 1 : i32
        %add3A_107 = arith.addi %add3A_105, %add3A_106 : i32
        %lt3A = arith.cmpi slt, %add3A_107, %select_n3A : i32
        %convert_element_type3A_108 = arith.extui %lt3A : i1 to i32
        %cond3A_109 = arith.constant 0 : i32
        %cond3A_110 = arith.cmpi ne, %convert_element_type3A_108, %cond3A_109 : i32
        scf.if %cond3A_110 {
          %add3A_129 = arith.constant 1 : i32
          %add3A_130 = arith.addi %add3A_105, %add3A_129 : i32
          %mul3A_131 = arith.constant 32 : i32
          %mul3A_132 = arith.muli %add3A_130, %mul3A_131 : i32
          %add3A_133 = arith.constant 0 : i32
          %add3A_134 = arith.addi %mul3A_132, %add3A_133 : i32
          %get3A = arith.index_cast %add3A_134 : i32 to index
          %get3A_135 = tpu.vector_load %arg6[%get3A] {strides = array<i32>} : memref<10112xi32, #tpu.memory_space<vmem>>, vector<16xi32>,
          %iota3A = tpu.iota {dimensions = array<i32: 0>} : vector<16xi32>
          %add3A_136 = vector.broadcast %add3A_134 : i32 to vector<16xi32>
          %add3A_137 = arith.addi %add3A_136, %iota3A : vector<16xi32>
          %sub3A_138 = vector.broadcast %scan3A_33 : i32 to vector<16xi32>
          %sub3A_139 = arith.subi %add3A_137, %sub3A_138 : vector<16xi32>
          %shift_right_logical3A = arith.constant 31 : i32
          %shift_right_logical3A_140 = vector.broadcast %shift_right_logical3A : i32 to vector<16xi32>
          %shift_right_logical3A_141 = arith.shrui %sub3A_139, %shift_right_logical3A_140 : vector<16xi32>
          %shift_right_logical3A_142 = arith.constant 14 : i32
          %shift_right_logical3A_143 = vector.broadcast %shift_right_logical3A_142 : i32 to vector<16xi32>
          %shift_right_logical3A_144 = arith.shrui %get3A_135, %shift_right_logical3A_143 : vector<16xi32>
          %and3A_145 = arith.constant 16383 : i32
          %and3A_146 = vector.broadcast %and3A_145 : i32 to vector<16xi32>
          %and3A_147 = arith.andi %get3A_135, %and3A_146 : vector<16xi32>
          %sub3A_148 = vector.broadcast %mul3A_8 : i32 to vector<16xi32>
          %sub3A_149 = arith.subi %and3A_147, %sub3A_148 : vector<16xi32>
          %mul3A_150 = arith.muli %shift_right_logical3A_144, %shift_right_logical3A_141 : vector<16xi32>
          %swap3A = arith.constant 1 : i32
          %swap3A_151 = arith.index_cast %swap3A : i32 to index
          %swap3A_152 = arith.constant 0 : index
          %swap3A_153 = tpu.vector_load %arg7[%swap3A_151, %swap3A_152] {strides = array<i32>} : memref<2x32xi32, #tpu.memory_space<vmem>>, vector<16xi32>,
          tpu.vector_store %arg7[%swap3A_151, %swap3A_152], %mul3A_150 {strides = array<i32>} : memref<2x32xi32, #tpu.memory_space<vmem>>, vector<16xi32>,
          %mul3A_154 = arith.muli %sub3A_149, %shift_right_logical3A_141 : vector<16xi32>
          %sub3A_155 = arith.constant 1 : i32
          %sub3A_156 = vector.broadcast %sub3A_155 : i32 to vector<16xi32>
          %sub3A_157 = arith.subi %sub3A_156, %shift_right_logical3A_141 : vector<16xi32>
          %mul3A_158 = arith.constant 2560 : i32
          %mul3A_159 = vector.broadcast %mul3A_158 : i32 to vector<16xi32>
          %mul3A_160 = arith.muli %mul3A_159, %sub3A_157 : vector<16xi32>
          %add3A_161 = arith.addi %mul3A_154, %mul3A_160 : vector<16xi32>
          %swap3A_162 = arith.constant 1 : i32
          %swap3A_163 = arith.index_cast %swap3A_162 : i32 to index
          %swap3A_164 = arith.constant 0 : index
          %swap3A_165 = tpu.vector_load %arg8[%swap3A_163, %swap3A_164] {strides = array<i32>} : memref<2x32xi32, #tpu.memory_space<vmem>>, vector<16xi32>,
          tpu.vector_store %arg8[%swap3A_163, %swap3A_164], %add3A_161 {strides = array<i32>} : memref<2x32xi32, #tpu.memory_space<vmem>>, vector<16xi32>,
          %mul3A_166 = arith.constant 32 : i32
          %mul3A_167 = arith.muli %add3A_130, %mul3A_166 : i32
          %add3A_168 = arith.constant 16 : i32
          %add3A_169 = arith.addi %mul3A_167, %add3A_168 : i32
          %get3A_170 = arith.index_cast %add3A_169 : i32 to index
          %get3A_171 = tpu.vector_load %arg6[%get3A_170] {strides = array<i32>} : memref<10112xi32, #tpu.memory_space<vmem>>, vector<16xi32>,
          %iota3A_172 = tpu.iota {dimensions = array<i32: 0>} : vector<16xi32>
          %add3A_173 = vector.broadcast %add3A_169 : i32 to vector<16xi32>
          %add3A_174 = arith.addi %add3A_173, %iota3A_172 : vector<16xi32>
          %sub3A_175 = vector.broadcast %scan3A_33 : i32 to vector<16xi32>
          %sub3A_176 = arith.subi %add3A_174, %sub3A_175 : vector<16xi32>
          %shift_right_logical3A_177 = arith.constant 31 : i32
          %shift_right_logical3A_178 = vector.broadcast %shift_right_logical3A_177 : i32 to vector<16xi32>
          %shift_right_logical3A_179 = arith.shrui %sub3A_176, %shift_right_logical3A_178 : vector<16xi32>
          %shift_right_logical3A_180 = arith.constant 14 : i32
          %shift_right_logical3A_181 = vector.broadcast %shift_right_logical3A_180 : i32 to vector<16xi32>
          %shift_right_logical3A_182 = arith.shrui %get3A_171, %shift_right_logical3A_181 : vector<16xi32>
          %and3A_183 = arith.constant 16383 : i32
          %and3A_184 = vector.broadcast %and3A_183 : i32 to vector<16xi32>
          %and3A_185 = arith.andi %get3A_171, %and3A_184 : vector<16xi32>
          %sub3A_186 = vector.broadcast %mul3A_8 : i32 to vector<16xi32>
          %sub3A_187 = arith.subi %and3A_185, %sub3A_186 : vector<16xi32>
          %mul3A_188 = arith.muli %shift_right_logical3A_182, %shift_right_logical3A_179 : vector<16xi32>
          %swap3A_189 = arith.constant 1 : i32
          %swap3A_190 = arith.index_cast %swap3A_189 : i32 to index
          %swap3A_191 = arith.constant 16 : index
          %swap3A_192 = tpu.vector_load %arg7[%swap3A_190, %swap3A_191] {strides = array<i32>} : memref<2x32xi32, #tpu.memory_space<vmem>>, vector<16xi32>,
          tpu.vector_store %arg7[%swap3A_190, %swap3A_191], %mul3A_188 {strides = array<i32>} : memref<2x32xi32, #tpu.memory_space<vmem>>, vector<16xi32>,
          %mul3A_193 = arith.muli %sub3A_187, %shift_right_logical3A_179 : vector<16xi32>
          %sub3A_194 = arith.constant 1 : i32
          %sub3A_195 = vector.broadcast %sub3A_194 : i32 to vector<16xi32>
          %sub3A_196 = arith.subi %sub3A_195, %shift_right_logical3A_179 : vector<16xi32>
          %mul3A_197 = arith.constant 2560 : i32
          %mul3A_198 = vector.broadcast %mul3A_197 : i32 to vector<16xi32>
          %mul3A_199 = arith.muli %mul3A_198, %sub3A_196 : vector<16xi32>
          %add3A_200 = arith.addi %mul3A_193, %mul3A_199 : vector<16xi32>
          %swap3A_201 = arith.constant 1 : i32
          %swap3A_202 = arith.index_cast %swap3A_201 : i32 to index
          %swap3A_203 = arith.constant 16 : index
          %swap3A_204 = tpu.vector_load %arg8[%swap3A_202, %swap3A_203] {strides = array<i32>} : memref<2x32xi32, #tpu.memory_space<vmem>>, vector<16xi32>,
          tpu.vector_store %arg8[%swap3A_202, %swap3A_203], %add3A_200 {strides = array<i32>} : memref<2x32xi32, #tpu.memory_space<vmem>>, vector<16xi32>,
          %dma_start3A = arith.constant 1 : i32
          %dma_start3A_205 = arith.constant 1 : i32
          %dma_start3A_206 = arith.constant 0 : i32
          %dma_start3A_207 = arith.constant 0 : i32
          %dma_start3A_208 = arith.constant 0 : i32
          %dma_start3A_209 = tpu.memref_slice %arg9[%dma_start3A_205, %dma_start3A_206, %dma_start3A_207, %dma_start3A_208] : memref<2x32x4x128xf32, #tpu.memory_space<vmem>> -> memref<1x32x4x128xf32, #tpu.memory_space<vmem>>
          %dma_start3A_210 = tpu.memref_squeeze %dma_start3A_209 : memref<1x32x4x128xf32, #tpu.memory_space<vmem>> -> memref<32x4x128xf32, #tpu.memory_space<vmem>>
          %dma_start3A_211 = arith.constant 0 : i32
          %dma_start3A_212 = tpu.memref_slice %arg7[%dma_start3A, %dma_start3A_211] : memref<2x32xi32, #tpu.memory_space<vmem>> -> memref<1x32xi32, #tpu.memory_space<vmem>>
          %dma_start3A_213 = tpu.memref_squeeze %dma_start3A_212 : memref<1x32xi32, #tpu.memory_space<vmem>> -> memref<32xi32, #tpu.memory_space<vmem>>
          %dma_start3A_214 = arith.constant 0 : i32
          %dma_start3A_215 = arith.constant 0 : i32
          %dma_start3A_216 = arith.constant 0 : i32
          %dma_start3A_217 = tpu.memref_slice %arg2[%dma_start3A_214, %dma_start3A_215, %dma_start3A_216] : memref<10000x4x128xf32, #tpu.memory_space<hbm>> -> memref<10000x4x128xf32, #tpu.memory_space<hbm>>
          tpu.enqueue_indirect_dma source(%dma_start3A_217 : memref<10000x4x128xf32, #tpu.memory_space<hbm>>) target(%dma_start3A_210 : memref<32x4x128xf32, #tpu.memory_space<vmem>>) offsets(%dma_start3A_213 : memref<32xi32, #tpu.memory_space<vmem>>) semaphore(%arg11 : memref<!tpu.dma_semaphore, #tpu.memory_space<semaphore_mem>>)
        } else {
        }
        %lt3A_111 = arith.cmpi slt, %add3A_105, %select_n3A : i32
        %convert_element_type3A_112 = arith.extui %lt3A_111 : i1 to i32
        %cond3A_113 = arith.constant 0 : i32
        %cond3A_114 = arith.cmpi ne, %convert_element_type3A_112, %cond3A_113 : i32
        scf.if %cond3A_114 {
          %dma_wait3A = arith.constant 0 : i32
          %dma_wait3A_129 = arith.constant 0 : i32
          %dma_wait3A_130 = arith.constant 0 : i32
          %dma_wait3A_131 = arith.constant 0 : i32
          %dma_wait3A_132 = arith.constant 0 : i32
          %dma_wait3A_133 = tpu.memref_slice %arg9[%dma_wait3A_129, %dma_wait3A_130, %dma_wait3A_131, %dma_wait3A_132] : memref<2x32x4x128xf32, #tpu.memory_space<vmem>> -> memref<1x32x4x128xf32, #tpu.memory_space<vmem>>
          %dma_wait3A_134 = tpu.memref_squeeze %dma_wait3A_133 : memref<1x32x4x128xf32, #tpu.memory_space<vmem>> -> memref<32x4x128xf32, #tpu.memory_space<vmem>>
          %dma_wait3A_135 = arith.constant 0 : i32
          %dma_wait3A_136 = tpu.memref_slice %arg7[%dma_wait3A, %dma_wait3A_135] : memref<2x32xi32, #tpu.memory_space<vmem>> -> memref<1x32xi32, #tpu.memory_space<vmem>>
          %dma_wait3A_137 = tpu.memref_squeeze %dma_wait3A_136 : memref<1x32xi32, #tpu.memory_space<vmem>> -> memref<32xi32, #tpu.memory_space<vmem>>
          %dma_wait3A_138 = arith.constant 0 : i32
          %dma_wait3A_139 = arith.constant 0 : i32
          %dma_wait3A_140 = arith.constant 0 : i32
          %dma_wait3A_141 = tpu.memref_slice %arg2[%dma_wait3A_138, %dma_wait3A_139, %dma_wait3A_140] : memref<10000x4x128xf32, #tpu.memory_space<hbm>> -> memref<10000x4x128xf32, #tpu.memory_space<hbm>>
          tpu.wait_indirect_dma semaphore(%arg10 : memref<!tpu.dma_semaphore, #tpu.memory_space<semaphore_mem>>) src(%dma_wait3A_141 : memref<10000x4x128xf32, #tpu.memory_space<hbm>>) dst(%dma_wait3A_134 : memref<32x4x128xf32, #tpu.memory_space<vmem>>)
          %run_scoped3A_142 = arith.constant 0 : i32
          %run_scoped3A_143 = arith.constant 0 : i32
          "tpu.region"() ({
            %run_scoped3A_144 = tpu.sem_alloc : memref<!tpu.dma_semaphore, #tpu.memory_space<semaphore_mem>>
            %dma_start3A = arith.constant 0 : i32
            %dma_start3A_145 = arith.constant 0 : i32
            %dma_start3A_146 = arith.constant 0 : i32
            %dma_start3A_147 = tpu.memref_slice %arg9[%run_scoped3A_142, %dma_start3A, %dma_start3A_145, %dma_start3A_146] : memref<2x32x4x128xf32, #tpu.memory_space<vmem>> -> memref<1x32x4x128xf32, #tpu.memory_space<vmem>>
            %dma_start3A_148 = tpu.memref_squeeze %dma_start3A_147 : memref<1x32x4x128xf32, #tpu.memory_space<vmem>> -> memref<32x4x128xf32, #tpu.memory_space<vmem>>
            %dma_start3A_149 = arith.constant 0 : i32
            %dma_start3A_150 = tpu.memref_slice %arg8[%run_scoped3A_143, %dma_start3A_149] : memref<2x32xi32, #tpu.memory_space<vmem>> -> memref<1x32xi32, #tpu.memory_space<vmem>>
            %dma_start3A_151 = tpu.memref_squeeze %dma_start3A_150 : memref<1x32xi32, #tpu.memory_space<vmem>> -> memref<32xi32, #tpu.memory_space<vmem>>
            %dma_start3A_152 = arith.constant 0 : i32
            %dma_start3A_153 = arith.constant 0 : i32
            %dma_start3A_154 = arith.constant 0 : i32
            %dma_start3A_155 = tpu.memref_slice %arg5[%dma_start3A_152, %dma_start3A_153, %dma_start3A_154] : memref<2688x4x128xf32, #tpu.memory_space<vmem_shared>> -> memref<2688x4x128xf32, #tpu.memory_space<vmem_shared>>
            tpu.enqueue_indirect_dma source(%dma_start3A_148 : memref<32x4x128xf32, #tpu.memory_space<vmem>>) target(%dma_start3A_155 : memref<2688x4x128xf32, #tpu.memory_space<vmem_shared>>) offsets(%dma_start3A_151 : memref<32xi32, #tpu.memory_space<vmem>>) semaphore(%run_scoped3A_144 : memref<!tpu.dma_semaphore, #tpu.memory_space<semaphore_mem>>) {add = true}
            %dma_wait3A_156 = arith.constant 0 : i32
            %dma_wait3A_157 = arith.constant 0 : i32
            %dma_wait3A_158 = arith.constant 0 : i32
            %dma_wait3A_159 = tpu.memref_slice %arg9[%run_scoped3A_142, %dma_wait3A_156, %dma_wait3A_157, %dma_wait3A_158] : memref<2x32x4x128xf32, #tpu.memory_space<vmem>> -> memref<1x32x4x128xf32, #tpu.memory_space<vmem>>
            %dma_wait3A_160 = tpu.memref_squeeze %dma_wait3A_159 : memref<1x32x4x128xf32, #tpu.memory_space<vmem>> -> memref<32x4x128xf32, #tpu.memory_space<vmem>>
            %dma_wait3A_161 = arith.constant 0 : i32
            %dma_wait3A_162 = tpu.memref_slice %arg8[%run_scoped3A_143, %dma_wait3A_161] : memref<2x32xi32, #tpu.memory_space<vmem>> -> memref<1x32xi32, #tpu.memory_space<vmem>>
            %dma_wait3A_163 = tpu.memref_squeeze %dma_wait3A_162 : memref<1x32xi32, #tpu.memory_space<vmem>> -> memref<32xi32, #tpu.memory_space<vmem>>
            %dma_wait3A_164 = arith.constant 0 : i32
            %dma_wait3A_165 = arith.constant 0 : i32
            %dma_wait3A_166 = arith.constant 0 : i32
            %dma_wait3A_167 = tpu.memref_slice %arg5[%dma_wait3A_164, %dma_wait3A_165, %dma_wait3A_166] : memref<2688x4x128xf32, #tpu.memory_space<vmem_shared>> -> memref<2688x4x128xf32, #tpu.memory_space<vmem_shared>>
            tpu.wait_indirect_dma semaphore(%run_scoped3A_144 : memref<!tpu.dma_semaphore, #tpu.memory_space<semaphore_mem>>) src(%dma_wait3A_160 : memref<32x4x128xf32, #tpu.memory_space<vmem>>) dst(%dma_wait3A_167 : memref<2688x4x128xf32, #tpu.memory_space<vmem_shared>>)
            tpu.yield
          }) : () -> ()
        } else {
        }
        %mul3A_115 = arith.constant 2 : i32
        %mul3A_116 = arith.muli %while3A_101, %mul3A_115 : i32
        %add3A_117 = arith.constant 1 : i32
        %add3A_118 = arith.addi %mul3A_116, %add3A_117 : i32
        %add3A_119 = arith.constant 1 : i32
        %add3A_120 = arith.addi %add3A_118, %add3A_119 : i32
        %lt3A_121 = arith.cmpi slt, %add3A_120, %select_n3A : i32
        %convert_element_type3A_122 = arith.extui %lt3A_121 : i1 to i32
        %cond3A_123 = arith.constant 0 : i32
        %cond3A_124 = arith.cmpi ne, %convert_element_type3A_122, %cond3A_123 : i32
        scf.if %cond3A_124 {
          %add3A_129 = arith.constant 1 : i32
          %add3A_130 = arith.addi %add3A_118, %add3A_129 : i32
          %mul3A_131 = arith.constant 32 : i32
          %mul3A_132 = arith.muli %add3A_130, %mul3A_131 : i32
          %add3A_133 = arith.constant 0 : i32
          %add3A_134 = arith.addi %mul3A_132, %add3A_133 : i32
          %get3A = arith.index_cast %add3A_134 : i32 to index
          %get3A_135 = tpu.vector_load %arg6[%get3A] {strides = array<i32>} : memref<10112xi32, #tpu.memory_space<vmem>>, vector<16xi32>,
          %iota3A = tpu.iota {dimensions = array<i32: 0>} : vector<16xi32>
          %add3A_136 = vector.broadcast %add3A_134 : i32 to vector<16xi32>
          %add3A_137 = arith.addi %add3A_136, %iota3A : vector<16xi32>
          %sub3A_138 = vector.broadcast %scan3A_33 : i32 to vector<16xi32>
          %sub3A_139 = arith.subi %add3A_137, %sub3A_138 : vector<16xi32>
          %shift_right_logical3A = arith.constant 31 : i32
          %shift_right_logical3A_140 = vector.broadcast %shift_right_logical3A : i32 to vector<16xi32>
          %shift_right_logical3A_141 = arith.shrui %sub3A_139, %shift_right_logical3A_140 : vector<16xi32>
          %shift_right_logical3A_142 = arith.constant 14 : i32
          %shift_right_logical3A_143 = vector.broadcast %shift_right_logical3A_142 : i32 to vector<16xi32>
          %shift_right_logical3A_144 = arith.shrui %get3A_135, %shift_right_logical3A_143 : vector<16xi32>
          %and3A_145 = arith.constant 16383 : i32
          %and3A_146 = vector.broadcast %and3A_145 : i32 to vector<16xi32>
          %and3A_147 = arith.andi %get3A_135, %and3A_146 : vector<16xi32>
          %sub3A_148 = vector.broadcast %mul3A_8 : i32 to vector<16xi32>
          %sub3A_149 = arith.subi %and3A_147, %sub3A_148 : vector<16xi32>
          %mul3A_150 = arith.muli %shift_right_logical3A_144, %shift_right_logical3A_141 : vector<16xi32>
          %swap3A = arith.constant 0 : i32
          %swap3A_151 = arith.index_cast %swap3A : i32 to index
          %swap3A_152 = arith.constant 0 : index
          %swap3A_153 = tpu.vector_load %arg7[%swap3A_151, %swap3A_152] {strides = array<i32>} : memref<2x32xi32, #tpu.memory_space<vmem>>, vector<16xi32>,
          tpu.vector_store %arg7[%swap3A_151, %swap3A_152], %mul3A_150 {strides = array<i32>} : memref<2x32xi32, #tpu.memory_space<vmem>>, vector<16xi32>,
          %mul3A_154 = arith.muli %sub3A_149, %shift_right_logical3A_141 : vector<16xi32>
          %sub3A_155 = arith.constant 1 : i32
          %sub3A_156 = vector.broadcast %sub3A_155 : i32 to vector<16xi32>
          %sub3A_157 = arith.subi %sub3A_156, %shift_right_logical3A_141 : vector<16xi32>
          %mul3A_158 = arith.constant 2560 : i32
          %mul3A_159 = vector.broadcast %mul3A_158 : i32 to vector<16xi32>
          %mul3A_160 = arith.muli %mul3A_159, %sub3A_157 : vector<16xi32>
          %add3A_161 = arith.addi %mul3A_154, %mul3A_160 : vector<16xi32>
          %swap3A_162 = arith.constant 0 : i32
          %swap3A_163 = arith.index_cast %swap3A_162 : i32 to index
          %swap3A_164 = arith.constant 0 : index
          %swap3A_165 = tpu.vector_load %arg8[%swap3A_163, %swap3A_164] {strides = array<i32>} : memref<2x32xi32, #tpu.memory_space<vmem>>, vector<16xi32>,
          tpu.vector_store %arg8[%swap3A_163, %swap3A_164], %add3A_161 {strides = array<i32>} : memref<2x32xi32, #tpu.memory_space<vmem>>, vector<16xi32>,
          %mul3A_166 = arith.constant 32 : i32
          %mul3A_167 = arith.muli %add3A_130, %mul3A_166 : i32
          %add3A_168 = arith.constant 16 : i32
          %add3A_169 = arith.addi %mul3A_167, %add3A_168 : i32
          %get3A_170 = arith.index_cast %add3A_169 : i32 to index
          %get3A_171 = tpu.vector_load %arg6[%get3A_170] {strides = array<i32>} : memref<10112xi32, #tpu.memory_space<vmem>>, vector<16xi32>,
          %iota3A_172 = tpu.iota {dimensions = array<i32: 0>} : vector<16xi32>
          %add3A_173 = vector.broadcast %add3A_169 : i32 to vector<16xi32>
          %add3A_174 = arith.addi %add3A_173, %iota3A_172 : vector<16xi32>
          %sub3A_175 = vector.broadcast %scan3A_33 : i32 to vector<16xi32>
          %sub3A_176 = arith.subi %add3A_174, %sub3A_175 : vector<16xi32>
          %shift_right_logical3A_177 = arith.constant 31 : i32
          %shift_right_logical3A_178 = vector.broadcast %shift_right_logical3A_177 : i32 to vector<16xi32>
          %shift_right_logical3A_179 = arith.shrui %sub3A_176, %shift_right_logical3A_178 : vector<16xi32>
          %shift_right_logical3A_180 = arith.constant 14 : i32
          %shift_right_logical3A_181 = vector.broadcast %shift_right_logical3A_180 : i32 to vector<16xi32>
          %shift_right_logical3A_182 = arith.shrui %get3A_171, %shift_right_logical3A_181 : vector<16xi32>
          %and3A_183 = arith.constant 16383 : i32
          %and3A_184 = vector.broadcast %and3A_183 : i32 to vector<16xi32>
          %and3A_185 = arith.andi %get3A_171, %and3A_184 : vector<16xi32>
          %sub3A_186 = vector.broadcast %mul3A_8 : i32 to vector<16xi32>
          %sub3A_187 = arith.subi %and3A_185, %sub3A_186 : vector<16xi32>
          %mul3A_188 = arith.muli %shift_right_logical3A_182, %shift_right_logical3A_179 : vector<16xi32>
          %swap3A_189 = arith.constant 0 : i32
          %swap3A_190 = arith.index_cast %swap3A_189 : i32 to index
          %swap3A_191 = arith.constant 16 : index
          %swap3A_192 = tpu.vector_load %arg7[%swap3A_190, %swap3A_191] {strides = array<i32>} : memref<2x32xi32, #tpu.memory_space<vmem>>, vector<16xi32>,
          tpu.vector_store %arg7[%swap3A_190, %swap3A_191], %mul3A_188 {strides = array<i32>} : memref<2x32xi32, #tpu.memory_space<vmem>>, vector<16xi32>,
          %mul3A_193 = arith.muli %sub3A_187, %shift_right_logical3A_179 : vector<16xi32>
          %sub3A_194 = arith.constant 1 : i32
          %sub3A_195 = vector.broadcast %sub3A_194 : i32 to vector<16xi32>
          %sub3A_196 = arith.subi %sub3A_195, %shift_right_logical3A_179 : vector<16xi32>
          %mul3A_197 = arith.constant 2560 : i32
          %mul3A_198 = vector.broadcast %mul3A_197 : i32 to vector<16xi32>
          %mul3A_199 = arith.muli %mul3A_198, %sub3A_196 : vector<16xi32>
          %add3A_200 = arith.addi %mul3A_193, %mul3A_199 : vector<16xi32>
          %swap3A_201 = arith.constant 0 : i32
          %swap3A_202 = arith.index_cast %swap3A_201 : i32 to index
          %swap3A_203 = arith.constant 16 : index
          %swap3A_204 = tpu.vector_load %arg8[%swap3A_202, %swap3A_203] {strides = array<i32>} : memref<2x32xi32, #tpu.memory_space<vmem>>, vector<16xi32>,
          tpu.vector_store %arg8[%swap3A_202, %swap3A_203], %add3A_200 {strides = array<i32>} : memref<2x32xi32, #tpu.memory_space<vmem>>, vector<16xi32>,
          %dma_start3A = arith.constant 0 : i32
          %dma_start3A_205 = arith.constant 0 : i32
          %dma_start3A_206 = arith.constant 0 : i32
          %dma_start3A_207 = arith.constant 0 : i32
          %dma_start3A_208 = arith.constant 0 : i32
          %dma_start3A_209 = tpu.memref_slice %arg9[%dma_start3A_205, %dma_start3A_206, %dma_start3A_207, %dma_start3A_208] : memref<2x32x4x128xf32, #tpu.memory_space<vmem>> -> memref<1x32x4x128xf32, #tpu.memory_space<vmem>>
          %dma_start3A_210 = tpu.memref_squeeze %dma_start3A_209 : memref<1x32x4x128xf32, #tpu.memory_space<vmem>> -> memref<32x4x128xf32, #tpu.memory_space<vmem>>
          %dma_start3A_211 = arith.constant 0 : i32
          %dma_start3A_212 = tpu.memref_slice %arg7[%dma_start3A, %dma_start3A_211] : memref<2x32xi32, #tpu.memory_space<vmem>> -> memref<1x32xi32, #tpu.memory_space<vmem>>
          %dma_start3A_213 = tpu.memref_squeeze %dma_start3A_212 : memref<1x32xi32, #tpu.memory_space<vmem>> -> memref<32xi32, #tpu.memory_space<vmem>>
          %dma_start3A_214 = arith.constant 0 : i32
          %dma_start3A_215 = arith.constant 0 : i32
          %dma_start3A_216 = arith.constant 0 : i32
          %dma_start3A_217 = tpu.memref_slice %arg2[%dma_start3A_214, %dma_start3A_215, %dma_start3A_216] : memref<10000x4x128xf32, #tpu.memory_space<hbm>> -> memref<10000x4x128xf32, #tpu.memory_space<hbm>>
          tpu.enqueue_indirect_dma source(%dma_start3A_217 : memref<10000x4x128xf32, #tpu.memory_space<hbm>>) target(%dma_start3A_210 : memref<32x4x128xf32, #tpu.memory_space<vmem>>) offsets(%dma_start3A_213 : memref<32xi32, #tpu.memory_space<vmem>>) semaphore(%arg10 : memref<!tpu.dma_semaphore, #tpu.memory_space<semaphore_mem>>)
        } else {
        }
        %lt3A_125 = arith.cmpi slt, %add3A_118, %select_n3A : i32
        %convert_element_type3A_126 = arith.extui %lt3A_125 : i1 to i32
        %cond3A_127 = arith.constant 0 : i32
        %cond3A_128 = arith.cmpi ne, %convert_element_type3A_126, %cond3A_127 : i32
        scf.if %cond3A_128 {
          %dma_wait3A = arith.constant 0 : i32
          %dma_wait3A_129 = arith.constant 1 : i32
          %dma_wait3A_130 = arith.constant 0 : i32
          %dma_wait3A_131 = arith.constant 0 : i32
          %dma_wait3A_132 = arith.constant 0 : i32
          %dma_wait3A_133 = tpu.memref_slice %arg9[%dma_wait3A_129, %dma_wait3A_130, %dma_wait3A_131, %dma_wait3A_132] : memref<2x32x4x128xf32, #tpu.memory_space<vmem>> -> memref<1x32x4x128xf32, #tpu.memory_space<vmem>>
          %dma_wait3A_134 = tpu.memref_squeeze %dma_wait3A_133 : memref<1x32x4x128xf32, #tpu.memory_space<vmem>> -> memref<32x4x128xf32, #tpu.memory_space<vmem>>
          %dma_wait3A_135 = arith.constant 0 : i32
          %dma_wait3A_136 = tpu.memref_slice %arg7[%dma_wait3A, %dma_wait3A_135] : memref<2x32xi32, #tpu.memory_space<vmem>> -> memref<1x32xi32, #tpu.memory_space<vmem>>
          %dma_wait3A_137 = tpu.memref_squeeze %dma_wait3A_136 : memref<1x32xi32, #tpu.memory_space<vmem>> -> memref<32xi32, #tpu.memory_space<vmem>>
          %dma_wait3A_138 = arith.constant 0 : i32
          %dma_wait3A_139 = arith.constant 0 : i32
          %dma_wait3A_140 = arith.constant 0 : i32
          %dma_wait3A_141 = tpu.memref_slice %arg2[%dma_wait3A_138, %dma_wait3A_139, %dma_wait3A_140] : memref<10000x4x128xf32, #tpu.memory_space<hbm>> -> memref<10000x4x128xf32, #tpu.memory_space<hbm>>
          tpu.wait_indirect_dma semaphore(%arg11 : memref<!tpu.dma_semaphore, #tpu.memory_space<semaphore_mem>>) src(%dma_wait3A_141 : memref<10000x4x128xf32, #tpu.memory_space<hbm>>) dst(%dma_wait3A_134 : memref<32x4x128xf32, #tpu.memory_space<vmem>>)
          %run_scoped3A_142 = arith.constant 1 : i32
          %run_scoped3A_143 = arith.constant 1 : i32
          "tpu.region"() ({
            %run_scoped3A_144 = tpu.sem_alloc : memref<!tpu.dma_semaphore, #tpu.memory_space<semaphore_mem>>
            %dma_start3A = arith.constant 0 : i32
            %dma_start3A_145 = arith.constant 0 : i32
            %dma_start3A_146 = arith.constant 0 : i32
            %dma_start3A_147 = tpu.memref_slice %arg9[%run_scoped3A_142, %dma_start3A, %dma_start3A_145, %dma_start3A_146] : memref<2x32x4x128xf32, #tpu.memory_space<vmem>> -> memref<1x32x4x128xf32, #tpu.memory_space<vmem>>
            %dma_start3A_148 = tpu.memref_squeeze %dma_start3A_147 : memref<1x32x4x128xf32, #tpu.memory_space<vmem>> -> memref<32x4x128xf32, #tpu.memory_space<vmem>>
            %dma_start3A_149 = arith.constant 0 : i32
            %dma_start3A_150 = tpu.memref_slice %arg8[%run_scoped3A_143, %dma_start3A_149] : memref<2x32xi32, #tpu.memory_space<vmem>> -> memref<1x32xi32, #tpu.memory_space<vmem>>
            %dma_start3A_151 = tpu.memref_squeeze %dma_start3A_150 : memref<1x32xi32, #tpu.memory_space<vmem>> -> memref<32xi32, #tpu.memory_space<vmem>>
            %dma_start3A_152 = arith.constant 0 : i32
            %dma_start3A_153 = arith.constant 0 : i32
            %dma_start3A_154 = arith.constant 0 : i32
            %dma_start3A_155 = tpu.memref_slice %arg5[%dma_start3A_152, %dma_start3A_153, %dma_start3A_154] : memref<2688x4x128xf32, #tpu.memory_space<vmem_shared>> -> memref<2688x4x128xf32, #tpu.memory_space<vmem_shared>>
            tpu.enqueue_indirect_dma source(%dma_start3A_148 : memref<32x4x128xf32, #tpu.memory_space<vmem>>) target(%dma_start3A_155 : memref<2688x4x128xf32, #tpu.memory_space<vmem_shared>>) offsets(%dma_start3A_151 : memref<32xi32, #tpu.memory_space<vmem>>) semaphore(%run_scoped3A_144 : memref<!tpu.dma_semaphore, #tpu.memory_space<semaphore_mem>>) {add = true}
            %dma_wait3A_156 = arith.constant 0 : i32
            %dma_wait3A_157 = arith.constant 0 : i32
            %dma_wait3A_158 = arith.constant 0 : i32
            %dma_wait3A_159 = tpu.memref_slice %arg9[%run_scoped3A_142, %dma_wait3A_156, %dma_wait3A_157, %dma_wait3A_158] : memref<2x32x4x128xf32, #tpu.memory_space<vmem>> -> memref<1x32x4x128xf32, #tpu.memory_space<vmem>>
            %dma_wait3A_160 = tpu.memref_squeeze %dma_wait3A_159 : memref<1x32x4x128xf32, #tpu.memory_space<vmem>> -> memref<32x4x128xf32, #tpu.memory_space<vmem>>
            %dma_wait3A_161 = arith.constant 0 : i32
            %dma_wait3A_162 = tpu.memref_slice %arg8[%run_scoped3A_143, %dma_wait3A_161] : memref<2x32xi32, #tpu.memory_space<vmem>> -> memref<1x32xi32, #tpu.memory_space<vmem>>
            %dma_wait3A_163 = tpu.memref_squeeze %dma_wait3A_162 : memref<1x32xi32, #tpu.memory_space<vmem>> -> memref<32xi32, #tpu.memory_space<vmem>>
            %dma_wait3A_164 = arith.constant 0 : i32
            %dma_wait3A_165 = arith.constant 0 : i32
            %dma_wait3A_166 = arith.constant 0 : i32
            %dma_wait3A_167 = tpu.memref_slice %arg5[%dma_wait3A_164, %dma_wait3A_165, %dma_wait3A_166] : memref<2688x4x128xf32, #tpu.memory_space<vmem_shared>> -> memref<2688x4x128xf32, #tpu.memory_space<vmem_shared>>
            tpu.wait_indirect_dma semaphore(%run_scoped3A_144 : memref<!tpu.dma_semaphore, #tpu.memory_space<semaphore_mem>>) src(%dma_wait3A_160 : memref<32x4x128xf32, #tpu.memory_space<vmem>>) dst(%dma_wait3A_167 : memref<2688x4x128xf32, #tpu.memory_space<vmem_shared>>)
            tpu.yield
          }) : () -> ()
        } else {
        }
      }
      %barrier3A_94 = arith.constant 0 : index
      tpu.barrier barrier_id(%barrier3A_94)
      %scan3A_95 = arith.constant 0 : i32
      %scan3A_96 = arith.constant 0 : i32
      %scan3A_97 = arith.constant 5 : i32
      %scan3A_98 = arith.addi %scan3A_96, %scan3A_97 : i32
      %scan3A_99 = arith.constant 1 : i32
      scf.for %scan3A_101 = %scan3A_96 to %scan3A_98 step %scan3A_99  : i32 {
        %mul3A_102 = arith.constant 160 : i32
        %mul3A_103 = arith.muli %arg1, %mul3A_102 : i32
        %mul3A_104 = arith.constant 32 : i32
        %mul3A_105 = arith.muli %scan3A_101, %mul3A_104 : i32
        %add3A_106 = arith.addi %mul3A_103, %mul3A_105 : i32
        %run_scoped3A_107 = arith.constant 0 : i32
        "tpu.region"() ({
          %run_scoped3A_110 = tpu.sem_alloc : memref<!tpu.dma_semaphore, #tpu.memory_space<semaphore_mem>>
          %dma_start3A = arith.constant 0 : i32
          %dma_start3A_111 = arith.constant 0 : i32
          %dma_start3A_112 = arith.constant 0 : i32
          %dma_start3A_113 = tpu.memref_slice %arg9[%run_scoped3A_107, %dma_start3A, %dma_start3A_111, %dma_start3A_112] : memref<2x32x4x128xf32, #tpu.memory_space<vmem>> -> memref<1x32x4x128xf32, #tpu.memory_space<vmem>>
          %dma_start3A_114 = tpu.memref_squeeze %dma_start3A_113 : memref<1x32x4x128xf32, #tpu.memory_space<vmem>> -> memref<32x4x128xf32, #tpu.memory_space<vmem>>
          %dma_start3A_115 = arith.constant 0 : i32
          %dma_start3A_116 = arith.constant 0 : i32
          %dma_start3A_117 = tpu.memref_slice %arg5[%add3A_106, %dma_start3A_115, %dma_start3A_116] : memref<2688x4x128xf32, #tpu.memory_space<vmem_shared>> -> memref<32x4x128xf32, #tpu.memory_space<vmem_shared>>
          %dma_start3A_118 = arith.constant 0 : i32
          %dma_start3A_119 = arith.constant 0 : i32
          %dma_start3A_120 = arith.constant 0 : i32
          %dma_start3A_121 = tpu.memref_slice %arg9[%run_scoped3A_107, %dma_start3A_118, %dma_start3A_119, %dma_start3A_120] : memref<2x32x4x128xf32, #tpu.memory_space<vmem>> -> memref<1x32x4x128xf32, #tpu.memory_space<vmem>>
          %dma_start3A_122 = tpu.memref_squeeze %dma_start3A_121 : memref<1x32x4x128xf32, #tpu.memory_space<vmem>> -> memref<32x4x128xf32, #tpu.memory_space<vmem>>
          %dma_start3A_123 = arith.constant 0 : i32
          %dma_start3A_124 = arith.constant 0 : i32
          %dma_start3A_125 = tpu.memref_slice %arg5[%add3A_106, %dma_start3A_123, %dma_start3A_124] : memref<2688x4x128xf32, #tpu.memory_space<vmem_shared>> -> memref<32x4x128xf32, #tpu.memory_space<vmem_shared>>
          tpu.enqueue_dma source(%dma_start3A_125 : memref<32x4x128xf32, #tpu.memory_space<vmem_shared>>) target(%dma_start3A_122 : memref<32x4x128xf32, #tpu.memory_space<vmem>>) target_semaphore(%run_scoped3A_110 : memref<!tpu.dma_semaphore, #tpu.memory_space<semaphore_mem>>)
          %dma_wait3A = arith.constant 0 : i32
          %dma_wait3A_126 = arith.constant 0 : i32
          %dma_wait3A_127 = arith.constant 0 : i32
          %dma_wait3A_128 = tpu.memref_slice %arg9[%run_scoped3A_107, %dma_wait3A, %dma_wait3A_126, %dma_wait3A_127] : memref<2x32x4x128xf32, #tpu.memory_space<vmem>> -> memref<1x32x4x128xf32, #tpu.memory_space<vmem>>
          %dma_wait3A_129 = tpu.memref_squeeze %dma_wait3A_128 : memref<1x32x4x128xf32, #tpu.memory_space<vmem>> -> memref<32x4x128xf32, #tpu.memory_space<vmem>>
          %dma_wait3A_130 = arith.constant 0 : i32
          %dma_wait3A_131 = arith.constant 0 : i32
          %dma_wait3A_132 = tpu.memref_slice %arg5[%add3A_106, %dma_wait3A_130, %dma_wait3A_131] : memref<2688x4x128xf32, #tpu.memory_space<vmem_shared>> -> memref<32x4x128xf32, #tpu.memory_space<vmem_shared>>
          %dma_wait3A_133 = arith.constant 0 : i32
          %dma_wait3A_134 = arith.constant 0 : i32
          %dma_wait3A_135 = arith.constant 0 : i32
          %dma_wait3A_136 = tpu.memref_slice %arg9[%run_scoped3A_107, %dma_wait3A_133, %dma_wait3A_134, %dma_wait3A_135] : memref<2x32x4x128xf32, #tpu.memory_space<vmem>> -> memref<1x32x4x128xf32, #tpu.memory_space<vmem>>
          %dma_wait3A_137 = tpu.memref_squeeze %dma_wait3A_136 : memref<1x32x4x128xf32, #tpu.memory_space<vmem>> -> memref<32x4x128xf32, #tpu.memory_space<vmem>>
          %dma_wait3A_138 = arith.constant 0 : i32
          %dma_wait3A_139 = arith.constant 0 : i32
          %dma_wait3A_140 = tpu.memref_slice %arg5[%add3A_106, %dma_wait3A_138, %dma_wait3A_139] : memref<2688x4x128xf32, #tpu.memory_space<vmem_shared>> -> memref<32x4x128xf32, #tpu.memory_space<vmem_shared>>
          tpu.wait_dma2 semaphore(%run_scoped3A_110 : memref<!tpu.dma_semaphore, #tpu.memory_space<semaphore_mem>>) src(%dma_wait3A_140 : memref<32x4x128xf32, #tpu.memory_space<vmem_shared>>) dst(%dma_wait3A_137 : memref<32x4x128xf32, #tpu.memory_space<vmem>>)
          tpu.yield
        }) : () -> ()
        %add3A_108 = arith.addi %mul3A_8, %add3A_106 : i32
        %run_scoped3A_109 = arith.constant 0 : i32
        "tpu.region"() ({
          %run_scoped3A_110 = tpu.sem_alloc : memref<!tpu.dma_semaphore, #tpu.memory_space<semaphore_mem>>
          %dma_start3A = arith.constant 0 : i32
          %dma_start3A_111 = arith.constant 0 : i32
          %dma_start3A_112 = arith.constant 0 : i32
          %dma_start3A_113 = tpu.memref_slice %arg9[%run_scoped3A_109, %dma_start3A, %dma_start3A_111, %dma_start3A_112] : memref<2x32x4x128xf32, #tpu.memory_space<vmem>> -> memref<1x32x4x128xf32, #tpu.memory_space<vmem>>
          %dma_start3A_114 = tpu.memref_squeeze %dma_start3A_113 : memref<1x32x4x128xf32, #tpu.memory_space<vmem>> -> memref<32x4x128xf32, #tpu.memory_space<vmem>>
          %dma_start3A_115 = arith.constant 0 : i32
          %dma_start3A_116 = arith.constant 0 : i32
          %dma_start3A_117 = tpu.memref_slice %arg4[%add3A_108, %dma_start3A_115, %dma_start3A_116] : memref<10240x4x128xf32, #tpu.memory_space<hbm>> -> memref<32x4x128xf32, #tpu.memory_space<hbm>>
          %dma_start3A_118 = arith.constant 0 : i32
          %dma_start3A_119 = arith.constant 0 : i32
          %dma_start3A_120 = tpu.memref_slice %arg4[%add3A_108, %dma_start3A_118, %dma_start3A_119] : memref<10240x4x128xf32, #tpu.memory_space<hbm>> -> memref<32x4x128xf32, #tpu.memory_space<hbm>>
          %dma_start3A_121 = arith.constant 0 : i32
          %dma_start3A_122 = arith.constant 0 : i32
          %dma_start3A_123 = arith.constant 0 : i32
          %dma_start3A_124 = tpu.memref_slice %arg9[%run_scoped3A_109, %dma_start3A_121, %dma_start3A_122, %dma_start3A_123] : memref<2x32x4x128xf32, #tpu.memory_space<vmem>> -> memref<1x32x4x128xf32, #tpu.memory_space<vmem>>
          %dma_start3A_125 = tpu.memref_squeeze %dma_start3A_124 : memref<1x32x4x128xf32, #tpu.memory_space<vmem>> -> memref<32x4x128xf32, #tpu.memory_space<vmem>>
          tpu.enqueue_dma source(%dma_start3A_125 : memref<32x4x128xf32, #tpu.memory_space<vmem>>) target(%dma_start3A_120 : memref<32x4x128xf32, #tpu.memory_space<hbm>>) target_semaphore(%run_scoped3A_110 : memref<!tpu.dma_semaphore, #tpu.memory_space<semaphore_mem>>)
          %dma_wait3A = arith.constant 0 : i32
          %dma_wait3A_126 = arith.constant 0 : i32
          %dma_wait3A_127 = arith.constant 0 : i32
          %dma_wait3A_128 = tpu.memref_slice %arg9[%run_scoped3A_109, %dma_wait3A, %dma_wait3A_126, %dma_wait3A_127] : memref<2x32x4x128xf32, #tpu.memory_space<vmem>> -> memref<1x32x4x128xf32, #tpu.memory_space<vmem>>
          %dma_wait3A_129 = tpu.memref_squeeze %dma_wait3A_128 : memref<1x32x4x128xf32, #tpu.memory_space<vmem>> -> memref<32x4x128xf32, #tpu.memory_space<vmem>>
          %dma_wait3A_130 = arith.constant 0 : i32
          %dma_wait3A_131 = arith.constant 0 : i32
          %dma_wait3A_132 = tpu.memref_slice %arg4[%add3A_108, %dma_wait3A_130, %dma_wait3A_131] : memref<10240x4x128xf32, #tpu.memory_space<hbm>> -> memref<32x4x128xf32, #tpu.memory_space<hbm>>
          %dma_wait3A_133 = arith.constant 0 : i32
          %dma_wait3A_134 = arith.constant 0 : i32
          %dma_wait3A_135 = tpu.memref_slice %arg4[%add3A_108, %dma_wait3A_133, %dma_wait3A_134] : memref<10240x4x128xf32, #tpu.memory_space<hbm>> -> memref<32x4x128xf32, #tpu.memory_space<hbm>>
          %dma_wait3A_136 = arith.constant 0 : i32
          %dma_wait3A_137 = arith.constant 0 : i32
          %dma_wait3A_138 = arith.constant 0 : i32
          %dma_wait3A_139 = tpu.memref_slice %arg9[%run_scoped3A_109, %dma_wait3A_136, %dma_wait3A_137, %dma_wait3A_138] : memref<2x32x4x128xf32, #tpu.memory_space<vmem>> -> memref<1x32x4x128xf32, #tpu.memory_space<vmem>>
          %dma_wait3A_140 = tpu.memref_squeeze %dma_wait3A_139 : memref<1x32x4x128xf32, #tpu.memory_space<vmem>> -> memref<32x4x128xf32, #tpu.memory_space<vmem>>
          tpu.wait_dma2 semaphore(%run_scoped3A_110 : memref<!tpu.dma_semaphore, #tpu.memory_space<semaphore_mem>>) src(%dma_wait3A_140 : memref<32x4x128xf32, #tpu.memory_space<vmem>>) dst(%dma_wait3A_135 : memref<32x4x128xf32, #tpu.memory_space<hbm>>)
          tpu.yield
        }) : () -> ()
      }
      %scan3A_100 = arith.constant 5 : i32
    }
    %scan3A_4 = arith.constant 2 : i32
    return
  }
}

module attributes {stable_mosaic.version = 14 : i64} {
  func.func @_k_combine_mm_stats(%arg0: i32, %arg1: memref<2000x256xf32, #tpu.memory_space<vmem>>, %arg2: memref<2000x256xf32, #tpu.memory_space<vmem>>, %arg3: memref<256x512xf32, #tpu.memory_space<vmem>>, %arg4: memref<1x512xf32, #tpu.memory_space<vmem>>, %arg5: memref<2000x256xf32, #tpu.memory_space<vmem>>, %arg6: memref<1x512xf32, #tpu.memory_space<vmem>>, %arg7: memref<1x512xf32, #tpu.memory_space<vmem>>) attributes {dimension_semantics = [#tpu.dimension_semantics<arbitrary>], iteration_bounds = array<i64: 5>, scalar_prefetch = 0 : i64, scratch_operands = 0 : i64, tpu.core_type = #tpu.core_type<tc>, window_params = [{transform_indices = @transform_0, window_bounds = array<i64: 2000, 256>}, {transform_indices = @transform_1, window_bounds = array<i64: 2000, 256>}, {pipeline_mode = #tpu.pipeline_mode<synchronous>, transform_indices = @transform_2, window_bounds = array<i64: 256, 512>}, {pipeline_mode = #tpu.pipeline_mode<synchronous>, transform_indices = @transform_3, window_bounds = array<i64: 1, 512>}, {transform_indices = @transform_4, window_bounds = array<i64: 2000, 256>}, {pipeline_mode = #tpu.pipeline_mode<synchronous>, transform_indices = @transform_5, window_bounds = array<i64: 1, 512>}, {pipeline_mode = #tpu.pipeline_mode<synchronous>, transform_indices = @transform_6, window_bounds = array<i64: 1, 512>}]} {
    %get3A = arith.constant 0 : index
    %get3A_0 = arith.constant 0 : index
    %get3A_1 = vector.load %arg1[%get3A, %get3A_0] : memref<2000x256xf32, #tpu.memory_space<vmem>>, vector<2000x256xf32>
    %get3A_2 = arith.constant 0 : index
    %get3A_3 = arith.constant 0 : index
    %get3A_4 = vector.load %arg2[%get3A_2, %get3A_3] : memref<2000x256xf32, #tpu.memory_space<vmem>>, vector<2000x256xf32>
    %add3A = arith.addf %get3A_1, %get3A_4 : vector<2000x256xf32>
    %swap3A = arith.constant 0 : index
    %swap3A_5 = arith.constant 0 : index
    %swap3A_6 = vector.load %arg5[%swap3A, %swap3A_5] : memref<2000x256xf32, #tpu.memory_space<vmem>>, vector<2000x256xf32>
    tpu.vector_store %arg5[%swap3A, %swap3A_5], %add3A {strides = array<i32>} : memref<2000x256xf32, #tpu.memory_space<vmem>>, vector<2000x256xf32>,
    %get3A_7 = arith.constant 0 : index
    %get3A_8 = arith.constant 0 : index
    %get3A_9 = vector.load %arg3[%get3A_7, %get3A_8] : memref<256x512xf32, #tpu.memory_space<vmem>>, vector<256x512xf32>
    %dot_general3A = arith.constant dense<0.000000e+00> : vector<2000x512xf32>
    %dot_general3A_10 = tpu.matmul %add3A, %get3A_9, %dot_general3A {dimension_numbers = #tpu.dot_dimension_numbers<[1], [0], [0], [1], [0, 0, 1, 1], [], []>, transpose_lhs_hint = false} : vector<2000x256xf32>, vector<256x512xf32>, vector<2000x512xf32> -> vector<2000x512xf32>
    %get3A_11 = arith.constant 0 : index
    %get3A_12 = arith.constant 0 : index
    %get3A_13 = vector.load %arg4[%get3A_11, %get3A_12] : memref<1x512xf32, #tpu.memory_space<vmem>>, vector<1x512xf32>
    %add3A_14 = vector.broadcast %get3A_13 : vector<1x512xf32> to vector<2000x512xf32>
    %add3A_15 = arith.addf %dot_general3A_10, %add3A_14 : vector<2000x512xf32>
    %reduce_sum3A = arith.constant dense<0.000000e+00> : vector<512xf32>
    %reduce_sum3A_16 = vector.multi_reduction <add>, %add3A_15, %reduce_sum3A [0] : vector<2000x512xf32> to vector<512xf32>
    %broadcast_in_dim3A = vector.shape_cast %reduce_sum3A_16 : vector<512xf32> to vector<1x512xf32>
    %mul3A = arith.mulf %add3A_15, %add3A_15 : vector<2000x512xf32>
    %reduce_sum3A_17 = arith.constant dense<0.000000e+00> : vector<512xf32>
    %reduce_sum3A_18 = vector.multi_reduction <add>, %mul3A, %reduce_sum3A_17 [0] : vector<2000x512xf32> to vector<512xf32>
    %broadcast_in_dim3A_19 = vector.shape_cast %reduce_sum3A_18 : vector<512xf32> to vector<1x512xf32>
    %eq3A = arith.constant 0 : i32
    %eq3A_20 = arith.cmpi eq, %arg0, %eq3A : i32
    %convert_element_type3A = arith.extui %eq3A_20 : i1 to i32
    %cond3A = arith.constant 0 : i32
    %cond3A_21 = arith.cmpi ne, %convert_element_type3A, %cond3A : i32
    scf.if %cond3A_21 {
      %swap3A_26 = arith.constant 0 : index
      %swap3A_27 = arith.constant 0 : index
      %swap3A_28 = vector.load %arg6[%swap3A_26, %swap3A_27] : memref<1x512xf32, #tpu.memory_space<vmem>>, vector<1x512xf32>
      tpu.vector_store %arg6[%swap3A_26, %swap3A_27], %broadcast_in_dim3A {strides = array<i32>} : memref<1x512xf32, #tpu.memory_space<vmem>>, vector<1x512xf32>,
      %swap3A_29 = arith.constant 0 : index
      %swap3A_30 = arith.constant 0 : index
      %swap3A_31 = vector.load %arg7[%swap3A_29, %swap3A_30] : memref<1x512xf32, #tpu.memory_space<vmem>>, vector<1x512xf32>
      tpu.vector_store %arg7[%swap3A_29, %swap3A_30], %broadcast_in_dim3A_19 {strides = array<i32>} : memref<1x512xf32, #tpu.memory_space<vmem>>, vector<1x512xf32>,
    } else {
    }
    %ne3A = arith.constant 0 : i32
    %ne3A_22 = arith.cmpi ne, %arg0, %ne3A : i32
    %convert_element_type3A_23 = arith.extui %ne3A_22 : i1 to i32
    %cond3A_24 = arith.constant 0 : i32
    %cond3A_25 = arith.cmpi ne, %convert_element_type3A_23, %cond3A_24 : i32
    scf.if %cond3A_25 {
      %get3A_26 = arith.constant 0 : index
      %get3A_27 = arith.constant 0 : index
      %get3A_28 = vector.load %arg6[%get3A_26, %get3A_27] : memref<1x512xf32, #tpu.memory_space<vmem>>, vector<1x512xf32>
      %add3A_29 = arith.addf %get3A_28, %broadcast_in_dim3A : vector<1x512xf32>
      %swap3A_30 = arith.constant 0 : index
      %swap3A_31 = arith.constant 0 : index
      %swap3A_32 = vector.load %arg6[%swap3A_30, %swap3A_31] : memref<1x512xf32, #tpu.memory_space<vmem>>, vector<1x512xf32>
      tpu.vector_store %arg6[%swap3A_30, %swap3A_31], %add3A_29 {strides = array<i32>} : memref<1x512xf32, #tpu.memory_space<vmem>>, vector<1x512xf32>,
      %get3A_33 = arith.constant 0 : index
      %get3A_34 = arith.constant 0 : index
      %get3A_35 = vector.load %arg7[%get3A_33, %get3A_34] : memref<1x512xf32, #tpu.memory_space<vmem>>, vector<1x512xf32>
      %add3A_36 = arith.addf %get3A_35, %broadcast_in_dim3A_19 : vector<1x512xf32>
      %swap3A_37 = arith.constant 0 : index
      %swap3A_38 = arith.constant 0 : index
      %swap3A_39 = vector.load %arg7[%swap3A_37, %swap3A_38] : memref<1x512xf32, #tpu.memory_space<vmem>>, vector<1x512xf32>
      tpu.vector_store %arg7[%swap3A_37, %swap3A_38], %add3A_36 {strides = array<i32>} : memref<1x512xf32, #tpu.memory_space<vmem>>, vector<1x512xf32>,
    } else {
    }
    return
  }
  func.func @transform_0(%arg0: i32) -> (i32, i32) {
    %c0_i32 = arith.constant 0 : i32
    %c0_i32_0 = arith.constant 0 : i32
    return %arg0, %c0_i32 : i32, i32
  }
  func.func @transform_1(%arg0: i32) -> (i32, i32) {
    %c0_i32 = arith.constant 0 : i32
    %c0_i32_0 = arith.constant 0 : i32
    return %arg0, %c0_i32 : i32, i32
  }
  func.func @transform_2(%arg0: i32) -> (i32, i32) {
    %c0_i32 = arith.constant 0 : i32
    %c0_i32_0 = arith.constant 0 : i32
    %c0_i32_1 = arith.constant 0 : i32
    return %c0_i32, %c0_i32_0 : i32, i32
  }
  func.func @transform_3(%arg0: i32) -> (i32, i32) {
    %c0_i32 = arith.constant 0 : i32
    %c0_i32_0 = arith.constant 0 : i32
    %c0_i32_1 = arith.constant 0 : i32
    return %c0_i32, %c0_i32_0 : i32, i32
  }
  func.func @transform_4(%arg0: i32) -> (i32, i32) {
    %c0_i32 = arith.constant 0 : i32
    %c0_i32_0 = arith.constant 0 : i32
    return %arg0, %c0_i32 : i32, i32
  }
  func.func @transform_5(%arg0: i32) -> (i32, i32) {
    %c0_i32 = arith.constant 0 : i32
    %c0_i32_0 = arith.constant 0 : i32
    %c0_i32_1 = arith.constant 0 : i32
    return %c0_i32, %c0_i32_0 : i32, i32
  }
  func.func @transform_6(%arg0: i32) -> (i32, i32) {
    %c0_i32 = arith.constant 0 : i32
    %c0_i32_0 = arith.constant 0 : i32
    %c0_i32_1 = arith.constant 0 : i32
    return %c0_i32, %c0_i32_0 : i32, i32
  }
}

module attributes {stable_mosaic.version = 14 : i64} {
  func.func @_k_mlp_stats(%arg0: i32, %arg1: memref<2000x256xf32, #tpu.memory_space<vmem>>, %arg2: memref<256x512xf32, #tpu.memory_space<vmem>>, %arg3: memref<1x512xf32, #tpu.memory_space<vmem>>, %arg4: memref<1x512xf32, #tpu.memory_space<vmem>>, %arg5: memref<1x512xf32, #tpu.memory_space<vmem>>, %arg6: memref<512x512xf32, #tpu.memory_space<vmem>>, %arg7: memref<1x512xf32, #tpu.memory_space<vmem>>, %arg8: memref<2000x512xf32, #tpu.memory_space<vmem>>, %arg9: memref<1x512xf32, #tpu.memory_space<vmem>>, %arg10: memref<1x512xf32, #tpu.memory_space<vmem>>) attributes {dimension_semantics = [#tpu.dimension_semantics<arbitrary>], iteration_bounds = array<i64: 5>, scalar_prefetch = 0 : i64, scratch_operands = 0 : i64, tpu.core_type = #tpu.core_type<tc>, window_params = [{transform_indices = @transform_0, window_bounds = array<i64: 2000, 256>}, {pipeline_mode = #tpu.pipeline_mode<synchronous>, transform_indices = @transform_1, window_bounds = array<i64: 256, 512>}, {pipeline_mode = #tpu.pipeline_mode<synchronous>, transform_indices = @transform_2, window_bounds = array<i64: 1, 512>}, {pipeline_mode = #tpu.pipeline_mode<synchronous>, transform_indices = @transform_3, window_bounds = array<i64: 1, 512>}, {pipeline_mode = #tpu.pipeline_mode<synchronous>, transform_indices = @transform_4, window_bounds = array<i64: 1, 512>}, {pipeline_mode = #tpu.pipeline_mode<synchronous>, transform_indices = @transform_5, window_bounds = array<i64: 512, 512>}, {pipeline_mode = #tpu.pipeline_mode<synchronous>, transform_indices = @transform_6, window_bounds = array<i64: 1, 512>}, {transform_indices = @transform_7, window_bounds = array<i64: 2000, 512>}, {pipeline_mode = #tpu.pipeline_mode<synchronous>, transform_indices = @transform_8, window_bounds = array<i64: 1, 512>}, {pipeline_mode = #tpu.pipeline_mode<synchronous>, transform_indices = @transform_9, window_bounds = array<i64: 1, 512>}]} {
    %get3A = arith.constant 0 : index
    %get3A_0 = arith.constant 0 : index
    %get3A_1 = vector.load %arg1[%get3A, %get3A_0] : memref<2000x256xf32, #tpu.memory_space<vmem>>, vector<2000x256xf32>
    %get3A_2 = arith.constant 0 : index
    %get3A_3 = arith.constant 0 : index
    %get3A_4 = vector.load %arg2[%get3A_2, %get3A_3] : memref<256x512xf32, #tpu.memory_space<vmem>>, vector<256x512xf32>
    %dot_general3A = arith.constant dense<0.000000e+00> : vector<2000x512xf32>
    %dot_general3A_5 = tpu.matmul %get3A_1, %get3A_4, %dot_general3A {dimension_numbers = #tpu.dot_dimension_numbers<[1], [0], [0], [1], [0, 0, 1, 1], [], []>, transpose_lhs_hint = false} : vector<2000x256xf32>, vector<256x512xf32>, vector<2000x512xf32> -> vector<2000x512xf32>
    %get3A_6 = arith.constant 0 : index
    %get3A_7 = arith.constant 0 : index
    %get3A_8 = vector.load %arg3[%get3A_6, %get3A_7] : memref<1x512xf32, #tpu.memory_space<vmem>>, vector<1x512xf32>
    %add3A = vector.broadcast %get3A_8 : vector<1x512xf32> to vector<2000x512xf32>
    %add3A_9 = arith.addf %dot_general3A_5, %add3A : vector<2000x512xf32>
    %get3A_10 = arith.constant 0 : index
    %get3A_11 = arith.constant 0 : index
    %get3A_12 = vector.load %arg4[%get3A_10, %get3A_11] : memref<1x512xf32, #tpu.memory_space<vmem>>, vector<1x512xf32>
    %mul3A = vector.broadcast %get3A_12 : vector<1x512xf32> to vector<2000x512xf32>
    %mul3A_13 = arith.mulf %add3A_9, %mul3A : vector<2000x512xf32>
    %get3A_14 = arith.constant 0 : index
    %get3A_15 = arith.constant 0 : index
    %get3A_16 = vector.load %arg5[%get3A_14, %get3A_15] : memref<1x512xf32, #tpu.memory_space<vmem>>, vector<1x512xf32>
    %add3A_17 = vector.broadcast %get3A_16 : vector<1x512xf32> to vector<2000x512xf32>
    %add3A_18 = arith.addf %mul3A_13, %add3A_17 : vector<2000x512xf32>
    %max3A = arith.constant 0.000000e+00 : f32
    %max3A_19 = vector.broadcast %max3A : f32 to vector<2000x512xf32>
    %max3A_20 = arith.maximumf %add3A_18, %max3A_19 : vector<2000x512xf32>
    %get3A_21 = arith.constant 0 : index
    %get3A_22 = arith.constant 0 : index
    %get3A_23 = vector.load %arg6[%get3A_21, %get3A_22] : memref<512x512xf32, #tpu.memory_space<vmem>>, vector<512x512xf32>
    %dot_general3A_24 = arith.constant dense<0.000000e+00> : vector<2000x512xf32>
    %dot_general3A_25 = tpu.matmul %max3A_20, %get3A_23, %dot_general3A_24 {dimension_numbers = #tpu.dot_dimension_numbers<[1], [0], [0], [1], [0, 0, 1, 1], [], []>, transpose_lhs_hint = false} : vector<2000x512xf32>, vector<512x512xf32>, vector<2000x512xf32> -> vector<2000x512xf32>
    %get3A_26 = arith.constant 0 : index
    %get3A_27 = arith.constant 0 : index
    %get3A_28 = vector.load %arg7[%get3A_26, %get3A_27] : memref<1x512xf32, #tpu.memory_space<vmem>>, vector<1x512xf32>
    %add3A_29 = vector.broadcast %get3A_28 : vector<1x512xf32> to vector<2000x512xf32>
    %add3A_30 = arith.addf %dot_general3A_25, %add3A_29 : vector<2000x512xf32>
    %max3A_31 = arith.constant 0.000000e+00 : f32
    %max3A_32 = vector.broadcast %max3A_31 : f32 to vector<2000x512xf32>
    %max3A_33 = arith.maximumf %add3A_30, %max3A_32 : vector<2000x512xf32>
    %swap3A = arith.constant 0 : index
    %swap3A_34 = arith.constant 0 : index
    %swap3A_35 = vector.load %arg8[%swap3A, %swap3A_34] : memref<2000x512xf32, #tpu.memory_space<vmem>>, vector<2000x512xf32>
    tpu.vector_store %arg8[%swap3A, %swap3A_34], %max3A_33 {strides = array<i32>} : memref<2000x512xf32, #tpu.memory_space<vmem>>, vector<2000x512xf32>,
    %reduce_sum3A = arith.constant dense<0.000000e+00> : vector<512xf32>
    %reduce_sum3A_36 = vector.multi_reduction <add>, %max3A_33, %reduce_sum3A [0] : vector<2000x512xf32> to vector<512xf32>
    %broadcast_in_dim3A = vector.shape_cast %reduce_sum3A_36 : vector<512xf32> to vector<1x512xf32>
    %mul3A_37 = arith.mulf %max3A_33, %max3A_33 : vector<2000x512xf32>
    %reduce_sum3A_38 = arith.constant dense<0.000000e+00> : vector<512xf32>
    %reduce_sum3A_39 = vector.multi_reduction <add>, %mul3A_37, %reduce_sum3A_38 [0] : vector<2000x512xf32> to vector<512xf32>
    %broadcast_in_dim3A_40 = vector.shape_cast %reduce_sum3A_39 : vector<512xf32> to vector<1x512xf32>
    %eq3A = arith.constant 0 : i32
    %eq3A_41 = arith.cmpi eq, %arg0, %eq3A : i32
    %convert_element_type3A = arith.extui %eq3A_41 : i1 to i32
    %cond3A = arith.constant 0 : i32
    %cond3A_42 = arith.cmpi ne, %convert_element_type3A, %cond3A : i32
    scf.if %cond3A_42 {
      %swap3A_47 = arith.constant 0 : index
      %swap3A_48 = arith.constant 0 : index
      %swap3A_49 = vector.load %arg9[%swap3A_47, %swap3A_48] : memref<1x512xf32, #tpu.memory_space<vmem>>, vector<1x512xf32>
      tpu.vector_store %arg9[%swap3A_47, %swap3A_48], %broadcast_in_dim3A {strides = array<i32>} : memref<1x512xf32, #tpu.memory_space<vmem>>, vector<1x512xf32>,
      %swap3A_50 = arith.constant 0 : index
      %swap3A_51 = arith.constant 0 : index
      %swap3A_52 = vector.load %arg10[%swap3A_50, %swap3A_51] : memref<1x512xf32, #tpu.memory_space<vmem>>, vector<1x512xf32>
      tpu.vector_store %arg10[%swap3A_50, %swap3A_51], %broadcast_in_dim3A_40 {strides = array<i32>} : memref<1x512xf32, #tpu.memory_space<vmem>>, vector<1x512xf32>,
    } else {
    }
    %ne3A = arith.constant 0 : i32
    %ne3A_43 = arith.cmpi ne, %arg0, %ne3A : i32
    %convert_element_type3A_44 = arith.extui %ne3A_43 : i1 to i32
    %cond3A_45 = arith.constant 0 : i32
    %cond3A_46 = arith.cmpi ne, %convert_element_type3A_44, %cond3A_45 : i32
    scf.if %cond3A_46 {
      %get3A_47 = arith.constant 0 : index
      %get3A_48 = arith.constant 0 : index
      %get3A_49 = vector.load %arg9[%get3A_47, %get3A_48] : memref<1x512xf32, #tpu.memory_space<vmem>>, vector<1x512xf32>
      %add3A_50 = arith.addf %get3A_49, %broadcast_in_dim3A : vector<1x512xf32>
      %swap3A_51 = arith.constant 0 : index
      %swap3A_52 = arith.constant 0 : index
      %swap3A_53 = vector.load %arg9[%swap3A_51, %swap3A_52] : memref<1x512xf32, #tpu.memory_space<vmem>>, vector<1x512xf32>
      tpu.vector_store %arg9[%swap3A_51, %swap3A_52], %add3A_50 {strides = array<i32>} : memref<1x512xf32, #tpu.memory_space<vmem>>, vector<1x512xf32>,
      %get3A_54 = arith.constant 0 : index
      %get3A_55 = arith.constant 0 : index
      %get3A_56 = vector.load %arg10[%get3A_54, %get3A_55] : memref<1x512xf32, #tpu.memory_space<vmem>>, vector<1x512xf32>
      %add3A_57 = arith.addf %get3A_56, %broadcast_in_dim3A_40 : vector<1x512xf32>
      %swap3A_58 = arith.constant 0 : index
      %swap3A_59 = arith.constant 0 : index
      %swap3A_60 = vector.load %arg10[%swap3A_58, %swap3A_59] : memref<1x512xf32, #tpu.memory_space<vmem>>, vector<1x512xf32>
      tpu.vector_store %arg10[%swap3A_58, %swap3A_59], %add3A_57 {strides = array<i32>} : memref<1x512xf32, #tpu.memory_space<vmem>>, vector<1x512xf32>,
    } else {
    }
    return
  }
  func.func @transform_0(%arg0: i32) -> (i32, i32) {
    %c0_i32 = arith.constant 0 : i32
    %c0_i32_0 = arith.constant 0 : i32
    return %arg0, %c0_i32 : i32, i32
  }
  func.func @transform_1(%arg0: i32) -> (i32, i32) {
    %c0_i32 = arith.constant 0 : i32
    %c0_i32_0 = arith.constant 0 : i32
    %c0_i32_1 = arith.constant 0 : i32
    return %c0_i32, %c0_i32_0 : i32, i32
  }
  func.func @transform_2(%arg0: i32) -> (i32, i32) {
    %c0_i32 = arith.constant 0 : i32
    %c0_i32_0 = arith.constant 0 : i32
    %c0_i32_1 = arith.constant 0 : i32
    return %c0_i32, %c0_i32_0 : i32, i32
  }
  func.func @transform_3(%arg0: i32) -> (i32, i32) {
    %c0_i32 = arith.constant 0 : i32
    %c0_i32_0 = arith.constant 0 : i32
    %c0_i32_1 = arith.constant 0 : i32
    return %c0_i32, %c0_i32_0 : i32, i32
  }
  func.func @transform_4(%arg0: i32) -> (i32, i32) {
    %c0_i32 = arith.constant 0 : i32
    %c0_i32_0 = arith.constant 0 : i32
    %c0_i32_1 = arith.constant 0 : i32
    return %c0_i32, %c0_i32_0 : i32, i32
  }
  func.func @transform_5(%arg0: i32) -> (i32, i32) {
    %c0_i32 = arith.constant 0 : i32
    %c0_i32_0 = arith.constant 0 : i32
    %c0_i32_1 = arith.constant 0 : i32
    return %c0_i32, %c0_i32_0 : i32, i32
  }
  func.func @transform_6(%arg0: i32) -> (i32, i32) {
    %c0_i32 = arith.constant 0 : i32
    %c0_i32_0 = arith.constant 0 : i32
    %c0_i32_1 = arith.constant 0 : i32
    return %c0_i32, %c0_i32_0 : i32, i32
  }
  func.func @transform_7(%arg0: i32) -> (i32, i32) {
    %c0_i32 = arith.constant 0 : i32
    %c0_i32_0 = arith.constant 0 : i32
    return %arg0, %c0_i32 : i32, i32
  }
  func.func @transform_8(%arg0: i32) -> (i32, i32) {
    %c0_i32 = arith.constant 0 : i32
    %c0_i32_0 = arith.constant 0 : i32
    %c0_i32_1 = arith.constant 0 : i32
    return %c0_i32, %c0_i32_0 : i32, i32
  }
  func.func @transform_9(%arg0: i32) -> (i32, i32) {
    %c0_i32 = arith.constant 0 : i32
    %c0_i32_0 = arith.constant 0 : i32
    %c0_i32_1 = arith.constant 0 : i32
    return %c0_i32, %c0_i32_0 : i32, i32
  }
}

module attributes {stable_mosaic.version = 14 : i64} {
  func.func @_k_scale(%arg0: i32, %arg1: memref<2000x512xf32, #tpu.memory_space<vmem>>, %arg2: memref<1x512xf32, #tpu.memory_space<vmem>>, %arg3: memref<1x512xf32, #tpu.memory_space<vmem>>, %arg4: memref<2000x512xf32, #tpu.memory_space<vmem>>) attributes {dimension_semantics = [#tpu.dimension_semantics<arbitrary>], iteration_bounds = array<i64: 5>, scalar_prefetch = 0 : i64, scratch_operands = 0 : i64, tpu.core_type = #tpu.core_type<tc>, window_params = [{transform_indices = @transform_0, window_bounds = array<i64: 2000, 512>}, {pipeline_mode = #tpu.pipeline_mode<synchronous>, transform_indices = @transform_1, window_bounds = array<i64: 1, 512>}, {pipeline_mode = #tpu.pipeline_mode<synchronous>, transform_indices = @transform_2, window_bounds = array<i64: 1, 512>}, {transform_indices = @transform_3, window_bounds = array<i64: 2000, 512>}]} {
    %get3A = arith.constant 0 : index
    %get3A_0 = arith.constant 0 : index
    %get3A_1 = vector.load %arg1[%get3A, %get3A_0] : memref<2000x512xf32, #tpu.memory_space<vmem>>, vector<2000x512xf32>
    %get3A_2 = arith.constant 0 : index
    %get3A_3 = arith.constant 0 : index
    %get3A_4 = vector.load %arg2[%get3A_2, %get3A_3] : memref<1x512xf32, #tpu.memory_space<vmem>>, vector<1x512xf32>
    %mul3A = vector.broadcast %get3A_4 : vector<1x512xf32> to vector<2000x512xf32>
    %mul3A_5 = arith.mulf %get3A_1, %mul3A : vector<2000x512xf32>
    %get3A_6 = arith.constant 0 : index
    %get3A_7 = arith.constant 0 : index
    %get3A_8 = vector.load %arg3[%get3A_6, %get3A_7] : memref<1x512xf32, #tpu.memory_space<vmem>>, vector<1x512xf32>
    %add3A = vector.broadcast %get3A_8 : vector<1x512xf32> to vector<2000x512xf32>
    %add3A_9 = arith.addf %mul3A_5, %add3A : vector<2000x512xf32>
    %swap3A = arith.constant 0 : index
    %swap3A_10 = arith.constant 0 : index
    %swap3A_11 = vector.load %arg4[%swap3A, %swap3A_10] : memref<2000x512xf32, #tpu.memory_space<vmem>>, vector<2000x512xf32>
    tpu.vector_store %arg4[%swap3A, %swap3A_10], %add3A_9 {strides = array<i32>} : memref<2000x512xf32, #tpu.memory_space<vmem>>, vector<2000x512xf32>,
    return
  }
  func.func @transform_0(%arg0: i32) -> (i32, i32) {
    %c0_i32 = arith.constant 0 : i32
    %c0_i32_0 = arith.constant 0 : i32
    return %arg0, %c0_i32 : i32, i32
  }
  func.func @transform_1(%arg0: i32) -> (i32, i32) {
    %c0_i32 = arith.constant 0 : i32
    %c0_i32_0 = arith.constant 0 : i32
    %c0_i32_1 = arith.constant 0 : i32
    return %c0_i32, %c0_i32_0 : i32, i32
  }
  func.func @transform_2(%arg0: i32) -> (i32, i32) {
    %c0_i32 = arith.constant 0 : i32
    %c0_i32_0 = arith.constant 0 : i32
    %c0_i32_1 = arith.constant 0 : i32
    return %c0_i32, %c0_i32_0 : i32, i32
  }
  func.func @transform_3(%arg0: i32) -> (i32, i32) {
    %c0_i32 = arith.constant 0 : i32
    %c0_i32_0 = arith.constant 0 : i32
    return %arg0, %c0_i32 : i32, i32
  }
}

module attributes {stable_mosaic.version = 14 : i64} {
  func.func @_k_combine_mm_stats(%arg0: i32, %arg1: memref<2000x512xf32, #tpu.memory_space<vmem>>, %arg2: memref<2000x512xf32, #tpu.memory_space<vmem>>, %arg3: memref<512x512xf32, #tpu.memory_space<vmem>>, %arg4: memref<1x512xf32, #tpu.memory_space<vmem>>, %arg5: memref<2000x512xf32, #tpu.memory_space<vmem>>, %arg6: memref<1x512xf32, #tpu.memory_space<vmem>>, %arg7: memref<1x512xf32, #tpu.memory_space<vmem>>) attributes {dimension_semantics = [#tpu.dimension_semantics<arbitrary>], iteration_bounds = array<i64: 5>, scalar_prefetch = 0 : i64, scratch_operands = 0 : i64, tpu.core_type = #tpu.core_type<tc>, window_params = [{transform_indices = @transform_0, window_bounds = array<i64: 2000, 512>}, {transform_indices = @transform_1, window_bounds = array<i64: 2000, 512>}, {pipeline_mode = #tpu.pipeline_mode<synchronous>, transform_indices = @transform_2, window_bounds = array<i64: 512, 512>}, {pipeline_mode = #tpu.pipeline_mode<synchronous>, transform_indices = @transform_3, window_bounds = array<i64: 1, 512>}, {transform_indices = @transform_4, window_bounds = array<i64: 2000, 512>}, {pipeline_mode = #tpu.pipeline_mode<synchronous>, transform_indices = @transform_5, window_bounds = array<i64: 1, 512>}, {pipeline_mode = #tpu.pipeline_mode<synchronous>, transform_indices = @transform_6, window_bounds = array<i64: 1, 512>}]} {
    %get3A = arith.constant 0 : index
    %get3A_0 = arith.constant 0 : index
    %get3A_1 = vector.load %arg1[%get3A, %get3A_0] : memref<2000x512xf32, #tpu.memory_space<vmem>>, vector<2000x512xf32>
    %get3A_2 = arith.constant 0 : index
    %get3A_3 = arith.constant 0 : index
    %get3A_4 = vector.load %arg2[%get3A_2, %get3A_3] : memref<2000x512xf32, #tpu.memory_space<vmem>>, vector<2000x512xf32>
    %add3A = arith.addf %get3A_1, %get3A_4 : vector<2000x512xf32>
    %swap3A = arith.constant 0 : index
    %swap3A_5 = arith.constant 0 : index
    %swap3A_6 = vector.load %arg5[%swap3A, %swap3A_5] : memref<2000x512xf32, #tpu.memory_space<vmem>>, vector<2000x512xf32>
    tpu.vector_store %arg5[%swap3A, %swap3A_5], %add3A {strides = array<i32>} : memref<2000x512xf32, #tpu.memory_space<vmem>>, vector<2000x512xf32>,
    %get3A_7 = arith.constant 0 : index
    %get3A_8 = arith.constant 0 : index
    %get3A_9 = vector.load %arg3[%get3A_7, %get3A_8] : memref<512x512xf32, #tpu.memory_space<vmem>>, vector<512x512xf32>
    %dot_general3A = arith.constant dense<0.000000e+00> : vector<2000x512xf32>
    %dot_general3A_10 = tpu.matmul %add3A, %get3A_9, %dot_general3A {dimension_numbers = #tpu.dot_dimension_numbers<[1], [0], [0], [1], [0, 0, 1, 1], [], []>, transpose_lhs_hint = false} : vector<2000x512xf32>, vector<512x512xf32>, vector<2000x512xf32> -> vector<2000x512xf32>
    %get3A_11 = arith.constant 0 : index
    %get3A_12 = arith.constant 0 : index
    %get3A_13 = vector.load %arg4[%get3A_11, %get3A_12] : memref<1x512xf32, #tpu.memory_space<vmem>>, vector<1x512xf32>
    %add3A_14 = vector.broadcast %get3A_13 : vector<1x512xf32> to vector<2000x512xf32>
    %add3A_15 = arith.addf %dot_general3A_10, %add3A_14 : vector<2000x512xf32>
    %reduce_sum3A = arith.constant dense<0.000000e+00> : vector<512xf32>
    %reduce_sum3A_16 = vector.multi_reduction <add>, %add3A_15, %reduce_sum3A [0] : vector<2000x512xf32> to vector<512xf32>
    %broadcast_in_dim3A = vector.shape_cast %reduce_sum3A_16 : vector<512xf32> to vector<1x512xf32>
    %mul3A = arith.mulf %add3A_15, %add3A_15 : vector<2000x512xf32>
    %reduce_sum3A_17 = arith.constant dense<0.000000e+00> : vector<512xf32>
    %reduce_sum3A_18 = vector.multi_reduction <add>, %mul3A, %reduce_sum3A_17 [0] : vector<2000x512xf32> to vector<512xf32>
    %broadcast_in_dim3A_19 = vector.shape_cast %reduce_sum3A_18 : vector<512xf32> to vector<1x512xf32>
    %eq3A = arith.constant 0 : i32
    %eq3A_20 = arith.cmpi eq, %arg0, %eq3A : i32
    %convert_element_type3A = arith.extui %eq3A_20 : i1 to i32
    %cond3A = arith.constant 0 : i32
    %cond3A_21 = arith.cmpi ne, %convert_element_type3A, %cond3A : i32
    scf.if %cond3A_21 {
      %swap3A_26 = arith.constant 0 : index
      %swap3A_27 = arith.constant 0 : index
      %swap3A_28 = vector.load %arg6[%swap3A_26, %swap3A_27] : memref<1x512xf32, #tpu.memory_space<vmem>>, vector<1x512xf32>
      tpu.vector_store %arg6[%swap3A_26, %swap3A_27], %broadcast_in_dim3A {strides = array<i32>} : memref<1x512xf32, #tpu.memory_space<vmem>>, vector<1x512xf32>,
      %swap3A_29 = arith.constant 0 : index
      %swap3A_30 = arith.constant 0 : index
      %swap3A_31 = vector.load %arg7[%swap3A_29, %swap3A_30] : memref<1x512xf32, #tpu.memory_space<vmem>>, vector<1x512xf32>
      tpu.vector_store %arg7[%swap3A_29, %swap3A_30], %broadcast_in_dim3A_19 {strides = array<i32>} : memref<1x512xf32, #tpu.memory_space<vmem>>, vector<1x512xf32>,
    } else {
    }
    %ne3A = arith.constant 0 : i32
    %ne3A_22 = arith.cmpi ne, %arg0, %ne3A : i32
    %convert_element_type3A_23 = arith.extui %ne3A_22 : i1 to i32
    %cond3A_24 = arith.constant 0 : i32
    %cond3A_25 = arith.cmpi ne, %convert_element_type3A_23, %cond3A_24 : i32
    scf.if %cond3A_25 {
      %get3A_26 = arith.constant 0 : index
      %get3A_27 = arith.constant 0 : index
      %get3A_28 = vector.load %arg6[%get3A_26, %get3A_27] : memref<1x512xf32, #tpu.memory_space<vmem>>, vector<1x512xf32>
      %add3A_29 = arith.addf %get3A_28, %broadcast_in_dim3A : vector<1x512xf32>
      %swap3A_30 = arith.constant 0 : index
      %swap3A_31 = arith.constant 0 : index
      %swap3A_32 = vector.load %arg6[%swap3A_30, %swap3A_31] : memref<1x512xf32, #tpu.memory_space<vmem>>, vector<1x512xf32>
      tpu.vector_store %arg6[%swap3A_30, %swap3A_31], %add3A_29 {strides = array<i32>} : memref<1x512xf32, #tpu.memory_space<vmem>>, vector<1x512xf32>,
      %get3A_33 = arith.constant 0 : index
      %get3A_34 = arith.constant 0 : index
      %get3A_35 = vector.load %arg7[%get3A_33, %get3A_34] : memref<1x512xf32, #tpu.memory_space<vmem>>, vector<1x512xf32>
      %add3A_36 = arith.addf %get3A_35, %broadcast_in_dim3A_19 : vector<1x512xf32>
      %swap3A_37 = arith.constant 0 : index
      %swap3A_38 = arith.constant 0 : index
      %swap3A_39 = vector.load %arg7[%swap3A_37, %swap3A_38] : memref<1x512xf32, #tpu.memory_space<vmem>>, vector<1x512xf32>
      tpu.vector_store %arg7[%swap3A_37, %swap3A_38], %add3A_36 {strides = array<i32>} : memref<1x512xf32, #tpu.memory_space<vmem>>, vector<1x512xf32>,
    } else {
    }
    return
  }
  func.func @transform_0(%arg0: i32) -> (i32, i32) {
    %c0_i32 = arith.constant 0 : i32
    %c0_i32_0 = arith.constant 0 : i32
    return %arg0, %c0_i32 : i32, i32
  }
  func.func @transform_1(%arg0: i32) -> (i32, i32) {
    %c0_i32 = arith.constant 0 : i32
    %c0_i32_0 = arith.constant 0 : i32
    return %arg0, %c0_i32 : i32, i32
  }
  func.func @transform_2(%arg0: i32) -> (i32, i32) {
    %c0_i32 = arith.constant 0 : i32
    %c0_i32_0 = arith.constant 0 : i32
    %c0_i32_1 = arith.constant 0 : i32
    return %c0_i32, %c0_i32_0 : i32, i32
  }
  func.func @transform_3(%arg0: i32) -> (i32, i32) {
    %c0_i32 = arith.constant 0 : i32
    %c0_i32_0 = arith.constant 0 : i32
    %c0_i32_1 = arith.constant 0 : i32
    return %c0_i32, %c0_i32_0 : i32, i32
  }
  func.func @transform_4(%arg0: i32) -> (i32, i32) {
    %c0_i32 = arith.constant 0 : i32
    %c0_i32_0 = arith.constant 0 : i32
    return %arg0, %c0_i32 : i32, i32
  }
  func.func @transform_5(%arg0: i32) -> (i32, i32) {
    %c0_i32 = arith.constant 0 : i32
    %c0_i32_0 = arith.constant 0 : i32
    %c0_i32_1 = arith.constant 0 : i32
    return %c0_i32, %c0_i32_0 : i32, i32
  }
  func.func @transform_6(%arg0: i32) -> (i32, i32) {
    %c0_i32 = arith.constant 0 : i32
    %c0_i32_0 = arith.constant 0 : i32
    %c0_i32_1 = arith.constant 0 : i32
    return %c0_i32, %c0_i32_0 : i32, i32
  }
}

module attributes {stable_mosaic.version = 14 : i64} {
  func.func @_k_mlp_out(%arg0: i32, %arg1: memref<2000x512xf32, #tpu.memory_space<vmem>>, %arg2: memref<512x512xf32, #tpu.memory_space<vmem>>, %arg3: memref<1x512xf32, #tpu.memory_space<vmem>>, %arg4: memref<1x512xf32, #tpu.memory_space<vmem>>, %arg5: memref<1x512xf32, #tpu.memory_space<vmem>>, %arg6: memref<512x512xf32, #tpu.memory_space<vmem>>, %arg7: memref<1x512xf32, #tpu.memory_space<vmem>>, %arg8: memref<512x256xf32, #tpu.memory_space<vmem>>, %arg9: memref<1x256xf32, #tpu.memory_space<vmem>>, %arg10: memref<2000x256xf32, #tpu.memory_space<vmem>>) attributes {dimension_semantics = [#tpu.dimension_semantics<arbitrary>], iteration_bounds = array<i64: 5>, scalar_prefetch = 0 : i64, scratch_operands = 0 : i64, tpu.core_type = #tpu.core_type<tc>, window_params = [{transform_indices = @transform_0, window_bounds = array<i64: 2000, 512>}, {pipeline_mode = #tpu.pipeline_mode<synchronous>, transform_indices = @transform_1, window_bounds = array<i64: 512, 512>}, {pipeline_mode = #tpu.pipeline_mode<synchronous>, transform_indices = @transform_2, window_bounds = array<i64: 1, 512>}, {pipeline_mode = #tpu.pipeline_mode<synchronous>, transform_indices = @transform_3, window_bounds = array<i64: 1, 512>}, {pipeline_mode = #tpu.pipeline_mode<synchronous>, transform_indices = @transform_4, window_bounds = array<i64: 1, 512>}, {pipeline_mode = #tpu.pipeline_mode<synchronous>, transform_indices = @transform_5, window_bounds = array<i64: 512, 512>}, {pipeline_mode = #tpu.pipeline_mode<synchronous>, transform_indices = @transform_6, window_bounds = array<i64: 1, 512>}, {pipeline_mode = #tpu.pipeline_mode<synchronous>, transform_indices = @transform_7, window_bounds = array<i64: 512, 256>}, {pipeline_mode = #tpu.pipeline_mode<synchronous>, transform_indices = @transform_8, window_bounds = array<i64: 1, 256>}, {transform_indices = @transform_9, window_bounds = array<i64: 2000, 256>}]} {
    %get3A = arith.constant 0 : index
    %get3A_0 = arith.constant 0 : index
    %get3A_1 = vector.load %arg1[%get3A, %get3A_0] : memref<2000x512xf32, #tpu.memory_space<vmem>>, vector<2000x512xf32>
    %get3A_2 = arith.constant 0 : index
    %get3A_3 = arith.constant 0 : index
    %get3A_4 = vector.load %arg2[%get3A_2, %get3A_3] : memref<512x512xf32, #tpu.memory_space<vmem>>, vector<512x512xf32>
    %dot_general3A = arith.constant dense<0.000000e+00> : vector<2000x512xf32>
    %dot_general3A_5 = tpu.matmul %get3A_1, %get3A_4, %dot_general3A {dimension_numbers = #tpu.dot_dimension_numbers<[1], [0], [0], [1], [0, 0, 1, 1], [], []>, transpose_lhs_hint = false} : vector<2000x512xf32>, vector<512x512xf32>, vector<2000x512xf32> -> vector<2000x512xf32>
    %get3A_6 = arith.constant 0 : index
    %get3A_7 = arith.constant 0 : index
    %get3A_8 = vector.load %arg3[%get3A_6, %get3A_7] : memref<1x512xf32, #tpu.memory_space<vmem>>, vector<1x512xf32>
    %add3A = vector.broadcast %get3A_8 : vector<1x512xf32> to vector<2000x512xf32>
    %add3A_9 = arith.addf %dot_general3A_5, %add3A : vector<2000x512xf32>
    %get3A_10 = arith.constant 0 : index
    %get3A_11 = arith.constant 0 : index
    %get3A_12 = vector.load %arg4[%get3A_10, %get3A_11] : memref<1x512xf32, #tpu.memory_space<vmem>>, vector<1x512xf32>
    %mul3A = vector.broadcast %get3A_12 : vector<1x512xf32> to vector<2000x512xf32>
    %mul3A_13 = arith.mulf %add3A_9, %mul3A : vector<2000x512xf32>
    %get3A_14 = arith.constant 0 : index
    %get3A_15 = arith.constant 0 : index
    %get3A_16 = vector.load %arg5[%get3A_14, %get3A_15] : memref<1x512xf32, #tpu.memory_space<vmem>>, vector<1x512xf32>
    %add3A_17 = vector.broadcast %get3A_16 : vector<1x512xf32> to vector<2000x512xf32>
    %add3A_18 = arith.addf %mul3A_13, %add3A_17 : vector<2000x512xf32>
    %max3A = arith.constant 0.000000e+00 : f32
    %max3A_19 = vector.broadcast %max3A : f32 to vector<2000x512xf32>
    %max3A_20 = arith.maximumf %add3A_18, %max3A_19 : vector<2000x512xf32>
    %get3A_21 = arith.constant 0 : index
    %get3A_22 = arith.constant 0 : index
    %get3A_23 = vector.load %arg6[%get3A_21, %get3A_22] : memref<512x512xf32, #tpu.memory_space<vmem>>, vector<512x512xf32>
    %dot_general3A_24 = arith.constant dense<0.000000e+00> : vector<2000x512xf32>
    %dot_general3A_25 = tpu.matmul %max3A_20, %get3A_23, %dot_general3A_24 {dimension_numbers = #tpu.dot_dimension_numbers<[1], [0], [0], [1], [0, 0, 1, 1], [], []>, transpose_lhs_hint = false} : vector<2000x512xf32>, vector<512x512xf32>, vector<2000x512xf32> -> vector<2000x512xf32>
    %get3A_26 = arith.constant 0 : index
    %get3A_27 = arith.constant 0 : index
    %get3A_28 = vector.load %arg7[%get3A_26, %get3A_27] : memref<1x512xf32, #tpu.memory_space<vmem>>, vector<1x512xf32>
    %add3A_29 = vector.broadcast %get3A_28 : vector<1x512xf32> to vector<2000x512xf32>
    %add3A_30 = arith.addf %dot_general3A_25, %add3A_29 : vector<2000x512xf32>
    %max3A_31 = arith.constant 0.000000e+00 : f32
    %max3A_32 = vector.broadcast %max3A_31 : f32 to vector<2000x512xf32>
    %max3A_33 = arith.maximumf %add3A_30, %max3A_32 : vector<2000x512xf32>
    %get3A_34 = arith.constant 0 : index
    %get3A_35 = arith.constant 0 : index
    %get3A_36 = vector.load %arg8[%get3A_34, %get3A_35] : memref<512x256xf32, #tpu.memory_space<vmem>>, vector<512x256xf32>
    %dot_general3A_37 = arith.constant dense<0.000000e+00> : vector<2000x256xf32>
    %dot_general3A_38 = tpu.matmul %max3A_33, %get3A_36, %dot_general3A_37 {dimension_numbers = #tpu.dot_dimension_numbers<[1], [0], [0], [1], [0, 0, 1, 1], [], []>, transpose_lhs_hint = false} : vector<2000x512xf32>, vector<512x256xf32>, vector<2000x256xf32> -> vector<2000x256xf32>
    %get3A_39 = arith.constant 0 : index
    %get3A_40 = arith.constant 0 : index
    %get3A_41 = vector.load %arg9[%get3A_39, %get3A_40] : memref<1x256xf32, #tpu.memory_space<vmem>>, vector<1x256xf32>
    %add3A_42 = vector.broadcast %get3A_41 : vector<1x256xf32> to vector<2000x256xf32>
    %add3A_43 = arith.addf %dot_general3A_38, %add3A_42 : vector<2000x256xf32>
    %swap3A = arith.constant 0 : index
    %swap3A_44 = arith.constant 0 : index
    %swap3A_45 = vector.load %arg10[%swap3A, %swap3A_44] : memref<2000x256xf32, #tpu.memory_space<vmem>>, vector<2000x256xf32>
    tpu.vector_store %arg10[%swap3A, %swap3A_44], %add3A_43 {strides = array<i32>} : memref<2000x256xf32, #tpu.memory_space<vmem>>, vector<2000x256xf32>,
    return
  }
  func.func @transform_0(%arg0: i32) -> (i32, i32) {
    %c0_i32 = arith.constant 0 : i32
    %c0_i32_0 = arith.constant 0 : i32
    return %arg0, %c0_i32 : i32, i32
  }
  func.func @transform_1(%arg0: i32) -> (i32, i32) {
    %c0_i32 = arith.constant 0 : i32
    %c0_i32_0 = arith.constant 0 : i32
    %c0_i32_1 = arith.constant 0 : i32
    return %c0_i32, %c0_i32_0 : i32, i32
  }
  func.func @transform_2(%arg0: i32) -> (i32, i32) {
    %c0_i32 = arith.constant 0 : i32
    %c0_i32_0 = arith.constant 0 : i32
    %c0_i32_1 = arith.constant 0 : i32
    return %c0_i32, %c0_i32_0 : i32, i32
  }
  func.func @transform_3(%arg0: i32) -> (i32, i32) {
    %c0_i32 = arith.constant 0 : i32
    %c0_i32_0 = arith.constant 0 : i32
    %c0_i32_1 = arith.constant 0 : i32
    return %c0_i32, %c0_i32_0 : i32, i32
  }
  func.func @transform_4(%arg0: i32) -> (i32, i32) {
    %c0_i32 = arith.constant 0 : i32
    %c0_i32_0 = arith.constant 0 : i32
    %c0_i32_1 = arith.constant 0 : i32
    return %c0_i32, %c0_i32_0 : i32, i32
  }
  func.func @transform_5(%arg0: i32) -> (i32, i32) {
    %c0_i32 = arith.constant 0 : i32
    %c0_i32_0 = arith.constant 0 : i32
    %c0_i32_1 = arith.constant 0 : i32
    return %c0_i32, %c0_i32_0 : i32, i32
  }
  func.func @transform_6(%arg0: i32) -> (i32, i32) {
    %c0_i32 = arith.constant 0 : i32
    %c0_i32_0 = arith.constant 0 : i32
    %c0_i32_1 = arith.constant 0 : i32
    return %c0_i32, %c0_i32_0 : i32, i32
  }
  func.func @transform_7(%arg0: i32) -> (i32, i32) {
    %c0_i32 = arith.constant 0 : i32
    %c0_i32_0 = arith.constant 0 : i32
    %c0_i32_1 = arith.constant 0 : i32
    return %c0_i32, %c0_i32_0 : i32, i32
  }
  func.func @transform_8(%arg0: i32) -> (i32, i32) {
    %c0_i32 = arith.constant 0 : i32
    %c0_i32_0 = arith.constant 0 : i32
    %c0_i32_1 = arith.constant 0 : i32
    return %c0_i32, %c0_i32_0 : i32, i32
  }
  func.func @transform_9(%arg0: i32) -> (i32, i32) {
    %c0_i32 = arith.constant 0 : i32
    %c0_i32_0 = arith.constant 0 : i32
    return %arg0, %c0_i32 : i32, i32
  }
}

</mosaic_0001>

<sc_bundles>
// kernel: kernel.12.cloned.1.call-start
scs
__scs_entry_jumppad:
0x0: {  	(pc) =	sbr.rel $0x88, $3  }
0x1: {  	(tag) =	ssettag $0x0;
	lr =	simm.s32 $0x1  }
0x2: {  	[smem:$0x3F8F] =	sst lr;
	_ =	strace $0xD0000000  }
0x3: {  	_ = 	snop  }
0x4: {  	_ = 	snop  }
0x5: {  	_ = 	snop  }
0x6: {  	_ = 	snop  }
0x7: {  	_ = 	snop  }
__scs_overlays_trampoline_lowered:
0x8: {  	[smem:$0x3F9E] =	sst s0  }
0x9: {  	[smem:$0x3F9F] =	sst s1  }
0xa: {  	[smem:$0x3FA0] =	sst s2  }
0xb: {  	[smem:$0x3FA1] =	sst s3  }
0xc: {  	[smem:$0x3FA2] =	sst s4  }
0xd: {  	[smem:$0x3FA3] =	sst s5  }
0xe: {  	[smem:$0x3FA4] =	sst s6  }
0xf: {  	[smem:$0x3FA5] =	sst s7  }
0x10: {  	[smem:$0x3FA6] =	sst s8  }
0x11: {  	[smem:$0x3FA7] =	sst s9;
	s0 =	simm.s32 @!p0 $0x0  }
0x12: {  	s1 =	sld [smem:$0x3F8D];
	s0 =	simm.s32 @p0 $0x1  }
0x13: {  	[smem:$0x3FA8] =	sst s0;
	s0 =	simm.s32 @!p1 $0x0  }
0x14: {  	s2 =	sld [smem:$0x3F8C];
	s0 =	simm.s32 @p1 $0x1  }
0x15: {  	[smem:$0x3FA9] =	sst s0;
	s0 =	simm.s32 @!p2 $0x0  }
0x16: {  	s3 =	sld [smem:$0x3FDB];
	s0 =	simm.s32 @p2 $0x1  }
0x17: {  	s4 =	simm.s32 $0x1BF5;
	[smem:$0x3FAB] =	sst s0  }
0x18: {  	s0 =	sld [smem:$0x3F8E];
	_ =	swait.ge [sflag:s4], $0x0  }
0x19: {  	s7 =	sld [smem:$0x3F8F]  }
0x1a: {  	s8 =	sadd.s32 $0xFFFFE003, lr  }
0x1b: {  	s9 =	sadd.s32 $0xFFFFFEF7, lr;
	s5 =	simm.s32 $0xFFFFFFFF;
	p2 =	slt.u32 s8, $0xFFFFF086  }
0x1c: {  	p1 =	slt.u32 s9, $0xF7A;
	s5 =	simm.s32 @!p2 $0x0  }
0x1d: {  	s5 =	simm.s32 @p1 $0x1;
	p0 =	seq.s32 s7, s2  }
0x1e: {  	s7 =	smul.u32 @!p0 $0xF7A, s2;
	p2 =	seq.s32 @!p0 s5, $0x0  }
0x1f: {  	s9 =	smul.u32 $0xF7A, s1;
	s8 =	simm.s32 @!p0 $0x1BF5;
	p2 =	por !p2, p0  }
0x20: {  	[sflag:s8] =	ssyncset.s32 @!p0 $0xFFFFF086;
	s6 =	sadd.s32 @!p0 s3, s7;
	s7 =	simm.s32 @!p0 $0x108  }
0x21: {  	s3 =	sadd.s32 s3, s9;
	s6 =	sadd.s32 @!p0 $0x88, s6;
	s7 =	simm.s32 @p2 $0x1082  }
0x22: {  	[simem:s7], [sflag:s8] =	dma.local @!p0 [hbm:s6], $0xF7A  }
0x23: {  	s9 =	sor.u32 $0xD0000000, s2;
	s6 =	simm.s32 $0x108;
	_ =	swait.ge @!p0 [sflag:s8], $0x0  }
0x24: {  	s3 =	sadd.s32 $0x88, s3;
	s6 =	simm.s32 @!p1 $0x1082;
	[sflag:s4] =	ssyncset.s32 $0xFFFFF086  }
0x25: {  	[simem:s6], [sflag:s4] =	dma.local [hbm:s3], $0xF7A  }
0x26: {  	[smem:$0x3F8F] =	sst s1;
	(tag) =	ssettag s2;
	_ =	strace s9  }
0x27: {  	s1 =	sld [smem:$0x3F9F]  }
0x28: {  	s2 =	sld [smem:$0x3FA0]  }
0x29: {  	s4 =	sld [smem:$0x3FA2]  }
0x2a: {  	p0 =	seq.s32 s5, $0x0;
	s5 =	sld [smem:$0x3FA3]  }
0x2b: {  	s6 =	sld [smem:$0x3FA4]  }
0x2c: {  	s7 =	sld [smem:$0x3FA5]  }
0x2d: {  	s3 =	simm.s32 $0x108;
	s8 =	sld [smem:$0x3FA6]  }
0x2e: {  	s3 =	simm.s32 @!p0 $0x1082;
	s9 =	sld [smem:$0x3FA7]  }
0x2f: {  	lr =	sadd.s32 s0, s3;
	s0 =	sld [smem:$0x3F9E]  }
0x30: {  	s3 =	sld [smem:$0x3FA1]  }
0x31: {  	[smem:$0x3FAA] =	sst s10  }
0x32: {  	s10 =	sld [smem:$0x3FA8];
	_ =	sdelay $0x3  }
0x33: {  	p0 =	seq.s32 s10, $0x1;
	s10 =	sld [smem:$0x3FAA];
	_ =	sdelay $0x3  }
0x34: {  	[smem:$0x3FAA] =	sst s10  }
0x35: {  	s10 =	sld [smem:$0x3FA9];
	_ =	sdelay $0x3  }
0x36: {  	p1 =	seq.s32 s10, $0x1;
	s10 =	sld [smem:$0x3FAA];
	_ =	sdelay $0x3  }
0x37: {  	[smem:$0x3FAA] =	sst s10  }
0x38: {  	s10 =	sld [smem:$0x3FAB]  }
0x39: {  	_ = 	snop;
	(pc) =	sbr.ind lr, $3  }
0x3a: {  	_ = 	snop  }
0x3b: {  	_ = 	snop  }
0x3c: {  	p2 =	seq.s32 s10, $0x1;
	s10 =	sld [smem:$0x3FAA]  }
0x3d: {  	_ =	shalt  }
0x3e: {  	_ =	shalt  }
0x3f: {  	_ =	shalt  }
0x40: {  	_ =	shalt  }
0x41: {  	_ =	shalt  }
0x42: {  	_ =	shalt  }
0x43: {  	_ =	shalt  }
0x44: {  	_ =	shalt  }
0x45: {  	_ =	shalt  }
0x46: {  	_ =	shalt  }
0x47: {  	_ =	shalt  }
0x48: {  	_ =	shalt  }
0x49: {  	_ =	shalt  }
0x4a: {  	_ =	shalt  }
0x4b: {  	_ =	shalt  }
0x4c: {  	_ =	shalt  }
0x4d: {  	_ =	shalt  }
0x4e: {  	_ =	shalt  }
0x4f: {  	_ =	shalt  }
0x50: {  	_ =	shalt  }
0x51: {  	_ =	shalt  }
0x52: {  	_ =	shalt  }
0x53: {  	_ =	shalt  }
0x54: {  	_ =	shalt  }
0x55: {  	_ =	shalt  }
0x56: {  	_ =	shalt  }
0x57: {  	_ =	shalt  }
0x58: {  	_ =	shalt  }
0x59: {  	_ =	shalt  }
0x5a: {  	_ =	shalt  }
0x5b: {  	_ =	shalt  }
0x5c: {  	_ =	shalt  }
0x5d: {  	_ =	shalt  }
0x5e: {  	_ =	shalt  }
0x5f: {  	_ =	shalt  }
0x60: {  	_ =	shalt  }
0x61: {  	_ =	shalt  }
0x62: {  	_ =	shalt  }
0x63: {  	_ =	shalt  }
0x64: {  	_ =	shalt  }
0x65: {  	_ =	shalt  }
0x66: {  	_ =	shalt  }
0x67: {  	_ =	shalt  }
0x68: {  	_ =	shalt  }
0x69: {  	_ =	shalt  }
0x6a: {  	_ =	shalt  }
0x6b: {  	_ =	shalt  }
0x6c: {  	_ =	shalt  }
0x6d: {  	_ =	shalt  }
0x6e: {  	_ =	shalt  }
0x6f: {  	_ =	shalt  }
0x70: {  	_ =	shalt  }
0x71: {  	_ =	shalt  }
0x72: {  	_ =	shalt  }
0x73: {  	_ =	shalt  }
0x74: {  	_ =	shalt  }
0x75: {  	_ =	shalt  }
0x76: {  	_ =	shalt  }
0x77: {  	_ =	shalt  }
0x78: {  	_ =	shalt  }
0x79: {  	_ =	shalt  }
0x7a: {  	_ =	shalt  }
0x7b: {  	_ =	shalt  }
0x7c: {  	_ =	shalt  }
0x7d: {  	_ =	shalt  }
0x7e: {  	_ =	shalt  }
0x7f: {  	_ =	shalt  }
0x80: {  	_ =	shalt  }
0x81: {  	_ =	shalt  }
0x82: {  	_ =	shalt  }
0x83: {  	_ =	shalt  }
0x84: {  	_ =	shalt  }
0x85: {  	_ =	shalt  }
0x86: {  	_ =	shalt  }
0x87: {  	_ =	shalt  }
.Lfunc_end0:
.L_simem_size_0:
called_computation.1_lowered:
.L_overlay_start_0:
0x88: {  	s2 =	sld [smem:$0x3FD9]  }
0x89: {  	s3 =	sld [smem:$0x3FFE];
	_ =	sdelay $0x1  }
0x8a: {  	s1 =	srdreg.scid  }
0x8b: {  	s0 =	sand.u32 $0x1, s1  }
0x8c: {  	s16 =	sshll.u32 s0, $0xA;
	s2 =	sadd.s32 s3, s2  }
0x8d: {  	s2 =	sadd.s32 s2, s16  }
0x8e: {  	[smem:$0x3FB6] =	sst s2  }
0x8f: {  	_ = 	snop  }
0x90: {  	(tm) =	ssettm $0x1  }
0x91: {  	s17 =	sld [smem:$0x3FFB];
	_ =	sdelay $0x3  }
0x92: {  	_ =	strace s17  }
0x93: {  	s2 =	sld [smem:$0x3FFC];
	_ =	sdelay $0x3  }
0x94: {  	_ =	strace s2  }
0x95: {  	s2 =	sld [smem:$0x3FFD];
	_ =	sdelay $0x3  }
0x96: {  	_ =	strace s2  }
0x97: {  	_ =	strace $0x8FFFFFFF  }
0x98: {  	s18 =	sld [smem:$0x3FDB];
	_ =	sdelay $0x1  }
0x99: {  	s19 =	simm.s32 $_scs_section_size  }
0x9a: {  	s4 =	simm.s32 $_size__tile_overlayer_lowered;
	s5 =	simm.s32 $_tile_overlayer_lowered  }
0x9b: {  	s22 =	simm.s32 $0x1BFF;
	s21 =	sshll.u32 s5, $0x1;
	s2 =	sadd.s32 s19, s18  }
0x9c: {  	s6 =	simm.s32 $0x0;
	s20 =	sshll.u32 s4, $0x1;
	s4 =	sadd.s32 s21, s2  }
0x9d: {  	[timem:s6], [sflag:s22] =	dma.local [hbm:s4], s20  }
0x9e: {  	_ =	swait.ge [sflag:s22], s20  }
0x9f: {  	s3 =	ssub.s32 $0x0, s20;
	[sflag:s22] =	ssyncset.done $0x0  }
0xa0: {  	[sflag:s22] =	ssyncadd.s32 s3;
	_ =	sdelay $0x1  }
0xa1: {  	s23 =	simm.s32 $0x1B8B  }
0xa2: {  	_ =	swait.ge [sflag:s23], $0x1  }
0xa3: {  	[sflag:s23] =	ssyncset.done $0x0  }
0xa4: {  	s25 =	simm.s32 $0x1B8E;
	s24 =	sld [smem:$0x3FFE];
	[sflag:s23] =	ssyncadd.s32 $0xFFFFFFFF  }
0xa5: {  	s26 =	simm.s32 $execute0_lowered;
	[smem:$0x3FD2] =	sst s25  }
0xa6: {  	s4 =	sshll.u32 s26, $0x1;
	_ =	strace $0x80000049;
	[dreg:$0x1] =	wrdreg $0xFFFFFFFF  }
0xa7: {  	s28 =	simm.s32 $_size_execute0_lowered;
	s2 =	sadd.s32 s2, s4;
	[dreg:$0x0] =	wrdreg $0x0  }
0xa8: {  	s4 =	sshll.u32 s28, $0x1;
	[dreg:$0x2] =	wrdreg s2  }
0xa9: {  	[dreg:$0x3] =	wrdreg s4  }
0xaa: {  	[dreg:$0x4] =	wrdreg $0xC0  }
0xab: {  	_ =	task [dreg:s6], $0x5FFFF  }
0xac: {  	[dreg:$0x1] =	wrdreg $0xFFFFFFFF  }
0xad: {  	[dreg:$0x0] =	wrdreg $0x60  }
0xae: {  	[dreg:$0x2] =	wrdreg s24  }
0xaf: {  	[dreg:$0x3] =	wrdreg $0x0  }
0xb0: {  	[dreg:$0x4] =	wrdreg $0x9  }
0xb1: {  	_ =	task.clear_ibuf [dreg:s6], $0x5FFFF;
	_ =	strace $0x90000049  }
0xb2: {  	s29 =	simm.s32 $0x9;
	_ =	strace $0x8000004B  }
0xb3: {  	_ =	swait.ge [sflag:s29], $0x1  }
0xb4: {  	[sflag:s29] =	ssyncadd.s32 $0xFFFFFFFF  }
0xb5: {  	_ =	strace $0x9000004B  }
0xb6: {  	_ =	sfence  }
0xb7: {  	s30 =	sld [smem:$0x0];
	_ =	sdelay $0x2  }
0xb8: {  	s31 =	sshll.u32 s1, $0xD;
	s1 =	sshrl.u32 s1, $0x2  }
0xb9: {  	s3 =	sand.u32 $0x4000, s31;
	s1 =	sadd.s32 s1, s30  }
0xba: {  	s0 =	sor.u32 s3, s0;
	s1 =	sshll.u32 s1, $0x11  }
0xbb: {  	s0 =	sor.u32 s1, s0  }
0xbc: {  	s0 =	sadd.s32 $0x8F2B, s0  }
0xbd: {  	[sflag:s0] =	ssyncadd.remote.s32 $0x1  }
0xbe: {  	_ =	sfence.sel $0xFFFF  }
0xbf: {  	[dreg:$0x0] =	wrdreg $0xFFFFFFFF;
	(pc) =	sbr.abs _section_cstart, $3  }
0xc0: {  	[dreg:$0x1] =	wrdreg $0xFFFFFFFF  }
0xc1: {  	_ =	task.clear_ibuf [dreg:s6], $0x2FFFF;
	_ =	strace $0x9FFFFFFF  }
0xc2: {  	(tm) =	ssettm $0x7FFFFFFF  }
0xc3: {  	_ =	shalt  }
tec
execute0_lowered:
.L_overlay_start_1:
0x0: {  	(tag) =	ssettag $0x1  }
0x1: {  	s0 =	rddreg [dreg:$0x0]  }
0x2: {  	s2 =	rddreg [dreg:$0x1];
	s3 =	simm.s32 $0x0;
	s9 =	stileid.u32  }
0x3: {  	s5 =	srdreg.scid;
	s28 =	simm.s32 $0x15000;
	s1 =	smul.u32 $0x4F0, s9  }
0x4: {  	[smem:$0x7FF] =	sst s3;
	s7 =	smul.u32 $0x54000, s9;
	s4 =	sadd.s32 $0xA5200, s0  }
0x5: {  	s5 =	sand.u32 $0x1, s5;
	s6 =	sadd.s32 $0x141600, s0;
	s20 =	smul.u32 $0x50000, s9  }
0x6: {  	s22 =	smul.u32 $0xA0, s9;
	_ =	strace $0x8000004A;
	[dreg:$0x3] =	wrdreg s5  }
0x7: {  	s18 =	ssub.s32 $0x2, s5;
	s1 =	sadd.s32 s1, s0;
	s19 =	sshrl.u32 s7, $0x2  }
0x8: {  	s8 =	sshrl.u32 s18, $0x1;
	s23 =	sshrl.u32 s20, $0x2;
	s14 =	sadd.s32 $0x20, s22  }
0x9: {  	s20 =	sadd.s32 $0x60, s22;
	s15 =	smov.u32 s22;
	s7 =	sadd.s32 s19, s2  }
0xa: {  	s0 =	ssub.s32 s18, s8;
	s1 =	sadd.s32 $0x3E00, s1;
	s26 =	sshll.u32 s14, $0x9  }
0xb: {  	s19 =	sadd.s32 $0x40, s22;
	s30 =	sshll.u32 s20, $0x9;
	s21 =	sadd.s32 $0x14000, s7  }
0xc: {  	[dreg:$0x5] =	wrdreg s1;
	s0 =	smax.u32 s0, $0x1;
	s24 =	sadd.s32 $0x4000, s7  }
0xd: {  	s25 =	sadd.s32 $0x8000, s7;
	s16 =	sadd.s32 $0xC000, s7;
	s13 =	smov.u32 s7  }
0xe: {  	s17 =	sadd.s32 $0x10000, s7;
	s18 =	sadd.s32 s26, s2;
	[dreg:$0x4] =	wrdreg s21  }
.Ltmp0:
0xf: {  	s29 =	sshll.u32 s19, $0x9;
	[dreg:$0x6] =	wrdreg s0;
	(pc) =	sbr.rel .LBB2_1-.Ltmp0, $4  }
0x10: {  	s26 =	simm.s32 $0x3;
	s1 =	simm.s32 $0x0;
	[dreg:$0x8] =	wrdreg s24  }
0x11: {  	s0 =	sadd.s32 s23, s2;
	[dreg:$0x9] =	wrdreg s25;
	s21 =	sadd.s32 $0x80, s22  }
0x12: {  	s22 =	sadd.s32 s29, s2;
	s23 =	sadd.s32 s30, s2;
	s31 =	sshll.u32 s21, $0x9  }
0x13: {  	v0 =	vimm.f32 $0.0e+00;
	s25 =	simm.s32 $0x17980;
	[dreg:$0x7] =	wrdreg s0;
	s24 =	sadd.s32 s31, s2  }
.LBB2_13:
0x14: {  	s1 =	rddreg [dreg:$0xa]  }
0x15: {  	s0 =	rddreg [dreg:$0x6];
	s1 =	sadd.s32 $0x1, s1  }
0x16: {  	p0 =	sne.s32 s1, s0  }
.Ltmp1:
0x17: {  	_ = 	snop;
	(pc) =	sbr.rel @!p0 .LBB2_14-.Ltmp1, $1  }
0x18: {  	_ =	sdelay $0x3  }
.LBB2_1:
.Ltmp2:
0x19: {  	(pc) =	sbr.rel .LBB2_2-.Ltmp2, $2  }
0x1a: {  	_ =	sdelay $0x2  }
0x1b: {  	[dreg:$0xa] =	wrdreg s1;
	p1 =	por $0x1, $0x1;
	s0 =	simm.s32 $0x0  }
.LBB2_8:
0x1c: {  	_ = 	snop  }
.LBB2_11:
0x1d: {  	p1 =	por p1, !p2  }
0x1e: {  	[sflag:s10] =	ssyncset.done @!p1 $0x0  }
0x1f: {  	p2 =	sge.s32 s8, s31;
	[sflag:s10] =	ssyncadd.s32 @!p1 $0xFFFFC000  }
0x20: {  	v3 =	vld @!p2 [tilespmem:s0+$0xFFFFFFD0]  }
0x21: {  	s5 =	sadd.s32 @!p2 $0xFFFFFFF0, s1;
	v4 =	vlaneseq.u32 @!p2  }
0x22: {  	v5 =	vor.u32 @!p2 s5, v4;
	p1 =	por p2, p2  }
0x23: {  	v5 =	vsub.s32 @!p1 v5, v2  }
0x24: {  	v6 =	vshrl.u32 @!p1 v5, $0x1F;
	v5 =	vshra.s32 @!p1 v5, $0x1F  }
0x25: {  	v7 =	vxor.u32 @!p1 $0x1, v6;
	v8 =	vshrl.u32 @!p1 v3, $0xE;
	v3 =	vand.u32 @!p1 $0x3FFF, v3  }
0x26: {  	v7 =	vmul.u32 @!p1 $0xA00, v7;
	v3 =	vsub.s32 @!p1 v3, v1;
	v6 =	vmul.u32 @!p1 v6, v8  }
0x27: {  	v3 =	vand.u32 @!p1 v3, v5  }
0x28: {  	[tilespmem:$0x17800] =	vst @!p1 v6;
	v3 =	vadd.s32 @!p1 v7, v3  }
0x29: {  	[tilespmem:$0x17900] =	vst @!p1 v3  }
0x2a: {  	v3 =	vld @!p1 [tilespmem:s0+$0xFFFFFFE0];
	_ =	sdelay $0x1  }
0x2b: {  	v4 =	vor.u32 @!p2 s1, v4  }
0x2c: {  	v4 =	vsub.s32 @!p1 v4, v2  }
0x2d: {  	v5 =	vshrl.u32 @!p1 v4, $0x1F;
	v4 =	vshra.s32 @!p1 v4, $0x1F  }
0x2e: {  	v6 =	vxor.u32 @!p1 $0x1, v5;
	v7 =	vshrl.u32 @!p1 v3, $0xE;
	v3 =	vand.u32 @!p1 $0x3FFF, v3  }
0x2f: {  	s7 =	sadd.s32 $0xFFFFFFFE, s11;
	v6 =	vmul.u32 @!p1 $0xA00, v6;
	v3 =	vsub.s32 @!p1 v3, v1;
	v5 =	vmul.u32 @!p1 v5, v7  }
0x30: {  	p3 =	sge.s32 s7, s31;
	v3 =	vand.u32 @!p1 v3, v4  }
0x31: {  	s9 =	simm.s32 @!p3 $0x1;
	[tilespmem:$0x17810] =	vst @!p1 v5;
	v3 =	vadd.s32 @!p1 v6, v3  }
0x32: {  	s5 =	simm.s32 @!p1 $0x1B980;
	s7 =	simm.s32 @!p1 $0x20;
	s8 =	simm.s32 @!p1 $0x17800;
	[tilespmem:$0x17910] =	vst @!p1 v3  }
0x33: {  	[tilespmem:s5], [sflag:$0x2] =	stream.indirect.gather @!p1 [hbm4b:s4+s7], $0x200, s8, s7, $0xb8;
	[tilespmem:$0x1F980] =	vst v63  }
0x34: {  	_ =	swait.ge @!p3 [sflag:s9], $0x4000  }
0x35: {  	s10 =	simm.s32 @!p3 $0x20;
	s12 =	simm.s32 @!p3 $0x17880;
	[sflag:s9] =	ssyncset.done @!p3 $0x0  }
0x36: {  	s8 =	simm.s32 @!p3 $0x17980;
	[sflag:s9] =	ssyncadd.s32 @!p3 $0xFFFFC000;
	s9 =	simm.s32 @!p3 $0x4  }
0x37: {  	[spmem:s2] =	stream.indirect.scatter.add.f32 @!p3 [tilespmem:s8], [sflag:$0x4], $0x200, s12, s10, $0xb8;
	[tilespmem:$0x1F980] =	vst v63  }
0x38: {  	_ =	swait.ge @!p3 [sflag:s9], $0x4000  }
0x39: {  	[sflag:s9] =	ssyncset.done @!p3 $0x0  }
0x3a: {  	p2 =	sge.s32 s11, s31;
	[sflag:s9] =	ssyncadd.s32 @!p3 $0xFFFFC000  }
0x3b: {  	v3 =	vld @!p2 [tilespmem:s0+$0xFFFFFFF0]  }
0x3c: {  	v4 =	vlaneseq.u32 @!p2;
	s8 =	sadd.s32 @!p2 $0x10, s1  }
0x3d: {  	v5 =	vor.u32 @!p2 s8, v4  }
0x3e: {  	v5 =	vsub.s32 @!p2 v5, v2  }
0x3f: {  	v6 =	vshrl.u32 @!p2 v5, $0x1F;
	v5 =	vshra.s32 @!p2 v5, $0x1F  }
0x40: {  	v7 =	vxor.u32 @!p2 $0x1, v6;
	v8 =	vshrl.u32 @!p2 v3, $0xE;
	v3 =	vand.u32 @!p2 $0x3FFF, v3  }
0x41: {  	v7 =	vmul.u32 @!p2 $0xA00, v7;
	v3 =	vsub.s32 @!p2 v3, v1;
	v6 =	vmul.u32 @!p2 v6, v8  }
0x42: {  	v3 =	vand.u32 @!p2 v3, v5  }
0x43: {  	[tilespmem:$0x17780] =	vst @!p2 v6;
	v3 =	vadd.s32 @!p2 v7, v3  }
0x44: {  	[tilespmem:$0x17880] =	vst @!p2 v3  }
0x45: {  	v3 =	vld @!p2 [tilespmem:s0+$0x0]  }
0x46: {  	s0 =	sadd.s32 @!p2 $0x20, s1  }
0x47: {  	v4 =	vor.u32 @!p2 s0, v4  }
0x48: {  	v2 =	vsub.s32 @!p2 v4, v2  }
0x49: {  	v4 =	vshrl.u32 @!p2 v2, $0x1F;
	v2 =	vshra.s32 @!p2 v2, $0x1F  }
0x4a: {  	v5 =	vxor.u32 @!p2 $0x1, v4;
	v6 =	vshrl.u32 @!p2 v3, $0xE;
	v3 =	vand.u32 @!p2 $0x3FFF, v3  }
0x4b: {  	v5 =	vmul.u32 @!p2 $0xA00, v5;
	v1 =	vsub.s32 @!p2 v3, v1;
	v3 =	vmul.u32 @!p2 v4, v6  }
0x4c: {  	v1 =	vand.u32 @!p2 v1, v2  }
0x4d: {  	s8 =	simm.s32 @!p2 $0x17780;
	[tilespmem:$0x17790] =	vst @!p2 v3;
	v1 =	vadd.s32 @!p2 v5, v1  }
0x4e: {  	s9 =	simm.s32 @!p1 $0x2;
	s1 =	simm.s32 @!p2 $0x20;
	s0 =	simm.s32 @!p2 $0x17980;
	[tilespmem:$0x17890] =	vst @!p2 v1  }
0x4f: {  	[tilespmem:s0], [sflag:$0x1] =	stream.indirect.gather @!p2 [hbm4b:s4+s1], $0x200, s8, s1, $0xb8;
	[tilespmem:$0x1F980] =	vst v63  }
0x50: {  	_ =	swait.ge @!p1 [sflag:s9], $0x4000  }
0x51: {  	[sflag:s9] =	ssyncset.done @!p1 $0x0  }
0x52: {  	s0 =	simm.s32 @!p1 $0x17900;
	s1 =	simm.s32 @!p1 $0x3;
	[sflag:s9] =	ssyncadd.s32 @!p1 $0xFFFFC000  }
0x53: {  	[spmem:s2] =	stream.indirect.scatter.add.f32 @!p1 [tilespmem:s5], [sflag:$0x3], $0x200, s0, s7, $0xb8;
	[tilespmem:$0x1F980] =	vst v63  }
0x54: {  	_ =	swait.ge @!p1 [sflag:s1], $0x4000  }
0x55: {  	[sflag:s1] =	ssyncset.done @!p1 $0x0  }
0x56: {  	[sflag:s1] =	ssyncadd.s32 @!p1 $0xFFFFC000  }
.LBB2_12:
0x57: {  	[bflag:$0x0] =	sbarrier.arrive $0xFFFF  }
0x58: {  	s0 =	rddreg [dreg:$0x7]  }
0x59: {  	[tilespmem:s25], [sflag:$0x3] =	stream.linear.gather [spmem:s0], $0x4000, $0x38;
	[tilespmem:$0x1F980] =	vst v63  }
0x5a: {  	s10 =	sadd.s32 s30, s15;
	_ =	swait.ge [sflag:s26], $0x4000  }
0x5b: {  	s0 =	sshll.u32 s10, $0x6;
	[sflag:s26] =	ssyncset.done $0x0  }
0x5c: {  	s0 =	sadd.s32 s6, s0;
	[sflag:s26] =	ssyncadd.s32 $0xFFFFC000  }
0x5d: {  	[hbm4b:s0+s3] =	stream.linear.scatter [tilespmem:s25], [sflag:$0x3], $0x4000, $0x38;
	[tilespmem:$0x1F980] =	vst v63  }
0x5e: {  	_ =	swait.ge [sflag:s26], $0x4000  }
0x5f: {  	[sflag:s26] =	ssyncset.done $0x0  }
0x60: {  	[sflag:s26] =	ssyncadd.s32 $0xFFFFC000  }
0x61: {  	[tilespmem:s25], [sflag:$0x3] =	stream.linear.gather [spmem:s18], $0x4000, $0x38;
	[tilespmem:$0x1F980] =	vst v63  }
0x62: {  	s11 =	sadd.s32 s30, s14;
	_ =	swait.ge [sflag:s26], $0x4000  }
0x63: {  	s0 =	sshll.u32 s11, $0x6;
	[sflag:s26] =	ssyncset.done $0x0  }
0x64: {  	s0 =	sadd.s32 s6, s0;
	[sflag:s26] =	ssyncadd.s32 $0xFFFFC000  }
0x65: {  	[hbm4b:s0+s3] =	stream.linear.scatter [tilespmem:s25], [sflag:$0x3], $0x4000, $0x38;
	[tilespmem:$0x1F980] =	vst v63  }
0x66: {  	_ =	swait.ge [sflag:s26], $0x4000  }
0x67: {  	[sflag:s26] =	ssyncset.done $0x0  }
0x68: {  	[sflag:s26] =	ssyncadd.s32 $0xFFFFC000  }
0x69: {  	[tilespmem:s25], [sflag:$0x3] =	stream.linear.gather [spmem:s22], $0x4000, $0x38;
	[tilespmem:$0x1F980] =	vst v63  }
0x6a: {  	s12 =	sadd.s32 s30, s19;
	_ =	swait.ge [sflag:s26], $0x4000  }
0x6b: {  	s0 =	sshll.u32 s12, $0x6;
	[sflag:s26] =	ssyncset.done $0x0  }
0x6c: {  	s0 =	sadd.s32 s6, s0;
	[sflag:s26] =	ssyncadd.s32 $0xFFFFC000  }
0x6d: {  	[hbm4b:s0+s3] =	stream.linear.scatter [tilespmem:s25], [sflag:$0x3], $0x4000, $0x38;
	[tilespmem:$0x1F980] =	vst v63  }
0x6e: {  	_ =	swait.ge [sflag:s26], $0x4000  }
0x6f: {  	[sflag:s26] =	ssyncset.done $0x0  }
0x70: {  	[sflag:s26] =	ssyncadd.s32 $0xFFFFC000  }
0x71: {  	[tilespmem:s25], [sflag:$0x3] =	stream.linear.gather [spmem:s23], $0x4000, $0x38;
	[tilespmem:$0x1F980] =	vst v63  }
0x72: {  	s29 =	sadd.s32 s30, s20;
	_ =	swait.ge [sflag:s26], $0x4000  }
0x73: {  	s0 =	sshll.u32 s29, $0x6;
	[sflag:s26] =	ssyncset.done $0x0  }
0x74: {  	s0 =	sadd.s32 s6, s0;
	[sflag:s26] =	ssyncadd.s32 $0xFFFFC000  }
0x75: {  	[hbm4b:s0+s3] =	stream.linear.scatter [tilespmem:s25], [sflag:$0x3], $0x4000, $0x38;
	[tilespmem:$0x1F980] =	vst v63  }
0x76: {  	_ =	swait.ge [sflag:s26], $0x4000  }
0x77: {  	[sflag:s26] =	ssyncset.done $0x0  }
0x78: {  	[sflag:s26] =	ssyncadd.s32 $0xFFFFC000  }
0x79: {  	[tilespmem:s25], [sflag:$0x3] =	stream.linear.gather [spmem:s24], $0x4000, $0x38;
	[tilespmem:$0x1F980] =	vst v63  }
0x7a: {  	s31 =	sadd.s32 s30, s21;
	_ =	swait.ge [sflag:s26], $0x4000  }
0x7b: {  	s0 =	sshll.u32 s31, $0x6;
	[sflag:s26] =	ssyncset.done $0x0  }
.Ltmp3:
0x7c: {  	s0 =	sadd.s32 s6, s0;
	[sflag:s26] =	ssyncadd.s32 $0xFFFFC000;
	(pc) =	sbr.rel @!p0 .LBB2_13-.Ltmp3, $4  }
0x7d: {  	[hbm4b:s0+s3] =	stream.linear.scatter [tilespmem:s25], [sflag:$0x3], $0x4000, $0x38;
	[tilespmem:$0x1F980] =	vst v63  }
0x7e: {  	_ =	swait.ge [sflag:s26], $0x4000  }
0x7f: {  	[sflag:s26] =	ssyncset.done $0x0  }
0x80: {  	p1 =	por $0x0, $0x0;
	s0 =	simm.s32 $0x2;
	[sflag:s26] =	ssyncadd.s32 $0xFFFFC000  }
.LBB2_2:
0x81: {  	[bflag:$0x0] =	sbarrier.arrive $0xFFFF  }
0x82: {  	p0 =	por p1, p1;
	s1 =	simm.s32 $0x0;
	s5 =	simm.s32 $0x800  }
.LBB2_3:
0x83: {  	p1 =	seq.s32 s5, $0xF800;
	[tilespmem:s1+$0x17B70] =	vst v0  }
0x84: {  	[tilespmem:s1+$0x17980] =	vst v0  }
0x85: {  	[tilespmem:s1+$0x17990] =	vst v0  }
0x86: {  	[tilespmem:s1+$0x179A0] =	vst v0  }
0x87: {  	[tilespmem:s1+$0x179B0] =	vst v0  }
0x88: {  	[tilespmem:s1+$0x179C0] =	vst v0  }
0x89: {  	[tilespmem:s1+$0x179D0] =	vst v0  }
0x8a: {  	[tilespmem:s1+$0x179E0] =	vst v0  }
0x8b: {  	[tilespmem:s1+$0x179F0] =	vst v0  }
0x8c: {  	[tilespmem:s1+$0x17A00] =	vst v0  }
0x8d: {  	[tilespmem:s1+$0x17A10] =	vst v0  }
0x8e: {  	[tilespmem:s1+$0x17A20] =	vst v0  }
0x8f: {  	[tilespmem:s1+$0x17A30] =	vst v0  }
0x90: {  	[tilespmem:s1+$0x17A40] =	vst v0  }
0x91: {  	[tilespmem:s1+$0x17A50] =	vst v0  }
0x92: {  	[tilespmem:s1+$0x17A60] =	vst v0  }
0x93: {  	[tilespmem:s1+$0x17A70] =	vst v0  }
0x94: {  	[tilespmem:s1+$0x17A80] =	vst v0  }
0x95: {  	[tilespmem:s1+$0x17A90] =	vst v0  }
0x96: {  	[tilespmem:s1+$0x17AA0] =	vst v0  }
0x97: {  	[tilespmem:s1+$0x17AB0] =	vst v0  }
0x98: {  	[tilespmem:s1+$0x17AC0] =	vst v0  }
0x99: {  	[tilespmem:s1+$0x17AD0] =	vst v0  }
0x9a: {  	[tilespmem:s1+$0x17AE0] =	vst v0  }
0x9b: {  	[tilespmem:s1+$0x17AF0] =	vst v0  }
0x9c: {  	[tilespmem:s1+$0x17B00] =	vst v0  }
0x9d: {  	[tilespmem:s1+$0x17B10] =	vst v0  }
.Ltmp4:
0x9e: {  	[tilespmem:s1+$0x17B20] =	vst v0;
	(pc) =	sbr.rel @!p1 .LBB2_3-.Ltmp4, $4  }
0x9f: {  	[tilespmem:s1+$0x17B30] =	vst v0  }
0xa0: {  	[tilespmem:s1+$0x17B40] =	vst v0  }
0xa1: {  	[tilespmem:s1+$0x17B50] =	vst v0  }
0xa2: {  	[tilespmem:s1+$0x17B60] =	vst v0;
	s1 =	sshra.s32 s5, $0x2;
	s5 =	sadd.s32 $0x800, s5  }
0xa3: {  	[tilespmem:s1+$0x17B70] =	vst v0  }
0xa4: {  	[tilespmem:s1+$0x17980] =	vst v0  }
0xa5: {  	[tilespmem:s1+$0x17990] =	vst v0  }
0xa6: {  	[tilespmem:s1+$0x179A0] =	vst v0  }
0xa7: {  	[tilespmem:s1+$0x179B0] =	vst v0  }
0xa8: {  	[tilespmem:s1+$0x179C0] =	vst v0  }
0xa9: {  	[tilespmem:s1+$0x179D0] =	vst v0  }
0xaa: {  	[tilespmem:s1+$0x179E0] =	vst v0  }
0xab: {  	[tilespmem:s1+$0x179F0] =	vst v0  }
0xac: {  	[tilespmem:s1+$0x17A00] =	vst v0  }
0xad: {  	[tilespmem:s1+$0x17A10] =	vst v0  }
0xae: {  	[tilespmem:s1+$0x17A20] =	vst v0  }
0xaf: {  	[tilespmem:s1+$0x17A30] =	vst v0  }
0xb0: {  	[tilespmem:s1+$0x17A40] =	vst v0  }
0xb1: {  	[tilespmem:s1+$0x17A50] =	vst v0  }
0xb2: {  	[tilespmem:s1+$0x17A60] =	vst v0  }
0xb3: {  	[tilespmem:s1+$0x17A70] =	vst v0  }
0xb4: {  	[tilespmem:s1+$0x17A80] =	vst v0  }
0xb5: {  	[tilespmem:s1+$0x17A90] =	vst v0  }
0xb6: {  	[tilespmem:s1+$0x17AA0] =	vst v0  }
0xb7: {  	[tilespmem:s1+$0x17AB0] =	vst v0  }
0xb8: {  	[tilespmem:s1+$0x17AC0] =	vst v0  }
0xb9: {  	[tilespmem:s1+$0x17AD0] =	vst v0  }
0xba: {  	[tilespmem:s1+$0x17AE0] =	vst v0  }
0xbb: {  	[tilespmem:s1+$0x17AF0] =	vst v0  }
0xbc: {  	[tilespmem:s1+$0x17B00] =	vst v0  }
0xbd: {  	[tilespmem:s1+$0x17B10] =	vst v0  }
0xbe: {  	[tilespmem:s1+$0x17B20] =	vst v0  }
0xbf: {  	[tilespmem:s1+$0x17B30] =	vst v0  }
0xc0: {  	[tilespmem:s1+$0x17B40] =	vst v0  }
0xc1: {  	[tilespmem:s1+$0x17B50] =	vst v0  }
0xc2: {  	[tilespmem:s1+$0x17B60] =	vst v0  }
0xc3: {  	[spmem:s13] =	stream.linear.scatter [tilespmem:s25], [sflag:$0x3], $0x4000, $0x38;
	[tilespmem:$0x1F980] =	vst v63  }
0xc4: {  	_ =	swait.ge [sflag:s26], $0x4000  }
0xc5: {  	[sflag:s26] =	ssyncset.done $0x0  }
0xc6: {  	s8 =	rddreg [dreg:$0x8];
	[sflag:s26] =	ssyncadd.s32 $0xFFFFC000  }
0xc7: {  	[spmem:s8] =	stream.linear.scatter [tilespmem:s25], [sflag:$0x3], $0x4000, $0x38;
	[tilespmem:$0x1F980] =	vst v63  }
0xc8: {  	_ =	swait.ge [sflag:s26], $0x4000  }
0xc9: {  	[sflag:s26] =	ssyncset.done $0x0  }
0xca: {  	s9 =	rddreg [dreg:$0x9];
	[sflag:s26] =	ssyncadd.s32 $0xFFFFC000  }
0xcb: {  	[spmem:s9] =	stream.linear.scatter [tilespmem:s25], [sflag:$0x3], $0x4000, $0x38;
	[tilespmem:$0x1F980] =	vst v63  }
0xcc: {  	_ =	swait.ge [sflag:s26], $0x4000  }
0xcd: {  	[sflag:s26] =	ssyncset.done $0x0  }
0xce: {  	[sflag:s26] =	ssyncadd.s32 $0xFFFFC000  }
0xcf: {  	[spmem:s16] =	stream.linear.scatter [tilespmem:s25], [sflag:$0x3], $0x4000, $0x38;
	[tilespmem:$0x1F980] =	vst v63  }
0xd0: {  	_ =	swait.ge [sflag:s26], $0x4000  }
0xd1: {  	[sflag:s26] =	ssyncset.done $0x0  }
0xd2: {  	[sflag:s26] =	ssyncadd.s32 $0xFFFFC000  }
0xd3: {  	[spmem:s17] =	stream.linear.scatter [tilespmem:s25], [sflag:$0x3], $0x4000, $0x38;
	[tilespmem:$0x1F980] =	vst v63  }
0xd4: {  	_ =	swait.ge [sflag:s26], $0x4000  }
0xd5: {  	[sflag:s26] =	ssyncset.done $0x0  }
0xd6: {  	s10 =	rddreg [dreg:$0x4];
	[sflag:s26] =	ssyncadd.s32 $0xFFFFC000  }
0xd7: {  	[spmem:s10] =	stream.linear.scatter [tilespmem:s25], [sflag:$0x3], $0x1000, $0x38;
	[tilespmem:$0x1F980] =	vst v63  }
0xd8: {  	_ =	swait.ge [sflag:s26], $0x1000  }
0xd9: {  	s11 =	rddreg [dreg:$0x3]  }
0xda: {  	[sflag:s26] =	ssyncset.done $0x0;
	s12 =	rddreg [dreg:$0x5]  }
0xdb: {  	s0 =	sor.u32 s11, s0;
	[sflag:s26] =	ssyncadd.s32 $0xFFFFF000;
	s11 =	simm.s32 $0x0  }
0xdc: {  	[tilespmem:s28], [sflag:$0x3] =	stream.linear.gather [hbm4b:s12+s11], $0x2780, $0x38;
	[tilespmem:$0x1F980] =	vst v63  }
0xdd: {  	_ =	swait.ge [sflag:s26], $0x2780  }
0xde: {  	[sflag:s26] =	ssyncset.done $0x0  }
0xdf: {  	s30 =	smul.u32 $0xA00, s0;
	s0 =	simm.s32 $0x15040;
	[sflag:s26] =	ssyncadd.s32 $0xFFFFD880  }
0xe0: {  	v2 =	vld [tilespmem:s0+$0xFFFFFFF0]  }
0xe1: {  	v4 =	vld [tilespmem:s0+$0xFFFFFFD0]  }
0xe2: {  	v9 =	vld [tilespmem:s0+$0xFFFFFFC0]  }
0xe3: {  	v5 =	vld [tilespmem:s0+$0xFFFFFFE0];
	_ =	sdelay $0x1  }
0xe4: {  	v3 =	vmov s11  }
0xe5: {  	v16 =	vadd.s32 $0xFFFFFFFF, v3;
	v1 =	vmov s30;
	v3 =	vld [tilespmem:s0+$0x0]  }
0xe6: {  	v6 =	vand.u32 $0x3FFF, v4;
	v7 =	vand.u32 $0x3FFF, v2;
	v8 =	vand.u32 $0x3FFF, v9  }
0xe7: {  	v15 =	vand.u32 $0x3FFF, v5;
	v7 =	vsub.s32 v7, v1;
	v8 =	vsub.s32 v8, v1  }
0xe8: {  	v6 =	vsub.s32 v6, v1;
	v11 =	vadd.s32 $0xFFFFF600, v7;
	v13 =	vadd.s32 $0xFFFFF600, v8  }
0xe9: {  	v10 =	vadd.s32 $0xFFFFF600, v6;
	v12 =	vandn.u32 v11, v7;
	v19 =	vandn.u32 v13, v8  }
0xea: {  	v14 =	vandn.u32 v10, v6;
	v6 =	vsub.s32 v15, v1;
	v11 =	vand.u32 $0x3FFF, v3  }
0xeb: {  	v7 =	vshrl.u32 v19, $0x1F;
	v13 =	vshrl.u32 v14, $0x1F;
	v8 =	vadd.s32 $0xFFFFF600, v6  }
0xec: {  	v21 =	vshrl.u32 v12, $0x1F;
	v10 =	vandn.u32 v8, v6;
	v8 =	vsub.s32 v11, v1;
	v6 =	vld [tilespmem:s0+$0x10];
	(xrf0) =	vadd.scan.msk.s32 $0xffff, v7  }
0xed: {  	s29 =	simm.s32 $0xF;
	v11 =	vxor.u32 $0x1, v7;
	v7 =	vld [tilespmem:s0+$0x20];
	v15 =	vshrl.u32 v10, $0x1F;
	v17 =	vadd.s32 $0xFFFFF600, v8;
	(xrf0) =	vadd.scan.msk.s32 $0xffff, v13  }
0xee: {  	v20 =	vmul.u32 s29, v11;
	v13 =	vxor.u32 $0x1, v13;
	v17 =	vandn.u32 v17, v8;
	(xrf0) =	vadd.scan.msk.s32 $0xffff, v15  }
0xef: {  	s31 =	simm.s32 $0x7F;
	s1 =	simm.s32 $0xFF;
	v11 =	vxor.u32 $0x1, v15;
	v8 =	vld [tilespmem:s0+$0x30];
	v15 =	vxor.u32 $0x1, v21;
	v18 =	vshrl.u32 v17, $0x1F  }
.LBB2_5:
0xf0: {  	p1 =	sne.s32 s1, $0x277F  }
0xf1: {  	v22 =	vand.u32 $0x3FFF, v6;
	s0 =	sadd.s32 $0x80, s0;
	s29 =	smov.u32 s1;
	s1 =	sadd.s32 $0x80, s1  }
0xf2: {  	v16 =	vbroadcast v16, $0x0;
	v22 =	vsub.s32 v22, v1;
	v23 =	vand.u32 $0x3FFF, v7;
	v24, _, _ =	vpop (xrf0)  }
0xf3: {  	v25 =	vadd.s32 $0xFFFFF600, v22;
	v23 =	vsub.s32 v23, v1;
	v26, _, _ =	vpop (xrf0);
	(v2sf) =	vpush v24, $0xF  }
0xf4: {  	v22 =	vandn.u32 v25, v22;
	v25 =	vadd.s32 $0xFFFFF600, v23;
	v27, _, _ =	vpop (xrf0);
	(xrf0) =	vadd.scan.msk.s32 $0xffff, v21;
	(v2sf) =	vpush v26, $0xF  }
0xf5: {  	v21 =	vshrl.u32 v22, $0x1F;
	v23 =	vandn.u32 v25, v23;
	(xrf0) =	vadd.scan.msk.s32 $0xffff, v18;
	(v2sf) =	vpush v27, $0xF  }
0xf6: {  	v19 =	vshra.s32 v19, $0x1F;
	v16 =	vadd.s32 v24, v16;
	v25 =	vshrl.u32 v23, $0x1F;
	(xrf0) =	vadd.scan.msk.s32 $0xffff, v21  }
0xf7: {  	v24 =	vand.u32 $0x3FFF, v8;
	v16 =	vand.u32 v16, v19;
	v19 =	vxor.u32 $0x1, v21;
	(xrf0) =	vadd.scan.msk.s32 $0xffff, v25  }
0xf8: {  	v16 =	vadd.s32 v20, v16;
	v21 =	vsub.s32 v24, v1;
	v20 =	vxor.u32 $0x1, v25  }
0xf9: {  	v25 =	vadd.s32 $0xFFFFF600, v21  }
0xfa: {  	v21 =	vandn.u32 v25, v21;
	v24, _, _ =	vpop (xrf0)  }
0xfb: {  	v25 =	vshrl.u32 v21, $0x1F;
	v28, _, _ =	vpop (xrf0);
	(v2sf) =	vpush v24, $0xF  }
0xfc: {  	v29 =	vxor.u32 $0x1, v25;
	v30, _, _ =	vpop (xrf0);
	(v2sf) =	vpush v28, $0xF  }
0xfd: {  	[tilespmem:v16+s28+$0x0] =	vst.idx.msk $0xffff, v9;
	v9, _, _ =	vpop (xrf0);
	(v2sf) =	vpush v30, $0xF  }
0xfe: {  	(v2sf) =	vpush v9, $0xF;
	_ =	sdelay $0x2  }
0xff: {  	v16 =	vshra.s32 v17, $0x1F  }
0x100: {  	v14 =	vshra.s32 v14, $0x1F;
	v12 =	vshra.s32 v12, $0x1F;
	s5 =	sadd.s32 $0xFFFFFFD0, s31;
	v17 =	vxor.u32 $0x1, v18;
	s8 =	spop (v2sf)  }
0x101: {  	s10 =	sadd.s32 $0xFFFFFFC0, s31;
	v18 =	vshra.s32 v22, $0x1F;
	v22 =	vshra.s32 v23, $0x1F;
	v17 =	vmul.u32 s5, v17;
	s8 =	sadd.s32 s11, s8;
	s5 =	spop (v2sf)  }
0x102: {  	v15 =	vmul.u32 s10, v15;
	v21 =	vshra.s32 v21, $0x1F;
	v23 =	vmov s8;
	s5 =	sadd.s32 s5, s8;
	(xrf0) =	vadd.scan.msk.s32 $0xffff, v25;
	s8 =	spop (v2sf)  }
0x103: {  	v10 =	vshra.s32 v10, $0x1F;
	v23 =	vadd.s32 $0xFFFFFFFF, v23;
	v25 =	vmov s5;
	s5 =	sadd.s32 s8, s5  }
0x104: {  	s8 =	sadd.s32 $0xFFFFFFA0, s31;
	v23 =	vbroadcast v23, $0x0;
	v25 =	vadd.s32 $0xFFFFFFFF, v25;
	v31 =	vmov s5  }
0x105: {  	v13 =	vmul.u32 s8, v13;
	s8 =	sadd.s32 $0xFFFFFFF0, s31;
	v25 =	vbroadcast v25, $0x0;
	v31 =	vadd.s32 $0xFFFFFFFF, v31  }
0x106: {  	s10 =	sadd.s32 $0xFFFFFFB0, s31;
	v20 =	vmul.u32 s8, v20;
	v32 =	vadd.s32 v26, v23;
	v26 =	vbroadcast v31, $0x0  }
0x107: {  	v11 =	vmul.u32 s10, v11;
	v14 =	vand.u32 v32, v14;
	v25 =	vadd.s32 v27, v25  }
0x108: {  	v13 =	vadd.s32 v13, v14;
	v10 =	vand.u32 v25, v10;
	v14 =	vadd.s32 v24, v26;
	v23, _, _ =	vpop (xrf0);
	s8 =	spop (v2sf)  }
0x109: {  	s10 =	sadd.s32 $0xFFFFFFE0, s31;
	v10 =	vadd.s32 v11, v10;
	v11 =	vand.u32 v14, v12;
	s8 =	sadd.s32 s8, s5;
	s11 =	spop (v2sf);
	(v2sf) =	vpush v23, $0xF  }
0x10a: {  	s5 =	sadd.s32 $0xFFFFFF90, s29;
	v14 =	vmul.u32 s10, v19;
	v11 =	vadd.s32 v15, v11;
	v12 =	vmov s8;
	s8 =	sadd.s32 s11, s8;
	s10 =	spop (v2sf)  }
0x10b: {  	v19 =	vmul.u32 s31, v29;
	s31 =	smov.u32 s29;
	v12 =	vadd.s32 $0xFFFFFFFF, v12;
	v15 =	vmov s8;
	s8 =	sadd.s32 s10, s8;
	s10 =	spop (v2sf)  }
0x10c: {  	v12 =	vbroadcast v12, $0x0;
	v15 =	vadd.s32 $0xFFFFFFFF, v15;
	v24 =	vmov s8;
	s8 =	sadd.s32 s10, s8  }
0x10d: {  	[tilespmem:v13+s28+$0x0] =	vst.idx.msk $0xffff, v4;
	v4 =	vbroadcast v15, $0x0;
	v13 =	vadd.s32 $0xFFFFFFFF, v24;
	v15 =	vmov s8  }
0x10e: {  	[tilespmem:v10+s28+$0x0] =	vst.idx.msk $0xffff, v5;
	v5 =	vadd.s32 v28, v12;
	v10 =	vbroadcast v13, $0x0;
	v12 =	vadd.s32 $0xFFFFFFFF, v15  }
0x10f: {  	[tilespmem:v11+s28+$0x0] =	vst.idx.msk $0xffff, v2;
	v2 =	vand.u32 v5, v16;
	v4 =	vadd.s32 v30, v4;
	v5 =	vbroadcast v12, $0x0  }
0x110: {  	v2 =	vadd.s32 v17, v2;
	v4 =	vand.u32 v4, v18;
	v9 =	vadd.s32 v9, v10  }
0x111: {  	v4 =	vadd.s32 v14, v4;
	v9 =	vand.u32 v9, v22;
	v5 =	vadd.s32 v23, v5  }
0x112: {  	v9 =	vadd.s32 v20, v9;
	v5 =	vand.u32 v5, v21  }
0x113: {  	v5 =	vadd.s32 v19, v5;
	_ =	sdelay $0x1  }
0x114: {  	[tilespmem:v2+s28+$0x0] =	vst.idx.msk $0xffff, v3  }
0x115: {  	[tilespmem:v4+s28+$0x0] =	vst.idx.msk $0xffff, v6  }
0x116: {  	[tilespmem:v9+s28+$0x0] =	vst.idx.msk $0xffff, v7  }
0x117: {  	[tilespmem:v5+s28+$0x0] =	vst.idx.msk $0xffff, v8;
	s10 =	spop (v2sf)  }
0x118: {  	v2 =	vld [tilespmem:s0+$0xFFFFFFF0];
	s11 =	sadd.s32 s10, s8  }
0x119: {  	v4 =	vld [tilespmem:s0+$0xFFFFFFD0];
	v3 =	vmov s11  }
0x11a: {  	v9 =	vld [tilespmem:s0+$0xFFFFFFC0];
	v16 =	vadd.s32 $0xFFFFFFFF, v3;
	_ =	sdelay $0x1  }
0x11b: {  	v5 =	vld [tilespmem:s0+$0xFFFFFFE0];
	_ =	sdelay $0x1  }
0x11c: {  	v7 =	vand.u32 $0x3FFF, v2;
	v6 =	vand.u32 $0x3FFF, v4;
	v3 =	vld [tilespmem:s0+$0x0]  }
0x11d: {  	v7 =	vsub.s32 v7, v1;
	v8 =	vand.u32 $0x3FFF, v9;
	v6 =	vsub.s32 v6, v1  }
0x11e: {  	v11 =	vadd.s32 $0xFFFFF600, v7;
	v8 =	vsub.s32 v8, v1;
	v10 =	vadd.s32 $0xFFFFF600, v6  }
0x11f: {  	v12 =	vandn.u32 v11, v7;
	v13 =	vadd.s32 $0xFFFFF600, v8;
	v15 =	vand.u32 $0x3FFF, v5  }
0x120: {  	v14 =	vandn.u32 v10, v6;
	v19 =	vandn.u32 v13, v8;
	v6 =	vsub.s32 v15, v1  }
0x121: {  	v13 =	vshrl.u32 v14, $0x1F;
	v8 =	vshrl.u32 v19, $0x1F;
	v7 =	vadd.s32 $0xFFFFF600, v6  }
.Ltmp5:
0x122: {  	v21 =	vshrl.u32 v12, $0x1F;
	v10 =	vandn.u32 v7, v6;
	v7 =	vand.u32 $0x3FFF, v3;
	v6 =	vld [tilespmem:s0+$0x10];
	(xrf0) =	vadd.scan.msk.s32 $0xffff, v8;
	(pc) =	sbr.rel @p1 .LBB2_5-.Ltmp5, $4  }
0x123: {  	v11 =	vxor.u32 $0x1, v8;
	v15 =	vshrl.u32 v10, $0x1F;
	v17 =	vsub.s32 v7, v1;
	v7 =	vld [tilespmem:s0+$0x20];
	(xrf0) =	vadd.scan.msk.s32 $0xffff, v13  }
0x124: {  	v20 =	vmul.u32 s5, v11;
	v18 =	vadd.s32 $0xFFFFF600, v17;
	v8 =	vld [tilespmem:s0+$0x30];
	v11 =	vxor.u32 $0x1, v15;
	(xrf0) =	vadd.scan.msk.s32 $0xffff, v15  }
0x125: {  	v13 =	vxor.u32 $0x1, v13;
	v15 =	vxor.u32 $0x1, v21;
	v17 =	vandn.u32 v18, v17  }
0x126: {  	v18 =	vshrl.u32 v17, $0x1F  }
0x127: {  	_ = 	snop  }
0x128: {  	v22, _, _ =	vpop (xrf0)  }
0x129: {  	(v2sf) =	vpush v22, $0xF;
	_ =	sdelay $0x3  }
0x12a: {  	v24 =	vand.u32 $0x3FFF, v6  }
0x12b: {  	v24 =	vsub.s32 v24, v1;
	v25 =	vand.u32 $0x3FFF, v7  }
0x12c: {  	v23, _, _ =	vpop (xrf0);
	v26 =	vadd.s32 $0xFFFFF600, v24;
	v25 =	vsub.s32 v25, v1  }
0x12d: {  	(xrf0) =	vadd.scan.msk.s32 $0xffff, v21;
	(v2sf) =	vpush v23, $0xF;
	v24 =	vandn.u32 v26, v24;
	v37 =	vadd.s32 $0xFFFFF600, v25  }
0x12e: {  	v27, _, _ =	vpop (xrf0);
	(xrf0) =	vadd.scan.msk.s32 $0xffff, v18;
	v38 =	vshrl.u32 v24, $0x1F;
	v25 =	vandn.u32 v37, v25  }
0x12f: {  	(v2sf) =	vpush v27, $0xF;
	v26 =	vshrl.u32 v25, $0x1F;
	(xrf0) =	vadd.scan.msk.s32 $0xffff, v38  }
0x130: {  	v28 =	vand.u32 $0x3FFF, v8;
	(xrf0) =	vadd.scan.msk.s32 $0xffff, v26  }
0x131: {  	v28 =	vsub.s32 v28, v1  }
0x132: {  	v29 =	vadd.s32 $0xFFFFF600, v28  }
0x133: {  	v28 =	vandn.u32 v29, v28;
	v39, _, _ =	vpop (xrf0)  }
0x134: {  	v30 =	vshrl.u32 v28, $0x1F;
	(v2sf) =	vpush v39, $0xF;
	v31, _, _ =	vpop (xrf0)  }
0x135: {  	(xrf0) =	vadd.scan.msk.s32 $0xffff, v30;
	v32, _, _ =	vpop (xrf0);
	s0 =	spop (v2sf);
	(v2sf) =	vpush v31, $0xF  }
0x136: {  	v33, _, _ =	vpop (xrf0);
	(v2sf) =	vpush v32, $0xF  }
0x137: {  	(v2sf) =	vpush v33, $0xF  }
0x138: {  	v16 =	vbroadcast v16, $0x0;
	v19 =	vshra.s32 v19, $0x1F;
	v14 =	vshra.s32 v14, $0x1F  }
0x139: {  	v17 =	vshra.s32 v17, $0x1F;
	v12 =	vshra.s32 v12, $0x1F;
	v45 =	vxor.u32 $0x1, v18;
	s7 =	sadd.s32 $0xFFFFFFC0, s31  }
0x13a: {  	s8 =	sadd.s32 $0xFFFFFFA0, s31;
	s9 =	sadd.s32 $0xFFFFFFB0, s31;
	v10 =	vshra.s32 v10, $0x1F;
	v15 =	vmul.u32 s7, v15;
	v16 =	vadd.s32 v22, v16  }
0x13b: {  	s5 =	sadd.s32 $0xFFFFFFD0, s31;
	v13 =	vmul.u32 s8, v13;
	v11 =	vmul.u32 s9, v11;
	v16 =	vand.u32 v16, v19;
	v42, _, _ =	vpop (xrf0)  }
0x13c: {  	v18 =	vmul.u32 s5, v45;
	v16 =	vadd.s32 v20, v16;
	s1 =	spop (v2sf);
	(v2sf) =	vpush v42, $0xF  }
0x13d: {  	v24 =	vshra.s32 v24, $0x1F;
	v21 =	vxor.u32 $0x1, v38;
	v25 =	vshra.s32 v25, $0x1F;
	s0 =	sadd.s32 s11, s0  }
0x13e: {  	s12 =	sadd.s32 $0xFFFFFFE0, s31;
	v43 =	vxor.u32 $0x1, v26;
	v47 =	vshra.s32 v28, $0x1F;
	v34 =	vmov s0;
	s0 =	sadd.s32 s1, s0;
	s29 =	spop (v2sf)  }
0x13f: {  	v51 =	vmul.u32 s12, v21;
	v34 =	vadd.s32 $0xFFFFFFFF, v34;
	v41 =	vmov s0;
	s0 =	sadd.s32 s29, s0  }
0x140: {  	v34 =	vbroadcast v34, $0x0;
	v20 =	vadd.s32 $0xFFFFFFFF, v41;
	v46 =	vmov s0  }
0x141: {  	s10 =	sadd.s32 $0xFFFFFFF0, s31;
	v44 =	vxor.u32 $0x1, v30;
	v20 =	vbroadcast v20, $0x0;
	v26 =	vadd.s32 $0xFFFFFFFF, v46  }
0x142: {  	v22 =	vmul.u32 s10, v43;
	v40 =	vadd.s32 v23, v34;
	v26 =	vbroadcast v26, $0x0  }
0x143: {  	v53 =	vmul.u32 s31, v44;
	s11 =	spop (v2sf);
	v14 =	vand.u32 v40, v14;
	v20 =	vadd.s32 v27, v20  }
0x144: {  	s0 =	sadd.s32 s11, s0;
	v10 =	vand.u32 v20, v10;
	v48 =	vadd.s32 v39, v26;
	v13 =	vadd.s32 v13, v14;
	s29 =	spop (v2sf)  }
0x145: {  	v50 =	vmov s0;
	v10 =	vadd.s32 v11, v10;
	v49 =	vand.u32 v48, v12;
	s0 =	sadd.s32 s29, s0;
	s5 =	spop (v2sf)  }
0x146: {  	v12 =	vadd.s32 $0xFFFFFFFF, v50;
	v11 =	vadd.s32 v15, v49;
	v52 =	vmov s0;
	s0 =	sadd.s32 s5, s0;
	s7 =	spop (v2sf)  }
0x147: {  	v12 =	vbroadcast v12, $0x0;
	v15 =	vadd.s32 $0xFFFFFFFF, v52;
	v54 =	vmov s0;
	s0 =	sadd.s32 s7, s0  }
0x148: {  	v15 =	vbroadcast v15, $0x0;
	v21 =	vadd.s32 $0xFFFFFFFF, v54;
	v55 =	vmov s0  }
0x149: {  	v12 =	vadd.s32 v31, v12;
	v21 =	vbroadcast v21, $0x0;
	v23 =	vadd.s32 $0xFFFFFFFF, v55  }
0x14a: {  	[tilespmem:v16+s28+$0x0] =	vst.idx.msk $0xffff, v9;
	v56 =	vand.u32 v12, v17;
	v57 =	vadd.s32 v32, v15;
	v58 =	vbroadcast v23, $0x0  }
0x14b: {  	v9 =	vadd.s32 v18, v56;
	s8 =	spop (v2sf);
	v12 =	vand.u32 v57, v24;
	v59 =	vadd.s32 v33, v21  }
0x14c: {  	s0 =	sadd.s32 s8, s0;
	v12 =	vadd.s32 v51, v12;
	v60 =	vand.u32 v59, v25;
	v15 =	vadd.s32 v42, v58  }
0x14d: {  	[tilespmem:v13+s28+$0x0] =	vst.idx.msk $0xffff, v4;
	s1 =	sadd.s32 $0x1F, s0;
	v61 =	vadd.s32 v22, v60;
	v62 =	vand.u32 v15, v47  }
0x14e: {  	[tilespmem:v10+s28+$0x0] =	vst.idx.msk $0xffff, v5;
	s9 =	sand.u32 $0x1F, s1;
	v63 =	vadd.s32 v53, v62  }
0x14f: {  	[tilespmem:v11+s28+$0x0] =	vst.idx.msk $0xffff, v2;
	s8 =	sshra.s32 s1, $0x1F;
	p1 =	slt.s32 s1, $0x1;
	p2 =	sne.s32 s9, $0x0  }
0x150: {  	[tilespmem:v9+s28+$0x0] =	vst.idx.msk $0xffff, v3;
	s10 =	sshrl.u32 s8, $0x1B;
	p1 =	por !p1, !p2  }
0x151: {  	s5 =	simm.s32 $0x1;
	s1 =	sadd.s32 s10, s1;
	p1 =	por !p1, !p1;
	[tilespmem:v12+s28+$0x0] =	vst.idx.msk $0xffff, v6  }
0x152: {  	s1 =	sshra.s32 s1, $0x5;
	s5 =	simm.s32 @!p1 $0x0;
	[tilespmem:v61+s28+$0x0] =	vst.idx.msk $0xffff, v7  }
0x153: {  	s31 =	ssub.s32 s1, s5;
	[tilespmem:v63+s28+$0x0] =	vst.idx.msk $0xffff, v8  }
0x154: {  	p1 =	slt.s32 s31, $0x1;
	[bflag:$0x0] =	sbarrier.arrive $0xFFFF  }
0x155: {  	v2 =	vld @!p1 [tilespmem:$0x15000];
	_ =	sdelay $0x1  }
0x156: {  	v3 =	vmov @!p1 s0;
	v4 =	vlaneseq.u32 @!p1  }
0x157: {  	v5 =	vsub.s32 @!p1 v4, v3;
	v6 =	vld @!p1 [tilespmem:$0x15010]  }
0x158: {  	v4 =	vor.u32 @!p1 $0x10, v4;
	v7 =	vshrl.u32 @!p1 v5, $0x1F  }
0x159: {  	v5 =	vshra.s32 @!p1 v5, $0x1F;
	v9 =	vxor.u32 @!p1 $0x1, v7;
	v8 =	vand.u32 @!p1 $0x3FFF, v2  }
0x15a: {  	v9 =	vmul.u32 @!p1 $0xA00, v9;
	v2 =	vshrl.u32 @!p1 v2, $0xE;
	v8 =	vsub.s32 @!p1 v8, v1  }
0x15b: {  	v3 =	vsub.s32 @!p1 v4, v3;
	v2 =	vmul.u32 @!p1 v7, v2;
	v5 =	vand.u32 @!p1 v8, v5  }
0x15c: {  	v7 =	vand.u32 @!p1 $0x3FFF, v6;
	v4 =	vadd.s32 @!p1 v9, v5;
	v5 =	vshrl.u32 @!p1 v3, $0x1F  }
0x15d: {  	v6 =	vshrl.u32 @!p1 v6, $0xE;
	v7 =	vsub.s32 @!p1 v7, v1;
	v8 =	vxor.u32 @!p1 $0x1, v5  }
0x15e: {  	[tilespmem:$0x17780] =	vst @!p1 v2;
	v3 =	vshra.s32 @!p1 v3, $0x1F;
	v2 =	vmul.u32 @!p1 v5, v6;
	v5 =	vmul.u32 @!p1 $0xA00, v8  }
0x15f: {  	s11 =	sadd.s32 $0x1, s31;
	[tilespmem:$0x17880] =	vst @!p1 v4;
	v3 =	vand.u32 @!p1 v7, v3  }
0x160: {  	p5 =	slt.s32 s31, $0x0;
	s1 =	simm.s32 @!p1 $0x20;
	s12 =	sand.u32 $0x1, s11;
	[tilespmem:$0x17790] =	vst @!p1 v2;
	v2 =	vadd.s32 @!p1 v5, v3  }
0x161: {  	s5 =	simm.s32 @!p1 $0x17780;
	s8 =	simm.s32 @!p1 $0x17980;
	p6 =	seq.s32 s12, $0x1;
	[tilespmem:$0x17890] =	vst @!p1 v2  }
0x162: {  	[tilespmem:s8], [sflag:$0x1] =	stream.indirect.gather @!p1 [hbm4b:s4+s1], $0x200, s5, s1, $0xb8;
	[tilespmem:$0x1F980] =	vst v63  }
0x163: {  	s29 =	sshrl.u32 s11, $0x1F;
	p1 =	por !p5, !p6  }
0x164: {  	s1 =	sadd.s32 s29, s11;
	s5 =	simm.s32 $0x1;
	p1 =	por !p1, !p1  }
0x165: {  	s1 =	sshra.s32 s1, $0x1;
	s5 =	simm.s32 @!p1 $0x0  }
0x166: {  	s1 =	ssub.s32 s1, s5  }
0x167: {  	p1 =	slt.s32 s1, $0x1  }
.Ltmp6:
0x168: {  	_ = 	snop;
	(pc) =	sbr.rel @p1 .LBB2_12-.Ltmp6, $1  }
0x169: {  	_ =	sdelay $0x3  }
0x16a: {  	s5 =	sadd.s32 $0xFFFFFFFF, s1  }
0x16b: {  	p1 =	sne.s32 s5, $0x0  }
.Ltmp7:
0x16c: {  	_ = 	snop;
	(pc) =	sbr.rel @!p1 .LBB2_8-.Ltmp7, $3  }
0x16d: {  	_ =	sdelay $0x1  }
0x16e: {  	s11 =	simm.s32 $0x2;
	s1 =	simm.s32 $0x30  }
0x16f: {  	v2 =	vmov s0;
	s0 =	simm.s32 $0x15050;
	s8 =	simm.s32 $0x1;
	p2 =	por $0x0, $0x0  }
0x170: {  	p2 =	sle.s32 s31, $0x1  }
0x171: {  	v3 =	vld @!p2 [tilespmem:s0+$0xFFFFFFD0]  }
0x172: {  	s8 =	simm.s32 @!p2 $0x20;
	v4 =	vlaneseq.u32 @!p2  }
0x173: {  	p1 =	por p2, p2;
	v5 =	vor.u32 @!p2 s8, v4  }
0x174: {  	v5 =	vsub.s32 @!p1 v5, v2  }
0x175: {  	v6 =	vshrl.u32 @!p1 v5, $0x1F;
	v5 =	vshra.s32 @!p1 v5, $0x1F  }
0x176: {  	v7 =	vxor.u32 @!p1 $0x1, v6;
	v8 =	vshrl.u32 @!p1 v3, $0xE;
	v3 =	vand.u32 @!p1 $0x3FFF, v3  }
0x177: {  	v7 =	vmul.u32 @!p1 $0xA00, v7;
	v3 =	vsub.s32 @!p1 v3, v1;
	v6 =	vmul.u32 @!p1 v6, v8  }
0x178: {  	v3 =	vand.u32 @!p1 v3, v5  }
0x179: {  	[tilespmem:$0x17800] =	vst @!p1 v6;
	v3 =	vadd.s32 @!p1 v7, v3  }
0x17a: {  	[tilespmem:$0x17900] =	vst @!p1 v3  }
0x17b: {  	v3 =	vld @!p1 [tilespmem:s0+$0xFFFFFFE0];
	_ =	sdelay $0x1  }
0x17c: {  	v4 =	vor.u32 @!p2 s1, v4  }
0x17d: {  	v4 =	vsub.s32 @!p1 v4, v2  }
0x17e: {  	v5 =	vshrl.u32 @!p1 v4, $0x1F;
	v4 =	vshra.s32 @!p1 v4, $0x1F  }
0x17f: {  	v6 =	vxor.u32 @!p1 $0x1, v5;
	v7 =	vshrl.u32 @!p1 v3, $0xE;
	v3 =	vand.u32 @!p1 $0x3FFF, v3  }
0x180: {  	v6 =	vmul.u32 @!p1 $0xA00, v6;
	v3 =	vsub.s32 @!p1 v3, v1;
	v5 =	vmul.u32 @!p1 v5, v7  }
0x181: {  	p3 =	sle.s32 s31, $0x0;
	v3 =	vand.u32 @!p1 v3, v4  }
0x182: {  	s11 =	simm.s32 @!p3 $0x1;
	[tilespmem:$0x17810] =	vst @!p1 v5;
	v3 =	vadd.s32 @!p1 v6, v3  }
0x183: {  	s1 =	simm.s32 @!p1 $0x1B980;
	s8 =	simm.s32 @!p1 $0x20;
	s10 =	simm.s32 @!p1 $0x17800;
	[tilespmem:$0x17910] =	vst @!p1 v3  }
0x184: {  	[tilespmem:s1], [sflag:$0x2] =	stream.indirect.gather @!p1 [hbm4b:s4+s8], $0x200, s10, s8, $0xb8;
	[tilespmem:$0x1F980] =	vst v63  }
0x185: {  	_ =	swait.ge @!p3 [sflag:s11], $0x4000  }
0x186: {  	s29 =	simm.s32 @!p3 $0x20;
	s7 =	simm.s32 @!p3 $0x17880;
	[sflag:s11] =	ssyncset.done @!p3 $0x0  }
0x187: {  	s10 =	simm.s32 @!p3 $0x17980;
	[sflag:s11] =	ssyncadd.s32 @!p3 $0xFFFFC000;
	s11 =	simm.s32 @!p3 $0x4  }
0x188: {  	[spmem:s2] =	stream.indirect.scatter.add.f32 @!p3 [tilespmem:s10], [sflag:$0x4], $0x200, s7, s29, $0xb8;
	[tilespmem:$0x1F980] =	vst v63  }
0x189: {  	_ =	swait.ge @!p3 [sflag:s11], $0x4000  }
0x18a: {  	[sflag:s11] =	ssyncset.done @!p3 $0x0  }
0x18b: {  	p2 =	sle.s32 s31, $0x2;
	[sflag:s11] =	ssyncadd.s32 @!p3 $0xFFFFC000  }
0x18c: {  	v3 =	vld @!p2 [tilespmem:s0+$0xFFFFFFF0]  }
0x18d: {  	v4 =	vlaneseq.u32 @!p2;
	s7 =	simm.s32 @!p2 $0x40  }
0x18e: {  	v5 =	vor.u32 @!p2 s7, v4  }
0x18f: {  	v5 =	vsub.s32 @!p2 v5, v2  }
0x190: {  	v6 =	vshrl.u32 @!p2 v5, $0x1F;
	v5 =	vshra.s32 @!p2 v5, $0x1F  }
0x191: {  	v7 =	vxor.u32 @!p2 $0x1, v6;
	v8 =	vshrl.u32 @!p2 v3, $0xE;
	v3 =	vand.u32 @!p2 $0x3FFF, v3  }
0x192: {  	v7 =	vmul.u32 @!p2 $0xA00, v7;
	v3 =	vsub.s32 @!p2 v3, v1;
	v6 =	vmul.u32 @!p2 v6, v8  }
0x193: {  	v3 =	vand.u32 @!p2 v3, v5  }
0x194: {  	[tilespmem:$0x17780] =	vst @!p2 v6;
	v3 =	vadd.s32 @!p2 v7, v3  }
0x195: {  	[tilespmem:$0x17880] =	vst @!p2 v3  }
0x196: {  	v3 =	vld @!p2 [tilespmem:s0+$0x0]  }
0x197: {  	s0 =	simm.s32 @!p2 $0x50  }
0x198: {  	v4 =	vor.u32 @!p2 s0, v4  }
0x199: {  	v4 =	vsub.s32 @!p2 v4, v2  }
0x19a: {  	v5 =	vshrl.u32 @!p2 v4, $0x1F;
	v4 =	vshra.s32 @!p2 v4, $0x1F  }
0x19b: {  	v6 =	vxor.u32 @!p2 $0x1, v5;
	v7 =	vshrl.u32 @!p2 v3, $0xE;
	v3 =	vand.u32 @!p2 $0x3FFF, v3  }
0x19c: {  	v6 =	vmul.u32 @!p2 $0xA00, v6;
	v3 =	vsub.s32 @!p2 v3, v1;
	v5 =	vmul.u32 @!p2 v5, v7  }
0x19d: {  	v3 =	vand.u32 @!p2 v3, v4  }
0x19e: {  	s10 =	simm.s32 @!p2 $0x17780;
	s29 =	sadd.s32 $0xFFFFFFFF, s5;
	[tilespmem:$0x17790] =	vst @!p2 v5;
	v3 =	vadd.s32 @!p2 v6, v3  }
0x19f: {  	s7 =	simm.s32 @!p2 $0x20;
	s11 =	simm.s32 @!p1 $0x2;
	s0 =	simm.s32 @!p2 $0x17980;
	[tilespmem:$0x17890] =	vst @!p2 v3  }
0x1a0: {  	[tilespmem:s0], [sflag:$0x1] =	stream.indirect.gather @!p2 [hbm4b:s4+s7], $0x200, s10, s7, $0xb8;
	[tilespmem:$0x1F980] =	vst v63  }
0x1a1: {  	p3 =	sne.s32 s29, $0x0;
	_ =	swait.ge @!p1 [sflag:s11], $0x4000  }
.Ltmp8:
0x1a2: {  	[sflag:s11] =	ssyncset.done @!p1 $0x0;
	(pc) =	sbr.rel @!p3 .LBB2_11-.Ltmp8, $4  }
0x1a3: {  	s0 =	simm.s32 @!p1 $0x17900;
	s10 =	simm.s32 @!p1 $0x3;
	[sflag:s11] =	ssyncadd.s32 @!p1 $0xFFFFC000  }
0x1a4: {  	[spmem:s2] =	stream.indirect.scatter.add.f32 @!p1 [tilespmem:s1], [sflag:$0x3], $0x200, s0, s8, $0xb8;
	[tilespmem:$0x1F980] =	vst v63  }
0x1a5: {  	p2 =	por $0x1, $0x1;
	s11 =	simm.s32 $0x4;
	s0 =	simm.s32 $0x15090  }
0x1a6: {  	s8 =	simm.s32 $0x3;
	s1 =	simm.s32 $0x70;
	_ =	swait.ge @!p1 [sflag:s10], $0x4000  }
.LBB2_10:
0x1a7: {  	s29 =	sadd.s32 $0xFFFFFFFF, s29;
	p4 =	sge.s32 s8, s31;
	[sflag:s10] =	ssyncset.done @!p1 $0x0  }
0x1a8: {  	p3 =	sne.s32 s29, $0x0;
	s5 =	sadd.s32 @!p4 $0xFFFFFFF0, s1;
	v3 =	vlaneseq.u32 @!p4;
	[sflag:s10] =	ssyncadd.s32 @!p1 $0xFFFFC000  }
0x1a9: {  	p1 =	por p4, p4;
	v4 =	vld @!p4 [tilespmem:s0+$0xFFFFFFD0];
	v5 =	vor.u32 @!p4 s5, v3;
	v3 =	vor.u32 @!p4 s1, v3  }
0x1aa: {  	v5 =	vsub.s32 @!p1 v5, v2;
	v3 =	vsub.s32 @!p1 v3, v2  }
0x1ab: {  	v6 =	vshrl.u32 @!p1 v5, $0x1F;
	v5 =	vshra.s32 @!p1 v5, $0x1F;
	v7 =	vshrl.u32 @!p1 v3, $0x1F  }
0x1ac: {  	v3 =	vshra.s32 @!p1 v3, $0x1F;
	v8 =	vxor.u32 @!p1 $0x1, v6;
	v9 =	vxor.u32 @!p1 $0x1, v7  }
0x1ad: {  	v8 =	vmul.u32 @!p1 $0xA00, v8  }
0x1ae: {  	v9 =	vmul.u32 @!p1 $0xA00, v9;
	v10 =	vshrl.u32 @!p1 v4, $0xE;
	v4 =	vand.u32 @!p1 $0x3FFF, v4  }
0x1af: {  	v4 =	vsub.s32 @!p1 v4, v1;
	v6 =	vmul.u32 @!p1 v6, v10  }
0x1b0: {  	v4 =	vand.u32 @!p1 v4, v5  }
0x1b1: {  	[tilespmem:$0x17800] =	vst @!p1 v6;
	v4 =	vadd.s32 @!p1 v8, v4  }
0x1b2: {  	[tilespmem:$0x17900] =	vst @!p1 v4  }
0x1b3: {  	v4 =	vld @!p1 [tilespmem:s0+$0xFFFFFFE0];
	_ =	sdelay $0x4  }
0x1b4: {  	v5 =	vshrl.u32 @!p1 v4, $0xE;
	v4 =	vand.u32 @!p1 $0x3FFF, v4  }
0x1b5: {  	v4 =	vsub.s32 @!p1 v4, v1;
	v5 =	vmul.u32 @!p1 v7, v5  }
0x1b6: {  	s7 =	sadd.s32 $0xFFFFFFFE, s11;
	s5 =	simm.s32 @!p1 $0x1B980;
	v3 =	vand.u32 @!p1 v4, v3  }
0x1b7: {  	p5 =	sge.s32 s7, s31;
	s8 =	simm.s32 @!p1 $0x20;
	s10 =	simm.s32 @!p1 $0x17800;
	[tilespmem:$0x17810] =	vst @!p1 v5;
	v3 =	vadd.s32 @!p1 v9, v3  }
0x1b8: {  	s7 =	simm.s32 @!p5 $0x1;
	[tilespmem:$0x17910] =	vst @!p1 v3  }
0x1b9: {  	[tilespmem:s5], [sflag:$0x2] =	stream.indirect.gather @!p1 [hbm4b:s4+s8], $0x200, s10, s8, $0xb8;
	[tilespmem:$0x1F980] =	vst v63  }
0x1ba: {  	s10 =	simm.s32 @!p5 $0x17980;
	_ =	swait.ge @!p5 [sflag:s7], $0x4000  }
0x1bb: {  	s12 =	simm.s32 @!p5 $0x20;
	s9 =	simm.s32 @!p5 $0x17880;
	[sflag:s7] =	ssyncset.done @!p5 $0x0  }
0x1bc: {  	[sflag:s7] =	ssyncadd.s32 @!p5 $0xFFFFC000;
	s7 =	simm.s32 @!p5 $0x4  }
0x1bd: {  	[spmem:s2] =	stream.indirect.scatter.add.f32 @!p5 [tilespmem:s10], [sflag:$0x4], $0x200, s9, s12, $0xb8;
	[tilespmem:$0x1F980] =	vst v63  }
0x1be: {  	_ =	swait.ge @!p5 [sflag:s7], $0x4000  }
0x1bf: {  	p4 =	sge.s32 s11, s31;
	[sflag:s7] =	ssyncset.done @!p5 $0x0  }
0x1c0: {  	v3 =	vlaneseq.u32 @!p4;
	s9 =	sadd.s32 @!p4 $0x20, s1;
	[sflag:s7] =	ssyncadd.s32 @!p5 $0xFFFFC000;
	s7 =	sadd.s32 @!p4 $0x10, s1  }
0x1c1: {  	v4 =	vld @!p4 [tilespmem:s0+$0xFFFFFFF0];
	v5 =	vor.u32 @!p4 s7, v3;
	v3 =	vor.u32 @!p4 s9, v3  }
0x1c2: {  	v5 =	vsub.s32 @!p4 v5, v2;
	v3 =	vsub.s32 @!p4 v3, v2  }
0x1c3: {  	v6 =	vshrl.u32 @!p4 v5, $0x1F;
	v5 =	vshra.s32 @!p4 v5, $0x1F;
	v7 =	vshrl.u32 @!p4 v3, $0x1F  }
0x1c4: {  	v3 =	vshra.s32 @!p4 v3, $0x1F;
	v8 =	vxor.u32 @!p4 $0x1, v6;
	v9 =	vxor.u32 @!p4 $0x1, v7  }
0x1c5: {  	v8 =	vmul.u32 @!p4 $0xA00, v8;
	v9 =	vmul.u32 @!p4 $0xA00, v9  }
0x1c6: {  	v10 =	vshrl.u32 @!p4 v4, $0xE;
	v4 =	vand.u32 @!p4 $0x3FFF, v4  }
0x1c7: {  	v4 =	vsub.s32 @!p4 v4, v1;
	v6 =	vmul.u32 @!p4 v6, v10  }
0x1c8: {  	v4 =	vand.u32 @!p4 v4, v5  }
0x1c9: {  	[tilespmem:$0x17780] =	vst @!p4 v6;
	v4 =	vadd.s32 @!p4 v8, v4  }
0x1ca: {  	[tilespmem:$0x17880] =	vst @!p4 v4  }
0x1cb: {  	v4 =	vld @!p4 [tilespmem:s0+$0x0];
	_ =	sdelay $0x4  }
0x1cc: {  	v5 =	vshrl.u32 @!p4 v4, $0xE;
	v4 =	vand.u32 @!p4 $0x3FFF, v4  }
0x1cd: {  	v4 =	vsub.s32 @!p4 v4, v1;
	v5 =	vmul.u32 @!p4 v7, v5  }
0x1ce: {  	s7 =	simm.s32 @!p4 $0x17980;
	v3 =	vand.u32 @!p4 v4, v3  }
0x1cf: {  	s10 =	simm.s32 @!p4 $0x17780;
	s12 =	simm.s32 @!p1 $0x2;
	s9 =	simm.s32 @!p4 $0x20;
	[tilespmem:$0x17790] =	vst @!p4 v5;
	v3 =	vadd.s32 @!p4 v9, v3  }
0x1d0: {  	[tilespmem:$0x17890] =	vst @!p4 v3  }
0x1d1: {  	[tilespmem:s7], [sflag:$0x1] =	stream.indirect.gather @!p4 [hbm4b:s4+s9], $0x200, s10, s9, $0xb8;
	[tilespmem:$0x1F980] =	vst v63  }
.Ltmp9:
0x1d2: {  	_ =	swait.ge @!p1 [sflag:s12], $0x4000;
	(pc) =	sbr.rel @p3 .LBB2_10-.Ltmp9, $4  }
0x1d3: {  	s7 =	simm.s32 @!p1 $0x17900;
	s10 =	simm.s32 @!p1 $0x3;
	[sflag:s12] =	ssyncset.done @!p1 $0x0  }
0x1d4: {  	s11 =	sadd.s32 $0x2, s11;
	s0 =	sadd.s32 $0x40, s0;
	[sflag:s12] =	ssyncadd.s32 @!p1 $0xFFFFC000  }
0x1d5: {  	[spmem:s2] =	stream.indirect.scatter.add.f32 @!p1 [tilespmem:s5], [sflag:$0x3], $0x200, s7, s8, $0xb8;
	[tilespmem:$0x1F980] =	vst v63  }
0x1d6: {  	s1 =	sadd.s32 $0x40, s1;
	s8 =	sadd.s32 $0xFFFFFFFF, s11;
	_ =	swait.ge @!p1 [sflag:s10], $0x4000  }
.Ltmp10:
0x1d7: {  	_ = 	snop;
	(pc) =	sbr.rel .LBB2_11-.Ltmp10, $1  }
0x1d8: {  	_ =	sdelay $0x3  }
.LBB2_14:
0x1d9: {  	_ =	sfence.sel $0x180000  }
0x1da: {  	[bflag:$0x0] =	sbarrier.arrive $0xFFFF  }
0x1db: {  	_ =	strace $0x9000004A  }
0x1dc: {  	s0 =	stileid.u32;
	[bflag:$0x2] =	sbarrier.arrive $0xFFFF  }
0x1dd: {  	p0 =	sne.s32 s0, $0x0;
	s0 =	rddreg [dreg:$0x2]  }
0x1de: {  	s0 =	sadd.s32 @!p0 $0x100000, s0  }
0x1df: {  	[sflag:s0] =	ssyncadd.tile.s32 @!p0 $0x1;
	_ =	shalt  }
.Lfunc_end2:
_tile_overlayer_lowered:
.L_overlay_start_2:
0x1e0: {  	(tag) =	ssettag $0x2  }
0x1e1: {  	s0 =	rddreg [dreg:$0x0];
	s2 =	stileid.u32  }
0x1e2: {  	s1 =	rddreg [dreg:$0x1];
	p0 =	sne.s32 s2, $0x0  }
0x1e3: {  	s3 =	rddreg [dreg:$0x2];
	[bflag:$0x3] =	sbarrier.arrive $0xFFFF;
	s2 =	simm.s32 @!p0 $0x1C03  }
0x1e4: {  	[timem:s3], [sflag:s2] =	dma.local @!p0 [hbm:s0], s1  }
0x1e5: {  	s0 =	simm.s32 @!p0 $0x3  }
0x1e6: {  	_ =	swait.ge @!p0 [sflag:s0], s1  }
0x1e7: {  	s1 =	ssub.s32 @!p0 $0x0, s1;
	[sflag:s0] =	ssyncset.done @!p0 $0x0  }
0x1e8: {  	[sflag:s0] =	ssyncadd.s32 @!p0 s1  }
0x1e9: {  	[bflag:$0x3] =	sbarrier.arrive $0xFFFF  }
0x1ea: {  	_ =	shalt  }

// kernel: kernel.9.cloned.1.call-start
scs
__scs_entry_jumppad:
0x0: {  	(pc) =	sbr.rel $0x88, $3  }
0x1: {  	(tag) =	ssettag $0x0;
	lr =	simm.s32 $0x1  }
0x2: {  	[smem:$0x3F8F] =	sst lr;
	_ =	strace $0xD0000000  }
0x3: {  	_ = 	snop  }
0x4: {  	_ = 	snop  }
0x5: {  	_ = 	snop  }
0x6: {  	_ = 	snop  }
0x7: {  	_ = 	snop  }
__scs_overlays_trampoline_lowered:
0x8: {  	[smem:$0x3F9E] =	sst s0  }
0x9: {  	[smem:$0x3F9F] =	sst s1  }
0xa: {  	[smem:$0x3FA0] =	sst s2  }
0xb: {  	[smem:$0x3FA1] =	sst s3  }
0xc: {  	[smem:$0x3FA2] =	sst s4  }
0xd: {  	[smem:$0x3FA3] =	sst s5  }
0xe: {  	[smem:$0x3FA4] =	sst s6  }
0xf: {  	[smem:$0x3FA5] =	sst s7  }
0x10: {  	[smem:$0x3FA6] =	sst s8  }
0x11: {  	[smem:$0x3FA7] =	sst s9;
	s0 =	simm.s32 @!p0 $0x0  }
0x12: {  	s1 =	sld [smem:$0x3F8D];
	s0 =	simm.s32 @p0 $0x1  }
0x13: {  	[smem:$0x3FA8] =	sst s0;
	s0 =	simm.s32 @!p1 $0x0  }
0x14: {  	s2 =	sld [smem:$0x3F8C];
	s0 =	simm.s32 @p1 $0x1  }
0x15: {  	[smem:$0x3FA9] =	sst s0;
	s0 =	simm.s32 @!p2 $0x0  }
0x16: {  	s3 =	sld [smem:$0x3FDB];
	s0 =	simm.s32 @p2 $0x1  }
0x17: {  	s4 =	simm.s32 $0x1BF5;
	[smem:$0x3FAB] =	sst s0  }
0x18: {  	s0 =	sld [smem:$0x3F8E];
	_ =	swait.ge [sflag:s4], $0x0  }
0x19: {  	s7 =	sld [smem:$0x3F8F]  }
0x1a: {  	s8 =	sadd.s32 $0xFFFFE003, lr  }
0x1b: {  	s9 =	sadd.s32 $0xFFFFFEF7, lr;
	s5 =	simm.s32 $0xFFFFFFFF;
	p2 =	slt.u32 s8, $0xFFFFF086  }
0x1c: {  	p1 =	slt.u32 s9, $0xF7A;
	s5 =	simm.s32 @!p2 $0x0  }
0x1d: {  	s5 =	simm.s32 @p1 $0x1;
	p0 =	seq.s32 s7, s2  }
0x1e: {  	s7 =	smul.u32 @!p0 $0xF7A, s2;
	p2 =	seq.s32 @!p0 s5, $0x0  }
0x1f: {  	s9 =	smul.u32 $0xF7A, s1;
	s8 =	simm.s32 @!p0 $0x1BF5;
	p2 =	por !p2, p0  }
0x20: {  	[sflag:s8] =	ssyncset.s32 @!p0 $0xFFFFF086;
	s6 =	sadd.s32 @!p0 s3, s7;
	s7 =	simm.s32 @!p0 $0x108  }
0x21: {  	s3 =	sadd.s32 s3, s9;
	s6 =	sadd.s32 @!p0 $0x88, s6;
	s7 =	simm.s32 @p2 $0x1082  }
0x22: {  	[simem:s7], [sflag:s8] =	dma.local @!p0 [hbm:s6], $0xF7A  }
0x23: {  	s9 =	sor.u32 $0xD0000000, s2;
	s6 =	simm.s32 $0x108;
	_ =	swait.ge @!p0 [sflag:s8], $0x0  }
0x24: {  	s3 =	sadd.s32 $0x88, s3;
	s6 =	simm.s32 @!p1 $0x1082;
	[sflag:s4] =	ssyncset.s32 $0xFFFFF086  }
0x25: {  	[simem:s6], [sflag:s4] =	dma.local [hbm:s3], $0xF7A  }
0x26: {  	[smem:$0x3F8F] =	sst s1;
	(tag) =	ssettag s2;
	_ =	strace s9  }
0x27: {  	s1 =	sld [smem:$0x3F9F]  }
0x28: {  	s2 =	sld [smem:$0x3FA0]  }
0x29: {  	s4 =	sld [smem:$0x3FA2]  }
0x2a: {  	p0 =	seq.s32 s5, $0x0;
	s5 =	sld [smem:$0x3FA3]  }
0x2b: {  	s6 =	sld [smem:$0x3FA4]  }
0x2c: {  	s7 =	sld [smem:$0x3FA5]  }
0x2d: {  	s3 =	simm.s32 $0x108;
	s8 =	sld [smem:$0x3FA6]  }
0x2e: {  	s3 =	simm.s32 @!p0 $0x1082;
	s9 =	sld [smem:$0x3FA7]  }
0x2f: {  	lr =	sadd.s32 s0, s3;
	s0 =	sld [smem:$0x3F9E]  }
0x30: {  	s3 =	sld [smem:$0x3FA1]  }
0x31: {  	[smem:$0x3FAA] =	sst s10  }
0x32: {  	s10 =	sld [smem:$0x3FA8];
	_ =	sdelay $0x3  }
0x33: {  	p0 =	seq.s32 s10, $0x1;
	s10 =	sld [smem:$0x3FAA];
	_ =	sdelay $0x3  }
0x34: {  	[smem:$0x3FAA] =	sst s10  }
0x35: {  	s10 =	sld [smem:$0x3FA9];
	_ =	sdelay $0x3  }
0x36: {  	p1 =	seq.s32 s10, $0x1;
	s10 =	sld [smem:$0x3FAA];
	_ =	sdelay $0x3  }
0x37: {  	[smem:$0x3FAA] =	sst s10  }
0x38: {  	s10 =	sld [smem:$0x3FAB]  }
0x39: {  	_ = 	snop;
	(pc) =	sbr.ind lr, $3  }
0x3a: {  	_ = 	snop  }
0x3b: {  	_ = 	snop  }
0x3c: {  	p2 =	seq.s32 s10, $0x1;
	s10 =	sld [smem:$0x3FAA]  }
0x3d: {  	_ =	shalt  }
0x3e: {  	_ =	shalt  }
0x3f: {  	_ =	shalt  }
0x40: {  	_ =	shalt  }
0x41: {  	_ =	shalt  }
0x42: {  	_ =	shalt  }
0x43: {  	_ =	shalt  }
0x44: {  	_ =	shalt  }
0x45: {  	_ =	shalt  }
0x46: {  	_ =	shalt  }
0x47: {  	_ =	shalt  }
0x48: {  	_ =	shalt  }
0x49: {  	_ =	shalt  }
0x4a: {  	_ =	shalt  }
0x4b: {  	_ =	shalt  }
0x4c: {  	_ =	shalt  }
0x4d: {  	_ =	shalt  }
0x4e: {  	_ =	shalt  }
0x4f: {  	_ =	shalt  }
0x50: {  	_ =	shalt  }
0x51: {  	_ =	shalt  }
0x52: {  	_ =	shalt  }
0x53: {  	_ =	shalt  }
0x54: {  	_ =	shalt  }
0x55: {  	_ =	shalt  }
0x56: {  	_ =	shalt  }
0x57: {  	_ =	shalt  }
0x58: {  	_ =	shalt  }
0x59: {  	_ =	shalt  }
0x5a: {  	_ =	shalt  }
0x5b: {  	_ =	shalt  }
0x5c: {  	_ =	shalt  }
0x5d: {  	_ =	shalt  }
0x5e: {  	_ =	shalt  }
0x5f: {  	_ =	shalt  }
0x60: {  	_ =	shalt  }
0x61: {  	_ =	shalt  }
0x62: {  	_ =	shalt  }
0x63: {  	_ =	shalt  }
0x64: {  	_ =	shalt  }
0x65: {  	_ =	shalt  }
0x66: {  	_ =	shalt  }
0x67: {  	_ =	shalt  }
0x68: {  	_ =	shalt  }
0x69: {  	_ =	shalt  }
0x6a: {  	_ =	shalt  }
0x6b: {  	_ =	shalt  }
0x6c: {  	_ =	shalt  }
0x6d: {  	_ =	shalt  }
0x6e: {  	_ =	shalt  }
0x6f: {  	_ =	shalt  }
0x70: {  	_ =	shalt  }
0x71: {  	_ =	shalt  }
0x72: {  	_ =	shalt  }
0x73: {  	_ =	shalt  }
0x74: {  	_ =	shalt  }
0x75: {  	_ =	shalt  }
0x76: {  	_ =	shalt  }
0x77: {  	_ =	shalt  }
0x78: {  	_ =	shalt  }
0x79: {  	_ =	shalt  }
0x7a: {  	_ =	shalt  }
0x7b: {  	_ =	shalt  }
0x7c: {  	_ =	shalt  }
0x7d: {  	_ =	shalt  }
0x7e: {  	_ =	shalt  }
0x7f: {  	_ =	shalt  }
0x80: {  	_ =	shalt  }
0x81: {  	_ =	shalt  }
0x82: {  	_ =	shalt  }
0x83: {  	_ =	shalt  }
0x84: {  	_ =	shalt  }
0x85: {  	_ =	shalt  }
0x86: {  	_ =	shalt  }
0x87: {  	_ =	shalt  }
.Lfunc_end0:
.L_simem_size_0:
called_computation_lowered:
.L_overlay_start_0:
0x88: {  	s2 =	sld [smem:$0x3FD9]  }
0x89: {  	s3 =	sld [smem:$0x3FFE];
	_ =	sdelay $0x1  }
0x8a: {  	s1 =	srdreg.scid  }
0x8b: {  	s0 =	sand.u32 $0x1, s1  }
0x8c: {  	s17 =	sshll.u32 s0, $0xA;
	s2 =	sadd.s32 s3, s2  }
0x8d: {  	s2 =	sadd.s32 s2, s17  }
0x8e: {  	[smem:$0x3FB6] =	sst s2  }
0x8f: {  	_ = 	snop  }
0x90: {  	s2 =	sld [smem:$0x3FD0];
	(tm) =	ssettm $0x1  }
0x91: {  	s18 =	sld [smem:$0x3FFB];
	_ =	sdelay $0x3  }
0x92: {  	_ =	strace s18  }
0x93: {  	s3 =	sld [smem:$0x3FFC];
	_ =	sdelay $0x3  }
0x94: {  	_ =	strace s3  }
0x95: {  	s3 =	sld [smem:$0x3FFD];
	_ =	sdelay $0x3  }
0x96: {  	_ =	strace s3  }
0x97: {  	_ =	strace $0x8FFFFFFF  }
0x98: {  	s19 =	sld [smem:$0x3FDB];
	_ =	sdelay $0x1  }
0x99: {  	s4 =	simm.s32 $_scs_section_size  }
0x9a: {  	s5 =	simm.s32 $_size__tile_overlayer_lowered;
	s6 =	simm.s32 $_tile_overlayer_lowered  }
0x9b: {  	s22 =	simm.s32 $0x1BFF;
	s21 =	sshll.u32 s6, $0x1;
	s3 =	sadd.s32 s4, s19  }
0x9c: {  	s7 =	simm.s32 $0x0;
	s20 =	sshll.u32 s5, $0x1;
	s5 =	sadd.s32 s21, s3  }
0x9d: {  	[timem:s7], [sflag:s22] =	dma.local [hbm:s5], s20  }
0x9e: {  	_ =	swait.ge [sflag:s22], s20  }
0x9f: {  	s4 =	ssub.s32 $0x0, s20;
	[sflag:s22] =	ssyncset.done $0x0  }
0xa0: {  	[sflag:s22] =	ssyncadd.s32 s4;
	_ =	sdelay $0x1  }
0xa1: {  	s23 =	simm.s32 $0x1B8B  }
0xa2: {  	_ =	swait.ge [sflag:s23], $0x1  }
0xa3: {  	[sflag:s23] =	ssyncset.done $0x0  }
0xa4: {  	s25 =	simm.s32 $0x1B8E;
	s24 =	sld [smem:$0x3FFE];
	[sflag:s23] =	ssyncadd.s32 $0xFFFFFFFF  }
0xa5: {  	s26 =	simm.s32 $execute0_lowered;
	[smem:$0x3FD2] =	sst s25  }
0xa6: {  	s5 =	sshll.u32 s26, $0x1;
	_ =	strace $0x80000046;
	[dreg:$0x1] =	wrdreg $0xFFFFFFFF  }
0xa7: {  	s28 =	simm.s32 $_size_execute0_lowered;
	s3 =	sadd.s32 s3, s5;
	[dreg:$0x0] =	wrdreg $0x0  }
0xa8: {  	s5 =	sshll.u32 s28, $0x1;
	[dreg:$0x2] =	wrdreg s3  }
0xa9: {  	[dreg:$0x3] =	wrdreg s5  }
0xaa: {  	[dreg:$0x4] =	wrdreg $0xC0  }
0xab: {  	_ =	task [dreg:s7], $0x5FFFF  }
0xac: {  	[dreg:$0x1] =	wrdreg $0xFFFFFFFF  }
0xad: {  	[dreg:$0x0] =	wrdreg $0x60  }
0xae: {  	[dreg:$0x2] =	wrdreg s2  }
0xaf: {  	[dreg:$0x3] =	wrdreg s24  }
0xb0: {  	[dreg:$0x4] =	wrdreg $0x0  }
0xb1: {  	[dreg:$0x5] =	wrdreg $0x9  }
0xb2: {  	_ =	task.clear_ibuf [dreg:s7], $0x6FFFF;
	_ =	strace $0x90000046  }
0xb3: {  	s29 =	simm.s32 $0x9;
	_ =	strace $0x80000048  }
0xb4: {  	_ =	swait.ge [sflag:s29], $0x1  }
0xb5: {  	[sflag:s29] =	ssyncadd.s32 $0xFFFFFFFF  }
0xb6: {  	_ =	strace $0x90000048  }
0xb7: {  	_ =	sfence  }
0xb8: {  	s30 =	sld [smem:$0x0];
	_ =	sdelay $0x2  }
0xb9: {  	s31 =	sshll.u32 s1, $0xD;
	s1 =	sshrl.u32 s1, $0x2  }
0xba: {  	s3 =	sand.u32 $0x4000, s31;
	s1 =	sadd.s32 s1, s30  }
0xbb: {  	s0 =	sor.u32 s3, s0;
	s1 =	sshll.u32 s1, $0x11  }
0xbc: {  	s0 =	sor.u32 s1, s0  }
0xbd: {  	s0 =	sadd.s32 $0x8F2B, s0  }
0xbe: {  	[sflag:s0] =	ssyncadd.remote.s32 $0x1  }
0xbf: {  	_ =	sfence.sel $0xFFFF  }
0xc0: {  	[dreg:$0x0] =	wrdreg $0xFFFFFFFF;
	(pc) =	sbr.abs _section_cstart, $3  }
0xc1: {  	[dreg:$0x1] =	wrdreg $0xFFFFFFFF  }
0xc2: {  	_ =	task.clear_ibuf [dreg:s7], $0x2FFFF;
	_ =	strace $0x9FFFFFFF  }
0xc3: {  	(tm) =	ssettm $0x7FFFFFFF  }
tec
execute0_lowered:
.L_overlay_start_1:
0x0: {  	(tag) =	ssettag $0x1  }
0x1: {  	s1 =	rddreg [dreg:$0x0]  }
0x2: {  	s0 =	rddreg [dreg:$0x1]  }
0x3: {  	s3 =	rddreg [dreg:$0x2]  }
0x4: {  	s4 =	simm.s32 $0x0;
	s10 =	stileid.u32;
	s5 =	srdreg.scid  }
0x5: {  	s28 =	simm.s32 $0x16F80;
	s29 =	simm.s32 $0x17000;
	s2 =	smul.u32 $0x4F0, s10  }
0x6: {  	s30 =	simm.s32 $0x1B180;
	s31 =	simm.s32 $0x0;
	s6 =	smul.u32 $0x52000, s10  }
0x7: {  	[smem:$0x7FF] =	sst s4;
	s5 =	sand.u32 $0x1, s5;
	s9 =	smul.u32 $0x50000, s10  }
0x8: {  	s11 =	smul.u32 $0x140, s10;
	_ =	strace $0x80000047;
	s7 =	ssub.s32 $0x2, s5  }
0x9: {  	s2 =	sadd.s32 s2, s0;
	s0 =	sadd.s32 $0x8E00, s0;
	s8 =	sshrl.u32 s7, $0x1  }
0xa: {  	s6 =	sshrl.u32 s6, $0x2;
	s9 =	sshrl.u32 s9, $0x2;
	s17 =	sadd.s32 $0x40, s11  }
0xb: {  	s7 =	ssub.s32 s7, s8;
	s8 =	smul.u32 $0x1400, s5;
	s2 =	sadd.s32 $0x3E00, s2  }
0xc: {  	s5 =	sadd.s32 s6, s3;
	s12 =	sadd.s32 s9, s3;
	[dreg:$0x5] =	wrdreg s2  }
0xd: {  	s19 =	sadd.s32 $0x80, s11;
	s6 =	sadd.s32 $0x14000, s5;
	[dreg:$0x6] =	wrdreg s12  }
0xe: {  	s22 =	sadd.s32 $0xC0, s11;
	s13 =	smax.u32 s7, $0x1;
	[dreg:$0x4] =	wrdreg s6  }
0xf: {  	s21 =	sshll.u32 s19, $0x8;
	s14 =	sadd.s32 $0x4000, s5;
	[dreg:$0x7] =	wrdreg s13  }
0x10: {  	s23 =	sshll.u32 s22, $0x8;
	s15 =	sadd.s32 $0x8000, s5;
	[dreg:$0x8] =	wrdreg s14  }
0x11: {  	s12 =	sadd.s32 $0xC000, s5;
	s7 =	sshll.u32 s17, $0x8;
	[dreg:$0x9] =	wrdreg s15  }
0x12: {  	s16 =	sadd.s32 s8, s11;
	s13 =	sadd.s32 $0x10000, s5;
	s18 =	sadd.s32 s8, s17  }
0x13: {  	s15 =	sadd.s32 s7, s3;
	s20 =	sadd.s32 s8, s19;
	s17 =	sadd.s32 s21, s3  }
0x14: {  	s19 =	sadd.s32 s23, s3;
	s24 =	sadd.s32 s8, s22;
	s6 =	sadd.s32 $0x100, s11  }
0x15: {  	s23 =	simm.s32 $0x17180;
	s2 =	sshll.u32 s16, $0x5;
	s25 =	sshll.u32 s6, $0x8  }
.Ltmp0:
0x16: {  	s6 =	sadd.s32 s8, s6;
	s14 =	sadd.s32 s0, s2;
	(pc) =	sbr.rel .LBB2_1-.Ltmp0, $4  }
0x17: {  	s2 =	sshll.u32 s18, $0x5;
	s21 =	sadd.s32 s25, s3;
	s26 =	sshll.u32 s6, $0x5  }
0x18: {  	v2 =	vlaneseq.u32;
	s25 =	simm.s32 $0x14800;
	s16 =	sadd.s32 s0, s2;
	s2 =	sshll.u32 s20, $0x5  }
0x19: {  	v1 =	vimm.f32 $0.0e+00;
	v3 =	vor.u32 $0x10, v2;
	s22 =	sadd.s32 s0, s26;
	s18 =	sadd.s32 s0, s2;
	s2 =	sshll.u32 s24, $0x5  }
0x1a: {  	v4 =	vor.u32 $0x20, v2;
	v5 =	vor.u32 $0x30, v2;
	v0 =	vmov s8;
	s26 =	simm.s32 $0x40;
	s24 =	simm.s32 $0x3;
	s20 =	sadd.s32 s0, s2  }
.LBB2_12:
0x1b: {  	[bflag:$0x0] =	sbarrier.arrive $0xFFFF  }
0x1c: {  	s0 =	rddreg [dreg:$0x6]  }
0x1d: {  	[tilespmem:s23], [sflag:$0x3] =	stream.linear.gather [spmem:s0], $0x4000, $0x38;
	[tilespmem:$0x1F180] =	vst v63  }
0x1e: {  	_ =	swait.ge [sflag:s24], $0x4000  }
0x1f: {  	[sflag:s24] =	ssyncset.done $0x0  }
0x20: {  	[sflag:s24] =	ssyncadd.s32 $0xFFFFC000  }
0x21: {  	[hbm4b:s14+s4] =	stream.linear.scatter [tilespmem:s23], [sflag:$0x3], $0x4000, $0x38;
	[tilespmem:$0x1F180] =	vst v63  }
0x22: {  	_ =	swait.ge [sflag:s24], $0x4000  }
0x23: {  	[sflag:s24] =	ssyncset.done $0x0  }
0x24: {  	[sflag:s24] =	ssyncadd.s32 $0xFFFFC000  }
0x25: {  	[tilespmem:s23], [sflag:$0x3] =	stream.linear.gather [spmem:s15], $0x4000, $0x38;
	[tilespmem:$0x1F180] =	vst v63  }
0x26: {  	_ =	swait.ge [sflag:s24], $0x4000  }
0x27: {  	[sflag:s24] =	ssyncset.done $0x0  }
0x28: {  	[sflag:s24] =	ssyncadd.s32 $0xFFFFC000  }
0x29: {  	[hbm4b:s16+s4] =	stream.linear.scatter [tilespmem:s23], [sflag:$0x3], $0x4000, $0x38;
	[tilespmem:$0x1F180] =	vst v63  }
0x2a: {  	_ =	swait.ge [sflag:s24], $0x4000  }
0x2b: {  	[sflag:s24] =	ssyncset.done $0x0  }
0x2c: {  	[sflag:s24] =	ssyncadd.s32 $0xFFFFC000  }
0x2d: {  	[tilespmem:s23], [sflag:$0x3] =	stream.linear.gather [spmem:s17], $0x4000, $0x38;
	[tilespmem:$0x1F180] =	vst v63  }
0x2e: {  	_ =	swait.ge [sflag:s24], $0x4000  }
0x2f: {  	[sflag:s24] =	ssyncset.done $0x0  }
0x30: {  	[sflag:s24] =	ssyncadd.s32 $0xFFFFC000  }
0x31: {  	[hbm4b:s18+s4] =	stream.linear.scatter [tilespmem:s23], [sflag:$0x3], $0x4000, $0x38;
	[tilespmem:$0x1F180] =	vst v63  }
0x32: {  	_ =	swait.ge [sflag:s24], $0x4000  }
0x33: {  	[sflag:s24] =	ssyncset.done $0x0  }
0x34: {  	[sflag:s24] =	ssyncadd.s32 $0xFFFFC000  }
0x35: {  	[tilespmem:s23], [sflag:$0x3] =	stream.linear.gather [spmem:s19], $0x4000, $0x38;
	[tilespmem:$0x1F180] =	vst v63  }
0x36: {  	_ =	swait.ge [sflag:s24], $0x4000  }
0x37: {  	[sflag:s24] =	ssyncset.done $0x0  }
0x38: {  	[sflag:s24] =	ssyncadd.s32 $0xFFFFC000  }
0x39: {  	[hbm4b:s20+s4] =	stream.linear.scatter [tilespmem:s23], [sflag:$0x3], $0x4000, $0x38;
	[tilespmem:$0x1F180] =	vst v63  }
0x3a: {  	_ =	swait.ge [sflag:s24], $0x4000  }
0x3b: {  	[sflag:s24] =	ssyncset.done $0x0  }
0x3c: {  	[sflag:s24] =	ssyncadd.s32 $0xFFFFC000  }
0x3d: {  	[tilespmem:s23], [sflag:$0x3] =	stream.linear.gather [spmem:s21], $0x4000, $0x38;
	[tilespmem:$0x1F180] =	vst v63  }
0x3e: {  	_ =	swait.ge [sflag:s24], $0x4000  }
0x3f: {  	[sflag:s24] =	ssyncset.done $0x0  }
0x40: {  	[sflag:s24] =	ssyncadd.s32 $0xFFFFC000  }
0x41: {  	[hbm4b:s22+s4] =	stream.linear.scatter [tilespmem:s23], [sflag:$0x3], $0x4000, $0x38;
	[tilespmem:$0x1F180] =	vst v63  }
0x42: {  	_ =	swait.ge [sflag:s24], $0x4000  }
0x43: {  	s31 =	sadd.s32 $0x1, s31;
	s11 =	rddreg [dreg:$0x7]  }
0x44: {  	p0 =	sne.s32 s31, s11  }
.Ltmp1:
0x45: {  	_ = 	snop;
	(pc) =	sbr.rel @!p0 .LBB2_13-.Ltmp1, $3  }
0x46: {  	_ =	sdelay $0x1  }
0x47: {  	[sflag:s24] =	ssyncset.done $0x0  }
0x48: {  	[sflag:s24] =	ssyncadd.s32 $0xFFFFC000  }
.LBB2_1:
0x49: {  	[bflag:$0x0] =	sbarrier.arrive $0xFFFF;
	s0 =	simm.s32 $0x0;
	s2 =	simm.s32 $0x400  }
.LBB2_2:
0x4a: {  	p0 =	seq.s32 s2, $0xFC00;
	[tilespmem:s0+$0x17270] =	vst v1  }
0x4b: {  	[tilespmem:s0+$0x17180] =	vst v1  }
0x4c: {  	[tilespmem:s0+$0x17190] =	vst v1  }
0x4d: {  	[tilespmem:s0+$0x171A0] =	vst v1  }
0x4e: {  	[tilespmem:s0+$0x171B0] =	vst v1  }
0x4f: {  	[tilespmem:s0+$0x171C0] =	vst v1  }
0x50: {  	[tilespmem:s0+$0x171D0] =	vst v1  }
0x51: {  	[tilespmem:s0+$0x171E0] =	vst v1  }
0x52: {  	[tilespmem:s0+$0x171F0] =	vst v1  }
0x53: {  	[tilespmem:s0+$0x17200] =	vst v1  }
0x54: {  	[tilespmem:s0+$0x17210] =	vst v1  }
.Ltmp2:
0x55: {  	[tilespmem:s0+$0x17220] =	vst v1;
	(pc) =	sbr.rel @!p0 .LBB2_2-.Ltmp2, $4  }
0x56: {  	[tilespmem:s0+$0x17230] =	vst v1  }
0x57: {  	[tilespmem:s0+$0x17240] =	vst v1  }
0x58: {  	[tilespmem:s0+$0x17250] =	vst v1  }
0x59: {  	[tilespmem:s0+$0x17260] =	vst v1;
	s0 =	sshra.s32 s2, $0x2;
	s2 =	sadd.s32 $0x400, s2  }
0x5a: {  	[tilespmem:s0+$0x17270] =	vst v1  }
0x5b: {  	[tilespmem:s0+$0x17180] =	vst v1  }
0x5c: {  	[tilespmem:s0+$0x17190] =	vst v1  }
0x5d: {  	[tilespmem:s0+$0x171A0] =	vst v1  }
0x5e: {  	[tilespmem:s0+$0x171B0] =	vst v1  }
0x5f: {  	[tilespmem:s0+$0x171C0] =	vst v1  }
0x60: {  	[tilespmem:s0+$0x171D0] =	vst v1  }
0x61: {  	[tilespmem:s0+$0x171E0] =	vst v1  }
0x62: {  	[tilespmem:s0+$0x171F0] =	vst v1  }
0x63: {  	[tilespmem:s0+$0x17200] =	vst v1  }
0x64: {  	[tilespmem:s0+$0x17210] =	vst v1  }
0x65: {  	[tilespmem:s0+$0x17220] =	vst v1  }
0x66: {  	[tilespmem:s0+$0x17230] =	vst v1  }
0x67: {  	[tilespmem:s0+$0x17240] =	vst v1  }
0x68: {  	[tilespmem:s0+$0x17250] =	vst v1  }
0x69: {  	[tilespmem:s0+$0x17260] =	vst v1  }
0x6a: {  	[spmem:s5] =	stream.linear.scatter [tilespmem:s23], [sflag:$0x3], $0x4000, $0x38;
	[tilespmem:$0x1F180] =	vst v63  }
0x6b: {  	_ =	swait.ge [sflag:s24], $0x4000  }
0x6c: {  	[sflag:s24] =	ssyncset.done $0x0  }
0x6d: {  	s8 =	rddreg [dreg:$0x8];
	[sflag:s24] =	ssyncadd.s32 $0xFFFFC000  }
0x6e: {  	[spmem:s8] =	stream.linear.scatter [tilespmem:s23], [sflag:$0x3], $0x4000, $0x38;
	[tilespmem:$0x1F180] =	vst v63  }
0x6f: {  	_ =	swait.ge [sflag:s24], $0x4000  }
0x70: {  	[sflag:s24] =	ssyncset.done $0x0  }
0x71: {  	s9 =	rddreg [dreg:$0x9];
	[sflag:s24] =	ssyncadd.s32 $0xFFFFC000  }
0x72: {  	[spmem:s9] =	stream.linear.scatter [tilespmem:s23], [sflag:$0x3], $0x4000, $0x38;
	[tilespmem:$0x1F180] =	vst v63  }
0x73: {  	_ =	swait.ge [sflag:s24], $0x4000  }
0x74: {  	[sflag:s24] =	ssyncset.done $0x0  }
0x75: {  	[sflag:s24] =	ssyncadd.s32 $0xFFFFC000  }
0x76: {  	[spmem:s12] =	stream.linear.scatter [tilespmem:s23], [sflag:$0x3], $0x4000, $0x38;
	[tilespmem:$0x1F180] =	vst v63  }
0x77: {  	_ =	swait.ge [sflag:s24], $0x4000  }
0x78: {  	[sflag:s24] =	ssyncset.done $0x0  }
0x79: {  	[sflag:s24] =	ssyncadd.s32 $0xFFFFC000  }
0x7a: {  	[spmem:s13] =	stream.linear.scatter [tilespmem:s23], [sflag:$0x3], $0x4000, $0x38;
	[tilespmem:$0x1F180] =	vst v63  }
0x7b: {  	_ =	swait.ge [sflag:s24], $0x4000  }
0x7c: {  	[sflag:s24] =	ssyncset.done $0x0  }
0x7d: {  	s10 =	rddreg [dreg:$0x4];
	[sflag:s24] =	ssyncadd.s32 $0xFFFFC000  }
0x7e: {  	[spmem:s10] =	stream.linear.scatter [tilespmem:s23], [sflag:$0x3], $0x800, $0x38;
	[tilespmem:$0x1F180] =	vst v63  }
0x7f: {  	_ =	swait.ge [sflag:s24], $0x800  }
0x80: {  	[sflag:s24] =	ssyncset.done $0x0  }
0x81: {  	s7 =	simm.s32 $0x0;
	s11 =	rddreg [dreg:$0x5];
	[sflag:s24] =	ssyncadd.s32 $0xFFFFF800  }
0x82: {  	[tilespmem:s25], [sflag:$0x3] =	stream.linear.gather [hbm4b:s11+s7], $0x2780, $0x38;
	[tilespmem:$0x1F180] =	vst v63  }
0x83: {  	_ =	swait.ge [sflag:s24], $0x2780  }
0x84: {  	[sflag:s24] =	ssyncset.done $0x0  }
0x85: {  	s2 =	simm.s32 $0x14840;
	[sflag:s24] =	ssyncadd.s32 $0xFFFFD880  }
0x86: {  	v6 =	vld [tilespmem:s2+$0xFFFFFFF0]  }
0x87: {  	v8 =	vld [tilespmem:s2+$0xFFFFFFD0]  }
0x88: {  	v13 =	vld [tilespmem:s2+$0xFFFFFFC0]  }
0x89: {  	v9 =	vld [tilespmem:s2+$0xFFFFFFE0];
	_ =	sdelay $0x1  }
0x8a: {  	v7 =	vmov s7  }
0x8b: {  	v20 =	vadd.s32 $0xFFFFFFFF, v7;
	v7 =	vld [tilespmem:s2+$0x0]  }
0x8c: {  	v10 =	vand.u32 $0x3FFF, v8;
	v11 =	vand.u32 $0x3FFF, v6;
	v12 =	vand.u32 $0x3FFF, v13  }
0x8d: {  	v19 =	vand.u32 $0x3FFF, v9;
	v11 =	vsub.s32 v11, v0;
	v12 =	vsub.s32 v12, v0  }
0x8e: {  	v10 =	vsub.s32 v10, v0;
	v15 =	vadd.s32 $0xFFFFEC00, v11;
	v17 =	vadd.s32 $0xFFFFEC00, v12  }
0x8f: {  	v14 =	vadd.s32 $0xFFFFEC00, v10;
	v16 =	vandn.u32 v15, v11;
	v23 =	vandn.u32 v17, v12  }
0x90: {  	v18 =	vandn.u32 v14, v10;
	v10 =	vsub.s32 v19, v0;
	v15 =	vand.u32 $0x3FFF, v7  }
0x91: {  	v11 =	vshrl.u32 v23, $0x1F;
	v17 =	vshrl.u32 v18, $0x1F;
	v12 =	vadd.s32 $0xFFFFEC00, v10  }
0x92: {  	v25 =	vshrl.u32 v16, $0x1F;
	v14 =	vandn.u32 v12, v10;
	v12 =	vsub.s32 v15, v0;
	v10 =	vld [tilespmem:s2+$0x10];
	(xrf0) =	vadd.scan.msk.s32 $0xffff, v11  }
0x93: {  	s6 =	simm.s32 $0xF;
	v15 =	vxor.u32 $0x1, v11;
	v11 =	vld [tilespmem:s2+$0x20];
	v19 =	vshrl.u32 v14, $0x1F;
	v21 =	vadd.s32 $0xFFFFEC00, v12;
	(xrf0) =	vadd.scan.msk.s32 $0xffff, v17  }
0x94: {  	v24 =	vmul.u32 s6, v15;
	v17 =	vxor.u32 $0x1, v17;
	v21 =	vandn.u32 v21, v12;
	(xrf0) =	vadd.scan.msk.s32 $0xffff, v19  }
0x95: {  	s0 =	simm.s32 $0x7F;
	s6 =	simm.s32 $0xFF;
	v15 =	vxor.u32 $0x1, v19;
	v12 =	vld [tilespmem:s2+$0x30];
	v19 =	vxor.u32 $0x1, v25;
	v22 =	vshrl.u32 v21, $0x1F  }
.LBB2_4:
0x96: {  	p0 =	sne.s32 s6, $0x277F  }
0x97: {  	v26 =	vand.u32 $0x3FFF, v10;
	s2 =	sadd.s32 $0x80, s2;
	s8 =	smov.u32 s6;
	s6 =	sadd.s32 $0x80, s6  }
0x98: {  	v20 =	vbroadcast v20, $0x0;
	v26 =	vsub.s32 v26, v0;
	v27 =	vand.u32 $0x3FFF, v11;
	v28, _, _ =	vpop (xrf0)  }
0x99: {  	v29 =	vadd.s32 $0xFFFFEC00, v26;
	v27 =	vsub.s32 v27, v0;
	v30, _, _ =	vpop (xrf0);
	(v2sf) =	vpush v28, $0xF  }
0x9a: {  	v26 =	vandn.u32 v29, v26;
	v29 =	vadd.s32 $0xFFFFEC00, v27;
	v31, _, _ =	vpop (xrf0);
	(xrf0) =	vadd.scan.msk.s32 $0xffff, v25;
	(v2sf) =	vpush v30, $0xF  }
0x9b: {  	v25 =	vshrl.u32 v26, $0x1F;
	v27 =	vandn.u32 v29, v27;
	(xrf0) =	vadd.scan.msk.s32 $0xffff, v22;
	(v2sf) =	vpush v31, $0xF  }
0x9c: {  	v23 =	vshra.s32 v23, $0x1F;
	v20 =	vadd.s32 v28, v20;
	v29 =	vshrl.u32 v27, $0x1F;
	(xrf0) =	vadd.scan.msk.s32 $0xffff, v25  }
0x9d: {  	v28 =	vand.u32 $0x3FFF, v12;
	v20 =	vand.u32 v20, v23;
	v23 =	vxor.u32 $0x1, v25;
	(xrf0) =	vadd.scan.msk.s32 $0xffff, v29  }
0x9e: {  	v20 =	vadd.s32 v24, v20;
	v25 =	vsub.s32 v28, v0;
	v24 =	vxor.u32 $0x1, v29  }
0x9f: {  	v29 =	vadd.s32 $0xFFFFEC00, v25  }
0xa0: {  	v25 =	vandn.u32 v29, v25;
	v28, _, _ =	vpop (xrf0)  }
0xa1: {  	v29 =	vshrl.u32 v25, $0x1F;
	v32, _, _ =	vpop (xrf0);
	(v2sf) =	vpush v28, $0xF  }
0xa2: {  	v33 =	vxor.u32 $0x1, v29;
	v34, _, _ =	vpop (xrf0);
	(v2sf) =	vpush v32, $0xF  }
0xa3: {  	[tilespmem:v20+s25+$0x0] =	vst.idx.msk $0xffff, v13;
	v13, _, _ =	vpop (xrf0);
	(v2sf) =	vpush v34, $0xF  }
0xa4: {  	(v2sf) =	vpush v13, $0xF;
	_ =	sdelay $0x2  }
0xa5: {  	v20 =	vshra.s32 v21, $0x1F  }
0xa6: {  	v18 =	vshra.s32 v18, $0x1F;
	v16 =	vshra.s32 v16, $0x1F;
	s9 =	sadd.s32 $0xFFFFFFD0, s0;
	v21 =	vxor.u32 $0x1, v22;
	s10 =	spop (v2sf)  }
0xa7: {  	v22 =	vshra.s32 v26, $0x1F;
	v26 =	vshra.s32 v27, $0x1F;
	v21 =	vmul.u32 s9, v21;
	s7 =	sadd.s32 s7, s10;
	s10 =	sadd.s32 $0xFFFFFFC0, s0;
	s9 =	spop (v2sf)  }
0xa8: {  	v25 =	vshra.s32 v25, $0x1F;
	v27 =	vmov s7;
	s7 =	sadd.s32 s9, s7;
	v19 =	vmul.u32 s10, v19;
	(xrf0) =	vadd.scan.msk.s32 $0xffff, v29;
	s9 =	spop (v2sf)  }
0xa9: {  	v14 =	vshra.s32 v14, $0x1F;
	v27 =	vadd.s32 $0xFFFFFFFF, v27;
	v29 =	vmov s7;
	s7 =	sadd.s32 s9, s7  }
0xaa: {  	s9 =	sadd.s32 $0xFFFFFFA0, s0;
	v27 =	vbroadcast v27, $0x0;
	v29 =	vadd.s32 $0xFFFFFFFF, v29;
	v35 =	vmov s7  }
0xab: {  	v17 =	vmul.u32 s9, v17;
	s9 =	sadd.s32 $0xFFFFFFF0, s0;
	v29 =	vbroadcast v29, $0x0;
	v35 =	vadd.s32 $0xFFFFFFFF, v35  }
0xac: {  	s10 =	sadd.s32 $0xFFFFFFB0, s0;
	v24 =	vmul.u32 s9, v24;
	v36 =	vadd.s32 v30, v27;
	v30 =	vbroadcast v35, $0x0  }
0xad: {  	v15 =	vmul.u32 s10, v15;
	v18 =	vand.u32 v36, v18;
	v29 =	vadd.s32 v31, v29  }
0xae: {  	v17 =	vadd.s32 v17, v18;
	v14 =	vand.u32 v29, v14;
	v18 =	vadd.s32 v28, v30;
	v27, _, _ =	vpop (xrf0);
	s9 =	spop (v2sf)  }
0xaf: {  	s10 =	sadd.s32 $0xFFFFFFE0, s0;
	v14 =	vadd.s32 v15, v14;
	v15 =	vand.u32 v18, v16;
	s7 =	sadd.s32 s9, s7;
	s11 =	spop (v2sf);
	(v2sf) =	vpush v27, $0xF  }
0xb0: {  	s9 =	sadd.s32 $0xFFFFFF90, s8;
	v18 =	vmul.u32 s10, v23;
	v15 =	vadd.s32 v19, v15;
	v16 =	vmov s7;
	s7 =	sadd.s32 s11, s7;
	s10 =	spop (v2sf)  }
0xb1: {  	v23 =	vmul.u32 s0, v33;
	s0 =	smov.u32 s8;
	v16 =	vadd.s32 $0xFFFFFFFF, v16;
	v19 =	vmov s7;
	s7 =	sadd.s32 s10, s7;
	s10 =	spop (v2sf)  }
0xb2: {  	v16 =	vbroadcast v16, $0x0;
	v19 =	vadd.s32 $0xFFFFFFFF, v19;
	v28 =	vmov s7;
	s7 =	sadd.s32 s10, s7  }
0xb3: {  	[tilespmem:v17+s25+$0x0] =	vst.idx.msk $0xffff, v8;
	v8 =	vbroadcast v19, $0x0;
	v17 =	vadd.s32 $0xFFFFFFFF, v28;
	v19 =	vmov s7  }
0xb4: {  	[tilespmem:v14+s25+$0x0] =	vst.idx.msk $0xffff, v9;
	v9 =	vadd.s32 v32, v16;
	v14 =	vbroadcast v17, $0x0;
	v16 =	vadd.s32 $0xFFFFFFFF, v19  }
0xb5: {  	[tilespmem:v15+s25+$0x0] =	vst.idx.msk $0xffff, v6;
	v6 =	vand.u32 v9, v20;
	v8 =	vadd.s32 v34, v8;
	v9 =	vbroadcast v16, $0x0  }
0xb6: {  	v6 =	vadd.s32 v21, v6;
	v8 =	vand.u32 v8, v22;
	v13 =	vadd.s32 v13, v14  }
0xb7: {  	v8 =	vadd.s32 v18, v8;
	v13 =	vand.u32 v13, v26;
	v9 =	vadd.s32 v27, v9  }
0xb8: {  	v13 =	vadd.s32 v24, v13;
	v9 =	vand.u32 v9, v25  }
0xb9: {  	v9 =	vadd.s32 v23, v9;
	_ =	sdelay $0x1  }
0xba: {  	[tilespmem:v6+s25+$0x0] =	vst.idx.msk $0xffff, v7  }
0xbb: {  	[tilespmem:v8+s25+$0x0] =	vst.idx.msk $0xffff, v10  }
0xbc: {  	[tilespmem:v13+s25+$0x0] =	vst.idx.msk $0xffff, v11  }
0xbd: {  	[tilespmem:v9+s25+$0x0] =	vst.idx.msk $0xffff, v12;
	s8 =	spop (v2sf)  }
0xbe: {  	v6 =	vld [tilespmem:s2+$0xFFFFFFF0];
	s7 =	sadd.s32 s8, s7  }
0xbf: {  	v8 =	vld [tilespmem:s2+$0xFFFFFFD0];
	v7 =	vmov s7  }
0xc0: {  	v13 =	vld [tilespmem:s2+$0xFFFFFFC0];
	v20 =	vadd.s32 $0xFFFFFFFF, v7;
	_ =	sdelay $0x1  }
0xc1: {  	v9 =	vld [tilespmem:s2+$0xFFFFFFE0];
	_ =	sdelay $0x1  }
0xc2: {  	v11 =	vand.u32 $0x3FFF, v6;
	v10 =	vand.u32 $0x3FFF, v8;
	v7 =	vld [tilespmem:s2+$0x0]  }
0xc3: {  	v11 =	vsub.s32 v11, v0;
	v12 =	vand.u32 $0x3FFF, v13;
	v10 =	vsub.s32 v10, v0  }
0xc4: {  	v15 =	vadd.s32 $0xFFFFEC00, v11;
	v12 =	vsub.s32 v12, v0;
	v14 =	vadd.s32 $0xFFFFEC00, v10  }
0xc5: {  	v16 =	vandn.u32 v15, v11;
	v17 =	vadd.s32 $0xFFFFEC00, v12;
	v19 =	vand.u32 $0x3FFF, v9  }
0xc6: {  	v18 =	vandn.u32 v14, v10;
	v23 =	vandn.u32 v17, v12;
	v10 =	vsub.s32 v19, v0  }
0xc7: {  	v17 =	vshrl.u32 v18, $0x1F;
	v12 =	vshrl.u32 v23, $0x1F;
	v11 =	vadd.s32 $0xFFFFEC00, v10  }
.Ltmp3:
0xc8: {  	v25 =	vshrl.u32 v16, $0x1F;
	v14 =	vandn.u32 v11, v10;
	v11 =	vand.u32 $0x3FFF, v7;
	v10 =	vld [tilespmem:s2+$0x10];
	(xrf0) =	vadd.scan.msk.s32 $0xffff, v12;
	(pc) =	sbr.rel @p0 .LBB2_4-.Ltmp3, $4  }
0xc9: {  	v15 =	vxor.u32 $0x1, v12;
	v19 =	vshrl.u32 v14, $0x1F;
	v21 =	vsub.s32 v11, v0;
	v11 =	vld [tilespmem:s2+$0x20];
	(xrf0) =	vadd.scan.msk.s32 $0xffff, v17  }
0xca: {  	v24 =	vmul.u32 s9, v15;
	v22 =	vadd.s32 $0xFFFFEC00, v21;
	v12 =	vld [tilespmem:s2+$0x30];
	v15 =	vxor.u32 $0x1, v19;
	(xrf0) =	vadd.scan.msk.s32 $0xffff, v19  }
0xcb: {  	v17 =	vxor.u32 $0x1, v17;
	v19 =	vxor.u32 $0x1, v25;
	v21 =	vandn.u32 v22, v21  }
0xcc: {  	v22 =	vshrl.u32 v21, $0x1F  }
0xcd: {  	_ = 	snop  }
0xce: {  	v26, _, _ =	vpop (xrf0)  }
0xcf: {  	(v2sf) =	vpush v26, $0xF;
	_ =	sdelay $0x2  }
0xd0: {  	v28 =	vand.u32 $0x3FFF, v10  }
0xd1: {  	v28 =	vsub.s32 v28, v0;
	v29 =	vand.u32 $0x3FFF, v11  }
0xd2: {  	v27, _, _ =	vpop (xrf0);
	v30 =	vadd.s32 $0xFFFFEC00, v28;
	v29 =	vsub.s32 v29, v0  }
0xd3: {  	(xrf0) =	vadd.scan.msk.s32 $0xffff, v25;
	(v2sf) =	vpush v27, $0xF;
	v28 =	vandn.u32 v30, v28;
	v61 =	vadd.s32 $0xFFFFEC00, v29  }
0xd4: {  	v31, _, _ =	vpop (xrf0);
	(xrf0) =	vadd.scan.msk.s32 $0xffff, v22;
	v62 =	vshrl.u32 v28, $0x1F;
	v29 =	vandn.u32 v61, v29  }
0xd5: {  	(v2sf) =	vpush v31, $0xF;
	v30 =	vshrl.u32 v29, $0x1F;
	(xrf0) =	vadd.scan.msk.s32 $0xffff, v62  }
0xd6: {  	v32 =	vand.u32 $0x3FFF, v12;
	(xrf0) =	vadd.scan.msk.s32 $0xffff, v30  }
0xd7: {  	v32 =	vsub.s32 v32, v0  }
0xd8: {  	v33 =	vadd.s32 $0xFFFFEC00, v32  }
0xd9: {  	v32 =	vandn.u32 v33, v32;
	v63, _, _ =	vpop (xrf0)  }
0xda: {  	v34 =	vshrl.u32 v32, $0x1F;
	(v2sf) =	vpush v63, $0xF;
	v35, _, _ =	vpop (xrf0)  }
0xdb: {  	(xrf0) =	vadd.scan.msk.s32 $0xffff, v34;
	(v2sf) =	vpush v35, $0xF;
	v36, _, _ =	vpop (xrf0)  }
0xdc: {  	v37, _, _ =	vpop (xrf0);
	s2 =	spop (v2sf);
	(v2sf) =	vpush v36, $0xF  }
0xdd: {  	(v2sf) =	vpush v37, $0xF  }
0xde: {  	v20 =	vbroadcast v20, $0x0;
	v23 =	vshra.s32 v23, $0x1F;
	v18 =	vshra.s32 v18, $0x1F  }
0xdf: {  	v21 =	vshra.s32 v21, $0x1F;
	v16 =	vshra.s32 v16, $0x1F;
	v46 =	vxor.u32 $0x1, v22;
	s9 =	sadd.s32 $0xFFFFFFC0, s0  }
0xe0: {  	s10 =	sadd.s32 $0xFFFFFFA0, s0;
	s11 =	sadd.s32 $0xFFFFFFB0, s0;
	v14 =	vshra.s32 v14, $0x1F;
	v19 =	vmul.u32 s9, v19;
	v20 =	vadd.s32 v26, v20  }
0xe1: {  	s8 =	sadd.s32 $0xFFFFFFD0, s0;
	v17 =	vmul.u32 s10, v17;
	v15 =	vmul.u32 s11, v15;
	v20 =	vand.u32 v20, v23;
	v40, _, _ =	vpop (xrf0)  }
0xe2: {  	v22 =	vmul.u32 s8, v46;
	v20 =	vadd.s32 v24, v20;
	s6 =	spop (v2sf);
	(v2sf) =	vpush v40, $0xF  }
0xe3: {  	v28 =	vshra.s32 v28, $0x1F;
	v42 =	vxor.u32 $0x1, v62;
	v29 =	vshra.s32 v29, $0x1F;
	s2 =	sadd.s32 s7, s2  }
0xe4: {  	s10 =	sadd.s32 $0xFFFFFFE0, s0;
	v44 =	vxor.u32 $0x1, v30;
	v48 =	vshra.s32 v32, $0x1F;
	v38 =	vmov s2;
	s2 =	sadd.s32 s6, s2;
	s7 =	spop (v2sf)  }
0xe5: {  	v52 =	vmul.u32 s10, v42;
	v38 =	vadd.s32 $0xFFFFFFFF, v38;
	v41 =	vmov s2;
	s2 =	sadd.s32 s7, s2  }
0xe6: {  	v39 =	vbroadcast v38, $0x0;
	v43 =	vadd.s32 $0xFFFFFFFF, v41;
	v47 =	vmov s2  }
0xe7: {  	s8 =	sadd.s32 $0xFFFFFFF0, s0;
	v45 =	vxor.u32 $0x1, v34;
	v25 =	vbroadcast v43, $0x0;
	v30 =	vadd.s32 $0xFFFFFFFF, v47  }
0xe8: {  	v26 =	vmul.u32 s8, v44;
	v23 =	vadd.s32 v27, v39;
	v30 =	vbroadcast v30, $0x0  }
0xe9: {  	v54 =	vmul.u32 s0, v45;
	s9 =	spop (v2sf);
	v18 =	vand.u32 v23, v18;
	v25 =	vadd.s32 v31, v25  }
0xea: {  	s2 =	sadd.s32 s9, s2;
	v14 =	vand.u32 v25, v14;
	v49 =	vadd.s32 v63, v30;
	v17 =	vadd.s32 v17, v18;
	s11 =	spop (v2sf)  }
0xeb: {  	v51 =	vmov s2;
	v14 =	vadd.s32 v15, v14;
	v50 =	vand.u32 v49, v16;
	s2 =	sadd.s32 s11, s2;
	s7 =	spop (v2sf)  }
0xec: {  	v16 =	vadd.s32 $0xFFFFFFFF, v51;
	v15 =	vadd.s32 v19, v50;
	v53 =	vmov s2;
	s2 =	sadd.s32 s7, s2;
	s8 =	spop (v2sf)  }
0xed: {  	v16 =	vbroadcast v16, $0x0;
	v19 =	vadd.s32 $0xFFFFFFFF, v53;
	v55 =	vmov s2;
	s0 =	sadd.s32 s8, s2  }
0xee: {  	v19 =	vbroadcast v19, $0x0;
	v25 =	vadd.s32 $0xFFFFFFFF, v55;
	v56 =	vmov s0  }
0xef: {  	v16 =	vadd.s32 v35, v16;
	v25 =	vbroadcast v25, $0x0;
	v27 =	vadd.s32 $0xFFFFFFFF, v56  }
0xf0: {  	[tilespmem:v20+s25+$0x0] =	vst.idx.msk $0xffff, v13;
	v57 =	vand.u32 v16, v21;
	v58 =	vadd.s32 v36, v19;
	v59 =	vbroadcast v27, $0x0  }
0xf1: {  	v13 =	vadd.s32 v22, v57;
	v16 =	vand.u32 v58, v28;
	s9 =	spop (v2sf);
	v60 =	vadd.s32 v37, v25  }
0xf2: {  	v16 =	vadd.s32 v52, v16;
	s2 =	sadd.s32 s9, s0;
	v61 =	vand.u32 v60, v29;
	v19 =	vadd.s32 v40, v59  }
0xf3: {  	[tilespmem:v17+s25+$0x0] =	vst.idx.msk $0xffff, v8;
	s0 =	sadd.s32 $0x3F, s2;
	v8 =	vadd.s32 v26, v61;
	v62 =	vand.u32 v19, v48  }
0xf4: {  	[tilespmem:v14+s25+$0x0] =	vst.idx.msk $0xffff, v9;
	s10 =	sand.u32 $0x3F, s0;
	v63 =	vadd.s32 v54, v62  }
0xf5: {  	[tilespmem:v15+s25+$0x0] =	vst.idx.msk $0xffff, v6;
	s11 =	sshra.s32 s0, $0x1F;
	p0 =	slt.s32 s0, $0x1;
	p1 =	sne.s32 s10, $0x0  }
0xf6: {  	[tilespmem:v13+s25+$0x0] =	vst.idx.msk $0xffff, v7;
	s8 =	sshrl.u32 s11, $0x1A;
	p0 =	por !p0, !p1  }
0xf7: {  	s6 =	simm.s32 $0x1;
	[tilespmem:v16+s25+$0x0] =	vst.idx.msk $0xffff, v10;
	s0 =	sadd.s32 s8, s0;
	p0 =	por !p0, !p0  }
0xf8: {  	s0 =	sshra.s32 s0, $0x6;
	s6 =	simm.s32 @!p0 $0x0;
	[tilespmem:v8+s25+$0x0] =	vst.idx.msk $0xffff, v11  }
0xf9: {  	s0 =	ssub.s32 s0, s6;
	[tilespmem:v63+s25+$0x0] =	vst.idx.msk $0xffff, v12  }
0xfa: {  	p0 =	slt.s32 s0, $0x1;
	[bflag:$0x0] =	sbarrier.arrive $0xFFFF  }
0xfb: {  	v7 =	vld @!p0 [tilespmem:$0x14800];
	_ =	sdelay $0x1  }
0xfc: {  	v6 =	vmov s2  }
0xfd: {  	v8 =	vsub.s32 @!p0 v2, v6;
	v9 =	vld @!p0 [tilespmem:$0x14810]  }
0xfe: {  	v13 =	vsub.s32 @!p0 v3, v6;
	v10 =	vshrl.u32 @!p0 v8, $0x1F  }
0xff: {  	v8 =	vshra.s32 @!p0 v8, $0x1F;
	v12 =	vxor.u32 @!p0 $0x1, v10;
	v11 =	vand.u32 @!p0 $0x3FFF, v7  }
0x100: {  	v12 =	vmul.u32 @!p0 $0x1400, v12;
	v7 =	vshrl.u32 @!p0 v7, $0xE;
	v11 =	vsub.s32 @!p0 v11, v0  }
0x101: {  	v7 =	vmul.u32 @!p0 v10, v7;
	v10 =	vshrl.u32 @!p0 v13, $0x1F;
	v8 =	vand.u32 @!p0 v11, v8;
	v11 =	vld @!p0 [tilespmem:$0x14820]  }
0x102: {  	v14 =	vxor.u32 @!p0 $0x1, v10;
	v8 =	vadd.s32 @!p0 v12, v8;
	v12 =	vand.u32 @!p0 $0x3FFF, v9  }
0x103: {  	v13 =	vshra.s32 @!p0 v13, $0x1F;
	v14 =	vmul.u32 @!p0 $0x1400, v14;
	v12 =	vsub.s32 @!p0 v12, v0  }
0x104: {  	v15 =	vld @!p0 [tilespmem:$0x14830];
	v9 =	vshrl.u32 @!p0 v9, $0xE;
	v12 =	vand.u32 @!p0 v12, v13;
	v13 =	vsub.s32 @!p0 v4, v6  }
0x105: {  	v9 =	vmul.u32 @!p0 v10, v9;
	v10 =	vadd.s32 @!p0 v14, v12;
	v12 =	vshrl.u32 @!p0 v13, $0x1F  }
0x106: {  	[tilespmem:$0x16F80] =	vst @!p0 v7;
	v14 =	vshrl.u32 @!p0 v11, $0xE;
	v11 =	vand.u32 @!p0 $0x3FFF, v11;
	v16 =	vxor.u32 @!p0 $0x1, v12  }
0x107: {  	[tilespmem:$0x17080] =	vst @!p0 v8;
	v7 =	vsub.s32 @!p0 v11, v0;
	v11 =	vshra.s32 @!p0 v13, $0x1F;
	v13 =	vmul.u32 @!p0 $0x1400, v16  }
0x108: {  	v8 =	vmul.u32 @!p0 v12, v14;
	v7 =	vand.u32 @!p0 v7, v11;
	v11 =	vsub.s32 @!p0 v5, v6  }
0x109: {  	[tilespmem:$0x16F90] =	vst @!p0 v9;
	v12 =	vshrl.u32 @!p0 v15, $0xE;
	v7 =	vadd.s32 @!p0 v13, v7;
	v9 =	vshrl.u32 @!p0 v11, $0x1F  }
0x10a: {  	[tilespmem:$0x17090] =	vst @!p0 v10;
	v10 =	vand.u32 @!p0 $0x3FFF, v15;
	v12 =	vmul.u32 @!p0 v9, v12;
	v9 =	vxor.u32 @!p0 $0x1, v9  }
0x10b: {  	[tilespmem:$0x16FA0] =	vst @!p0 v8;
	v8 =	vsub.s32 @!p0 v10, v0;
	v10 =	vshra.s32 @!p0 v11, $0x1F;
	v9 =	vmul.u32 @!p0 $0x1400, v9  }
0x10c: {  	s9 =	sadd.s32 $0x1, s0;
	[tilespmem:$0x170A0] =	vst @!p0 v7;
	v7 =	vand.u32 @!p0 v8, v10  }
0x10d: {  	s10 =	sand.u32 $0x1, s9;
	[tilespmem:$0x16FB0] =	vst @!p0 v12;
	v7 =	vadd.s32 @!p0 v9, v7  }
0x10e: {  	p5 =	slt.s32 s0, $0x0;
	p6 =	seq.s32 s10, $0x1;
	[tilespmem:$0x170B0] =	vst @!p0 v7  }
0x10f: {  	[tilespmem:s23], [sflag:$0x1] =	stream.indirect.gather @!p0 [hbm4b:s1+s26], $0x100, s28, s26, $0xb8;
	[tilespmem:$0x1F180] =	vst v63  }
0x110: {  	s11 =	sshrl.u32 s9, $0x1F;
	p0 =	por !p5, !p6  }
0x111: {  	s6 =	simm.s32 $0x1;
	s2 =	sadd.s32 s11, s9;
	p0 =	por !p0, !p0  }
0x112: {  	s2 =	sshra.s32 s2, $0x1;
	s6 =	simm.s32 @!p0 $0x0  }
0x113: {  	s2 =	ssub.s32 s2, s6  }
0x114: {  	p0 =	slt.s32 s2, $0x1  }
.Ltmp4:
0x115: {  	_ = 	snop;
	(pc) =	sbr.rel @p0 .LBB2_12-.Ltmp4, $1  }
0x116: {  	_ =	sdelay $0x3  }
.Ltmp5:
0x117: {  	(pc) =	sbr.rel .LBB2_7-.Ltmp5, $2  }
0x118: {  	_ =	sdelay $0x2  }
0x119: {  	s6 =	simm.s32 $0x60;
	s7 =	simm.s32 $0x2;
	s8 =	simm.s32 $0x148B0  }
.LBB2_11:
0x11a: {  	s9 =	simm.s32 @!p0 $0x2  }
0x11b: {  	_ =	swait.ge @!p0 [sflag:s9], $0x4000  }
0x11c: {  	s10 =	simm.s32 @!p0 $0x17100;
	[sflag:s9] =	ssyncset.done @!p0 $0x0  }
0x11d: {  	s11 =	simm.s32 @!p0 $0x1B180;
	[sflag:s9] =	ssyncadd.s32 @!p0 $0xFFFFC000;
	s9 =	simm.s32 @!p0 $0x40  }
0x11e: {  	[spmem:s3] =	stream.indirect.scatter.add.f32 @!p0 [tilespmem:s11], [sflag:$0x3], $0x100, s10, s9, $0xb8;
	[tilespmem:$0x1F180] =	vst v63  }
0x11f: {  	s9 =	simm.s32 @!p0 $0x3  }
0x120: {  	_ =	swait.ge @!p0 [sflag:s9], $0x4000  }
0x121: {  	s2 =	sadd.s32 $0xFFFFFFFF, s2;
	[sflag:s9] =	ssyncset.done @!p0 $0x0  }
0x122: {  	[sflag:s9] =	ssyncadd.s32 @!p0 $0xFFFFC000;
	p0 =	sne.s32 s2, $0x0  }
.Ltmp6:
0x123: {  	_ = 	snop;
	(pc) =	sbr.rel @!p0 .LBB2_12-.Ltmp6, $2  }
0x124: {  	_ =	sdelay $0x2  }
0x125: {  	s6 =	sadd.s32 $0x80, s6;
	s7 =	sadd.s32 $0x2, s7;
	s8 =	sadd.s32 $0x80, s8  }
.LBB2_7:
0x126: {  	s9 =	sadd.s32 $0xFFFFFFFF, s7  }
0x127: {  	p0 =	sge.s32 s9, s0  }
.Ltmp7:
0x128: {  	_ = 	snop;
	(pc) =	sbr.rel @p0 .LBB2_9-.Ltmp7, $1  }
0x129: {  	_ =	sdelay $0x3  }
0x12a: {  	v7 =	vld [tilespmem:s8+$0xFFFFFF90];
	_ =	sdelay $0x1  }
0x12b: {  	s9 =	sadd.s32 $0xFFFFFFE0, s6  }
0x12c: {  	v8 =	vor.u32 s9, v2  }
0x12d: {  	v8 =	vsub.s32 v8, v6  }
0x12e: {  	v9 =	vshrl.u32 v8, $0x1F;
	v10 =	vshrl.u32 v7, $0xE  }
0x12f: {  	v7 =	vand.u32 $0x3FFF, v7;
	v10 =	vmul.u32 v9, v10;
	v9 =	vxor.u32 $0x1, v9  }
0x130: {  	v8 =	vshra.s32 v8, $0x1F;
	v7 =	vsub.s32 v7, v0;
	v9 =	vmul.u32 $0x1400, v9  }
0x131: {  	v7 =	vand.u32 v7, v8  }
0x132: {  	[tilespmem:$0x17000] =	vst v10;
	v7 =	vadd.s32 v9, v7  }
0x133: {  	s10 =	sor.u32 $0x50, s9;
	[tilespmem:$0x17100] =	vst v7  }
0x134: {  	v7 =	vld [tilespmem:s10+$0x14800]  }
0x135: {  	s11 =	sadd.s32 $0xFFFFFFF0, s6  }
0x136: {  	v8 =	vor.u32 s11, v2  }
0x137: {  	v8 =	vsub.s32 v8, v6  }
0x138: {  	v58 =	vshrl.u32 v8, $0x1F;
	v8 =	vshra.s32 v8, $0x1F  }
0x139: {  	v9 =	vxor.u32 $0x1, v58;
	v59 =	vshrl.u32 v7, $0xE;
	v7 =	vand.u32 $0x3FFF, v7  }
0x13a: {  	v9 =	vmul.u32 $0x1400, v9;
	v10 =	vmul.u32 v58, v59;
	v7 =	vsub.s32 v7, v0  }
0x13b: {  	v7 =	vand.u32 v7, v8  }
0x13c: {  	[tilespmem:$0x17010] =	vst v10;
	v7 =	vadd.s32 v9, v7  }
0x13d: {  	s11 =	sor.u32 $0x60, s9;
	[tilespmem:$0x17110] =	vst v7  }
0x13e: {  	v7 =	vld [tilespmem:s11+$0x14800];
	_ =	sdelay $0x1  }
0x13f: {  	v8 =	vor.u32 s6, v2  }
0x140: {  	v8 =	vsub.s32 v8, v6  }
0x141: {  	v60 =	vshrl.u32 v8, $0x1F;
	v8 =	vshra.s32 v8, $0x1F  }
0x142: {  	v9 =	vxor.u32 $0x1, v60;
	v61 =	vshrl.u32 v7, $0xE;
	v7 =	vand.u32 $0x3FFF, v7  }
0x143: {  	v9 =	vmul.u32 $0x1400, v9;
	v10 =	vmul.u32 v60, v61;
	v7 =	vsub.s32 v7, v0  }
0x144: {  	v7 =	vand.u32 v7, v8  }
0x145: {  	[tilespmem:$0x17020] =	vst v10;
	v7 =	vadd.s32 v9, v7  }
0x146: {  	s9 =	sor.u32 $0x70, s9;
	[tilespmem:$0x17120] =	vst v7  }
0x147: {  	v7 =	vld [tilespmem:s9+$0x14800]  }
0x148: {  	s11 =	sadd.s32 $0x10, s6  }
0x149: {  	v8 =	vor.u32 s11, v2  }
0x14a: {  	v8 =	vsub.s32 v8, v6  }
0x14b: {  	v62 =	vshrl.u32 v8, $0x1F;
	v8 =	vshra.s32 v8, $0x1F  }
0x14c: {  	v9 =	vxor.u32 $0x1, v62;
	v63 =	vshrl.u32 v7, $0xE;
	v7 =	vand.u32 $0x3FFF, v7  }
0x14d: {  	v9 =	vmul.u32 $0x1400, v9;
	v10 =	vmul.u32 v62, v63;
	v7 =	vsub.s32 v7, v0  }
0x14e: {  	v7 =	vand.u32 v7, v8  }
0x14f: {  	[tilespmem:$0x17030] =	vst v10;
	v7 =	vadd.s32 v9, v7  }
0x150: {  	[tilespmem:$0x17130] =	vst v7  }
0x151: {  	[tilespmem:s30], [sflag:$0x2] =	stream.indirect.gather [hbm4b:s1+s26], $0x100, s29, s26, $0xb8;
	[tilespmem:$0x1F180] =	vst v63  }
.LBB2_9:
0x152: {  	s9 =	sadd.s32 $0xFFFFFFFE, s7  }
0x153: {  	p1 =	sge.s32 s9, s0  }
0x154: {  	s9 =	simm.s32 @!p1 $0x1  }
0x155: {  	_ =	swait.ge @!p1 [sflag:s9], $0x4000  }
0x156: {  	p2 =	sge.s32 s7, s0;
	s10 =	simm.s32 @!p1 $0x17080;
	[sflag:s9] =	ssyncset.done @!p1 $0x0  }
0x157: {  	s11 =	simm.s32 @!p1 $0x17180;
	[sflag:s9] =	ssyncadd.s32 @!p1 $0xFFFFC000;
	s9 =	simm.s32 @!p1 $0x40  }
0x158: {  	[spmem:s3] =	stream.indirect.scatter.add.f32 @!p1 [tilespmem:s11], [sflag:$0x4], $0x100, s10, s9, $0xb8;
	[tilespmem:$0x1F180] =	vst v63  }
.Ltmp8:
0x159: {  	_ = 	snop;
	(pc) =	sbr.rel @p2 .LBB2_11-.Ltmp8, $4  }
0x15a: {  	s9 =	simm.s32 @!p1 $0x4  }
0x15b: {  	_ =	swait.ge @!p1 [sflag:s9], $0x4000  }
0x15c: {  	[sflag:s9] =	ssyncset.done @!p1 $0x0  }
0x15d: {  	[sflag:s9] =	ssyncadd.s32 @!p1 $0xFFFFC000  }
0x15e: {  	v7 =	vld [tilespmem:s8+$0xFFFFFFD0];
	_ =	sdelay $0x1  }
0x15f: {  	s9 =	sadd.s32 $0x20, s6  }
0x160: {  	v8 =	vor.u32 s9, v2  }
0x161: {  	v8 =	vsub.s32 v8, v6  }
0x162: {  	v9 =	vshrl.u32 v8, $0x1F;
	v10 =	vshrl.u32 v7, $0xE  }
0x163: {  	v7 =	vand.u32 $0x3FFF, v7;
	v10 =	vmul.u32 v9, v10;
	v9 =	vxor.u32 $0x1, v9  }
0x164: {  	v8 =	vshra.s32 v8, $0x1F;
	v7 =	vsub.s32 v7, v0;
	v9 =	vmul.u32 $0x1400, v9  }
0x165: {  	v7 =	vand.u32 v7, v8  }
0x166: {  	[tilespmem:$0x16F80] =	vst v10;
	v7 =	vadd.s32 v9, v7  }
0x167: {  	[tilespmem:$0x17080] =	vst v7  }
0x168: {  	v7 =	vld [tilespmem:s8+$0xFFFFFFE0]  }
0x169: {  	s11 =	sadd.s32 $0x30, s6  }
0x16a: {  	v8 =	vor.u32 s11, v2  }
0x16b: {  	v8 =	vsub.s32 v8, v6  }
0x16c: {  	v58 =	vshrl.u32 v8, $0x1F;
	v8 =	vshra.s32 v8, $0x1F  }
0x16d: {  	v9 =	vxor.u32 $0x1, v58;
	v59 =	vshrl.u32 v7, $0xE;
	v7 =	vand.u32 $0x3FFF, v7  }
0x16e: {  	v9 =	vmul.u32 $0x1400, v9;
	v10 =	vmul.u32 v58, v59;
	v7 =	vsub.s32 v7, v0  }
0x16f: {  	v7 =	vand.u32 v7, v8  }
0x170: {  	[tilespmem:$0x16F90] =	vst v10;
	v7 =	vadd.s32 v9, v7  }
0x171: {  	[tilespmem:$0x17090] =	vst v7  }
0x172: {  	v7 =	vld [tilespmem:s8+$0xFFFFFFF0]  }
0x173: {  	s10 =	sadd.s32 $0x40, s6  }
0x174: {  	v8 =	vor.u32 s10, v2  }
0x175: {  	v8 =	vsub.s32 v8, v6  }
0x176: {  	v60 =	vshrl.u32 v8, $0x1F;
	v8 =	vshra.s32 v8, $0x1F  }
0x177: {  	v9 =	vxor.u32 $0x1, v60;
	v61 =	vshrl.u32 v7, $0xE;
	v7 =	vand.u32 $0x3FFF, v7  }
0x178: {  	v9 =	vmul.u32 $0x1400, v9;
	v10 =	vmul.u32 v60, v61;
	v7 =	vsub.s32 v7, v0  }
0x179: {  	v7 =	vand.u32 v7, v8  }
0x17a: {  	[tilespmem:$0x16FA0] =	vst v10;
	v7 =	vadd.s32 v9, v7  }
0x17b: {  	[tilespmem:$0x170A0] =	vst v7  }
0x17c: {  	v7 =	vld [tilespmem:s8+$0x0]  }
0x17d: {  	s11 =	sadd.s32 $0x50, s6  }
0x17e: {  	v8 =	vor.u32 s11, v2  }
0x17f: {  	v8 =	vsub.s32 v8, v6  }
0x180: {  	v62 =	vshrl.u32 v8, $0x1F;
	v8 =	vshra.s32 v8, $0x1F  }
0x181: {  	v9 =	vxor.u32 $0x1, v62;
	v63 =	vshrl.u32 v7, $0xE;
	v7 =	vand.u32 $0x3FFF, v7  }
.Ltmp9:
0x182: {  	v9 =	vmul.u32 $0x1400, v9;
	v10 =	vmul.u32 v62, v63;
	v7 =	vsub.s32 v7, v0;
	(pc) =	sbr.rel .LBB2_11-.Ltmp9, $4  }
0x183: {  	v7 =	vand.u32 v7, v8  }
0x184: {  	[tilespmem:$0x16FB0] =	vst v10;
	v7 =	vadd.s32 v9, v7  }
0x185: {  	[tilespmem:$0x170B0] =	vst v7  }
0x186: {  	[tilespmem:s23], [sflag:$0x1] =	stream.indirect.gather [hbm4b:s1+s26], $0x100, s28, s26, $0xb8;
	[tilespmem:$0x1F180] =	vst v63  }
.LBB2_13:
0x187: {  	_ =	sfence.sel $0x180000  }
0x188: {  	[bflag:$0x0] =	sbarrier.arrive $0xFFFF  }
0x189: {  	_ =	strace $0x90000047  }
0x18a: {  	s0 =	stileid.u32;
	[bflag:$0x2] =	sbarrier.arrive $0xFFFF  }
0x18b: {  	p0 =	sne.s32 s0, $0x0;
	s0 =	rddreg [dreg:$0x3]  }
0x18c: {  	s0 =	sadd.s32 @!p0 $0x100000, s0  }
0x18d: {  	[sflag:s0] =	ssyncadd.tile.s32 @!p0 $0x1;
	_ =	shalt  }
.Lfunc_end2:
_tile_overlayer_lowered:
.L_overlay_start_2:
0x18e: {  	(tag) =	ssettag $0x2  }
0x18f: {  	s0 =	rddreg [dreg:$0x0];
	s2 =	stileid.u32  }
0x190: {  	s1 =	rddreg [dreg:$0x1];
	p0 =	sne.s32 s2, $0x0  }
0x191: {  	s3 =	rddreg [dreg:$0x2];
	[bflag:$0x3] =	sbarrier.arrive $0xFFFF;
	s2 =	simm.s32 @!p0 $0x1C03  }
0x192: {  	[timem:s3], [sflag:s2] =	dma.local @!p0 [hbm:s0], s1  }
0x193: {  	s0 =	simm.s32 @!p0 $0x3  }
0x194: {  	_ =	swait.ge @!p0 [sflag:s0], s1  }
0x195: {  	s1 =	ssub.s32 @!p0 $0x0, s1;
	[sflag:s0] =	ssyncset.done @!p0 $0x0  }
0x196: {  	[sflag:s0] =	ssyncadd.s32 @!p0 s1  }
0x197: {  	[bflag:$0x3] =	sbarrier.arrive $0xFFFF  }
0x198: {  	_ =	shalt  }

</sc_bundles>
